<compile_context>
chip_gen: v7x
topology: tpu7x:2x2x1
jax: 0.10.2.dev20260603
libtpu: 0.0.44.dev20260713+nightly
codegen_flags: <defaults>
</compile_context>

<pallas_src>
import functools

import jax
import jax.numpy as jnp
from jax import lax
from jax.experimental import pallas as pl
from jax.experimental.pallas import tpu as pltpu
from jax.experimental.pallas import tpu_sc as plsc

B = 16384
D = 32
NC = 2
NS = 16
NW = NC * NS
BPW = B // NW
CHUNK = 128
NCH = BPW // CHUNK

BQ = 4096


def _ceil_div(a, b):
    return -(-a // b)


@functools.cache
def _pack_fn(v_rows):
    nb = _ceil_div(v_rows, 4 * BQ)
    max_blk = v_rows // BQ - 1

    def imap(i, k):
        b = 4 * i + k
        return (0, b if k == 0 else jnp.minimum(b, max_blk))

    def body(t0, t1, t2, t3, tout):
        bf16 = jnp.bfloat16
        row = lax.broadcasted_iota(jnp.int32, (32, 128), 0)
        col = lax.broadcasted_iota(jnp.int32, (32, 128), 1)
        dn = (((0,), (0,)), ((), ()))

        def tr(ref, k):
            ek = (col == row + 32 * k).astype(bf16)
            return lax.dot_general(ref[...].astype(bf16), ek, dn,
                                   preferred_element_type=jnp.float32)

        tout[...] = tr(t0, 0) + tr(t1, 1) + tr(t2, 2) + tr(t3, 3)

    return pl.pallas_call(
        body,
        grid=(nb,),
        in_specs=[
            pl.BlockSpec((32, BQ), lambda i, k=k: imap(i, k))
            for k in range(4)
        ],
        out_specs=pl.BlockSpec((BQ, 128), lambda i: (i, 0)),
        out_shape=jax.ShapeDtypeStruct((nb * BQ, 128), jnp.float32),
        compiler_params=pltpu.CompilerParams(
            fuse_transposed_lhs_in_matmul=True,
        ),
    )


def _pack(table):
    tt = table.T
    return _pack_fn(table.shape[0])(tt, tt, tt, tt)


@functools.cache
def _pack3_fn(v_rows):
    nb = _ceil_div(v_rows, 4 * BQ)
    max_blk = v_rows // BQ - 1

    def imap(i, k):
        b = 4 * i + k
        return (0, b if k == 0 else jnp.minimum(b, max_blk))

    def body(*refs):
        ins, outs = refs[:12], refs[12:]
        bf16 = jnp.bfloat16
        row = lax.broadcasted_iota(jnp.int32, (32, 128), 0)
        col = lax.broadcasted_iota(jnp.int32, (32, 128), 1)
        dn = (((0,), (0,)), ((), ()))

        def tr(ref, k):
            ek = (col == row + 32 * k).astype(bf16)
            return lax.dot_general(ref[...].astype(bf16), ek, dn,
                                   preferred_element_type=jnp.float32)

        for j in range(3):
            outs[j][...] = sum(tr(ins[4 * j + k], k) for k in range(1, 4)) \
                + tr(ins[4 * j], 0)

    return pl.pallas_call(
        body,
        grid=(nb,),
        in_specs=[
            pl.BlockSpec((32, BQ), lambda i, k=k: imap(i, k))
            for _ in range(3) for k in range(4)
        ],
        out_specs=[pl.BlockSpec((BQ, 128), lambda i: (i, 0))] * 3,
        out_shape=[jax.ShapeDtypeStruct((nb * BQ, 128), jnp.float32)] * 3,
        compiler_params=pltpu.CompilerParams(
            fuse_transposed_lhs_in_matmul=True,
        ),
    )


def _pack3(t0, t1, t2):
    tts = [t.T for t in (t0, t1, t2)]
    args = [tt for tt in tts for _ in range(4)]
    return _pack3_fn(t0.shape[0])(*args)


def _make_sc_gather_body(ntab):
    def body(*refs):
        idxs = refs[:ntab]
        tabs = refs[ntab:2 * ntab]
        out = refs[2 * ntab]
        qv, pk, obuf = refs[2 * ntab + 1:2 * ntab + 4]
        semi, sem0, sem1, sem2, sem3, semo = refs[2 * ntab + 4:]
        sems = (sem0, sem1, sem2, sem3)
        wid = lax.axis_index("s") * NC + lax.axis_index("c")
        base = wid * BPW
        ih = [pltpu.async_copy(idxs[t].at[wid], qv.at[t], semi)
              for t in range(ntab)]
        for h in ih:
            h.wait()
        gh = {c: [pltpu.async_copy(
                      tabs[t].at[qv.at[t, pl.ds(c * CHUNK, CHUNK)]],
                      pk.at[t].at[pl.ds(c * CHUNK, CHUNK)], sems[c])
                  for t in range(ntab)]
              for c in range(NCH)}

        oh = {}
        for c in range(NCH):
            def step(i4, _, c=c):
                for u in range(4):
                    i = i4 * 4 + u
                    for t in range(ntab):
                        for half in range(2):
                            obuf[c % 2, i, pl.ds(t * 32 + half * 16, 16)] = (
                                pk[t, c * CHUNK + i, pl.ds(half * 16, 16)])
                return 0

            for h in gh[c]:
                h.wait()
            if c >= 2:
                oh[c - 2].wait()
            lax.fori_loop(0, CHUNK // 4, step, 0)
            oh[c] = pltpu.async_copy(
                obuf.at[c % 2], out.at[pl.ds(base + c * CHUNK, CHUNK)], semo)
        oh[NCH - 2].wait()
        oh[NCH - 1].wait()

    return body


@functools.cache
def _sc_gather_fn(ntab):
    mesh = plsc.VectorSubcoreMesh(
        core_axis_name="c", subcore_axis_name="s",
        num_cores=NC, num_subcores=NS)
    return pl.kernel(
        _make_sc_gather_body(ntab),
        out_type=jax.ShapeDtypeStruct((B, 128), jnp.float32),
        mesh=mesh,
        scratch_types=[
            pltpu.VMEM((ntab, NCH * CHUNK), jnp.int32),
            pltpu.VMEM((ntab, BPW, D), jnp.float32),
            pltpu.VMEM((2, CHUNK, 128), jnp.float32),
            pltpu.SemaphoreType.DMA,
            pltpu.SemaphoreType.DMA,
            pltpu.SemaphoreType.DMA,
            pltpu.SemaphoreType.DMA,
            pltpu.SemaphoreType.DMA,
            pltpu.SemaphoreType.DMA,
        ],
        compiler_params=pltpu.CompilerParams(use_tc_tiling_on_sc=False),
    )


_BLK = 2048
_GRID = B // _BLK


def _dense_body(num_ref, vec_ref, pkc_ref, pki_ref,
                wn1_ref, bn1_ref, wn2_ref, bn2_ref, wv_ref, bv_ref,
                wm1_ref, bm1_ref, wm2_ref, bm2_ref, out_ref):
    f32 = jnp.float32
    h = jnp.dot(num_ref[...], wn1_ref[...], preferred_element_type=f32)
    h = jnp.maximum(h + bn1_ref[...], 0.0)
    h = jnp.dot(h, wn2_ref[...], preferred_element_type=f32) + bn2_ref[...]
    v = jnp.dot(vec_ref[...], wv_ref[...], preferred_element_type=f32) + bv_ref[...]
    wm1 = wm1_ref[...]
    x = jnp.dot(pkc_ref[...][:, 0:96], wm1[0:96], preferred_element_type=f32)
    x = x + jnp.dot(pki_ref[...][:, 0:32], wm1[96:128],
                    preferred_element_type=f32)
    x = x + jnp.dot(h, wm1[128:224], preferred_element_type=f32)
    x = x + jnp.dot(v, wm1[224:256], preferred_element_type=f32)
    x = jnp.maximum(x + bm1_ref[...], 0.0)
    y = jnp.dot(x, wm2_ref[...], preferred_element_type=f32) + bm2_ref[...]
    out_ref[...] = y.T


def _full(shape):
    return pl.BlockSpec(shape, lambda i: (0, 0))


_dense = pl.pallas_call(
    _dense_body,
    grid=(_GRID,),
    in_specs=[
        pl.BlockSpec((_BLK, 4), lambda i: (i, 0)),
        pl.BlockSpec((_BLK, 128), lambda i: (i, 0)),
        pl.BlockSpec((_BLK, 128), lambda i: (i, 0)),
        pl.BlockSpec((_BLK, 128), lambda i: (i, 0)),
        _full((4, 96)), _full((1, 96)),
        _full((96, 96)), _full((1, 96)),
        _full((128, 32)), _full((1, 32)),
        _full((256, 128)), _full((1, 128)),
        _full((128, 32)), _full((1, 32)),
    ],
    out_specs=pl.BlockSpec((D, _BLK), lambda i: (0, i)),
    out_shape=jax.ShapeDtypeStruct((D, B), jnp.float32),
    compiler_params=pltpu.CompilerParams(
        dimension_semantics=("arbitrary",),
    ),
)


def kernel(item_id, cat_0, cat_1, cat_2, num_0, num_1, num_2, num_3, vec_0,
           item_table, cat_table_0, cat_table_1, cat_table_2,
           W_num1, b_num1, W_num2, b_num2, W_vec, b_vec,
           W_m1, b_m1, W_m2, b_m2):
    def gidx(ix):
        r = ix.astype(jnp.int32)
        g = ((r >> 14) << 14) + ((r & 4095) << 2) + ((r >> 12) & 3)
        return g.reshape(NW, NCH * CHUNK)

    c0p, c1p, c2p = _pack3(cat_table_0, cat_table_1, cat_table_2)
    pkc = _sc_gather_fn(3)(gidx(cat_0), gidx(cat_1), gidx(cat_2),
                           c0p.reshape(-1, D), c1p.reshape(-1, D),
                           c2p.reshape(-1, D))
    p3 = _pack(item_table).reshape(-1, D)
    pki = _sc_gather_fn(1)(gidx(item_id), p3)

    numerical_v = jnp.concatenate([num_0, num_1, num_2, num_3], axis=1)
    outT = _dense(
        numerical_v, vec_0, pkc, pki,
        W_num1, b_num1.reshape(1, -1), W_num2, b_num2.reshape(1, -1),
        W_vec, b_vec.reshape(1, -1),
        W_m1, b_m1.reshape(1, -1), W_m2, b_m2.reshape(1, -1))
    return outT.T

# --- scband reference (transcript-rebuilt; emitter-appended) ---
"""Pipeline reference for scband-item-tower-62130996904053 (READ-ONLY COPY).

The authoritative reference and input builder live on the scoring server;
editing this copy changes nothing except your own understanding.
"""

import jax, jax.numpy as jnp
import numpy as np

B = 16384
D = 32
ITEM_CARD = 1000000
CAT_CARD = 100000
VEC_DIM = 128
NUM_REPS = 3
N_FEATURES = 8  # 1 item_id + 3 categorical + 3 numerical reps + 1 vector


def setup_inputs(seed: int = 0) -> dict:
    key = jax.random.key(seed)
    ks = jax.random.split(key, 24)
    inp = {}
    # batch inputs
    inp["item_id"] = jax.random.randint(ks[0], (B,), 0, ITEM_CARD)
    inp["cat_0"] = jax.random.randint(ks[1], (B,), 0, CAT_CARD)
    inp["cat_1"] = jax.random.randint(ks[2], (B,), 0, CAT_CARD)
    inp["cat_2"] = jax.random.randint(ks[3], (B,), 0, CAT_CARD)
    inp["num_0"] = jax.random.normal(ks[4], (B, 1), dtype=jnp.float32)
    inp["num_1"] = jax.random.normal(ks[5], (B, 1), dtype=jnp.float32)
    inp["num_2"] = jax.random.normal(ks[6], (B, 1), dtype=jnp.float32)
    inp["num_3"] = jax.random.normal(ks[7], (B, 1), dtype=jnp.float32)
    inp["vec_0"] = jax.random.normal(ks[8], (B, VEC_DIM), dtype=jnp.float32)
    # learned parameters
    inp["item_table"] = jax.random.normal(ks[9], (ITEM_CARD, D), dtype=jnp.float32) * 0.02
    inp["cat_table_0"] = jax.random.normal(ks[10], (CAT_CARD, D), dtype=jnp.float32) * 0.02
    inp["cat_table_1"] = jax.random.normal(ks[11], (CAT_CARD, D), dtype=jnp.float32) * 0.02
    inp["cat_table_2"] = jax.random.normal(ks[12], (CAT_CARD, D), dtype=jnp.float32) * 0.02
    # numerical MLP: Linear(4 -> 3*32), ReLU, Linear(3*32 -> 3*32)
    inp["W_num1"] = jax.random.normal(ks[13], (4, NUM_REPS * D), dtype=jnp.float32) * 0.05
    inp["b_num1"] = jnp.zeros((NUM_REPS * D,), dtype=jnp.float32)
    inp["W_num2"] = jax.random.normal(ks[14], (NUM_REPS * D, NUM_REPS * D), dtype=jnp.float32) * 0.05
    inp["b_num2"] = jnp.zeros((NUM_REPS * D,), dtype=jnp.float32)
    # vector feature linear: Linear(128 -> 32)
    inp["W_vec"] = jax.random.normal(ks[15], (VEC_DIM, D), dtype=jnp.float32) * 0.05
    inp["b_vec"] = jnp.zeros((D,), dtype=jnp.float32)
    # merge layer: Linear(8*32 -> 128), ReLU, Linear(128 -> 32)
    inp["W_m1"] = jax.random.normal(ks[16], (N_FEATURES * D, 4 * D), dtype=jnp.float32) * 0.05
    inp["b_m1"] = jnp.zeros((4 * D,), dtype=jnp.float32)
    inp["W_m2"] = jax.random.normal(ks[17], (4 * D, D), dtype=jnp.float32) * 0.05
    inp["b_m2"] = jnp.zeros((D,), dtype=jnp.float32)
    return inp


def reference(item_id, cat_0, cat_1, cat_2, num_0, num_1, num_2, num_3, vec_0,
              item_table, cat_table_0, cat_table_1, cat_table_2,
              W_num1, b_num1, W_num2, b_num2, W_vec, b_vec,
              W_m1, b_m1, W_m2, b_m2):
    output = {}
    output["item_id"] = jnp.take(item_table, item_id, axis=0)
    output["cat_0"] = jnp.take(cat_table_0, cat_0, axis=0)
    output["cat_1"] = jnp.take(cat_table_1, cat_1, axis=0)
    output["cat_2"] = jnp.take(cat_table_2, cat_2, axis=0)
    numerical_v = jnp.concatenate([num_0, num_1, num_2, num_3], axis=1)
    h = jax.nn.relu(numerical_v @ W_num1 + b_num1)
    h = h @ W_num2 + b_num2
    h = h.reshape(-1, NUM_REPS, D)
    for i in range(NUM_REPS):
        output[f"item_numerical_output_{i}"] = h[:, i, :]
    output["vec_0"] = vec_0 @ W_vec + b_vec
    all_feat = jnp.concatenate([output[k] for k in sorted(output.keys())], axis=1)
    x = jax.nn.relu(all_feat @ W_m1 + b_m1)
    item_embedding = x @ W_m2 + b_m2
    return item_embedding

if __name__ == "__main__":
    import jax
    _d = setup_inputs()
    print(jax.jit(kernel)(*tuple(_d.values())))

</pallas_src>

<mosaic_0001>
#map = affine_map<(d0, d1) -> (0, 0)>
module attributes {stable_mosaic.version = 14 : i64} {
  func.func @body(%arg0: i32, %arg1: i32, %arg2: memref<32x512xi32, #tpu.memory_space<hbm>>, %arg3: memref<32x512xi32, #tpu.memory_space<hbm>>, %arg4: memref<32x512xi32, #tpu.memory_space<hbm>>, %arg5: memref<114688x32xf32, #tpu.memory_space<hbm>>, %arg6: memref<114688x32xf32, #tpu.memory_space<hbm>>, %arg7: memref<114688x32xf32, #tpu.memory_space<hbm>>, %arg8: memref<16384x128xf32, #tpu.memory_space<hbm>>, %arg9: memref<3x512xi32, #tpu.memory_space<vmem>>, %arg10: memref<3x512x32xf32, #tpu.memory_space<vmem>>, %arg11: memref<2x128x128xf32, #tpu.memory_space<vmem>>, %arg12: memref<!tpu.dma_semaphore, #tpu.memory_space<semaphore_mem>>, %arg13: memref<!tpu.dma_semaphore, #tpu.memory_space<semaphore_mem>>, %arg14: memref<!tpu.dma_semaphore, #tpu.memory_space<semaphore_mem>>, %arg15: memref<!tpu.dma_semaphore, #tpu.memory_space<semaphore_mem>>, %arg16: memref<!tpu.dma_semaphore, #tpu.memory_space<semaphore_mem>>, %arg17: memref<!tpu.dma_semaphore, #tpu.memory_space<semaphore_mem>>) attributes {dimension_semantics = [#tpu.dimension_semantics<core_parallel>, #tpu.dimension_semantics<subcore_parallel>], iteration_bounds = array<i64: 2, 16>, scalar_prefetch = 0 : i64, scratch_operands = 9 : i64, tpu.core_type = #tpu.core_type<sc_vector_subcore>, window_params = [{transform_indices = #map}, {transform_indices = #map}, {transform_indices = #map}, {transform_indices = #map}, {transform_indices = #map}, {transform_indices = #map}, {transform_indices = #map}]} {
    %mul3A = arith.constant 2 : i32
    %mul3A_0 = arith.muli %arg1, %mul3A : i32
    %add3A = arith.addi %mul3A_0, %arg0 : i32
    %mul3A_1 = arith.constant 512 : i32
    %mul3A_2 = arith.muli %add3A, %mul3A_1 : i32
    %dma_start3A = arith.constant 0 : i32
    %dma_start3A_3 = arith.constant 0 : i32
    %dma_start3A_4 = tpu.memref_slice %arg9[%dma_start3A, %dma_start3A_3] : memref<3x512xi32, #tpu.memory_space<vmem>> -> memref<1x512xi32, #tpu.memory_space<vmem>>
    %dma_start3A_5 = tpu.memref_squeeze %dma_start3A_4 : memref<1x512xi32, #tpu.memory_space<vmem>> -> memref<512xi32, #tpu.memory_space<vmem>>
    %dma_start3A_6 = arith.constant 0 : i32
    %dma_start3A_7 = tpu.memref_slice %arg2[%add3A, %dma_start3A_6] : memref<32x512xi32, #tpu.memory_space<hbm>> -> memref<1x512xi32, #tpu.memory_space<hbm>>
    %dma_start3A_8 = tpu.memref_squeeze %dma_start3A_7 : memref<1x512xi32, #tpu.memory_space<hbm>> -> memref<512xi32, #tpu.memory_space<hbm>>
    %dma_start3A_9 = arith.constant 0 : i32
    %dma_start3A_10 = tpu.memref_slice %arg9[%dma_start3A, %dma_start3A_9] : memref<3x512xi32, #tpu.memory_space<vmem>> -> memref<1x512xi32, #tpu.memory_space<vmem>>
    %dma_start3A_11 = tpu.memref_squeeze %dma_start3A_10 : memref<1x512xi32, #tpu.memory_space<vmem>> -> memref<512xi32, #tpu.memory_space<vmem>>
    %dma_start3A_12 = arith.constant 0 : i32
    %dma_start3A_13 = tpu.memref_slice %arg2[%add3A, %dma_start3A_12] : memref<32x512xi32, #tpu.memory_space<hbm>> -> memref<1x512xi32, #tpu.memory_space<hbm>>
    %dma_start3A_14 = tpu.memref_squeeze %dma_start3A_13 : memref<1x512xi32, #tpu.memory_space<hbm>> -> memref<512xi32, #tpu.memory_space<hbm>>
    tpu.enqueue_dma source(%dma_start3A_14 : memref<512xi32, #tpu.memory_space<hbm>>) target(%dma_start3A_11 : memref<512xi32, #tpu.memory_space<vmem>>) target_semaphore(%arg12 : memref<!tpu.dma_semaphore, #tpu.memory_space<semaphore_mem>>)
    %dma_start3A_15 = arith.constant 1 : i32
    %dma_start3A_16 = arith.constant 0 : i32
    %dma_start3A_17 = tpu.memref_slice %arg9[%dma_start3A_15, %dma_start3A_16] : memref<3x512xi32, #tpu.memory_space<vmem>> -> memref<1x512xi32, #tpu.memory_space<vmem>>
    %dma_start3A_18 = tpu.memref_squeeze %dma_start3A_17 : memref<1x512xi32, #tpu.memory_space<vmem>> -> memref<512xi32, #tpu.memory_space<vmem>>
    %dma_start3A_19 = arith.constant 0 : i32
    %dma_start3A_20 = tpu.memref_slice %arg3[%add3A, %dma_start3A_19] : memref<32x512xi32, #tpu.memory_space<hbm>> -> memref<1x512xi32, #tpu.memory_space<hbm>>
    %dma_start3A_21 = tpu.memref_squeeze %dma_start3A_20 : memref<1x512xi32, #tpu.memory_space<hbm>> -> memref<512xi32, #tpu.memory_space<hbm>>
    %dma_start3A_22 = arith.constant 0 : i32
    %dma_start3A_23 = tpu.memref_slice %arg9[%dma_start3A_15, %dma_start3A_22] : memref<3x512xi32, #tpu.memory_space<vmem>> -> memref<1x512xi32, #tpu.memory_space<vmem>>
    %dma_start3A_24 = tpu.memref_squeeze %dma_start3A_23 : memref<1x512xi32, #tpu.memory_space<vmem>> -> memref<512xi32, #tpu.memory_space<vmem>>
    %dma_start3A_25 = arith.constant 0 : i32
    %dma_start3A_26 = tpu.memref_slice %arg3[%add3A, %dma_start3A_25] : memref<32x512xi32, #tpu.memory_space<hbm>> -> memref<1x512xi32, #tpu.memory_space<hbm>>
    %dma_start3A_27 = tpu.memref_squeeze %dma_start3A_26 : memref<1x512xi32, #tpu.memory_space<hbm>> -> memref<512xi32, #tpu.memory_space<hbm>>
    tpu.enqueue_dma source(%dma_start3A_27 : memref<512xi32, #tpu.memory_space<hbm>>) target(%dma_start3A_24 : memref<512xi32, #tpu.memory_space<vmem>>) target_semaphore(%arg12 : memref<!tpu.dma_semaphore, #tpu.memory_space<semaphore_mem>>)
    %dma_start3A_28 = arith.constant 2 : i32
    %dma_start3A_29 = arith.constant 0 : i32
    %dma_start3A_30 = tpu.memref_slice %arg9[%dma_start3A_28, %dma_start3A_29] : memref<3x512xi32, #tpu.memory_space<vmem>> -> memref<1x512xi32, #tpu.memory_space<vmem>>
    %dma_start3A_31 = tpu.memref_squeeze %dma_start3A_30 : memref<1x512xi32, #tpu.memory_space<vmem>> -> memref<512xi32, #tpu.memory_space<vmem>>
    %dma_start3A_32 = arith.constant 0 : i32
    %dma_start3A_33 = tpu.memref_slice %arg4[%add3A, %dma_start3A_32] : memref<32x512xi32, #tpu.memory_space<hbm>> -> memref<1x512xi32, #tpu.memory_space<hbm>>
    %dma_start3A_34 = tpu.memref_squeeze %dma_start3A_33 : memref<1x512xi32, #tpu.memory_space<hbm>> -> memref<512xi32, #tpu.memory_space<hbm>>
    %dma_start3A_35 = arith.constant 0 : i32
    %dma_start3A_36 = tpu.memref_slice %arg9[%dma_start3A_28, %dma_start3A_35] : memref<3x512xi32, #tpu.memory_space<vmem>> -> memref<1x512xi32, #tpu.memory_space<vmem>>
    %dma_start3A_37 = tpu.memref_squeeze %dma_start3A_36 : memref<1x512xi32, #tpu.memory_space<vmem>> -> memref<512xi32, #tpu.memory_space<vmem>>
    %dma_start3A_38 = arith.constant 0 : i32
    %dma_start3A_39 = tpu.memref_slice %arg4[%add3A, %dma_start3A_38] : memref<32x512xi32, #tpu.memory_space<hbm>> -> memref<1x512xi32, #tpu.memory_space<hbm>>
    %dma_start3A_40 = tpu.memref_squeeze %dma_start3A_39 : memref<1x512xi32, #tpu.memory_space<hbm>> -> memref<512xi32, #tpu.memory_space<hbm>>
    tpu.enqueue_dma source(%dma_start3A_40 : memref<512xi32, #tpu.memory_space<hbm>>) target(%dma_start3A_37 : memref<512xi32, #tpu.memory_space<vmem>>) target_semaphore(%arg12 : memref<!tpu.dma_semaphore, #tpu.memory_space<semaphore_mem>>)
    %dma_wait3A = arith.constant 0 : i32
    %dma_wait3A_41 = arith.constant 0 : i32
    %dma_wait3A_42 = tpu.memref_slice %arg9[%dma_wait3A, %dma_wait3A_41] : memref<3x512xi32, #tpu.memory_space<vmem>> -> memref<1x512xi32, #tpu.memory_space<vmem>>
    %dma_wait3A_43 = tpu.memref_squeeze %dma_wait3A_42 : memref<1x512xi32, #tpu.memory_space<vmem>> -> memref<512xi32, #tpu.memory_space<vmem>>
    %dma_wait3A_44 = arith.constant 0 : i32
    %dma_wait3A_45 = tpu.memref_slice %arg2[%add3A, %dma_wait3A_44] : memref<32x512xi32, #tpu.memory_space<hbm>> -> memref<1x512xi32, #tpu.memory_space<hbm>>
    %dma_wait3A_46 = tpu.memref_squeeze %dma_wait3A_45 : memref<1x512xi32, #tpu.memory_space<hbm>> -> memref<512xi32, #tpu.memory_space<hbm>>
    %dma_wait3A_47 = arith.constant 0 : i32
    %dma_wait3A_48 = tpu.memref_slice %arg9[%dma_wait3A, %dma_wait3A_47] : memref<3x512xi32, #tpu.memory_space<vmem>> -> memref<1x512xi32, #tpu.memory_space<vmem>>
    %dma_wait3A_49 = tpu.memref_squeeze %dma_wait3A_48 : memref<1x512xi32, #tpu.memory_space<vmem>> -> memref<512xi32, #tpu.memory_space<vmem>>
    %dma_wait3A_50 = arith.constant 0 : i32
    %dma_wait3A_51 = tpu.memref_slice %arg2[%add3A, %dma_wait3A_50] : memref<32x512xi32, #tpu.memory_space<hbm>> -> memref<1x512xi32, #tpu.memory_space<hbm>>
    %dma_wait3A_52 = tpu.memref_squeeze %dma_wait3A_51 : memref<1x512xi32, #tpu.memory_space<hbm>> -> memref<512xi32, #tpu.memory_space<hbm>>
    tpu.wait_dma2 semaphore(%arg12 : memref<!tpu.dma_semaphore, #tpu.memory_space<semaphore_mem>>) src(%dma_wait3A_52 : memref<512xi32, #tpu.memory_space<hbm>>) dst(%dma_wait3A_49 : memref<512xi32, #tpu.memory_space<vmem>>)
    %dma_wait3A_53 = arith.constant 1 : i32
    %dma_wait3A_54 = arith.constant 0 : i32
    %dma_wait3A_55 = tpu.memref_slice %arg9[%dma_wait3A_53, %dma_wait3A_54] : memref<3x512xi32, #tpu.memory_space<vmem>> -> memref<1x512xi32, #tpu.memory_space<vmem>>
    %dma_wait3A_56 = tpu.memref_squeeze %dma_wait3A_55 : memref<1x512xi32, #tpu.memory_space<vmem>> -> memref<512xi32, #tpu.memory_space<vmem>>
    %dma_wait3A_57 = arith.constant 0 : i32
    %dma_wait3A_58 = tpu.memref_slice %arg3[%add3A, %dma_wait3A_57] : memref<32x512xi32, #tpu.memory_space<hbm>> -> memref<1x512xi32, #tpu.memory_space<hbm>>
    %dma_wait3A_59 = tpu.memref_squeeze %dma_wait3A_58 : memref<1x512xi32, #tpu.memory_space<hbm>> -> memref<512xi32, #tpu.memory_space<hbm>>
    %dma_wait3A_60 = arith.constant 0 : i32
    %dma_wait3A_61 = tpu.memref_slice %arg9[%dma_wait3A_53, %dma_wait3A_60] : memref<3x512xi32, #tpu.memory_space<vmem>> -> memref<1x512xi32, #tpu.memory_space<vmem>>
    %dma_wait3A_62 = tpu.memref_squeeze %dma_wait3A_61 : memref<1x512xi32, #tpu.memory_space<vmem>> -> memref<512xi32, #tpu.memory_space<vmem>>
    %dma_wait3A_63 = arith.constant 0 : i32
    %dma_wait3A_64 = tpu.memref_slice %arg3[%add3A, %dma_wait3A_63] : memref<32x512xi32, #tpu.memory_space<hbm>> -> memref<1x512xi32, #tpu.memory_space<hbm>>
    %dma_wait3A_65 = tpu.memref_squeeze %dma_wait3A_64 : memref<1x512xi32, #tpu.memory_space<hbm>> -> memref<512xi32, #tpu.memory_space<hbm>>
    tpu.wait_dma2 semaphore(%arg12 : memref<!tpu.dma_semaphore, #tpu.memory_space<semaphore_mem>>) src(%dma_wait3A_65 : memref<512xi32, #tpu.memory_space<hbm>>) dst(%dma_wait3A_62 : memref<512xi32, #tpu.memory_space<vmem>>)
    %dma_wait3A_66 = arith.constant 2 : i32
    %dma_wait3A_67 = arith.constant 0 : i32
    %dma_wait3A_68 = tpu.memref_slice %arg9[%dma_wait3A_66, %dma_wait3A_67] : memref<3x512xi32, #tpu.memory_space<vmem>> -> memref<1x512xi32, #tpu.memory_space<vmem>>
    %dma_wait3A_69 = tpu.memref_squeeze %dma_wait3A_68 : memref<1x512xi32, #tpu.memory_space<vmem>> -> memref<512xi32, #tpu.memory_space<vmem>>
    %dma_wait3A_70 = arith.constant 0 : i32
    %dma_wait3A_71 = tpu.memref_slice %arg4[%add3A, %dma_wait3A_70] : memref<32x512xi32, #tpu.memory_space<hbm>> -> memref<1x512xi32, #tpu.memory_space<hbm>>
    %dma_wait3A_72 = tpu.memref_squeeze %dma_wait3A_71 : memref<1x512xi32, #tpu.memory_space<hbm>> -> memref<512xi32, #tpu.memory_space<hbm>>
    %dma_wait3A_73 = arith.constant 0 : i32
    %dma_wait3A_74 = tpu.memref_slice %arg9[%dma_wait3A_66, %dma_wait3A_73] : memref<3x512xi32, #tpu.memory_space<vmem>> -> memref<1x512xi32, #tpu.memory_space<vmem>>
    %dma_wait3A_75 = tpu.memref_squeeze %dma_wait3A_74 : memref<1x512xi32, #tpu.memory_space<vmem>> -> memref<512xi32, #tpu.memory_space<vmem>>
    %dma_wait3A_76 = arith.constant 0 : i32
    %dma_wait3A_77 = tpu.memref_slice %arg4[%add3A, %dma_wait3A_76] : memref<32x512xi32, #tpu.memory_space<hbm>> -> memref<1x512xi32, #tpu.memory_space<hbm>>
    %dma_wait3A_78 = tpu.memref_squeeze %dma_wait3A_77 : memref<1x512xi32, #tpu.memory_space<hbm>> -> memref<512xi32, #tpu.memory_space<hbm>>
    tpu.wait_dma2 semaphore(%arg12 : memref<!tpu.dma_semaphore, #tpu.memory_space<semaphore_mem>>) src(%dma_wait3A_78 : memref<512xi32, #tpu.memory_space<hbm>>) dst(%dma_wait3A_75 : memref<512xi32, #tpu.memory_space<vmem>>)
    %dma_start3A_79 = arith.constant 0 : i32
    %dma_start3A_80 = arith.constant 0 : i32
    %dma_start3A_81 = arith.constant 0 : i32
    %dma_start3A_82 = arith.constant 0 : i32
    %dma_start3A_83 = tpu.memref_slice %arg10[%dma_start3A_80, %dma_start3A_81, %dma_start3A_82] : memref<3x512x32xf32, #tpu.memory_space<vmem>> -> memref<1x512x32xf32, #tpu.memory_space<vmem>>
    %dma_start3A_84 = tpu.memref_squeeze %dma_start3A_83 : memref<1x512x32xf32, #tpu.memory_space<vmem>> -> memref<512x32xf32, #tpu.memory_space<vmem>>
    %dma_start3A_85 = arith.constant 0 : i32
    %dma_start3A_86 = arith.constant 0 : i32
    %dma_start3A_87 = tpu.memref_slice %dma_start3A_84[%dma_start3A_85, %dma_start3A_86] : memref<512x32xf32, #tpu.memory_space<vmem>> -> memref<128x32xf32, #tpu.memory_space<vmem>>
    %dma_start3A_88 = arith.constant 0 : i32
    %dma_start3A_89 = tpu.memref_slice %arg9[%dma_start3A_79, %dma_start3A_88] : memref<3x512xi32, #tpu.memory_space<vmem>> -> memref<1x128xi32, #tpu.memory_space<vmem>>
    %dma_start3A_90 = tpu.memref_squeeze %dma_start3A_89 : memref<1x128xi32, #tpu.memory_space<vmem>> -> memref<128xi32, #tpu.memory_space<vmem>>
    %dma_start3A_91 = arith.constant 0 : i32
    %dma_start3A_92 = arith.constant 0 : i32
    %dma_start3A_93 = tpu.memref_slice %arg5[%dma_start3A_91, %dma_start3A_92] : memref<114688x32xf32, #tpu.memory_space<hbm>> -> memref<114688x32xf32, #tpu.memory_space<hbm>>
    tpu.enqueue_indirect_dma source(%dma_start3A_93 : memref<114688x32xf32, #tpu.memory_space<hbm>>) target(%dma_start3A_87 : memref<128x32xf32, #tpu.memory_space<vmem>>) offsets(%dma_start3A_90 : memref<128xi32, #tpu.memory_space<vmem>>) semaphore(%arg13 : memref<!tpu.dma_semaphore, #tpu.memory_space<semaphore_mem>>)
    %dma_start3A_94 = arith.constant 1 : i32
    %dma_start3A_95 = arith.constant 1 : i32
    %dma_start3A_96 = arith.constant 0 : i32
    %dma_start3A_97 = arith.constant 0 : i32
    %dma_start3A_98 = tpu.memref_slice %arg10[%dma_start3A_95, %dma_start3A_96, %dma_start3A_97] : memref<3x512x32xf32, #tpu.memory_space<vmem>> -> memref<1x512x32xf32, #tpu.memory_space<vmem>>
    %dma_start3A_99 = tpu.memref_squeeze %dma_start3A_98 : memref<1x512x32xf32, #tpu.memory_space<vmem>> -> memref<512x32xf32, #tpu.memory_space<vmem>>
    %dma_start3A_100 = arith.constant 0 : i32
    %dma_start3A_101 = arith.constant 0 : i32
    %dma_start3A_102 = tpu.memref_slice %dma_start3A_99[%dma_start3A_100, %dma_start3A_101] : memref<512x32xf32, #tpu.memory_space<vmem>> -> memref<128x32xf32, #tpu.memory_space<vmem>>
    %dma_start3A_103 = arith.constant 0 : i32
    %dma_start3A_104 = tpu.memref_slice %arg9[%dma_start3A_94, %dma_start3A_103] : memref<3x512xi32, #tpu.memory_space<vmem>> -> memref<1x128xi32, #tpu.memory_space<vmem>>
    %dma_start3A_105 = tpu.memref_squeeze %dma_start3A_104 : memref<1x128xi32, #tpu.memory_space<vmem>> -> memref<128xi32, #tpu.memory_space<vmem>>
    %dma_start3A_106 = arith.constant 0 : i32
    %dma_start3A_107 = arith.constant 0 : i32
    %dma_start3A_108 = tpu.memref_slice %arg6[%dma_start3A_106, %dma_start3A_107] : memref<114688x32xf32, #tpu.memory_space<hbm>> -> memref<114688x32xf32, #tpu.memory_space<hbm>>
    tpu.enqueue_indirect_dma source(%dma_start3A_108 : memref<114688x32xf32, #tpu.memory_space<hbm>>) target(%dma_start3A_102 : memref<128x32xf32, #tpu.memory_space<vmem>>) offsets(%dma_start3A_105 : memref<128xi32, #tpu.memory_space<vmem>>) semaphore(%arg13 : memref<!tpu.dma_semaphore, #tpu.memory_space<semaphore_mem>>)
    %dma_start3A_109 = arith.constant 2 : i32
    %dma_start3A_110 = arith.constant 2 : i32
    %dma_start3A_111 = arith.constant 0 : i32
    %dma_start3A_112 = arith.constant 0 : i32
    %dma_start3A_113 = tpu.memref_slice %arg10[%dma_start3A_110, %dma_start3A_111, %dma_start3A_112] : memref<3x512x32xf32, #tpu.memory_space<vmem>> -> memref<1x512x32xf32, #tpu.memory_space<vmem>>
    %dma_start3A_114 = tpu.memref_squeeze %dma_start3A_113 : memref<1x512x32xf32, #tpu.memory_space<vmem>> -> memref<512x32xf32, #tpu.memory_space<vmem>>
    %dma_start3A_115 = arith.constant 0 : i32
    %dma_start3A_116 = arith.constant 0 : i32
    %dma_start3A_117 = tpu.memref_slice %dma_start3A_114[%dma_start3A_115, %dma_start3A_116] : memref<512x32xf32, #tpu.memory_space<vmem>> -> memref<128x32xf32, #tpu.memory_space<vmem>>
    %dma_start3A_118 = arith.constant 0 : i32
    %dma_start3A_119 = tpu.memref_slice %arg9[%dma_start3A_109, %dma_start3A_118] : memref<3x512xi32, #tpu.memory_space<vmem>> -> memref<1x128xi32, #tpu.memory_space<vmem>>
    %dma_start3A_120 = tpu.memref_squeeze %dma_start3A_119 : memref<1x128xi32, #tpu.memory_space<vmem>> -> memref<128xi32, #tpu.memory_space<vmem>>
    %dma_start3A_121 = arith.constant 0 : i32
    %dma_start3A_122 = arith.constant 0 : i32
    %dma_start3A_123 = tpu.memref_slice %arg7[%dma_start3A_121, %dma_start3A_122] : memref<114688x32xf32, #tpu.memory_space<hbm>> -> memref<114688x32xf32, #tpu.memory_space<hbm>>
    tpu.enqueue_indirect_dma source(%dma_start3A_123 : memref<114688x32xf32, #tpu.memory_space<hbm>>) target(%dma_start3A_117 : memref<128x32xf32, #tpu.memory_space<vmem>>) offsets(%dma_start3A_120 : memref<128xi32, #tpu.memory_space<vmem>>) semaphore(%arg13 : memref<!tpu.dma_semaphore, #tpu.memory_space<semaphore_mem>>)
    %dma_start3A_124 = arith.constant 0 : i32
    %dma_start3A_125 = arith.constant 0 : i32
    %dma_start3A_126 = arith.constant 0 : i32
    %dma_start3A_127 = arith.constant 0 : i32
    %dma_start3A_128 = tpu.memref_slice %arg10[%dma_start3A_125, %dma_start3A_126, %dma_start3A_127] : memref<3x512x32xf32, #tpu.memory_space<vmem>> -> memref<1x512x32xf32, #tpu.memory_space<vmem>>
    %dma_start3A_129 = tpu.memref_squeeze %dma_start3A_128 : memref<1x512x32xf32, #tpu.memory_space<vmem>> -> memref<512x32xf32, #tpu.memory_space<vmem>>
    %dma_start3A_130 = arith.constant 128 : i32
    %dma_start3A_131 = arith.constant 0 : i32
    %dma_start3A_132 = tpu.memref_slice %dma_start3A_129[%dma_start3A_130, %dma_start3A_131] : memref<512x32xf32, #tpu.memory_space<vmem>> -> memref<128x32xf32, #tpu.memory_space<vmem>>
    %dma_start3A_133 = arith.constant 128 : i32
    %dma_start3A_134 = tpu.memref_slice %arg9[%dma_start3A_124, %dma_start3A_133] : memref<3x512xi32, #tpu.memory_space<vmem>> -> memref<1x128xi32, #tpu.memory_space<vmem>>
    %dma_start3A_135 = tpu.memref_squeeze %dma_start3A_134 : memref<1x128xi32, #tpu.memory_space<vmem>> -> memref<128xi32, #tpu.memory_space<vmem>>
    %dma_start3A_136 = arith.constant 0 : i32
    %dma_start3A_137 = arith.constant 0 : i32
    %dma_start3A_138 = tpu.memref_slice %arg5[%dma_start3A_136, %dma_start3A_137] : memref<114688x32xf32, #tpu.memory_space<hbm>> -> memref<114688x32xf32, #tpu.memory_space<hbm>>
    tpu.enqueue_indirect_dma source(%dma_start3A_138 : memref<114688x32xf32, #tpu.memory_space<hbm>>) target(%dma_start3A_132 : memref<128x32xf32, #tpu.memory_space<vmem>>) offsets(%dma_start3A_135 : memref<128xi32, #tpu.memory_space<vmem>>) semaphore(%arg14 : memref<!tpu.dma_semaphore, #tpu.memory_space<semaphore_mem>>)
    %dma_start3A_139 = arith.constant 1 : i32
    %dma_start3A_140 = arith.constant 1 : i32
    %dma_start3A_141 = arith.constant 0 : i32
    %dma_start3A_142 = arith.constant 0 : i32
    %dma_start3A_143 = tpu.memref_slice %arg10[%dma_start3A_140, %dma_start3A_141, %dma_start3A_142] : memref<3x512x32xf32, #tpu.memory_space<vmem>> -> memref<1x512x32xf32, #tpu.memory_space<vmem>>
    %dma_start3A_144 = tpu.memref_squeeze %dma_start3A_143 : memref<1x512x32xf32, #tpu.memory_space<vmem>> -> memref<512x32xf32, #tpu.memory_space<vmem>>
    %dma_start3A_145 = arith.constant 128 : i32
    %dma_start3A_146 = arith.constant 0 : i32
    %dma_start3A_147 = tpu.memref_slice %dma_start3A_144[%dma_start3A_145, %dma_start3A_146] : memref<512x32xf32, #tpu.memory_space<vmem>> -> memref<128x32xf32, #tpu.memory_space<vmem>>
    %dma_start3A_148 = arith.constant 128 : i32
    %dma_start3A_149 = tpu.memref_slice %arg9[%dma_start3A_139, %dma_start3A_148] : memref<3x512xi32, #tpu.memory_space<vmem>> -> memref<1x128xi32, #tpu.memory_space<vmem>>
    %dma_start3A_150 = tpu.memref_squeeze %dma_start3A_149 : memref<1x128xi32, #tpu.memory_space<vmem>> -> memref<128xi32, #tpu.memory_space<vmem>>
    %dma_start3A_151 = arith.constant 0 : i32
    %dma_start3A_152 = arith.constant 0 : i32
    %dma_start3A_153 = tpu.memref_slice %arg6[%dma_start3A_151, %dma_start3A_152] : memref<114688x32xf32, #tpu.memory_space<hbm>> -> memref<114688x32xf32, #tpu.memory_space<hbm>>
    tpu.enqueue_indirect_dma source(%dma_start3A_153 : memref<114688x32xf32, #tpu.memory_space<hbm>>) target(%dma_start3A_147 : memref<128x32xf32, #tpu.memory_space<vmem>>) offsets(%dma_start3A_150 : memref<128xi32, #tpu.memory_space<vmem>>) semaphore(%arg14 : memref<!tpu.dma_semaphore, #tpu.memory_space<semaphore_mem>>)
    %dma_start3A_154 = arith.constant 2 : i32
    %dma_start3A_155 = arith.constant 2 : i32
    %dma_start3A_156 = arith.constant 0 : i32
    %dma_start3A_157 = arith.constant 0 : i32
    %dma_start3A_158 = tpu.memref_slice %arg10[%dma_start3A_155, %dma_start3A_156, %dma_start3A_157] : memref<3x512x32xf32, #tpu.memory_space<vmem>> -> memref<1x512x32xf32, #tpu.memory_space<vmem>>
    %dma_start3A_159 = tpu.memref_squeeze %dma_start3A_158 : memref<1x512x32xf32, #tpu.memory_space<vmem>> -> memref<512x32xf32, #tpu.memory_space<vmem>>
    %dma_start3A_160 = arith.constant 128 : i32
    %dma_start3A_161 = arith.constant 0 : i32
    %dma_start3A_162 = tpu.memref_slice %dma_start3A_159[%dma_start3A_160, %dma_start3A_161] : memref<512x32xf32, #tpu.memory_space<vmem>> -> memref<128x32xf32, #tpu.memory_space<vmem>>
    %dma_start3A_163 = arith.constant 128 : i32
    %dma_start3A_164 = tpu.memref_slice %arg9[%dma_start3A_154, %dma_start3A_163] : memref<3x512xi32, #tpu.memory_space<vmem>> -> memref<1x128xi32, #tpu.memory_space<vmem>>
    %dma_start3A_165 = tpu.memref_squeeze %dma_start3A_164 : memref<1x128xi32, #tpu.memory_space<vmem>> -> memref<128xi32, #tpu.memory_space<vmem>>
    %dma_start3A_166 = arith.constant 0 : i32
    %dma_start3A_167 = arith.constant 0 : i32
    %dma_start3A_168 = tpu.memref_slice %arg7[%dma_start3A_166, %dma_start3A_167] : memref<114688x32xf32, #tpu.memory_space<hbm>> -> memref<114688x32xf32, #tpu.memory_space<hbm>>
    tpu.enqueue_indirect_dma source(%dma_start3A_168 : memref<114688x32xf32, #tpu.memory_space<hbm>>) target(%dma_start3A_162 : memref<128x32xf32, #tpu.memory_space<vmem>>) offsets(%dma_start3A_165 : memref<128xi32, #tpu.memory_space<vmem>>) semaphore(%arg14 : memref<!tpu.dma_semaphore, #tpu.memory_space<semaphore_mem>>)
    %dma_start3A_169 = arith.constant 0 : i32
    %dma_start3A_170 = arith.constant 0 : i32
    %dma_start3A_171 = arith.constant 0 : i32
    %dma_start3A_172 = arith.constant 0 : i32
    %dma_start3A_173 = tpu.memref_slice %arg10[%dma_start3A_170, %dma_start3A_171, %dma_start3A_172] : memref<3x512x32xf32, #tpu.memory_space<vmem>> -> memref<1x512x32xf32, #tpu.memory_space<vmem>>
    %dma_start3A_174 = tpu.memref_squeeze %dma_start3A_173 : memref<1x512x32xf32, #tpu.memory_space<vmem>> -> memref<512x32xf32, #tpu.memory_space<vmem>>
    %dma_start3A_175 = arith.constant 256 : i32
    %dma_start3A_176 = arith.constant 0 : i32
    %dma_start3A_177 = tpu.memref_slice %dma_start3A_174[%dma_start3A_175, %dma_start3A_176] : memref<512x32xf32, #tpu.memory_space<vmem>> -> memref<128x32xf32, #tpu.memory_space<vmem>>
    %dma_start3A_178 = arith.constant 256 : i32
    %dma_start3A_179 = tpu.memref_slice %arg9[%dma_start3A_169, %dma_start3A_178] : memref<3x512xi32, #tpu.memory_space<vmem>> -> memref<1x128xi32, #tpu.memory_space<vmem>>
    %dma_start3A_180 = tpu.memref_squeeze %dma_start3A_179 : memref<1x128xi32, #tpu.memory_space<vmem>> -> memref<128xi32, #tpu.memory_space<vmem>>
    %dma_start3A_181 = arith.constant 0 : i32
    %dma_start3A_182 = arith.constant 0 : i32
    %dma_start3A_183 = tpu.memref_slice %arg5[%dma_start3A_181, %dma_start3A_182] : memref<114688x32xf32, #tpu.memory_space<hbm>> -> memref<114688x32xf32, #tpu.memory_space<hbm>>
    tpu.enqueue_indirect_dma source(%dma_start3A_183 : memref<114688x32xf32, #tpu.memory_space<hbm>>) target(%dma_start3A_177 : memref<128x32xf32, #tpu.memory_space<vmem>>) offsets(%dma_start3A_180 : memref<128xi32, #tpu.memory_space<vmem>>) semaphore(%arg15 : memref<!tpu.dma_semaphore, #tpu.memory_space<semaphore_mem>>)
    %dma_start3A_184 = arith.constant 1 : i32
    %dma_start3A_185 = arith.constant 1 : i32
    %dma_start3A_186 = arith.constant 0 : i32
    %dma_start3A_187 = arith.constant 0 : i32
    %dma_start3A_188 = tpu.memref_slice %arg10[%dma_start3A_185, %dma_start3A_186, %dma_start3A_187] : memref<3x512x32xf32, #tpu.memory_space<vmem>> -> memref<1x512x32xf32, #tpu.memory_space<vmem>>
    %dma_start3A_189 = tpu.memref_squeeze %dma_start3A_188 : memref<1x512x32xf32, #tpu.memory_space<vmem>> -> memref<512x32xf32, #tpu.memory_space<vmem>>
    %dma_start3A_190 = arith.constant 256 : i32
    %dma_start3A_191 = arith.constant 0 : i32
    %dma_start3A_192 = tpu.memref_slice %dma_start3A_189[%dma_start3A_190, %dma_start3A_191] : memref<512x32xf32, #tpu.memory_space<vmem>> -> memref<128x32xf32, #tpu.memory_space<vmem>>
    %dma_start3A_193 = arith.constant 256 : i32
    %dma_start3A_194 = tpu.memref_slice %arg9[%dma_start3A_184, %dma_start3A_193] : memref<3x512xi32, #tpu.memory_space<vmem>> -> memref<1x128xi32, #tpu.memory_space<vmem>>
    %dma_start3A_195 = tpu.memref_squeeze %dma_start3A_194 : memref<1x128xi32, #tpu.memory_space<vmem>> -> memref<128xi32, #tpu.memory_space<vmem>>
    %dma_start3A_196 = arith.constant 0 : i32
    %dma_start3A_197 = arith.constant 0 : i32
    %dma_start3A_198 = tpu.memref_slice %arg6[%dma_start3A_196, %dma_start3A_197] : memref<114688x32xf32, #tpu.memory_space<hbm>> -> memref<114688x32xf32, #tpu.memory_space<hbm>>
    tpu.enqueue_indirect_dma source(%dma_start3A_198 : memref<114688x32xf32, #tpu.memory_space<hbm>>) target(%dma_start3A_192 : memref<128x32xf32, #tpu.memory_space<vmem>>) offsets(%dma_start3A_195 : memref<128xi32, #tpu.memory_space<vmem>>) semaphore(%arg15 : memref<!tpu.dma_semaphore, #tpu.memory_space<semaphore_mem>>)
    %dma_start3A_199 = arith.constant 2 : i32
    %dma_start3A_200 = arith.constant 2 : i32
    %dma_start3A_201 = arith.constant 0 : i32
    %dma_start3A_202 = arith.constant 0 : i32
    %dma_start3A_203 = tpu.memref_slice %arg10[%dma_start3A_200, %dma_start3A_201, %dma_start3A_202] : memref<3x512x32xf32, #tpu.memory_space<vmem>> -> memref<1x512x32xf32, #tpu.memory_space<vmem>>
    %dma_start3A_204 = tpu.memref_squeeze %dma_start3A_203 : memref<1x512x32xf32, #tpu.memory_space<vmem>> -> memref<512x32xf32, #tpu.memory_space<vmem>>
    %dma_start3A_205 = arith.constant 256 : i32
    %dma_start3A_206 = arith.constant 0 : i32
    %dma_start3A_207 = tpu.memref_slice %dma_start3A_204[%dma_start3A_205, %dma_start3A_206] : memref<512x32xf32, #tpu.memory_space<vmem>> -> memref<128x32xf32, #tpu.memory_space<vmem>>
    %dma_start3A_208 = arith.constant 256 : i32
    %dma_start3A_209 = tpu.memref_slice %arg9[%dma_start3A_199, %dma_start3A_208] : memref<3x512xi32, #tpu.memory_space<vmem>> -> memref<1x128xi32, #tpu.memory_space<vmem>>
    %dma_start3A_210 = tpu.memref_squeeze %dma_start3A_209 : memref<1x128xi32, #tpu.memory_space<vmem>> -> memref<128xi32, #tpu.memory_space<vmem>>
    %dma_start3A_211 = arith.constant 0 : i32
    %dma_start3A_212 = arith.constant 0 : i32
    %dma_start3A_213 = tpu.memref_slice %arg7[%dma_start3A_211, %dma_start3A_212] : memref<114688x32xf32, #tpu.memory_space<hbm>> -> memref<114688x32xf32, #tpu.memory_space<hbm>>
    tpu.enqueue_indirect_dma source(%dma_start3A_213 : memref<114688x32xf32, #tpu.memory_space<hbm>>) target(%dma_start3A_207 : memref<128x32xf32, #tpu.memory_space<vmem>>) offsets(%dma_start3A_210 : memref<128xi32, #tpu.memory_space<vmem>>) semaphore(%arg15 : memref<!tpu.dma_semaphore, #tpu.memory_space<semaphore_mem>>)
    %dma_start3A_214 = arith.constant 0 : i32
    %dma_start3A_215 = arith.constant 0 : i32
    %dma_start3A_216 = arith.constant 0 : i32
    %dma_start3A_217 = arith.constant 0 : i32
    %dma_start3A_218 = tpu.memref_slice %arg10[%dma_start3A_215, %dma_start3A_216, %dma_start3A_217] : memref<3x512x32xf32, #tpu.memory_space<vmem>> -> memref<1x512x32xf32, #tpu.memory_space<vmem>>
    %dma_start3A_219 = tpu.memref_squeeze %dma_start3A_218 : memref<1x512x32xf32, #tpu.memory_space<vmem>> -> memref<512x32xf32, #tpu.memory_space<vmem>>
    %dma_start3A_220 = arith.constant 384 : i32
    %dma_start3A_221 = arith.constant 0 : i32
    %dma_start3A_222 = tpu.memref_slice %dma_start3A_219[%dma_start3A_220, %dma_start3A_221] : memref<512x32xf32, #tpu.memory_space<vmem>> -> memref<128x32xf32, #tpu.memory_space<vmem>>
    %dma_start3A_223 = arith.constant 384 : i32
    %dma_start3A_224 = tpu.memref_slice %arg9[%dma_start3A_214, %dma_start3A_223] : memref<3x512xi32, #tpu.memory_space<vmem>> -> memref<1x128xi32, #tpu.memory_space<vmem>>
    %dma_start3A_225 = tpu.memref_squeeze %dma_start3A_224 : memref<1x128xi32, #tpu.memory_space<vmem>> -> memref<128xi32, #tpu.memory_space<vmem>>
    %dma_start3A_226 = arith.constant 0 : i32
    %dma_start3A_227 = arith.constant 0 : i32
    %dma_start3A_228 = tpu.memref_slice %arg5[%dma_start3A_226, %dma_start3A_227] : memref<114688x32xf32, #tpu.memory_space<hbm>> -> memref<114688x32xf32, #tpu.memory_space<hbm>>
    tpu.enqueue_indirect_dma source(%dma_start3A_228 : memref<114688x32xf32, #tpu.memory_space<hbm>>) target(%dma_start3A_222 : memref<128x32xf32, #tpu.memory_space<vmem>>) offsets(%dma_start3A_225 : memref<128xi32, #tpu.memory_space<vmem>>) semaphore(%arg16 : memref<!tpu.dma_semaphore, #tpu.memory_space<semaphore_mem>>)
    %dma_start3A_229 = arith.constant 1 : i32
    %dma_start3A_230 = arith.constant 1 : i32
    %dma_start3A_231 = arith.constant 0 : i32
    %dma_start3A_232 = arith.constant 0 : i32
    %dma_start3A_233 = tpu.memref_slice %arg10[%dma_start3A_230, %dma_start3A_231, %dma_start3A_232] : memref<3x512x32xf32, #tpu.memory_space<vmem>> -> memref<1x512x32xf32, #tpu.memory_space<vmem>>
    %dma_start3A_234 = tpu.memref_squeeze %dma_start3A_233 : memref<1x512x32xf32, #tpu.memory_space<vmem>> -> memref<512x32xf32, #tpu.memory_space<vmem>>
    %dma_start3A_235 = arith.constant 384 : i32
    %dma_start3A_236 = arith.constant 0 : i32
    %dma_start3A_237 = tpu.memref_slice %dma_start3A_234[%dma_start3A_235, %dma_start3A_236] : memref<512x32xf32, #tpu.memory_space<vmem>> -> memref<128x32xf32, #tpu.memory_space<vmem>>
    %dma_start3A_238 = arith.constant 384 : i32
    %dma_start3A_239 = tpu.memref_slice %arg9[%dma_start3A_229, %dma_start3A_238] : memref<3x512xi32, #tpu.memory_space<vmem>> -> memref<1x128xi32, #tpu.memory_space<vmem>>
    %dma_start3A_240 = tpu.memref_squeeze %dma_start3A_239 : memref<1x128xi32, #tpu.memory_space<vmem>> -> memref<128xi32, #tpu.memory_space<vmem>>
    %dma_start3A_241 = arith.constant 0 : i32
    %dma_start3A_242 = arith.constant 0 : i32
    %dma_start3A_243 = tpu.memref_slice %arg6[%dma_start3A_241, %dma_start3A_242] : memref<114688x32xf32, #tpu.memory_space<hbm>> -> memref<114688x32xf32, #tpu.memory_space<hbm>>
    tpu.enqueue_indirect_dma source(%dma_start3A_243 : memref<114688x32xf32, #tpu.memory_space<hbm>>) target(%dma_start3A_237 : memref<128x32xf32, #tpu.memory_space<vmem>>) offsets(%dma_start3A_240 : memref<128xi32, #tpu.memory_space<vmem>>) semaphore(%arg16 : memref<!tpu.dma_semaphore, #tpu.memory_space<semaphore_mem>>)
    %dma_start3A_244 = arith.constant 2 : i32
    %dma_start3A_245 = arith.constant 2 : i32
    %dma_start3A_246 = arith.constant 0 : i32
    %dma_start3A_247 = arith.constant 0 : i32
    %dma_start3A_248 = tpu.memref_slice %arg10[%dma_start3A_245, %dma_start3A_246, %dma_start3A_247] : memref<3x512x32xf32, #tpu.memory_space<vmem>> -> memref<1x512x32xf32, #tpu.memory_space<vmem>>
    %dma_start3A_249 = tpu.memref_squeeze %dma_start3A_248 : memref<1x512x32xf32, #tpu.memory_space<vmem>> -> memref<512x32xf32, #tpu.memory_space<vmem>>
    %dma_start3A_250 = arith.constant 384 : i32
    %dma_start3A_251 = arith.constant 0 : i32
    %dma_start3A_252 = tpu.memref_slice %dma_start3A_249[%dma_start3A_250, %dma_start3A_251] : memref<512x32xf32, #tpu.memory_space<vmem>> -> memref<128x32xf32, #tpu.memory_space<vmem>>
    %dma_start3A_253 = arith.constant 384 : i32
    %dma_start3A_254 = tpu.memref_slice %arg9[%dma_start3A_244, %dma_start3A_253] : memref<3x512xi32, #tpu.memory_space<vmem>> -> memref<1x128xi32, #tpu.memory_space<vmem>>
    %dma_start3A_255 = tpu.memref_squeeze %dma_start3A_254 : memref<1x128xi32, #tpu.memory_space<vmem>> -> memref<128xi32, #tpu.memory_space<vmem>>
    %dma_start3A_256 = arith.constant 0 : i32
    %dma_start3A_257 = arith.constant 0 : i32
    %dma_start3A_258 = tpu.memref_slice %arg7[%dma_start3A_256, %dma_start3A_257] : memref<114688x32xf32, #tpu.memory_space<hbm>> -> memref<114688x32xf32, #tpu.memory_space<hbm>>
    tpu.enqueue_indirect_dma source(%dma_start3A_258 : memref<114688x32xf32, #tpu.memory_space<hbm>>) target(%dma_start3A_252 : memref<128x32xf32, #tpu.memory_space<vmem>>) offsets(%dma_start3A_255 : memref<128xi32, #tpu.memory_space<vmem>>) semaphore(%arg16 : memref<!tpu.dma_semaphore, #tpu.memory_space<semaphore_mem>>)
    %dma_wait3A_259 = arith.constant 0 : i32
    %dma_wait3A_260 = arith.constant 0 : i32
    %dma_wait3A_261 = arith.constant 0 : i32
    %dma_wait3A_262 = arith.constant 0 : i32
    %dma_wait3A_263 = tpu.memref_slice %arg10[%dma_wait3A_260, %dma_wait3A_261, %dma_wait3A_262] : memref<3x512x32xf32, #tpu.memory_space<vmem>> -> memref<1x512x32xf32, #tpu.memory_space<vmem>>
    %dma_wait3A_264 = tpu.memref_squeeze %dma_wait3A_263 : memref<1x512x32xf32, #tpu.memory_space<vmem>> -> memref<512x32xf32, #tpu.memory_space<vmem>>
    %dma_wait3A_265 = arith.constant 0 : i32
    %dma_wait3A_266 = arith.constant 0 : i32
    %dma_wait3A_267 = tpu.memref_slice %dma_wait3A_264[%dma_wait3A_265, %dma_wait3A_266] : memref<512x32xf32, #tpu.memory_space<vmem>> -> memref<128x32xf32, #tpu.memory_space<vmem>>
    %dma_wait3A_268 = arith.constant 0 : i32
    %dma_wait3A_269 = tpu.memref_slice %arg9[%dma_wait3A_259, %dma_wait3A_268] : memref<3x512xi32, #tpu.memory_space<vmem>> -> memref<1x128xi32, #tpu.memory_space<vmem>>
    %dma_wait3A_270 = tpu.memref_squeeze %dma_wait3A_269 : memref<1x128xi32, #tpu.memory_space<vmem>> -> memref<128xi32, #tpu.memory_space<vmem>>
    %dma_wait3A_271 = arith.constant 0 : i32
    %dma_wait3A_272 = arith.constant 0 : i32
    %dma_wait3A_273 = tpu.memref_slice %arg5[%dma_wait3A_271, %dma_wait3A_272] : memref<114688x32xf32, #tpu.memory_space<hbm>> -> memref<114688x32xf32, #tpu.memory_space<hbm>>
    tpu.wait_indirect_dma semaphore(%arg13 : memref<!tpu.dma_semaphore, #tpu.memory_space<semaphore_mem>>) src(%dma_wait3A_273 : memref<114688x32xf32, #tpu.memory_space<hbm>>) dst(%dma_wait3A_267 : memref<128x32xf32, #tpu.memory_space<vmem>>)
    %dma_wait3A_274 = arith.constant 1 : i32
    %dma_wait3A_275 = arith.constant 1 : i32
    %dma_wait3A_276 = arith.constant 0 : i32
    %dma_wait3A_277 = arith.constant 0 : i32
    %dma_wait3A_278 = tpu.memref_slice %arg10[%dma_wait3A_275, %dma_wait3A_276, %dma_wait3A_277] : memref<3x512x32xf32, #tpu.memory_space<vmem>> -> memref<1x512x32xf32, #tpu.memory_space<vmem>>
    %dma_wait3A_279 = tpu.memref_squeeze %dma_wait3A_278 : memref<1x512x32xf32, #tpu.memory_space<vmem>> -> memref<512x32xf32, #tpu.memory_space<vmem>>
    %dma_wait3A_280 = arith.constant 0 : i32
    %dma_wait3A_281 = arith.constant 0 : i32
    %dma_wait3A_282 = tpu.memref_slice %dma_wait3A_279[%dma_wait3A_280, %dma_wait3A_281] : memref<512x32xf32, #tpu.memory_space<vmem>> -> memref<128x32xf32, #tpu.memory_space<vmem>>
    %dma_wait3A_283 = arith.constant 0 : i32
    %dma_wait3A_284 = tpu.memref_slice %arg9[%dma_wait3A_274, %dma_wait3A_283] : memref<3x512xi32, #tpu.memory_space<vmem>> -> memref<1x128xi32, #tpu.memory_space<vmem>>
    %dma_wait3A_285 = tpu.memref_squeeze %dma_wait3A_284 : memref<1x128xi32, #tpu.memory_space<vmem>> -> memref<128xi32, #tpu.memory_space<vmem>>
    %dma_wait3A_286 = arith.constant 0 : i32
    %dma_wait3A_287 = arith.constant 0 : i32
    %dma_wait3A_288 = tpu.memref_slice %arg6[%dma_wait3A_286, %dma_wait3A_287] : memref<114688x32xf32, #tpu.memory_space<hbm>> -> memref<114688x32xf32, #tpu.memory_space<hbm>>
    tpu.wait_indirect_dma semaphore(%arg13 : memref<!tpu.dma_semaphore, #tpu.memory_space<semaphore_mem>>) src(%dma_wait3A_288 : memref<114688x32xf32, #tpu.memory_space<hbm>>) dst(%dma_wait3A_282 : memref<128x32xf32, #tpu.memory_space<vmem>>)
    %dma_wait3A_289 = arith.constant 2 : i32
    %dma_wait3A_290 = arith.constant 2 : i32
    %dma_wait3A_291 = arith.constant 0 : i32
    %dma_wait3A_292 = arith.constant 0 : i32
    %dma_wait3A_293 = tpu.memref_slice %arg10[%dma_wait3A_290, %dma_wait3A_291, %dma_wait3A_292] : memref<3x512x32xf32, #tpu.memory_space<vmem>> -> memref<1x512x32xf32, #tpu.memory_space<vmem>>
    %dma_wait3A_294 = tpu.memref_squeeze %dma_wait3A_293 : memref<1x512x32xf32, #tpu.memory_space<vmem>> -> memref<512x32xf32, #tpu.memory_space<vmem>>
    %dma_wait3A_295 = arith.constant 0 : i32
    %dma_wait3A_296 = arith.constant 0 : i32
    %dma_wait3A_297 = tpu.memref_slice %dma_wait3A_294[%dma_wait3A_295, %dma_wait3A_296] : memref<512x32xf32, #tpu.memory_space<vmem>> -> memref<128x32xf32, #tpu.memory_space<vmem>>
    %dma_wait3A_298 = arith.constant 0 : i32
    %dma_wait3A_299 = tpu.memref_slice %arg9[%dma_wait3A_289, %dma_wait3A_298] : memref<3x512xi32, #tpu.memory_space<vmem>> -> memref<1x128xi32, #tpu.memory_space<vmem>>
    %dma_wait3A_300 = tpu.memref_squeeze %dma_wait3A_299 : memref<1x128xi32, #tpu.memory_space<vmem>> -> memref<128xi32, #tpu.memory_space<vmem>>
    %dma_wait3A_301 = arith.constant 0 : i32
    %dma_wait3A_302 = arith.constant 0 : i32
    %dma_wait3A_303 = tpu.memref_slice %arg7[%dma_wait3A_301, %dma_wait3A_302] : memref<114688x32xf32, #tpu.memory_space<hbm>> -> memref<114688x32xf32, #tpu.memory_space<hbm>>
    tpu.wait_indirect_dma semaphore(%arg13 : memref<!tpu.dma_semaphore, #tpu.memory_space<semaphore_mem>>) src(%dma_wait3A_303 : memref<114688x32xf32, #tpu.memory_space<hbm>>) dst(%dma_wait3A_297 : memref<128x32xf32, #tpu.memory_space<vmem>>)
    %scan3A = arith.constant 0 : i32
    %scan3A_304 = arith.constant 0 : i32
    %scan3A_305 = arith.constant 32 : i32
    %scan3A_306 = arith.addi %scan3A_304, %scan3A_305 : i32
    %scan3A_307 = arith.constant 1 : i32
    %scan3A_308 = scf.for %scan3A_578 = %scan3A_304 to %scan3A_306 step %scan3A_307 iter_args(%scan3A_579 = %scan3A) -> (i32)  : i32 {
      %mul3A_580 = arith.constant 4 : i32
      %mul3A_581 = arith.muli %scan3A_578, %mul3A_580 : i32
      %add3A_582 = arith.constant 0 : i32
      %add3A_583 = arith.addi %mul3A_581, %add3A_582 : i32
      %add3A_584 = arith.constant 0 : i32
      %add3A_585 = arith.addi %add3A_584, %add3A_583 : i32
      %get3A = arith.constant 0 : i32
      %get3A_586 = arith.index_cast %get3A : i32 to index
      %get3A_587 = arith.index_cast %add3A_585 : i32 to index
      %get3A_588 = arith.constant 0 : index
      %get3A_589 = tpu.vector_load %arg10[%get3A_586, %get3A_587, %get3A_588] {strides = array<i32>} : memref<3x512x32xf32, #tpu.memory_space<vmem>>, vector<1x1x16xf32>,
      %get3A_590 = vector.shape_cast %get3A_589 : vector<1x1x16xf32> to vector<16xf32>
      %swap3A = arith.constant 0 : i32
      %swap3A_591 = arith.index_cast %swap3A : i32 to index
      %swap3A_592 = arith.index_cast %add3A_583 : i32 to index
      %swap3A_593 = arith.constant 0 : index
      %swap3A_594 = tpu.vector_load %arg11[%swap3A_591, %swap3A_592, %swap3A_593] {strides = array<i32>} : memref<2x128x128xf32, #tpu.memory_space<vmem>>, vector<1x1x16xf32>,
      %swap3A_595 = vector.shape_cast %swap3A_594 : vector<1x1x16xf32> to vector<16xf32>
      %swap3A_596 = vector.shape_cast %get3A_590 : vector<16xf32> to vector<1x1x16xf32>
      tpu.vector_store %arg11[%swap3A_591, %swap3A_592, %swap3A_593], %swap3A_596 {strides = array<i32>} : memref<2x128x128xf32, #tpu.memory_space<vmem>>, vector<1x1x16xf32>,
      %add3A_597 = arith.constant 0 : i32
      %add3A_598 = arith.addi %add3A_597, %add3A_583 : i32
      %get3A_599 = arith.constant 0 : i32
      %get3A_600 = arith.index_cast %get3A_599 : i32 to index
      %get3A_601 = arith.index_cast %add3A_598 : i32 to index
      %get3A_602 = arith.constant 16 : index
      %get3A_603 = tpu.vector_load %arg10[%get3A_600, %get3A_601, %get3A_602] {strides = array<i32>} : memref<3x512x32xf32, #tpu.memory_space<vmem>>, vector<1x1x16xf32>,
      %get3A_604 = vector.shape_cast %get3A_603 : vector<1x1x16xf32> to vector<16xf32>
      %swap3A_605 = arith.constant 0 : i32
      %swap3A_606 = arith.index_cast %swap3A_605 : i32 to index
      %swap3A_607 = arith.index_cast %add3A_583 : i32 to index
      %swap3A_608 = arith.constant 16 : index
      %swap3A_609 = tpu.vector_load %arg11[%swap3A_606, %swap3A_607, %swap3A_608] {strides = array<i32>} : memref<2x128x128xf32, #tpu.memory_space<vmem>>, vector<1x1x16xf32>,
      %swap3A_610 = vector.shape_cast %swap3A_609 : vector<1x1x16xf32> to vector<16xf32>
      %swap3A_611 = vector.shape_cast %get3A_604 : vector<16xf32> to vector<1x1x16xf32>
      tpu.vector_store %arg11[%swap3A_606, %swap3A_607, %swap3A_608], %swap3A_611 {strides = array<i32>} : memref<2x128x128xf32, #tpu.memory_space<vmem>>, vector<1x1x16xf32>,
      %add3A_612 = arith.constant 0 : i32
      %add3A_613 = arith.addi %add3A_612, %add3A_583 : i32
      %get3A_614 = arith.constant 1 : i32
      %get3A_615 = arith.index_cast %get3A_614 : i32 to index
      %get3A_616 = arith.index_cast %add3A_613 : i32 to index
      %get3A_617 = arith.constant 0 : index
      %get3A_618 = tpu.vector_load %arg10[%get3A_615, %get3A_616, %get3A_617] {strides = array<i32>} : memref<3x512x32xf32, #tpu.memory_space<vmem>>, vector<1x1x16xf32>,
      %get3A_619 = vector.shape_cast %get3A_618 : vector<1x1x16xf32> to vector<16xf32>
      %swap3A_620 = arith.constant 0 : i32
      %swap3A_621 = arith.index_cast %swap3A_620 : i32 to index
      %swap3A_622 = arith.index_cast %add3A_583 : i32 to index
      %swap3A_623 = arith.constant 32 : index
      %swap3A_624 = tpu.vector_load %arg11[%swap3A_621, %swap3A_622, %swap3A_623] {strides = array<i32>} : memref<2x128x128xf32, #tpu.memory_space<vmem>>, vector<1x1x16xf32>,
      %swap3A_625 = vector.shape_cast %swap3A_624 : vector<1x1x16xf32> to vector<16xf32>
      %swap3A_626 = vector.shape_cast %get3A_619 : vector<16xf32> to vector<1x1x16xf32>
      tpu.vector_store %arg11[%swap3A_621, %swap3A_622, %swap3A_623], %swap3A_626 {strides = array<i32>} : memref<2x128x128xf32, #tpu.memory_space<vmem>>, vector<1x1x16xf32>,
      %add3A_627 = arith.constant 0 : i32
      %add3A_628 = arith.addi %add3A_627, %add3A_583 : i32
      %get3A_629 = arith.constant 1 : i32
      %get3A_630 = arith.index_cast %get3A_629 : i32 to index
      %get3A_631 = arith.index_cast %add3A_628 : i32 to index
      %get3A_632 = arith.constant 16 : index
      %get3A_633 = tpu.vector_load %arg10[%get3A_630, %get3A_631, %get3A_632] {strides = array<i32>} : memref<3x512x32xf32, #tpu.memory_space<vmem>>, vector<1x1x16xf32>,
      %get3A_634 = vector.shape_cast %get3A_633 : vector<1x1x16xf32> to vector<16xf32>
      %swap3A_635 = arith.constant 0 : i32
      %swap3A_636 = arith.index_cast %swap3A_635 : i32 to index
      %swap3A_637 = arith.index_cast %add3A_583 : i32 to index
      %swap3A_638 = arith.constant 48 : index
      %swap3A_639 = tpu.vector_load %arg11[%swap3A_636, %swap3A_637, %swap3A_638] {strides = array<i32>} : memref<2x128x128xf32, #tpu.memory_space<vmem>>, vector<1x1x16xf32>,
      %swap3A_640 = vector.shape_cast %swap3A_639 : vector<1x1x16xf32> to vector<16xf32>
      %swap3A_641 = vector.shape_cast %get3A_634 : vector<16xf32> to vector<1x1x16xf32>
      tpu.vector_store %arg11[%swap3A_636, %swap3A_637, %swap3A_638], %swap3A_641 {strides = array<i32>} : memref<2x128x128xf32, #tpu.memory_space<vmem>>, vector<1x1x16xf32>,
      %add3A_642 = arith.constant 0 : i32
      %add3A_643 = arith.addi %add3A_642, %add3A_583 : i32
      %get3A_644 = arith.constant 2 : i32
      %get3A_645 = arith.index_cast %get3A_644 : i32 to index
      %get3A_646 = arith.index_cast %add3A_643 : i32 to index
      %get3A_647 = arith.constant 0 : index
      %get3A_648 = tpu.vector_load %arg10[%get3A_645, %get3A_646, %get3A_647] {strides = array<i32>} : memref<3x512x32xf32, #tpu.memory_space<vmem>>, vector<1x1x16xf32>,
      %get3A_649 = vector.shape_cast %get3A_648 : vector<1x1x16xf32> to vector<16xf32>
      %swap3A_650 = arith.constant 0 : i32
      %swap3A_651 = arith.index_cast %swap3A_650 : i32 to index
      %swap3A_652 = arith.index_cast %add3A_583 : i32 to index
      %swap3A_653 = arith.constant 64 : index
      %swap3A_654 = tpu.vector_load %arg11[%swap3A_651, %swap3A_652, %swap3A_653] {strides = array<i32>} : memref<2x128x128xf32, #tpu.memory_space<vmem>>, vector<1x1x16xf32>,
      %swap3A_655 = vector.shape_cast %swap3A_654 : vector<1x1x16xf32> to vector<16xf32>
      %swap3A_656 = vector.shape_cast %get3A_649 : vector<16xf32> to vector<1x1x16xf32>
      tpu.vector_store %arg11[%swap3A_651, %swap3A_652, %swap3A_653], %swap3A_656 {strides = array<i32>} : memref<2x128x128xf32, #tpu.memory_space<vmem>>, vector<1x1x16xf32>,
      %add3A_657 = arith.constant 0 : i32
      %add3A_658 = arith.addi %add3A_657, %add3A_583 : i32
      %get3A_659 = arith.constant 2 : i32
      %get3A_660 = arith.index_cast %get3A_659 : i32 to index
      %get3A_661 = arith.index_cast %add3A_658 : i32 to index
      %get3A_662 = arith.constant 16 : index
      %get3A_663 = tpu.vector_load %arg10[%get3A_660, %get3A_661, %get3A_662] {strides = array<i32>} : memref<3x512x32xf32, #tpu.memory_space<vmem>>, vector<1x1x16xf32>,
      %get3A_664 = vector.shape_cast %get3A_663 : vector<1x1x16xf32> to vector<16xf32>
      %swap3A_665 = arith.constant 0 : i32
      %swap3A_666 = arith.index_cast %swap3A_665 : i32 to index
      %swap3A_667 = arith.index_cast %add3A_583 : i32 to index
      %swap3A_668 = arith.constant 80 : index
      %swap3A_669 = tpu.vector_load %arg11[%swap3A_666, %swap3A_667, %swap3A_668] {strides = array<i32>} : memref<2x128x128xf32, #tpu.memory_space<vmem>>, vector<1x1x16xf32>,
      %swap3A_670 = vector.shape_cast %swap3A_669 : vector<1x1x16xf32> to vector<16xf32>
      %swap3A_671 = vector.shape_cast %get3A_664 : vector<16xf32> to vector<1x1x16xf32>
      tpu.vector_store %arg11[%swap3A_666, %swap3A_667, %swap3A_668], %swap3A_671 {strides = array<i32>} : memref<2x128x128xf32, #tpu.memory_space<vmem>>, vector<1x1x16xf32>,
      %mul3A_672 = arith.constant 4 : i32
      %mul3A_673 = arith.muli %scan3A_578, %mul3A_672 : i32
      %add3A_674 = arith.constant 1 : i32
      %add3A_675 = arith.addi %mul3A_673, %add3A_674 : i32
      %add3A_676 = arith.constant 0 : i32
      %add3A_677 = arith.addi %add3A_676, %add3A_675 : i32
      %get3A_678 = arith.constant 0 : i32
      %get3A_679 = arith.index_cast %get3A_678 : i32 to index
      %get3A_680 = arith.index_cast %add3A_677 : i32 to index
      %get3A_681 = arith.constant 0 : index
      %get3A_682 = tpu.vector_load %arg10[%get3A_679, %get3A_680, %get3A_681] {strides = array<i32>} : memref<3x512x32xf32, #tpu.memory_space<vmem>>, vector<1x1x16xf32>,
      %get3A_683 = vector.shape_cast %get3A_682 : vector<1x1x16xf32> to vector<16xf32>
      %swap3A_684 = arith.constant 0 : i32
      %swap3A_685 = arith.index_cast %swap3A_684 : i32 to index
      %swap3A_686 = arith.index_cast %add3A_675 : i32 to index
      %swap3A_687 = arith.constant 0 : index
      %swap3A_688 = tpu.vector_load %arg11[%swap3A_685, %swap3A_686, %swap3A_687] {strides = array<i32>} : memref<2x128x128xf32, #tpu.memory_space<vmem>>, vector<1x1x16xf32>,
      %swap3A_689 = vector.shape_cast %swap3A_688 : vector<1x1x16xf32> to vector<16xf32>
      %swap3A_690 = vector.shape_cast %get3A_683 : vector<16xf32> to vector<1x1x16xf32>
      tpu.vector_store %arg11[%swap3A_685, %swap3A_686, %swap3A_687], %swap3A_690 {strides = array<i32>} : memref<2x128x128xf32, #tpu.memory_space<vmem>>, vector<1x1x16xf32>,
      %add3A_691 = arith.constant 0 : i32
      %add3A_692 = arith.addi %add3A_691, %add3A_675 : i32
      %get3A_693 = arith.constant 0 : i32
      %get3A_694 = arith.index_cast %get3A_693 : i32 to index
      %get3A_695 = arith.index_cast %add3A_692 : i32 to index
      %get3A_696 = arith.constant 16 : index
      %get3A_697 = tpu.vector_load %arg10[%get3A_694, %get3A_695, %get3A_696] {strides = array<i32>} : memref<3x512x32xf32, #tpu.memory_space<vmem>>, vector<1x1x16xf32>,
      %get3A_698 = vector.shape_cast %get3A_697 : vector<1x1x16xf32> to vector<16xf32>
      %swap3A_699 = arith.constant 0 : i32
      %swap3A_700 = arith.index_cast %swap3A_699 : i32 to index
      %swap3A_701 = arith.index_cast %add3A_675 : i32 to index
      %swap3A_702 = arith.constant 16 : index
      %swap3A_703 = tpu.vector_load %arg11[%swap3A_700, %swap3A_701, %swap3A_702] {strides = array<i32>} : memref<2x128x128xf32, #tpu.memory_space<vmem>>, vector<1x1x16xf32>,
      %swap3A_704 = vector.shape_cast %swap3A_703 : vector<1x1x16xf32> to vector<16xf32>
      %swap3A_705 = vector.shape_cast %get3A_698 : vector<16xf32> to vector<1x1x16xf32>
      tpu.vector_store %arg11[%swap3A_700, %swap3A_701, %swap3A_702], %swap3A_705 {strides = array<i32>} : memref<2x128x128xf32, #tpu.memory_space<vmem>>, vector<1x1x16xf32>,
      %add3A_706 = arith.constant 0 : i32
      %add3A_707 = arith.addi %add3A_706, %add3A_675 : i32
      %get3A_708 = arith.constant 1 : i32
      %get3A_709 = arith.index_cast %get3A_708 : i32 to index
      %get3A_710 = arith.index_cast %add3A_707 : i32 to index
      %get3A_711 = arith.constant 0 : index
      %get3A_712 = tpu.vector_load %arg10[%get3A_709, %get3A_710, %get3A_711] {strides = array<i32>} : memref<3x512x32xf32, #tpu.memory_space<vmem>>, vector<1x1x16xf32>,
      %get3A_713 = vector.shape_cast %get3A_712 : vector<1x1x16xf32> to vector<16xf32>
      %swap3A_714 = arith.constant 0 : i32
      %swap3A_715 = arith.index_cast %swap3A_714 : i32 to index
      %swap3A_716 = arith.index_cast %add3A_675 : i32 to index
      %swap3A_717 = arith.constant 32 : index
      %swap3A_718 = tpu.vector_load %arg11[%swap3A_715, %swap3A_716, %swap3A_717] {strides = array<i32>} : memref<2x128x128xf32, #tpu.memory_space<vmem>>, vector<1x1x16xf32>,
      %swap3A_719 = vector.shape_cast %swap3A_718 : vector<1x1x16xf32> to vector<16xf32>
      %swap3A_720 = vector.shape_cast %get3A_713 : vector<16xf32> to vector<1x1x16xf32>
      tpu.vector_store %arg11[%swap3A_715, %swap3A_716, %swap3A_717], %swap3A_720 {strides = array<i32>} : memref<2x128x128xf32, #tpu.memory_space<vmem>>, vector<1x1x16xf32>,
      %add3A_721 = arith.constant 0 : i32
      %add3A_722 = arith.addi %add3A_721, %add3A_675 : i32
      %get3A_723 = arith.constant 1 : i32
      %get3A_724 = arith.index_cast %get3A_723 : i32 to index
      %get3A_725 = arith.index_cast %add3A_722 : i32 to index
      %get3A_726 = arith.constant 16 : index
      %get3A_727 = tpu.vector_load %arg10[%get3A_724, %get3A_725, %get3A_726] {strides = array<i32>} : memref<3x512x32xf32, #tpu.memory_space<vmem>>, vector<1x1x16xf32>,
      %get3A_728 = vector.shape_cast %get3A_727 : vector<1x1x16xf32> to vector<16xf32>
      %swap3A_729 = arith.constant 0 : i32
      %swap3A_730 = arith.index_cast %swap3A_729 : i32 to index
      %swap3A_731 = arith.index_cast %add3A_675 : i32 to index
      %swap3A_732 = arith.constant 48 : index
      %swap3A_733 = tpu.vector_load %arg11[%swap3A_730, %swap3A_731, %swap3A_732] {strides = array<i32>} : memref<2x128x128xf32, #tpu.memory_space<vmem>>, vector<1x1x16xf32>,
      %swap3A_734 = vector.shape_cast %swap3A_733 : vector<1x1x16xf32> to vector<16xf32>
      %swap3A_735 = vector.shape_cast %get3A_728 : vector<16xf32> to vector<1x1x16xf32>
      tpu.vector_store %arg11[%swap3A_730, %swap3A_731, %swap3A_732], %swap3A_735 {strides = array<i32>} : memref<2x128x128xf32, #tpu.memory_space<vmem>>, vector<1x1x16xf32>,
      %add3A_736 = arith.constant 0 : i32
      %add3A_737 = arith.addi %add3A_736, %add3A_675 : i32
      %get3A_738 = arith.constant 2 : i32
      %get3A_739 = arith.index_cast %get3A_738 : i32 to index
      %get3A_740 = arith.index_cast %add3A_737 : i32 to index
      %get3A_741 = arith.constant 0 : index
      %get3A_742 = tpu.vector_load %arg10[%get3A_739, %get3A_740, %get3A_741] {strides = array<i32>} : memref<3x512x32xf32, #tpu.memory_space<vmem>>, vector<1x1x16xf32>,
      %get3A_743 = vector.shape_cast %get3A_742 : vector<1x1x16xf32> to vector<16xf32>
      %swap3A_744 = arith.constant 0 : i32
      %swap3A_745 = arith.index_cast %swap3A_744 : i32 to index
      %swap3A_746 = arith.index_cast %add3A_675 : i32 to index
      %swap3A_747 = arith.constant 64 : index
      %swap3A_748 = tpu.vector_load %arg11[%swap3A_745, %swap3A_746, %swap3A_747] {strides = array<i32>} : memref<2x128x128xf32, #tpu.memory_space<vmem>>, vector<1x1x16xf32>,
      %swap3A_749 = vector.shape_cast %swap3A_748 : vector<1x1x16xf32> to vector<16xf32>
      %swap3A_750 = vector.shape_cast %get3A_743 : vector<16xf32> to vector<1x1x16xf32>
      tpu.vector_store %arg11[%swap3A_745, %swap3A_746, %swap3A_747], %swap3A_750 {strides = array<i32>} : memref<2x128x128xf32, #tpu.memory_space<vmem>>, vector<1x1x16xf32>,
      %add3A_751 = arith.constant 0 : i32
      %add3A_752 = arith.addi %add3A_751, %add3A_675 : i32
      %get3A_753 = arith.constant 2 : i32
      %get3A_754 = arith.index_cast %get3A_753 : i32 to index
      %get3A_755 = arith.index_cast %add3A_752 : i32 to index
      %get3A_756 = arith.constant 16 : index
      %get3A_757 = tpu.vector_load %arg10[%get3A_754, %get3A_755, %get3A_756] {strides = array<i32>} : memref<3x512x32xf32, #tpu.memory_space<vmem>>, vector<1x1x16xf32>,
      %get3A_758 = vector.shape_cast %get3A_757 : vector<1x1x16xf32> to vector<16xf32>
      %swap3A_759 = arith.constant 0 : i32
      %swap3A_760 = arith.index_cast %swap3A_759 : i32 to index
      %swap3A_761 = arith.index_cast %add3A_675 : i32 to index
      %swap3A_762 = arith.constant 80 : index
      %swap3A_763 = tpu.vector_load %arg11[%swap3A_760, %swap3A_761, %swap3A_762] {strides = array<i32>} : memref<2x128x128xf32, #tpu.memory_space<vmem>>, vector<1x1x16xf32>,
      %swap3A_764 = vector.shape_cast %swap3A_763 : vector<1x1x16xf32> to vector<16xf32>
      %swap3A_765 = vector.shape_cast %get3A_758 : vector<16xf32> to vector<1x1x16xf32>
      tpu.vector_store %arg11[%swap3A_760, %swap3A_761, %swap3A_762], %swap3A_765 {strides = array<i32>} : memref<2x128x128xf32, #tpu.memory_space<vmem>>, vector<1x1x16xf32>,
      %mul3A_766 = arith.constant 4 : i32
      %mul3A_767 = arith.muli %scan3A_578, %mul3A_766 : i32
      %add3A_768 = arith.constant 2 : i32
      %add3A_769 = arith.addi %mul3A_767, %add3A_768 : i32
      %add3A_770 = arith.constant 0 : i32
      %add3A_771 = arith.addi %add3A_770, %add3A_769 : i32
      %get3A_772 = arith.constant 0 : i32
      %get3A_773 = arith.index_cast %get3A_772 : i32 to index
      %get3A_774 = arith.index_cast %add3A_771 : i32 to index
      %get3A_775 = arith.constant 0 : index
      %get3A_776 = tpu.vector_load %arg10[%get3A_773, %get3A_774, %get3A_775] {strides = array<i32>} : memref<3x512x32xf32, #tpu.memory_space<vmem>>, vector<1x1x16xf32>,
      %get3A_777 = vector.shape_cast %get3A_776 : vector<1x1x16xf32> to vector<16xf32>
      %swap3A_778 = arith.constant 0 : i32
      %swap3A_779 = arith.index_cast %swap3A_778 : i32 to index
      %swap3A_780 = arith.index_cast %add3A_769 : i32 to index
      %swap3A_781 = arith.constant 0 : index
      %swap3A_782 = tpu.vector_load %arg11[%swap3A_779, %swap3A_780, %swap3A_781] {strides = array<i32>} : memref<2x128x128xf32, #tpu.memory_space<vmem>>, vector<1x1x16xf32>,
      %swap3A_783 = vector.shape_cast %swap3A_782 : vector<1x1x16xf32> to vector<16xf32>
      %swap3A_784 = vector.shape_cast %get3A_777 : vector<16xf32> to vector<1x1x16xf32>
      tpu.vector_store %arg11[%swap3A_779, %swap3A_780, %swap3A_781], %swap3A_784 {strides = array<i32>} : memref<2x128x128xf32, #tpu.memory_space<vmem>>, vector<1x1x16xf32>,
      %add3A_785 = arith.constant 0 : i32
      %add3A_786 = arith.addi %add3A_785, %add3A_769 : i32
      %get3A_787 = arith.constant 0 : i32
      %get3A_788 = arith.index_cast %get3A_787 : i32 to index
      %get3A_789 = arith.index_cast %add3A_786 : i32 to index
      %get3A_790 = arith.constant 16 : index
      %get3A_791 = tpu.vector_load %arg10[%get3A_788, %get3A_789, %get3A_790] {strides = array<i32>} : memref<3x512x32xf32, #tpu.memory_space<vmem>>, vector<1x1x16xf32>,
      %get3A_792 = vector.shape_cast %get3A_791 : vector<1x1x16xf32> to vector<16xf32>
      %swap3A_793 = arith.constant 0 : i32
      %swap3A_794 = arith.index_cast %swap3A_793 : i32 to index
      %swap3A_795 = arith.index_cast %add3A_769 : i32 to index
      %swap3A_796 = arith.constant 16 : index
      %swap3A_797 = tpu.vector_load %arg11[%swap3A_794, %swap3A_795, %swap3A_796] {strides = array<i32>} : memref<2x128x128xf32, #tpu.memory_space<vmem>>, vector<1x1x16xf32>,
      %swap3A_798 = vector.shape_cast %swap3A_797 : vector<1x1x16xf32> to vector<16xf32>
      %swap3A_799 = vector.shape_cast %get3A_792 : vector<16xf32> to vector<1x1x16xf32>
      tpu.vector_store %arg11[%swap3A_794, %swap3A_795, %swap3A_796], %swap3A_799 {strides = array<i32>} : memref<2x128x128xf32, #tpu.memory_space<vmem>>, vector<1x1x16xf32>,
      %add3A_800 = arith.constant 0 : i32
      %add3A_801 = arith.addi %add3A_800, %add3A_769 : i32
      %get3A_802 = arith.constant 1 : i32
      %get3A_803 = arith.index_cast %get3A_802 : i32 to index
      %get3A_804 = arith.index_cast %add3A_801 : i32 to index
      %get3A_805 = arith.constant 0 : index
      %get3A_806 = tpu.vector_load %arg10[%get3A_803, %get3A_804, %get3A_805] {strides = array<i32>} : memref<3x512x32xf32, #tpu.memory_space<vmem>>, vector<1x1x16xf32>,
      %get3A_807 = vector.shape_cast %get3A_806 : vector<1x1x16xf32> to vector<16xf32>
      %swap3A_808 = arith.constant 0 : i32
      %swap3A_809 = arith.index_cast %swap3A_808 : i32 to index
      %swap3A_810 = arith.index_cast %add3A_769 : i32 to index
      %swap3A_811 = arith.constant 32 : index
      %swap3A_812 = tpu.vector_load %arg11[%swap3A_809, %swap3A_810, %swap3A_811] {strides = array<i32>} : memref<2x128x128xf32, #tpu.memory_space<vmem>>, vector<1x1x16xf32>,
      %swap3A_813 = vector.shape_cast %swap3A_812 : vector<1x1x16xf32> to vector<16xf32>
      %swap3A_814 = vector.shape_cast %get3A_807 : vector<16xf32> to vector<1x1x16xf32>
      tpu.vector_store %arg11[%swap3A_809, %swap3A_810, %swap3A_811], %swap3A_814 {strides = array<i32>} : memref<2x128x128xf32, #tpu.memory_space<vmem>>, vector<1x1x16xf32>,
      %add3A_815 = arith.constant 0 : i32
      %add3A_816 = arith.addi %add3A_815, %add3A_769 : i32
      %get3A_817 = arith.constant 1 : i32
      %get3A_818 = arith.index_cast %get3A_817 : i32 to index
      %get3A_819 = arith.index_cast %add3A_816 : i32 to index
      %get3A_820 = arith.constant 16 : index
      %get3A_821 = tpu.vector_load %arg10[%get3A_818, %get3A_819, %get3A_820] {strides = array<i32>} : memref<3x512x32xf32, #tpu.memory_space<vmem>>, vector<1x1x16xf32>,
      %get3A_822 = vector.shape_cast %get3A_821 : vector<1x1x16xf32> to vector<16xf32>
      %swap3A_823 = arith.constant 0 : i32
      %swap3A_824 = arith.index_cast %swap3A_823 : i32 to index
      %swap3A_825 = arith.index_cast %add3A_769 : i32 to index
      %swap3A_826 = arith.constant 48 : index
      %swap3A_827 = tpu.vector_load %arg11[%swap3A_824, %swap3A_825, %swap3A_826] {strides = array<i32>} : memref<2x128x128xf32, #tpu.memory_space<vmem>>, vector<1x1x16xf32>,
      %swap3A_828 = vector.shape_cast %swap3A_827 : vector<1x1x16xf32> to vector<16xf32>
      %swap3A_829 = vector.shape_cast %get3A_822 : vector<16xf32> to vector<1x1x16xf32>
      tpu.vector_store %arg11[%swap3A_824, %swap3A_825, %swap3A_826], %swap3A_829 {strides = array<i32>} : memref<2x128x128xf32, #tpu.memory_space<vmem>>, vector<1x1x16xf32>,
      %add3A_830 = arith.constant 0 : i32
      %add3A_831 = arith.addi %add3A_830, %add3A_769 : i32
      %get3A_832 = arith.constant 2 : i32
      %get3A_833 = arith.index_cast %get3A_832 : i32 to index
      %get3A_834 = arith.index_cast %add3A_831 : i32 to index
      %get3A_835 = arith.constant 0 : index
      %get3A_836 = tpu.vector_load %arg10[%get3A_833, %get3A_834, %get3A_835] {strides = array<i32>} : memref<3x512x32xf32, #tpu.memory_space<vmem>>, vector<1x1x16xf32>,
      %get3A_837 = vector.shape_cast %get3A_836 : vector<1x1x16xf32> to vector<16xf32>
      %swap3A_838 = arith.constant 0 : i32
      %swap3A_839 = arith.index_cast %swap3A_838 : i32 to index
      %swap3A_840 = arith.index_cast %add3A_769 : i32 to index
      %swap3A_841 = arith.constant 64 : index
      %swap3A_842 = tpu.vector_load %arg11[%swap3A_839, %swap3A_840, %swap3A_841] {strides = array<i32>} : memref<2x128x128xf32, #tpu.memory_space<vmem>>, vector<1x1x16xf32>,
      %swap3A_843 = vector.shape_cast %swap3A_842 : vector<1x1x16xf32> to vector<16xf32>
      %swap3A_844 = vector.shape_cast %get3A_837 : vector<16xf32> to vector<1x1x16xf32>
      tpu.vector_store %arg11[%swap3A_839, %swap3A_840, %swap3A_841], %swap3A_844 {strides = array<i32>} : memref<2x128x128xf32, #tpu.memory_space<vmem>>, vector<1x1x16xf32>,
      %add3A_845 = arith.constant 0 : i32
      %add3A_846 = arith.addi %add3A_845, %add3A_769 : i32
      %get3A_847 = arith.constant 2 : i32
      %get3A_848 = arith.index_cast %get3A_847 : i32 to index
      %get3A_849 = arith.index_cast %add3A_846 : i32 to index
      %get3A_850 = arith.constant 16 : index
      %get3A_851 = tpu.vector_load %arg10[%get3A_848, %get3A_849, %get3A_850] {strides = array<i32>} : memref<3x512x32xf32, #tpu.memory_space<vmem>>, vector<1x1x16xf32>,
      %get3A_852 = vector.shape_cast %get3A_851 : vector<1x1x16xf32> to vector<16xf32>
      %swap3A_853 = arith.constant 0 : i32
      %swap3A_854 = arith.index_cast %swap3A_853 : i32 to index
      %swap3A_855 = arith.index_cast %add3A_769 : i32 to index
      %swap3A_856 = arith.constant 80 : index
      %swap3A_857 = tpu.vector_load %arg11[%swap3A_854, %swap3A_855, %swap3A_856] {strides = array<i32>} : memref<2x128x128xf32, #tpu.memory_space<vmem>>, vector<1x1x16xf32>,
      %swap3A_858 = vector.shape_cast %swap3A_857 : vector<1x1x16xf32> to vector<16xf32>
      %swap3A_859 = vector.shape_cast %get3A_852 : vector<16xf32> to vector<1x1x16xf32>
      tpu.vector_store %arg11[%swap3A_854, %swap3A_855, %swap3A_856], %swap3A_859 {strides = array<i32>} : memref<2x128x128xf32, #tpu.memory_space<vmem>>, vector<1x1x16xf32>,
      %mul3A_860 = arith.constant 4 : i32
      %mul3A_861 = arith.muli %scan3A_578, %mul3A_860 : i32
      %add3A_862 = arith.constant 3 : i32
      %add3A_863 = arith.addi %mul3A_861, %add3A_862 : i32
      %add3A_864 = arith.constant 0 : i32
      %add3A_865 = arith.addi %add3A_864, %add3A_863 : i32
      %get3A_866 = arith.constant 0 : i32
      %get3A_867 = arith.index_cast %get3A_866 : i32 to index
      %get3A_868 = arith.index_cast %add3A_865 : i32 to index
      %get3A_869 = arith.constant 0 : index
      %get3A_870 = tpu.vector_load %arg10[%get3A_867, %get3A_868, %get3A_869] {strides = array<i32>} : memref<3x512x32xf32, #tpu.memory_space<vmem>>, vector<1x1x16xf32>,
      %get3A_871 = vector.shape_cast %get3A_870 : vector<1x1x16xf32> to vector<16xf32>
      %swap3A_872 = arith.constant 0 : i32
      %swap3A_873 = arith.index_cast %swap3A_872 : i32 to index
      %swap3A_874 = arith.index_cast %add3A_863 : i32 to index
      %swap3A_875 = arith.constant 0 : index
      %swap3A_876 = tpu.vector_load %arg11[%swap3A_873, %swap3A_874, %swap3A_875] {strides = array<i32>} : memref<2x128x128xf32, #tpu.memory_space<vmem>>, vector<1x1x16xf32>,
      %swap3A_877 = vector.shape_cast %swap3A_876 : vector<1x1x16xf32> to vector<16xf32>
      %swap3A_878 = vector.shape_cast %get3A_871 : vector<16xf32> to vector<1x1x16xf32>
      tpu.vector_store %arg11[%swap3A_873, %swap3A_874, %swap3A_875], %swap3A_878 {strides = array<i32>} : memref<2x128x128xf32, #tpu.memory_space<vmem>>, vector<1x1x16xf32>,
      %add3A_879 = arith.constant 0 : i32
      %add3A_880 = arith.addi %add3A_879, %add3A_863 : i32
      %get3A_881 = arith.constant 0 : i32
      %get3A_882 = arith.index_cast %get3A_881 : i32 to index
      %get3A_883 = arith.index_cast %add3A_880 : i32 to index
      %get3A_884 = arith.constant 16 : index
      %get3A_885 = tpu.vector_load %arg10[%get3A_882, %get3A_883, %get3A_884] {strides = array<i32>} : memref<3x512x32xf32, #tpu.memory_space<vmem>>, vector<1x1x16xf32>,
      %get3A_886 = vector.shape_cast %get3A_885 : vector<1x1x16xf32> to vector<16xf32>
      %swap3A_887 = arith.constant 0 : i32
      %swap3A_888 = arith.index_cast %swap3A_887 : i32 to index
      %swap3A_889 = arith.index_cast %add3A_863 : i32 to index
      %swap3A_890 = arith.constant 16 : index
      %swap3A_891 = tpu.vector_load %arg11[%swap3A_888, %swap3A_889, %swap3A_890] {strides = array<i32>} : memref<2x128x128xf32, #tpu.memory_space<vmem>>, vector<1x1x16xf32>,
      %swap3A_892 = vector.shape_cast %swap3A_891 : vector<1x1x16xf32> to vector<16xf32>
      %swap3A_893 = vector.shape_cast %get3A_886 : vector<16xf32> to vector<1x1x16xf32>
      tpu.vector_store %arg11[%swap3A_888, %swap3A_889, %swap3A_890], %swap3A_893 {strides = array<i32>} : memref<2x128x128xf32, #tpu.memory_space<vmem>>, vector<1x1x16xf32>,
      %add3A_894 = arith.constant 0 : i32
      %add3A_895 = arith.addi %add3A_894, %add3A_863 : i32
      %get3A_896 = arith.constant 1 : i32
      %get3A_897 = arith.index_cast %get3A_896 : i32 to index
      %get3A_898 = arith.index_cast %add3A_895 : i32 to index
      %get3A_899 = arith.constant 0 : index
      %get3A_900 = tpu.vector_load %arg10[%get3A_897, %get3A_898, %get3A_899] {strides = array<i32>} : memref<3x512x32xf32, #tpu.memory_space<vmem>>, vector<1x1x16xf32>,
      %get3A_901 = vector.shape_cast %get3A_900 : vector<1x1x16xf32> to vector<16xf32>
      %swap3A_902 = arith.constant 0 : i32
      %swap3A_903 = arith.index_cast %swap3A_902 : i32 to index
      %swap3A_904 = arith.index_cast %add3A_863 : i32 to index
      %swap3A_905 = arith.constant 32 : index
      %swap3A_906 = tpu.vector_load %arg11[%swap3A_903, %swap3A_904, %swap3A_905] {strides = array<i32>} : memref<2x128x128xf32, #tpu.memory_space<vmem>>, vector<1x1x16xf32>,
      %swap3A_907 = vector.shape_cast %swap3A_906 : vector<1x1x16xf32> to vector<16xf32>
      %swap3A_908 = vector.shape_cast %get3A_901 : vector<16xf32> to vector<1x1x16xf32>
      tpu.vector_store %arg11[%swap3A_903, %swap3A_904, %swap3A_905], %swap3A_908 {strides = array<i32>} : memref<2x128x128xf32, #tpu.memory_space<vmem>>, vector<1x1x16xf32>,
      %add3A_909 = arith.constant 0 : i32
      %add3A_910 = arith.addi %add3A_909, %add3A_863 : i32
      %get3A_911 = arith.constant 1 : i32
      %get3A_912 = arith.index_cast %get3A_911 : i32 to index
      %get3A_913 = arith.index_cast %add3A_910 : i32 to index
      %get3A_914 = arith.constant 16 : index
      %get3A_915 = tpu.vector_load %arg10[%get3A_912, %get3A_913, %get3A_914] {strides = array<i32>} : memref<3x512x32xf32, #tpu.memory_space<vmem>>, vector<1x1x16xf32>,
      %get3A_916 = vector.shape_cast %get3A_915 : vector<1x1x16xf32> to vector<16xf32>
      %swap3A_917 = arith.constant 0 : i32
      %swap3A_918 = arith.index_cast %swap3A_917 : i32 to index
      %swap3A_919 = arith.index_cast %add3A_863 : i32 to index
      %swap3A_920 = arith.constant 48 : index
      %swap3A_921 = tpu.vector_load %arg11[%swap3A_918, %swap3A_919, %swap3A_920] {strides = array<i32>} : memref<2x128x128xf32, #tpu.memory_space<vmem>>, vector<1x1x16xf32>,
      %swap3A_922 = vector.shape_cast %swap3A_921 : vector<1x1x16xf32> to vector<16xf32>
      %swap3A_923 = vector.shape_cast %get3A_916 : vector<16xf32> to vector<1x1x16xf32>
      tpu.vector_store %arg11[%swap3A_918, %swap3A_919, %swap3A_920], %swap3A_923 {strides = array<i32>} : memref<2x128x128xf32, #tpu.memory_space<vmem>>, vector<1x1x16xf32>,
      %add3A_924 = arith.constant 0 : i32
      %add3A_925 = arith.addi %add3A_924, %add3A_863 : i32
      %get3A_926 = arith.constant 2 : i32
      %get3A_927 = arith.index_cast %get3A_926 : i32 to index
      %get3A_928 = arith.index_cast %add3A_925 : i32 to index
      %get3A_929 = arith.constant 0 : index
      %get3A_930 = tpu.vector_load %arg10[%get3A_927, %get3A_928, %get3A_929] {strides = array<i32>} : memref<3x512x32xf32, #tpu.memory_space<vmem>>, vector<1x1x16xf32>,
      %get3A_931 = vector.shape_cast %get3A_930 : vector<1x1x16xf32> to vector<16xf32>
      %swap3A_932 = arith.constant 0 : i32
      %swap3A_933 = arith.index_cast %swap3A_932 : i32 to index
      %swap3A_934 = arith.index_cast %add3A_863 : i32 to index
      %swap3A_935 = arith.constant 64 : index
      %swap3A_936 = tpu.vector_load %arg11[%swap3A_933, %swap3A_934, %swap3A_935] {strides = array<i32>} : memref<2x128x128xf32, #tpu.memory_space<vmem>>, vector<1x1x16xf32>,
      %swap3A_937 = vector.shape_cast %swap3A_936 : vector<1x1x16xf32> to vector<16xf32>
      %swap3A_938 = vector.shape_cast %get3A_931 : vector<16xf32> to vector<1x1x16xf32>
      tpu.vector_store %arg11[%swap3A_933, %swap3A_934, %swap3A_935], %swap3A_938 {strides = array<i32>} : memref<2x128x128xf32, #tpu.memory_space<vmem>>, vector<1x1x16xf32>,
      %add3A_939 = arith.constant 0 : i32
      %add3A_940 = arith.addi %add3A_939, %add3A_863 : i32
      %get3A_941 = arith.constant 2 : i32
      %get3A_942 = arith.index_cast %get3A_941 : i32 to index
      %get3A_943 = arith.index_cast %add3A_940 : i32 to index
      %get3A_944 = arith.constant 16 : index
      %get3A_945 = tpu.vector_load %arg10[%get3A_942, %get3A_943, %get3A_944] {strides = array<i32>} : memref<3x512x32xf32, #tpu.memory_space<vmem>>, vector<1x1x16xf32>,
      %get3A_946 = vector.shape_cast %get3A_945 : vector<1x1x16xf32> to vector<16xf32>
      %swap3A_947 = arith.constant 0 : i32
      %swap3A_948 = arith.index_cast %swap3A_947 : i32 to index
      %swap3A_949 = arith.index_cast %add3A_863 : i32 to index
      %swap3A_950 = arith.constant 80 : index
      %swap3A_951 = tpu.vector_load %arg11[%swap3A_948, %swap3A_949, %swap3A_950] {strides = array<i32>} : memref<2x128x128xf32, #tpu.memory_space<vmem>>, vector<1x1x16xf32>,
      %swap3A_952 = vector.shape_cast %swap3A_951 : vector<1x1x16xf32> to vector<16xf32>
      %swap3A_953 = vector.shape_cast %get3A_946 : vector<16xf32> to vector<1x1x16xf32>
      tpu.vector_store %arg11[%swap3A_948, %swap3A_949, %swap3A_950], %swap3A_953 {strides = array<i32>} : memref<2x128x128xf32, #tpu.memory_space<vmem>>, vector<1x1x16xf32>,
      %scan3A_954 = arith.constant 0 : i32
      scf.yield %scan3A_954 : i32
    }
    %scan3A_309 = arith.constant 32 : i32
    %add3A_310 = arith.constant 0 : i32
    %add3A_311 = arith.addi %mul3A_2, %add3A_310 : i32
    %dma_start3A_312 = arith.constant 0 : i32
    %dma_start3A_313 = arith.constant 0 : i32
    %dma_start3A_314 = arith.constant 0 : i32
    %dma_start3A_315 = tpu.memref_slice %arg11[%dma_start3A_312, %dma_start3A_313, %dma_start3A_314] : memref<2x128x128xf32, #tpu.memory_space<vmem>> -> memref<1x128x128xf32, #tpu.memory_space<vmem>>
    %dma_start3A_316 = tpu.memref_squeeze %dma_start3A_315 : memref<1x128x128xf32, #tpu.memory_space<vmem>> -> memref<128x128xf32, #tpu.memory_space<vmem>>
    %dma_start3A_317 = arith.constant 0 : i32
    %dma_start3A_318 = tpu.memref_slice %arg8[%add3A_311, %dma_start3A_317] : memref<16384x128xf32, #tpu.memory_space<hbm>> -> memref<128x128xf32, #tpu.memory_space<hbm>>
    %dma_start3A_319 = arith.constant 0 : i32
    %dma_start3A_320 = tpu.memref_slice %arg8[%add3A_311, %dma_start3A_319] : memref<16384x128xf32, #tpu.memory_space<hbm>> -> memref<128x128xf32, #tpu.memory_space<hbm>>
    %dma_start3A_321 = arith.constant 0 : i32
    %dma_start3A_322 = arith.constant 0 : i32
    %dma_start3A_323 = tpu.memref_slice %arg11[%dma_start3A_312, %dma_start3A_321, %dma_start3A_322] : memref<2x128x128xf32, #tpu.memory_space<vmem>> -> memref<1x128x128xf32, #tpu.memory_space<vmem>>
    %dma_start3A_324 = tpu.memref_squeeze %dma_start3A_323 : memref<1x128x128xf32, #tpu.memory_space<vmem>> -> memref<128x128xf32, #tpu.memory_space<vmem>>
    tpu.enqueue_dma source(%dma_start3A_324 : memref<128x128xf32, #tpu.memory_space<vmem>>) target(%dma_start3A_320 : memref<128x128xf32, #tpu.memory_space<hbm>>) target_semaphore(%arg17 : memref<!tpu.dma_semaphore, #tpu.memory_space<semaphore_mem>>)
    %dma_wait3A_325 = arith.constant 0 : i32
    %dma_wait3A_326 = arith.constant 0 : i32
    %dma_wait3A_327 = arith.constant 0 : i32
    %dma_wait3A_328 = arith.constant 0 : i32
    %dma_wait3A_329 = tpu.memref_slice %arg10[%dma_wait3A_326, %dma_wait3A_327, %dma_wait3A_328] : memref<3x512x32xf32, #tpu.memory_space<vmem>> -> memref<1x512x32xf32, #tpu.memory_space<vmem>>
    %dma_wait3A_330 = tpu.memref_squeeze %dma_wait3A_329 : memref<1x512x32xf32, #tpu.memory_space<vmem>> -> memref<512x32xf32, #tpu.memory_space<vmem>>
    %dma_wait3A_331 = arith.constant 128 : i32
    %dma_wait3A_332 = arith.constant 0 : i32
    %dma_wait3A_333 = tpu.memref_slice %dma_wait3A_330[%dma_wait3A_331, %dma_wait3A_332] : memref<512x32xf32, #tpu.memory_space<vmem>> -> memref<128x32xf32, #tpu.memory_space<vmem>>
    %dma_wait3A_334 = arith.constant 128 : i32
    %dma_wait3A_335 = tpu.memref_slice %arg9[%dma_wait3A_325, %dma_wait3A_334] : memref<3x512xi32, #tpu.memory_space<vmem>> -> memref<1x128xi32, #tpu.memory_space<vmem>>
    %dma_wait3A_336 = tpu.memref_squeeze %dma_wait3A_335 : memref<1x128xi32, #tpu.memory_space<vmem>> -> memref<128xi32, #tpu.memory_space<vmem>>
    %dma_wait3A_337 = arith.constant 0 : i32
    %dma_wait3A_338 = arith.constant 0 : i32
    %dma_wait3A_339 = tpu.memref_slice %arg5[%dma_wait3A_337, %dma_wait3A_338] : memref<114688x32xf32, #tpu.memory_space<hbm>> -> memref<114688x32xf32, #tpu.memory_space<hbm>>
    tpu.wait_indirect_dma semaphore(%arg14 : memref<!tpu.dma_semaphore, #tpu.memory_space<semaphore_mem>>) src(%dma_wait3A_339 : memref<114688x32xf32, #tpu.memory_space<hbm>>) dst(%dma_wait3A_333 : memref<128x32xf32, #tpu.memory_space<vmem>>)
    %dma_wait3A_340 = arith.constant 1 : i32
    %dma_wait3A_341 = arith.constant 1 : i32
    %dma_wait3A_342 = arith.constant 0 : i32
    %dma_wait3A_343 = arith.constant 0 : i32
    %dma_wait3A_344 = tpu.memref_slice %arg10[%dma_wait3A_341, %dma_wait3A_342, %dma_wait3A_343] : memref<3x512x32xf32, #tpu.memory_space<vmem>> -> memref<1x512x32xf32, #tpu.memory_space<vmem>>
    %dma_wait3A_345 = tpu.memref_squeeze %dma_wait3A_344 : memref<1x512x32xf32, #tpu.memory_space<vmem>> -> memref<512x32xf32, #tpu.memory_space<vmem>>
    %dma_wait3A_346 = arith.constant 128 : i32
    %dma_wait3A_347 = arith.constant 0 : i32
    %dma_wait3A_348 = tpu.memref_slice %dma_wait3A_345[%dma_wait3A_346, %dma_wait3A_347] : memref<512x32xf32, #tpu.memory_space<vmem>> -> memref<128x32xf32, #tpu.memory_space<vmem>>
    %dma_wait3A_349 = arith.constant 128 : i32
    %dma_wait3A_350 = tpu.memref_slice %arg9[%dma_wait3A_340, %dma_wait3A_349] : memref<3x512xi32, #tpu.memory_space<vmem>> -> memref<1x128xi32, #tpu.memory_space<vmem>>
    %dma_wait3A_351 = tpu.memref_squeeze %dma_wait3A_350 : memref<1x128xi32, #tpu.memory_space<vmem>> -> memref<128xi32, #tpu.memory_space<vmem>>
    %dma_wait3A_352 = arith.constant 0 : i32
    %dma_wait3A_353 = arith.constant 0 : i32
    %dma_wait3A_354 = tpu.memref_slice %arg6[%dma_wait3A_352, %dma_wait3A_353] : memref<114688x32xf32, #tpu.memory_space<hbm>> -> memref<114688x32xf32, #tpu.memory_space<hbm>>
    tpu.wait_indirect_dma semaphore(%arg14 : memref<!tpu.dma_semaphore, #tpu.memory_space<semaphore_mem>>) src(%dma_wait3A_354 : memref<114688x32xf32, #tpu.memory_space<hbm>>) dst(%dma_wait3A_348 : memref<128x32xf32, #tpu.memory_space<vmem>>)
    %dma_wait3A_355 = arith.constant 2 : i32
    %dma_wait3A_356 = arith.constant 2 : i32
    %dma_wait3A_357 = arith.constant 0 : i32
    %dma_wait3A_358 = arith.constant 0 : i32
    %dma_wait3A_359 = tpu.memref_slice %arg10[%dma_wait3A_356, %dma_wait3A_357, %dma_wait3A_358] : memref<3x512x32xf32, #tpu.memory_space<vmem>> -> memref<1x512x32xf32, #tpu.memory_space<vmem>>
    %dma_wait3A_360 = tpu.memref_squeeze %dma_wait3A_359 : memref<1x512x32xf32, #tpu.memory_space<vmem>> -> memref<512x32xf32, #tpu.memory_space<vmem>>
    %dma_wait3A_361 = arith.constant 128 : i32
    %dma_wait3A_362 = arith.constant 0 : i32
    %dma_wait3A_363 = tpu.memref_slice %dma_wait3A_360[%dma_wait3A_361, %dma_wait3A_362] : memref<512x32xf32, #tpu.memory_space<vmem>> -> memref<128x32xf32, #tpu.memory_space<vmem>>
    %dma_wait3A_364 = arith.constant 128 : i32
    %dma_wait3A_365 = tpu.memref_slice %arg9[%dma_wait3A_355, %dma_wait3A_364] : memref<3x512xi32, #tpu.memory_space<vmem>> -> memref<1x128xi32, #tpu.memory_space<vmem>>
    %dma_wait3A_366 = tpu.memref_squeeze %dma_wait3A_365 : memref<1x128xi32, #tpu.memory_space<vmem>> -> memref<128xi32, #tpu.memory_space<vmem>>
    %dma_wait3A_367 = arith.constant 0 : i32
    %dma_wait3A_368 = arith.constant 0 : i32
    %dma_wait3A_369 = tpu.memref_slice %arg7[%dma_wait3A_367, %dma_wait3A_368] : memref<114688x32xf32, #tpu.memory_space<hbm>> -> memref<114688x32xf32, #tpu.memory_space<hbm>>
    tpu.wait_indirect_dma semaphore(%arg14 : memref<!tpu.dma_semaphore, #tpu.memory_space<semaphore_mem>>) src(%dma_wait3A_369 : memref<114688x32xf32, #tpu.memory_space<hbm>>) dst(%dma_wait3A_363 : memref<128x32xf32, #tpu.memory_space<vmem>>)
    %scan3A_370 = arith.constant 0 : i32
    %scan3A_371 = arith.constant 0 : i32
    %scan3A_372 = arith.constant 32 : i32
    %scan3A_373 = arith.addi %scan3A_371, %scan3A_372 : i32
    %scan3A_374 = arith.constant 1 : i32
    %scan3A_375 = scf.for %scan3A_578 = %scan3A_371 to %scan3A_373 step %scan3A_374 iter_args(%scan3A_579 = %scan3A_370) -> (i32)  : i32 {
      %mul3A_580 = arith.constant 4 : i32
      %mul3A_581 = arith.muli %scan3A_578, %mul3A_580 : i32
      %add3A_582 = arith.constant 0 : i32
      %add3A_583 = arith.addi %mul3A_581, %add3A_582 : i32
      %add3A_584 = arith.constant 128 : i32
      %add3A_585 = arith.addi %add3A_584, %add3A_583 : i32
      %get3A = arith.constant 0 : i32
      %get3A_586 = arith.index_cast %get3A : i32 to index
      %get3A_587 = arith.index_cast %add3A_585 : i32 to index
      %get3A_588 = arith.constant 0 : index
      %get3A_589 = tpu.vector_load %arg10[%get3A_586, %get3A_587, %get3A_588] {strides = array<i32>} : memref<3x512x32xf32, #tpu.memory_space<vmem>>, vector<1x1x16xf32>,
      %get3A_590 = vector.shape_cast %get3A_589 : vector<1x1x16xf32> to vector<16xf32>
      %swap3A = arith.constant 1 : i32
      %swap3A_591 = arith.index_cast %swap3A : i32 to index
      %swap3A_592 = arith.index_cast %add3A_583 : i32 to index
      %swap3A_593 = arith.constant 0 : index
      %swap3A_594 = tpu.vector_load %arg11[%swap3A_591, %swap3A_592, %swap3A_593] {strides = array<i32>} : memref<2x128x128xf32, #tpu.memory_space<vmem>>, vector<1x1x16xf32>,
      %swap3A_595 = vector.shape_cast %swap3A_594 : vector<1x1x16xf32> to vector<16xf32>
      %swap3A_596 = vector.shape_cast %get3A_590 : vector<16xf32> to vector<1x1x16xf32>
      tpu.vector_store %arg11[%swap3A_591, %swap3A_592, %swap3A_593], %swap3A_596 {strides = array<i32>} : memref<2x128x128xf32, #tpu.memory_space<vmem>>, vector<1x1x16xf32>,
      %add3A_597 = arith.constant 128 : i32
      %add3A_598 = arith.addi %add3A_597, %add3A_583 : i32
      %get3A_599 = arith.constant 0 : i32
      %get3A_600 = arith.index_cast %get3A_599 : i32 to index
      %get3A_601 = arith.index_cast %add3A_598 : i32 to index
      %get3A_602 = arith.constant 16 : index
      %get3A_603 = tpu.vector_load %arg10[%get3A_600, %get3A_601, %get3A_602] {strides = array<i32>} : memref<3x512x32xf32, #tpu.memory_space<vmem>>, vector<1x1x16xf32>,
      %get3A_604 = vector.shape_cast %get3A_603 : vector<1x1x16xf32> to vector<16xf32>
      %swap3A_605 = arith.constant 1 : i32
      %swap3A_606 = arith.index_cast %swap3A_605 : i32 to index
      %swap3A_607 = arith.index_cast %add3A_583 : i32 to index
      %swap3A_608 = arith.constant 16 : index
      %swap3A_609 = tpu.vector_load %arg11[%swap3A_606, %swap3A_607, %swap3A_608] {strides = array<i32>} : memref<2x128x128xf32, #tpu.memory_space<vmem>>, vector<1x1x16xf32>,
      %swap3A_610 = vector.shape_cast %swap3A_609 : vector<1x1x16xf32> to vector<16xf32>
      %swap3A_611 = vector.shape_cast %get3A_604 : vector<16xf32> to vector<1x1x16xf32>
      tpu.vector_store %arg11[%swap3A_606, %swap3A_607, %swap3A_608], %swap3A_611 {strides = array<i32>} : memref<2x128x128xf32, #tpu.memory_space<vmem>>, vector<1x1x16xf32>,
      %add3A_612 = arith.constant 128 : i32
      %add3A_613 = arith.addi %add3A_612, %add3A_583 : i32
      %get3A_614 = arith.constant 1 : i32
      %get3A_615 = arith.index_cast %get3A_614 : i32 to index
      %get3A_616 = arith.index_cast %add3A_613 : i32 to index
      %get3A_617 = arith.constant 0 : index
      %get3A_618 = tpu.vector_load %arg10[%get3A_615, %get3A_616, %get3A_617] {strides = array<i32>} : memref<3x512x32xf32, #tpu.memory_space<vmem>>, vector<1x1x16xf32>,
      %get3A_619 = vector.shape_cast %get3A_618 : vector<1x1x16xf32> to vector<16xf32>
      %swap3A_620 = arith.constant 1 : i32
      %swap3A_621 = arith.index_cast %swap3A_620 : i32 to index
      %swap3A_622 = arith.index_cast %add3A_583 : i32 to index
      %swap3A_623 = arith.constant 32 : index
      %swap3A_624 = tpu.vector_load %arg11[%swap3A_621, %swap3A_622, %swap3A_623] {strides = array<i32>} : memref<2x128x128xf32, #tpu.memory_space<vmem>>, vector<1x1x16xf32>,
      %swap3A_625 = vector.shape_cast %swap3A_624 : vector<1x1x16xf32> to vector<16xf32>
      %swap3A_626 = vector.shape_cast %get3A_619 : vector<16xf32> to vector<1x1x16xf32>
      tpu.vector_store %arg11[%swap3A_621, %swap3A_622, %swap3A_623], %swap3A_626 {strides = array<i32>} : memref<2x128x128xf32, #tpu.memory_space<vmem>>, vector<1x1x16xf32>,
      %add3A_627 = arith.constant 128 : i32
      %add3A_628 = arith.addi %add3A_627, %add3A_583 : i32
      %get3A_629 = arith.constant 1 : i32
      %get3A_630 = arith.index_cast %get3A_629 : i32 to index
      %get3A_631 = arith.index_cast %add3A_628 : i32 to index
      %get3A_632 = arith.constant 16 : index
      %get3A_633 = tpu.vector_load %arg10[%get3A_630, %get3A_631, %get3A_632] {strides = array<i32>} : memref<3x512x32xf32, #tpu.memory_space<vmem>>, vector<1x1x16xf32>,
      %get3A_634 = vector.shape_cast %get3A_633 : vector<1x1x16xf32> to vector<16xf32>
      %swap3A_635 = arith.constant 1 : i32
      %swap3A_636 = arith.index_cast %swap3A_635 : i32 to index
      %swap3A_637 = arith.index_cast %add3A_583 : i32 to index
      %swap3A_638 = arith.constant 48 : index
      %swap3A_639 = tpu.vector_load %arg11[%swap3A_636, %swap3A_637, %swap3A_638] {strides = array<i32>} : memref<2x128x128xf32, #tpu.memory_space<vmem>>, vector<1x1x16xf32>,
      %swap3A_640 = vector.shape_cast %swap3A_639 : vector<1x1x16xf32> to vector<16xf32>
      %swap3A_641 = vector.shape_cast %get3A_634 : vector<16xf32> to vector<1x1x16xf32>
      tpu.vector_store %arg11[%swap3A_636, %swap3A_637, %swap3A_638], %swap3A_641 {strides = array<i32>} : memref<2x128x128xf32, #tpu.memory_space<vmem>>, vector<1x1x16xf32>,
      %add3A_642 = arith.constant 128 : i32
      %add3A_643 = arith.addi %add3A_642, %add3A_583 : i32
      %get3A_644 = arith.constant 2 : i32
      %get3A_645 = arith.index_cast %get3A_644 : i32 to index
      %get3A_646 = arith.index_cast %add3A_643 : i32 to index
      %get3A_647 = arith.constant 0 : index
      %get3A_648 = tpu.vector_load %arg10[%get3A_645, %get3A_646, %get3A_647] {strides = array<i32>} : memref<3x512x32xf32, #tpu.memory_space<vmem>>, vector<1x1x16xf32>,
      %get3A_649 = vector.shape_cast %get3A_648 : vector<1x1x16xf32> to vector<16xf32>
      %swap3A_650 = arith.constant 1 : i32
      %swap3A_651 = arith.index_cast %swap3A_650 : i32 to index
      %swap3A_652 = arith.index_cast %add3A_583 : i32 to index
      %swap3A_653 = arith.constant 64 : index
      %swap3A_654 = tpu.vector_load %arg11[%swap3A_651, %swap3A_652, %swap3A_653] {strides = array<i32>} : memref<2x128x128xf32, #tpu.memory_space<vmem>>, vector<1x1x16xf32>,
      %swap3A_655 = vector.shape_cast %swap3A_654 : vector<1x1x16xf32> to vector<16xf32>
      %swap3A_656 = vector.shape_cast %get3A_649 : vector<16xf32> to vector<1x1x16xf32>
      tpu.vector_store %arg11[%swap3A_651, %swap3A_652, %swap3A_653], %swap3A_656 {strides = array<i32>} : memref<2x128x128xf32, #tpu.memory_space<vmem>>, vector<1x1x16xf32>,
      %add3A_657 = arith.constant 128 : i32
      %add3A_658 = arith.addi %add3A_657, %add3A_583 : i32
      %get3A_659 = arith.constant 2 : i32
      %get3A_660 = arith.index_cast %get3A_659 : i32 to index
      %get3A_661 = arith.index_cast %add3A_658 : i32 to index
      %get3A_662 = arith.constant 16 : index
      %get3A_663 = tpu.vector_load %arg10[%get3A_660, %get3A_661, %get3A_662] {strides = array<i32>} : memref<3x512x32xf32, #tpu.memory_space<vmem>>, vector<1x1x16xf32>,
      %get3A_664 = vector.shape_cast %get3A_663 : vector<1x1x16xf32> to vector<16xf32>
      %swap3A_665 = arith.constant 1 : i32
      %swap3A_666 = arith.index_cast %swap3A_665 : i32 to index
      %swap3A_667 = arith.index_cast %add3A_583 : i32 to index
      %swap3A_668 = arith.constant 80 : index
      %swap3A_669 = tpu.vector_load %arg11[%swap3A_666, %swap3A_667, %swap3A_668] {strides = array<i32>} : memref<2x128x128xf32, #tpu.memory_space<vmem>>, vector<1x1x16xf32>,
      %swap3A_670 = vector.shape_cast %swap3A_669 : vector<1x1x16xf32> to vector<16xf32>
      %swap3A_671 = vector.shape_cast %get3A_664 : vector<16xf32> to vector<1x1x16xf32>
      tpu.vector_store %arg11[%swap3A_666, %swap3A_667, %swap3A_668], %swap3A_671 {strides = array<i32>} : memref<2x128x128xf32, #tpu.memory_space<vmem>>, vector<1x1x16xf32>,
      %mul3A_672 = arith.constant 4 : i32
      %mul3A_673 = arith.muli %scan3A_578, %mul3A_672 : i32
      %add3A_674 = arith.constant 1 : i32
      %add3A_675 = arith.addi %mul3A_673, %add3A_674 : i32
      %add3A_676 = arith.constant 128 : i32
      %add3A_677 = arith.addi %add3A_676, %add3A_675 : i32
      %get3A_678 = arith.constant 0 : i32
      %get3A_679 = arith.index_cast %get3A_678 : i32 to index
      %get3A_680 = arith.index_cast %add3A_677 : i32 to index
      %get3A_681 = arith.constant 0 : index
      %get3A_682 = tpu.vector_load %arg10[%get3A_679, %get3A_680, %get3A_681] {strides = array<i32>} : memref<3x512x32xf32, #tpu.memory_space<vmem>>, vector<1x1x16xf32>,
      %get3A_683 = vector.shape_cast %get3A_682 : vector<1x1x16xf32> to vector<16xf32>
      %swap3A_684 = arith.constant 1 : i32
      %swap3A_685 = arith.index_cast %swap3A_684 : i32 to index
      %swap3A_686 = arith.index_cast %add3A_675 : i32 to index
      %swap3A_687 = arith.constant 0 : index
      %swap3A_688 = tpu.vector_load %arg11[%swap3A_685, %swap3A_686, %swap3A_687] {strides = array<i32>} : memref<2x128x128xf32, #tpu.memory_space<vmem>>, vector<1x1x16xf32>,
      %swap3A_689 = vector.shape_cast %swap3A_688 : vector<1x1x16xf32> to vector<16xf32>
      %swap3A_690 = vector.shape_cast %get3A_683 : vector<16xf32> to vector<1x1x16xf32>
      tpu.vector_store %arg11[%swap3A_685, %swap3A_686, %swap3A_687], %swap3A_690 {strides = array<i32>} : memref<2x128x128xf32, #tpu.memory_space<vmem>>, vector<1x1x16xf32>,
      %add3A_691 = arith.constant 128 : i32
      %add3A_692 = arith.addi %add3A_691, %add3A_675 : i32
      %get3A_693 = arith.constant 0 : i32
      %get3A_694 = arith.index_cast %get3A_693 : i32 to index
      %get3A_695 = arith.index_cast %add3A_692 : i32 to index
      %get3A_696 = arith.constant 16 : index
      %get3A_697 = tpu.vector_load %arg10[%get3A_694, %get3A_695, %get3A_696] {strides = array<i32>} : memref<3x512x32xf32, #tpu.memory_space<vmem>>, vector<1x1x16xf32>,
      %get3A_698 = vector.shape_cast %get3A_697 : vector<1x1x16xf32> to vector<16xf32>
      %swap3A_699 = arith.constant 1 : i32
      %swap3A_700 = arith.index_cast %swap3A_699 : i32 to index
      %swap3A_701 = arith.index_cast %add3A_675 : i32 to index
      %swap3A_702 = arith.constant 16 : index
      %swap3A_703 = tpu.vector_load %arg11[%swap3A_700, %swap3A_701, %swap3A_702] {strides = array<i32>} : memref<2x128x128xf32, #tpu.memory_space<vmem>>, vector<1x1x16xf32>,
      %swap3A_704 = vector.shape_cast %swap3A_703 : vector<1x1x16xf32> to vector<16xf32>
      %swap3A_705 = vector.shape_cast %get3A_698 : vector<16xf32> to vector<1x1x16xf32>
      tpu.vector_store %arg11[%swap3A_700, %swap3A_701, %swap3A_702], %swap3A_705 {strides = array<i32>} : memref<2x128x128xf32, #tpu.memory_space<vmem>>, vector<1x1x16xf32>,
      %add3A_706 = arith.constant 128 : i32
      %add3A_707 = arith.addi %add3A_706, %add3A_675 : i32
      %get3A_708 = arith.constant 1 : i32
      %get3A_709 = arith.index_cast %get3A_708 : i32 to index
      %get3A_710 = arith.index_cast %add3A_707 : i32 to index
      %get3A_711 = arith.constant 0 : index
      %get3A_712 = tpu.vector_load %arg10[%get3A_709, %get3A_710, %get3A_711] {strides = array<i32>} : memref<3x512x32xf32, #tpu.memory_space<vmem>>, vector<1x1x16xf32>,
      %get3A_713 = vector.shape_cast %get3A_712 : vector<1x1x16xf32> to vector<16xf32>
      %swap3A_714 = arith.constant 1 : i32
      %swap3A_715 = arith.index_cast %swap3A_714 : i32 to index
      %swap3A_716 = arith.index_cast %add3A_675 : i32 to index
      %swap3A_717 = arith.constant 32 : index
      %swap3A_718 = tpu.vector_load %arg11[%swap3A_715, %swap3A_716, %swap3A_717] {strides = array<i32>} : memref<2x128x128xf32, #tpu.memory_space<vmem>>, vector<1x1x16xf32>,
      %swap3A_719 = vector.shape_cast %swap3A_718 : vector<1x1x16xf32> to vector<16xf32>
      %swap3A_720 = vector.shape_cast %get3A_713 : vector<16xf32> to vector<1x1x16xf32>
      tpu.vector_store %arg11[%swap3A_715, %swap3A_716, %swap3A_717], %swap3A_720 {strides = array<i32>} : memref<2x128x128xf32, #tpu.memory_space<vmem>>, vector<1x1x16xf32>,
      %add3A_721 = arith.constant 128 : i32
      %add3A_722 = arith.addi %add3A_721, %add3A_675 : i32
      %get3A_723 = arith.constant 1 : i32
      %get3A_724 = arith.index_cast %get3A_723 : i32 to index
      %get3A_725 = arith.index_cast %add3A_722 : i32 to index
      %get3A_726 = arith.constant 16 : index
      %get3A_727 = tpu.vector_load %arg10[%get3A_724, %get3A_725, %get3A_726] {strides = array<i32>} : memref<3x512x32xf32, #tpu.memory_space<vmem>>, vector<1x1x16xf32>,
      %get3A_728 = vector.shape_cast %get3A_727 : vector<1x1x16xf32> to vector<16xf32>
      %swap3A_729 = arith.constant 1 : i32
      %swap3A_730 = arith.index_cast %swap3A_729 : i32 to index
      %swap3A_731 = arith.index_cast %add3A_675 : i32 to index
      %swap3A_732 = arith.constant 48 : index
      %swap3A_733 = tpu.vector_load %arg11[%swap3A_730, %swap3A_731, %swap3A_732] {strides = array<i32>} : memref<2x128x128xf32, #tpu.memory_space<vmem>>, vector<1x1x16xf32>,
      %swap3A_734 = vector.shape_cast %swap3A_733 : vector<1x1x16xf32> to vector<16xf32>
      %swap3A_735 = vector.shape_cast %get3A_728 : vector<16xf32> to vector<1x1x16xf32>
      tpu.vector_store %arg11[%swap3A_730, %swap3A_731, %swap3A_732], %swap3A_735 {strides = array<i32>} : memref<2x128x128xf32, #tpu.memory_space<vmem>>, vector<1x1x16xf32>,
      %add3A_736 = arith.constant 128 : i32
      %add3A_737 = arith.addi %add3A_736, %add3A_675 : i32
      %get3A_738 = arith.constant 2 : i32
      %get3A_739 = arith.index_cast %get3A_738 : i32 to index
      %get3A_740 = arith.index_cast %add3A_737 : i32 to index
      %get3A_741 = arith.constant 0 : index
      %get3A_742 = tpu.vector_load %arg10[%get3A_739, %get3A_740, %get3A_741] {strides = array<i32>} : memref<3x512x32xf32, #tpu.memory_space<vmem>>, vector<1x1x16xf32>,
      %get3A_743 = vector.shape_cast %get3A_742 : vector<1x1x16xf32> to vector<16xf32>
      %swap3A_744 = arith.constant 1 : i32
      %swap3A_745 = arith.index_cast %swap3A_744 : i32 to index
      %swap3A_746 = arith.index_cast %add3A_675 : i32 to index
      %swap3A_747 = arith.constant 64 : index
      %swap3A_748 = tpu.vector_load %arg11[%swap3A_745, %swap3A_746, %swap3A_747] {strides = array<i32>} : memref<2x128x128xf32, #tpu.memory_space<vmem>>, vector<1x1x16xf32>,
      %swap3A_749 = vector.shape_cast %swap3A_748 : vector<1x1x16xf32> to vector<16xf32>
      %swap3A_750 = vector.shape_cast %get3A_743 : vector<16xf32> to vector<1x1x16xf32>
      tpu.vector_store %arg11[%swap3A_745, %swap3A_746, %swap3A_747], %swap3A_750 {strides = array<i32>} : memref<2x128x128xf32, #tpu.memory_space<vmem>>, vector<1x1x16xf32>,
      %add3A_751 = arith.constant 128 : i32
      %add3A_752 = arith.addi %add3A_751, %add3A_675 : i32
      %get3A_753 = arith.constant 2 : i32
      %get3A_754 = arith.index_cast %get3A_753 : i32 to index
      %get3A_755 = arith.index_cast %add3A_752 : i32 to index
      %get3A_756 = arith.constant 16 : index
      %get3A_757 = tpu.vector_load %arg10[%get3A_754, %get3A_755, %get3A_756] {strides = array<i32>} : memref<3x512x32xf32, #tpu.memory_space<vmem>>, vector<1x1x16xf32>,
      %get3A_758 = vector.shape_cast %get3A_757 : vector<1x1x16xf32> to vector<16xf32>
      %swap3A_759 = arith.constant 1 : i32
      %swap3A_760 = arith.index_cast %swap3A_759 : i32 to index
      %swap3A_761 = arith.index_cast %add3A_675 : i32 to index
      %swap3A_762 = arith.constant 80 : index
      %swap3A_763 = tpu.vector_load %arg11[%swap3A_760, %swap3A_761, %swap3A_762] {strides = array<i32>} : memref<2x128x128xf32, #tpu.memory_space<vmem>>, vector<1x1x16xf32>,
      %swap3A_764 = vector.shape_cast %swap3A_763 : vector<1x1x16xf32> to vector<16xf32>
      %swap3A_765 = vector.shape_cast %get3A_758 : vector<16xf32> to vector<1x1x16xf32>
      tpu.vector_store %arg11[%swap3A_760, %swap3A_761, %swap3A_762], %swap3A_765 {strides = array<i32>} : memref<2x128x128xf32, #tpu.memory_space<vmem>>, vector<1x1x16xf32>,
      %mul3A_766 = arith.constant 4 : i32
      %mul3A_767 = arith.muli %scan3A_578, %mul3A_766 : i32
      %add3A_768 = arith.constant 2 : i32
      %add3A_769 = arith.addi %mul3A_767, %add3A_768 : i32
      %add3A_770 = arith.constant 128 : i32
      %add3A_771 = arith.addi %add3A_770, %add3A_769 : i32
      %get3A_772 = arith.constant 0 : i32
      %get3A_773 = arith.index_cast %get3A_772 : i32 to index
      %get3A_774 = arith.index_cast %add3A_771 : i32 to index
      %get3A_775 = arith.constant 0 : index
      %get3A_776 = tpu.vector_load %arg10[%get3A_773, %get3A_774, %get3A_775] {strides = array<i32>} : memref<3x512x32xf32, #tpu.memory_space<vmem>>, vector<1x1x16xf32>,
      %get3A_777 = vector.shape_cast %get3A_776 : vector<1x1x16xf32> to vector<16xf32>
      %swap3A_778 = arith.constant 1 : i32
      %swap3A_779 = arith.index_cast %swap3A_778 : i32 to index
      %swap3A_780 = arith.index_cast %add3A_769 : i32 to index
      %swap3A_781 = arith.constant 0 : index
      %swap3A_782 = tpu.vector_load %arg11[%swap3A_779, %swap3A_780, %swap3A_781] {strides = array<i32>} : memref<2x128x128xf32, #tpu.memory_space<vmem>>, vector<1x1x16xf32>,
      %swap3A_783 = vector.shape_cast %swap3A_782 : vector<1x1x16xf32> to vector<16xf32>
      %swap3A_784 = vector.shape_cast %get3A_777 : vector<16xf32> to vector<1x1x16xf32>
      tpu.vector_store %arg11[%swap3A_779, %swap3A_780, %swap3A_781], %swap3A_784 {strides = array<i32>} : memref<2x128x128xf32, #tpu.memory_space<vmem>>, vector<1x1x16xf32>,
      %add3A_785 = arith.constant 128 : i32
      %add3A_786 = arith.addi %add3A_785, %add3A_769 : i32
      %get3A_787 = arith.constant 0 : i32
      %get3A_788 = arith.index_cast %get3A_787 : i32 to index
      %get3A_789 = arith.index_cast %add3A_786 : i32 to index
      %get3A_790 = arith.constant 16 : index
      %get3A_791 = tpu.vector_load %arg10[%get3A_788, %get3A_789, %get3A_790] {strides = array<i32>} : memref<3x512x32xf32, #tpu.memory_space<vmem>>, vector<1x1x16xf32>,
      %get3A_792 = vector.shape_cast %get3A_791 : vector<1x1x16xf32> to vector<16xf32>
      %swap3A_793 = arith.constant 1 : i32
      %swap3A_794 = arith.index_cast %swap3A_793 : i32 to index
      %swap3A_795 = arith.index_cast %add3A_769 : i32 to index
      %swap3A_796 = arith.constant 16 : index
      %swap3A_797 = tpu.vector_load %arg11[%swap3A_794, %swap3A_795, %swap3A_796] {strides = array<i32>} : memref<2x128x128xf32, #tpu.memory_space<vmem>>, vector<1x1x16xf32>,
      %swap3A_798 = vector.shape_cast %swap3A_797 : vector<1x1x16xf32> to vector<16xf32>
      %swap3A_799 = vector.shape_cast %get3A_792 : vector<16xf32> to vector<1x1x16xf32>
      tpu.vector_store %arg11[%swap3A_794, %swap3A_795, %swap3A_796], %swap3A_799 {strides = array<i32>} : memref<2x128x128xf32, #tpu.memory_space<vmem>>, vector<1x1x16xf32>,
      %add3A_800 = arith.constant 128 : i32
      %add3A_801 = arith.addi %add3A_800, %add3A_769 : i32
      %get3A_802 = arith.constant 1 : i32
      %get3A_803 = arith.index_cast %get3A_802 : i32 to index
      %get3A_804 = arith.index_cast %add3A_801 : i32 to index
      %get3A_805 = arith.constant 0 : index
      %get3A_806 = tpu.vector_load %arg10[%get3A_803, %get3A_804, %get3A_805] {strides = array<i32>} : memref<3x512x32xf32, #tpu.memory_space<vmem>>, vector<1x1x16xf32>,
      %get3A_807 = vector.shape_cast %get3A_806 : vector<1x1x16xf32> to vector<16xf32>
      %swap3A_808 = arith.constant 1 : i32
      %swap3A_809 = arith.index_cast %swap3A_808 : i32 to index
      %swap3A_810 = arith.index_cast %add3A_769 : i32 to index
      %swap3A_811 = arith.constant 32 : index
      %swap3A_812 = tpu.vector_load %arg11[%swap3A_809, %swap3A_810, %swap3A_811] {strides = array<i32>} : memref<2x128x128xf32, #tpu.memory_space<vmem>>, vector<1x1x16xf32>,
      %swap3A_813 = vector.shape_cast %swap3A_812 : vector<1x1x16xf32> to vector<16xf32>
      %swap3A_814 = vector.shape_cast %get3A_807 : vector<16xf32> to vector<1x1x16xf32>
      tpu.vector_store %arg11[%swap3A_809, %swap3A_810, %swap3A_811], %swap3A_814 {strides = array<i32>} : memref<2x128x128xf32, #tpu.memory_space<vmem>>, vector<1x1x16xf32>,
      %add3A_815 = arith.constant 128 : i32
      %add3A_816 = arith.addi %add3A_815, %add3A_769 : i32
      %get3A_817 = arith.constant 1 : i32
      %get3A_818 = arith.index_cast %get3A_817 : i32 to index
      %get3A_819 = arith.index_cast %add3A_816 : i32 to index
      %get3A_820 = arith.constant 16 : index
      %get3A_821 = tpu.vector_load %arg10[%get3A_818, %get3A_819, %get3A_820] {strides = array<i32>} : memref<3x512x32xf32, #tpu.memory_space<vmem>>, vector<1x1x16xf32>,
      %get3A_822 = vector.shape_cast %get3A_821 : vector<1x1x16xf32> to vector<16xf32>
      %swap3A_823 = arith.constant 1 : i32
      %swap3A_824 = arith.index_cast %swap3A_823 : i32 to index
      %swap3A_825 = arith.index_cast %add3A_769 : i32 to index
      %swap3A_826 = arith.constant 48 : index
      %swap3A_827 = tpu.vector_load %arg11[%swap3A_824, %swap3A_825, %swap3A_826] {strides = array<i32>} : memref<2x128x128xf32, #tpu.memory_space<vmem>>, vector<1x1x16xf32>,
      %swap3A_828 = vector.shape_cast %swap3A_827 : vector<1x1x16xf32> to vector<16xf32>
      %swap3A_829 = vector.shape_cast %get3A_822 : vector<16xf32> to vector<1x1x16xf32>
      tpu.vector_store %arg11[%swap3A_824, %swap3A_825, %swap3A_826], %swap3A_829 {strides = array<i32>} : memref<2x128x128xf32, #tpu.memory_space<vmem>>, vector<1x1x16xf32>,
      %add3A_830 = arith.constant 128 : i32
      %add3A_831 = arith.addi %add3A_830, %add3A_769 : i32
      %get3A_832 = arith.constant 2 : i32
      %get3A_833 = arith.index_cast %get3A_832 : i32 to index
      %get3A_834 = arith.index_cast %add3A_831 : i32 to index
      %get3A_835 = arith.constant 0 : index
      %get3A_836 = tpu.vector_load %arg10[%get3A_833, %get3A_834, %get3A_835] {strides = array<i32>} : memref<3x512x32xf32, #tpu.memory_space<vmem>>, vector<1x1x16xf32>,
      %get3A_837 = vector.shape_cast %get3A_836 : vector<1x1x16xf32> to vector<16xf32>
      %swap3A_838 = arith.constant 1 : i32
      %swap3A_839 = arith.index_cast %swap3A_838 : i32 to index
      %swap3A_840 = arith.index_cast %add3A_769 : i32 to index
      %swap3A_841 = arith.constant 64 : index
      %swap3A_842 = tpu.vector_load %arg11[%swap3A_839, %swap3A_840, %swap3A_841] {strides = array<i32>} : memref<2x128x128xf32, #tpu.memory_space<vmem>>, vector<1x1x16xf32>,
      %swap3A_843 = vector.shape_cast %swap3A_842 : vector<1x1x16xf32> to vector<16xf32>
      %swap3A_844 = vector.shape_cast %get3A_837 : vector<16xf32> to vector<1x1x16xf32>
      tpu.vector_store %arg11[%swap3A_839, %swap3A_840, %swap3A_841], %swap3A_844 {strides = array<i32>} : memref<2x128x128xf32, #tpu.memory_space<vmem>>, vector<1x1x16xf32>,
      %add3A_845 = arith.constant 128 : i32
      %add3A_846 = arith.addi %add3A_845, %add3A_769 : i32
      %get3A_847 = arith.constant 2 : i32
      %get3A_848 = arith.index_cast %get3A_847 : i32 to index
      %get3A_849 = arith.index_cast %add3A_846 : i32 to index
      %get3A_850 = arith.constant 16 : index
      %get3A_851 = tpu.vector_load %arg10[%get3A_848, %get3A_849, %get3A_850] {strides = array<i32>} : memref<3x512x32xf32, #tpu.memory_space<vmem>>, vector<1x1x16xf32>,
      %get3A_852 = vector.shape_cast %get3A_851 : vector<1x1x16xf32> to vector<16xf32>
      %swap3A_853 = arith.constant 1 : i32
      %swap3A_854 = arith.index_cast %swap3A_853 : i32 to index
      %swap3A_855 = arith.index_cast %add3A_769 : i32 to index
      %swap3A_856 = arith.constant 80 : index
      %swap3A_857 = tpu.vector_load %arg11[%swap3A_854, %swap3A_855, %swap3A_856] {strides = array<i32>} : memref<2x128x128xf32, #tpu.memory_space<vmem>>, vector<1x1x16xf32>,
      %swap3A_858 = vector.shape_cast %swap3A_857 : vector<1x1x16xf32> to vector<16xf32>
      %swap3A_859 = vector.shape_cast %get3A_852 : vector<16xf32> to vector<1x1x16xf32>
      tpu.vector_store %arg11[%swap3A_854, %swap3A_855, %swap3A_856], %swap3A_859 {strides = array<i32>} : memref<2x128x128xf32, #tpu.memory_space<vmem>>, vector<1x1x16xf32>,
      %mul3A_860 = arith.constant 4 : i32
      %mul3A_861 = arith.muli %scan3A_578, %mul3A_860 : i32
      %add3A_862 = arith.constant 3 : i32
      %add3A_863 = arith.addi %mul3A_861, %add3A_862 : i32
      %add3A_864 = arith.constant 128 : i32
      %add3A_865 = arith.addi %add3A_864, %add3A_863 : i32
      %get3A_866 = arith.constant 0 : i32
      %get3A_867 = arith.index_cast %get3A_866 : i32 to index
      %get3A_868 = arith.index_cast %add3A_865 : i32 to index
      %get3A_869 = arith.constant 0 : index
      %get3A_870 = tpu.vector_load %arg10[%get3A_867, %get3A_868, %get3A_869] {strides = array<i32>} : memref<3x512x32xf32, #tpu.memory_space<vmem>>, vector<1x1x16xf32>,
      %get3A_871 = vector.shape_cast %get3A_870 : vector<1x1x16xf32> to vector<16xf32>
      %swap3A_872 = arith.constant 1 : i32
      %swap3A_873 = arith.index_cast %swap3A_872 : i32 to index
      %swap3A_874 = arith.index_cast %add3A_863 : i32 to index
      %swap3A_875 = arith.constant 0 : index
      %swap3A_876 = tpu.vector_load %arg11[%swap3A_873, %swap3A_874, %swap3A_875] {strides = array<i32>} : memref<2x128x128xf32, #tpu.memory_space<vmem>>, vector<1x1x16xf32>,
      %swap3A_877 = vector.shape_cast %swap3A_876 : vector<1x1x16xf32> to vector<16xf32>
      %swap3A_878 = vector.shape_cast %get3A_871 : vector<16xf32> to vector<1x1x16xf32>
      tpu.vector_store %arg11[%swap3A_873, %swap3A_874, %swap3A_875], %swap3A_878 {strides = array<i32>} : memref<2x128x128xf32, #tpu.memory_space<vmem>>, vector<1x1x16xf32>,
      %add3A_879 = arith.constant 128 : i32
      %add3A_880 = arith.addi %add3A_879, %add3A_863 : i32
      %get3A_881 = arith.constant 0 : i32
      %get3A_882 = arith.index_cast %get3A_881 : i32 to index
      %get3A_883 = arith.index_cast %add3A_880 : i32 to index
      %get3A_884 = arith.constant 16 : index
      %get3A_885 = tpu.vector_load %arg10[%get3A_882, %get3A_883, %get3A_884] {strides = array<i32>} : memref<3x512x32xf32, #tpu.memory_space<vmem>>, vector<1x1x16xf32>,
      %get3A_886 = vector.shape_cast %get3A_885 : vector<1x1x16xf32> to vector<16xf32>
      %swap3A_887 = arith.constant 1 : i32
      %swap3A_888 = arith.index_cast %swap3A_887 : i32 to index
      %swap3A_889 = arith.index_cast %add3A_863 : i32 to index
      %swap3A_890 = arith.constant 16 : index
      %swap3A_891 = tpu.vector_load %arg11[%swap3A_888, %swap3A_889, %swap3A_890] {strides = array<i32>} : memref<2x128x128xf32, #tpu.memory_space<vmem>>, vector<1x1x16xf32>,
      %swap3A_892 = vector.shape_cast %swap3A_891 : vector<1x1x16xf32> to vector<16xf32>
      %swap3A_893 = vector.shape_cast %get3A_886 : vector<16xf32> to vector<1x1x16xf32>
      tpu.vector_store %arg11[%swap3A_888, %swap3A_889, %swap3A_890], %swap3A_893 {strides = array<i32>} : memref<2x128x128xf32, #tpu.memory_space<vmem>>, vector<1x1x16xf32>,
      %add3A_894 = arith.constant 128 : i32
      %add3A_895 = arith.addi %add3A_894, %add3A_863 : i32
      %get3A_896 = arith.constant 1 : i32
      %get3A_897 = arith.index_cast %get3A_896 : i32 to index
      %get3A_898 = arith.index_cast %add3A_895 : i32 to index
      %get3A_899 = arith.constant 0 : index
      %get3A_900 = tpu.vector_load %arg10[%get3A_897, %get3A_898, %get3A_899] {strides = array<i32>} : memref<3x512x32xf32, #tpu.memory_space<vmem>>, vector<1x1x16xf32>,
      %get3A_901 = vector.shape_cast %get3A_900 : vector<1x1x16xf32> to vector<16xf32>
      %swap3A_902 = arith.constant 1 : i32
      %swap3A_903 = arith.index_cast %swap3A_902 : i32 to index
      %swap3A_904 = arith.index_cast %add3A_863 : i32 to index
      %swap3A_905 = arith.constant 32 : index
      %swap3A_906 = tpu.vector_load %arg11[%swap3A_903, %swap3A_904, %swap3A_905] {strides = array<i32>} : memref<2x128x128xf32, #tpu.memory_space<vmem>>, vector<1x1x16xf32>,
      %swap3A_907 = vector.shape_cast %swap3A_906 : vector<1x1x16xf32> to vector<16xf32>
      %swap3A_908 = vector.shape_cast %get3A_901 : vector<16xf32> to vector<1x1x16xf32>
      tpu.vector_store %arg11[%swap3A_903, %swap3A_904, %swap3A_905], %swap3A_908 {strides = array<i32>} : memref<2x128x128xf32, #tpu.memory_space<vmem>>, vector<1x1x16xf32>,
      %add3A_909 = arith.constant 128 : i32
      %add3A_910 = arith.addi %add3A_909, %add3A_863 : i32
      %get3A_911 = arith.constant 1 : i32
      %get3A_912 = arith.index_cast %get3A_911 : i32 to index
      %get3A_913 = arith.index_cast %add3A_910 : i32 to index
      %get3A_914 = arith.constant 16 : index
      %get3A_915 = tpu.vector_load %arg10[%get3A_912, %get3A_913, %get3A_914] {strides = array<i32>} : memref<3x512x32xf32, #tpu.memory_space<vmem>>, vector<1x1x16xf32>,
      %get3A_916 = vector.shape_cast %get3A_915 : vector<1x1x16xf32> to vector<16xf32>
      %swap3A_917 = arith.constant 1 : i32
      %swap3A_918 = arith.index_cast %swap3A_917 : i32 to index
      %swap3A_919 = arith.index_cast %add3A_863 : i32 to index
      %swap3A_920 = arith.constant 48 : index
      %swap3A_921 = tpu.vector_load %arg11[%swap3A_918, %swap3A_919, %swap3A_920] {strides = array<i32>} : memref<2x128x128xf32, #tpu.memory_space<vmem>>, vector<1x1x16xf32>,
      %swap3A_922 = vector.shape_cast %swap3A_921 : vector<1x1x16xf32> to vector<16xf32>
      %swap3A_923 = vector.shape_cast %get3A_916 : vector<16xf32> to vector<1x1x16xf32>
      tpu.vector_store %arg11[%swap3A_918, %swap3A_919, %swap3A_920], %swap3A_923 {strides = array<i32>} : memref<2x128x128xf32, #tpu.memory_space<vmem>>, vector<1x1x16xf32>,
      %add3A_924 = arith.constant 128 : i32
      %add3A_925 = arith.addi %add3A_924, %add3A_863 : i32
      %get3A_926 = arith.constant 2 : i32
      %get3A_927 = arith.index_cast %get3A_926 : i32 to index
      %get3A_928 = arith.index_cast %add3A_925 : i32 to index
      %get3A_929 = arith.constant 0 : index
      %get3A_930 = tpu.vector_load %arg10[%get3A_927, %get3A_928, %get3A_929] {strides = array<i32>} : memref<3x512x32xf32, #tpu.memory_space<vmem>>, vector<1x1x16xf32>,
      %get3A_931 = vector.shape_cast %get3A_930 : vector<1x1x16xf32> to vector<16xf32>
      %swap3A_932 = arith.constant 1 : i32
      %swap3A_933 = arith.index_cast %swap3A_932 : i32 to index
      %swap3A_934 = arith.index_cast %add3A_863 : i32 to index
      %swap3A_935 = arith.constant 64 : index
      %swap3A_936 = tpu.vector_load %arg11[%swap3A_933, %swap3A_934, %swap3A_935] {strides = array<i32>} : memref<2x128x128xf32, #tpu.memory_space<vmem>>, vector<1x1x16xf32>,
      %swap3A_937 = vector.shape_cast %swap3A_936 : vector<1x1x16xf32> to vector<16xf32>
      %swap3A_938 = vector.shape_cast %get3A_931 : vector<16xf32> to vector<1x1x16xf32>
      tpu.vector_store %arg11[%swap3A_933, %swap3A_934, %swap3A_935], %swap3A_938 {strides = array<i32>} : memref<2x128x128xf32, #tpu.memory_space<vmem>>, vector<1x1x16xf32>,
      %add3A_939 = arith.constant 128 : i32
      %add3A_940 = arith.addi %add3A_939, %add3A_863 : i32
      %get3A_941 = arith.constant 2 : i32
      %get3A_942 = arith.index_cast %get3A_941 : i32 to index
      %get3A_943 = arith.index_cast %add3A_940 : i32 to index
      %get3A_944 = arith.constant 16 : index
      %get3A_945 = tpu.vector_load %arg10[%get3A_942, %get3A_943, %get3A_944] {strides = array<i32>} : memref<3x512x32xf32, #tpu.memory_space<vmem>>, vector<1x1x16xf32>,
      %get3A_946 = vector.shape_cast %get3A_945 : vector<1x1x16xf32> to vector<16xf32>
      %swap3A_947 = arith.constant 1 : i32
      %swap3A_948 = arith.index_cast %swap3A_947 : i32 to index
      %swap3A_949 = arith.index_cast %add3A_863 : i32 to index
      %swap3A_950 = arith.constant 80 : index
      %swap3A_951 = tpu.vector_load %arg11[%swap3A_948, %swap3A_949, %swap3A_950] {strides = array<i32>} : memref<2x128x128xf32, #tpu.memory_space<vmem>>, vector<1x1x16xf32>,
      %swap3A_952 = vector.shape_cast %swap3A_951 : vector<1x1x16xf32> to vector<16xf32>
      %swap3A_953 = vector.shape_cast %get3A_946 : vector<16xf32> to vector<1x1x16xf32>
      tpu.vector_store %arg11[%swap3A_948, %swap3A_949, %swap3A_950], %swap3A_953 {strides = array<i32>} : memref<2x128x128xf32, #tpu.memory_space<vmem>>, vector<1x1x16xf32>,
      %scan3A_954 = arith.constant 0 : i32
      scf.yield %scan3A_954 : i32
    }
    %scan3A_376 = arith.constant 32 : i32
    %add3A_377 = arith.constant 128 : i32
    %add3A_378 = arith.addi %mul3A_2, %add3A_377 : i32
    %dma_start3A_379 = arith.constant 1 : i32
    %dma_start3A_380 = arith.constant 0 : i32
    %dma_start3A_381 = arith.constant 0 : i32
    %dma_start3A_382 = tpu.memref_slice %arg11[%dma_start3A_379, %dma_start3A_380, %dma_start3A_381] : memref<2x128x128xf32, #tpu.memory_space<vmem>> -> memref<1x128x128xf32, #tpu.memory_space<vmem>>
    %dma_start3A_383 = tpu.memref_squeeze %dma_start3A_382 : memref<1x128x128xf32, #tpu.memory_space<vmem>> -> memref<128x128xf32, #tpu.memory_space<vmem>>
    %dma_start3A_384 = arith.constant 0 : i32
    %dma_start3A_385 = tpu.memref_slice %arg8[%add3A_378, %dma_start3A_384] : memref<16384x128xf32, #tpu.memory_space<hbm>> -> memref<128x128xf32, #tpu.memory_space<hbm>>
    %dma_start3A_386 = arith.constant 0 : i32
    %dma_start3A_387 = tpu.memref_slice %arg8[%add3A_378, %dma_start3A_386] : memref<16384x128xf32, #tpu.memory_space<hbm>> -> memref<128x128xf32, #tpu.memory_space<hbm>>
    %dma_start3A_388 = arith.constant 0 : i32
    %dma_start3A_389 = arith.constant 0 : i32
    %dma_start3A_390 = tpu.memref_slice %arg11[%dma_start3A_379, %dma_start3A_388, %dma_start3A_389] : memref<2x128x128xf32, #tpu.memory_space<vmem>> -> memref<1x128x128xf32, #tpu.memory_space<vmem>>
    %dma_start3A_391 = tpu.memref_squeeze %dma_start3A_390 : memref<1x128x128xf32, #tpu.memory_space<vmem>> -> memref<128x128xf32, #tpu.memory_space<vmem>>
    tpu.enqueue_dma source(%dma_start3A_391 : memref<128x128xf32, #tpu.memory_space<vmem>>) target(%dma_start3A_387 : memref<128x128xf32, #tpu.memory_space<hbm>>) target_semaphore(%arg17 : memref<!tpu.dma_semaphore, #tpu.memory_space<semaphore_mem>>)
    %dma_wait3A_392 = arith.constant 0 : i32
    %dma_wait3A_393 = arith.constant 0 : i32
    %dma_wait3A_394 = arith.constant 0 : i32
    %dma_wait3A_395 = arith.constant 0 : i32
    %dma_wait3A_396 = tpu.memref_slice %arg10[%dma_wait3A_393, %dma_wait3A_394, %dma_wait3A_395] : memref<3x512x32xf32, #tpu.memory_space<vmem>> -> memref<1x512x32xf32, #tpu.memory_space<vmem>>
    %dma_wait3A_397 = tpu.memref_squeeze %dma_wait3A_396 : memref<1x512x32xf32, #tpu.memory_space<vmem>> -> memref<512x32xf32, #tpu.memory_space<vmem>>
    %dma_wait3A_398 = arith.constant 256 : i32
    %dma_wait3A_399 = arith.constant 0 : i32
    %dma_wait3A_400 = tpu.memref_slice %dma_wait3A_397[%dma_wait3A_398, %dma_wait3A_399] : memref<512x32xf32, #tpu.memory_space<vmem>> -> memref<128x32xf32, #tpu.memory_space<vmem>>
    %dma_wait3A_401 = arith.constant 256 : i32
    %dma_wait3A_402 = tpu.memref_slice %arg9[%dma_wait3A_392, %dma_wait3A_401] : memref<3x512xi32, #tpu.memory_space<vmem>> -> memref<1x128xi32, #tpu.memory_space<vmem>>
    %dma_wait3A_403 = tpu.memref_squeeze %dma_wait3A_402 : memref<1x128xi32, #tpu.memory_space<vmem>> -> memref<128xi32, #tpu.memory_space<vmem>>
    %dma_wait3A_404 = arith.constant 0 : i32
    %dma_wait3A_405 = arith.constant 0 : i32
    %dma_wait3A_406 = tpu.memref_slice %arg5[%dma_wait3A_404, %dma_wait3A_405] : memref<114688x32xf32, #tpu.memory_space<hbm>> -> memref<114688x32xf32, #tpu.memory_space<hbm>>
    tpu.wait_indirect_dma semaphore(%arg15 : memref<!tpu.dma_semaphore, #tpu.memory_space<semaphore_mem>>) src(%dma_wait3A_406 : memref<114688x32xf32, #tpu.memory_space<hbm>>) dst(%dma_wait3A_400 : memref<128x32xf32, #tpu.memory_space<vmem>>)
    %dma_wait3A_407 = arith.constant 1 : i32
    %dma_wait3A_408 = arith.constant 1 : i32
    %dma_wait3A_409 = arith.constant 0 : i32
    %dma_wait3A_410 = arith.constant 0 : i32
    %dma_wait3A_411 = tpu.memref_slice %arg10[%dma_wait3A_408, %dma_wait3A_409, %dma_wait3A_410] : memref<3x512x32xf32, #tpu.memory_space<vmem>> -> memref<1x512x32xf32, #tpu.memory_space<vmem>>
    %dma_wait3A_412 = tpu.memref_squeeze %dma_wait3A_411 : memref<1x512x32xf32, #tpu.memory_space<vmem>> -> memref<512x32xf32, #tpu.memory_space<vmem>>
    %dma_wait3A_413 = arith.constant 256 : i32
    %dma_wait3A_414 = arith.constant 0 : i32
    %dma_wait3A_415 = tpu.memref_slice %dma_wait3A_412[%dma_wait3A_413, %dma_wait3A_414] : memref<512x32xf32, #tpu.memory_space<vmem>> -> memref<128x32xf32, #tpu.memory_space<vmem>>
    %dma_wait3A_416 = arith.constant 256 : i32
    %dma_wait3A_417 = tpu.memref_slice %arg9[%dma_wait3A_407, %dma_wait3A_416] : memref<3x512xi32, #tpu.memory_space<vmem>> -> memref<1x128xi32, #tpu.memory_space<vmem>>
    %dma_wait3A_418 = tpu.memref_squeeze %dma_wait3A_417 : memref<1x128xi32, #tpu.memory_space<vmem>> -> memref<128xi32, #tpu.memory_space<vmem>>
    %dma_wait3A_419 = arith.constant 0 : i32
    %dma_wait3A_420 = arith.constant 0 : i32
    %dma_wait3A_421 = tpu.memref_slice %arg6[%dma_wait3A_419, %dma_wait3A_420] : memref<114688x32xf32, #tpu.memory_space<hbm>> -> memref<114688x32xf32, #tpu.memory_space<hbm>>
    tpu.wait_indirect_dma semaphore(%arg15 : memref<!tpu.dma_semaphore, #tpu.memory_space<semaphore_mem>>) src(%dma_wait3A_421 : memref<114688x32xf32, #tpu.memory_space<hbm>>) dst(%dma_wait3A_415 : memref<128x32xf32, #tpu.memory_space<vmem>>)
    %dma_wait3A_422 = arith.constant 2 : i32
    %dma_wait3A_423 = arith.constant 2 : i32
    %dma_wait3A_424 = arith.constant 0 : i32
    %dma_wait3A_425 = arith.constant 0 : i32
    %dma_wait3A_426 = tpu.memref_slice %arg10[%dma_wait3A_423, %dma_wait3A_424, %dma_wait3A_425] : memref<3x512x32xf32, #tpu.memory_space<vmem>> -> memref<1x512x32xf32, #tpu.memory_space<vmem>>
    %dma_wait3A_427 = tpu.memref_squeeze %dma_wait3A_426 : memref<1x512x32xf32, #tpu.memory_space<vmem>> -> memref<512x32xf32, #tpu.memory_space<vmem>>
    %dma_wait3A_428 = arith.constant 256 : i32
    %dma_wait3A_429 = arith.constant 0 : i32
    %dma_wait3A_430 = tpu.memref_slice %dma_wait3A_427[%dma_wait3A_428, %dma_wait3A_429] : memref<512x32xf32, #tpu.memory_space<vmem>> -> memref<128x32xf32, #tpu.memory_space<vmem>>
    %dma_wait3A_431 = arith.constant 256 : i32
    %dma_wait3A_432 = tpu.memref_slice %arg9[%dma_wait3A_422, %dma_wait3A_431] : memref<3x512xi32, #tpu.memory_space<vmem>> -> memref<1x128xi32, #tpu.memory_space<vmem>>
    %dma_wait3A_433 = tpu.memref_squeeze %dma_wait3A_432 : memref<1x128xi32, #tpu.memory_space<vmem>> -> memref<128xi32, #tpu.memory_space<vmem>>
    %dma_wait3A_434 = arith.constant 0 : i32
    %dma_wait3A_435 = arith.constant 0 : i32
    %dma_wait3A_436 = tpu.memref_slice %arg7[%dma_wait3A_434, %dma_wait3A_435] : memref<114688x32xf32, #tpu.memory_space<hbm>> -> memref<114688x32xf32, #tpu.memory_space<hbm>>
    tpu.wait_indirect_dma semaphore(%arg15 : memref<!tpu.dma_semaphore, #tpu.memory_space<semaphore_mem>>) src(%dma_wait3A_436 : memref<114688x32xf32, #tpu.memory_space<hbm>>) dst(%dma_wait3A_430 : memref<128x32xf32, #tpu.memory_space<vmem>>)
    %dma_wait3A_437 = arith.constant 0 : i32
    %dma_wait3A_438 = arith.constant 0 : i32
    %dma_wait3A_439 = arith.constant 0 : i32
    %dma_wait3A_440 = tpu.memref_slice %arg11[%dma_wait3A_437, %dma_wait3A_438, %dma_wait3A_439] : memref<2x128x128xf32, #tpu.memory_space<vmem>> -> memref<1x128x128xf32, #tpu.memory_space<vmem>>
    %dma_wait3A_441 = tpu.memref_squeeze %dma_wait3A_440 : memref<1x128x128xf32, #tpu.memory_space<vmem>> -> memref<128x128xf32, #tpu.memory_space<vmem>>
    %dma_wait3A_442 = arith.constant 0 : i32
    %dma_wait3A_443 = tpu.memref_slice %arg8[%add3A_311, %dma_wait3A_442] : memref<16384x128xf32, #tpu.memory_space<hbm>> -> memref<128x128xf32, #tpu.memory_space<hbm>>
    %dma_wait3A_444 = arith.constant 0 : i32
    %dma_wait3A_445 = tpu.memref_slice %arg8[%add3A_311, %dma_wait3A_444] : memref<16384x128xf32, #tpu.memory_space<hbm>> -> memref<128x128xf32, #tpu.memory_space<hbm>>
    %dma_wait3A_446 = arith.constant 0 : i32
    %dma_wait3A_447 = arith.constant 0 : i32
    %dma_wait3A_448 = tpu.memref_slice %arg11[%dma_wait3A_437, %dma_wait3A_446, %dma_wait3A_447] : memref<2x128x128xf32, #tpu.memory_space<vmem>> -> memref<1x128x128xf32, #tpu.memory_space<vmem>>
    %dma_wait3A_449 = tpu.memref_squeeze %dma_wait3A_448 : memref<1x128x128xf32, #tpu.memory_space<vmem>> -> memref<128x128xf32, #tpu.memory_space<vmem>>
    tpu.wait_dma2 semaphore(%arg17 : memref<!tpu.dma_semaphore, #tpu.memory_space<semaphore_mem>>) src(%dma_wait3A_449 : memref<128x128xf32, #tpu.memory_space<vmem>>) dst(%dma_wait3A_445 : memref<128x128xf32, #tpu.memory_space<hbm>>)
    %scan3A_450 = arith.constant 0 : i32
    %scan3A_451 = arith.constant 0 : i32
    %scan3A_452 = arith.constant 32 : i32
    %scan3A_453 = arith.addi %scan3A_451, %scan3A_452 : i32
    %scan3A_454 = arith.constant 1 : i32
    %scan3A_455 = scf.for %scan3A_578 = %scan3A_451 to %scan3A_453 step %scan3A_454 iter_args(%scan3A_579 = %scan3A_450) -> (i32)  : i32 {
      %mul3A_580 = arith.constant 4 : i32
      %mul3A_581 = arith.muli %scan3A_578, %mul3A_580 : i32
      %add3A_582 = arith.constant 0 : i32
      %add3A_583 = arith.addi %mul3A_581, %add3A_582 : i32
      %add3A_584 = arith.constant 256 : i32
      %add3A_585 = arith.addi %add3A_584, %add3A_583 : i32
      %get3A = arith.constant 0 : i32
      %get3A_586 = arith.index_cast %get3A : i32 to index
      %get3A_587 = arith.index_cast %add3A_585 : i32 to index
      %get3A_588 = arith.constant 0 : index
      %get3A_589 = tpu.vector_load %arg10[%get3A_586, %get3A_587, %get3A_588] {strides = array<i32>} : memref<3x512x32xf32, #tpu.memory_space<vmem>>, vector<1x1x16xf32>,
      %get3A_590 = vector.shape_cast %get3A_589 : vector<1x1x16xf32> to vector<16xf32>
      %swap3A = arith.constant 0 : i32
      %swap3A_591 = arith.index_cast %swap3A : i32 to index
      %swap3A_592 = arith.index_cast %add3A_583 : i32 to index
      %swap3A_593 = arith.constant 0 : index
      %swap3A_594 = tpu.vector_load %arg11[%swap3A_591, %swap3A_592, %swap3A_593] {strides = array<i32>} : memref<2x128x128xf32, #tpu.memory_space<vmem>>, vector<1x1x16xf32>,
      %swap3A_595 = vector.shape_cast %swap3A_594 : vector<1x1x16xf32> to vector<16xf32>
      %swap3A_596 = vector.shape_cast %get3A_590 : vector<16xf32> to vector<1x1x16xf32>
      tpu.vector_store %arg11[%swap3A_591, %swap3A_592, %swap3A_593], %swap3A_596 {strides = array<i32>} : memref<2x128x128xf32, #tpu.memory_space<vmem>>, vector<1x1x16xf32>,
      %add3A_597 = arith.constant 256 : i32
      %add3A_598 = arith.addi %add3A_597, %add3A_583 : i32
      %get3A_599 = arith.constant 0 : i32
      %get3A_600 = arith.index_cast %get3A_599 : i32 to index
      %get3A_601 = arith.index_cast %add3A_598 : i32 to index
      %get3A_602 = arith.constant 16 : index
      %get3A_603 = tpu.vector_load %arg10[%get3A_600, %get3A_601, %get3A_602] {strides = array<i32>} : memref<3x512x32xf32, #tpu.memory_space<vmem>>, vector<1x1x16xf32>,
      %get3A_604 = vector.shape_cast %get3A_603 : vector<1x1x16xf32> to vector<16xf32>
      %swap3A_605 = arith.constant 0 : i32
      %swap3A_606 = arith.index_cast %swap3A_605 : i32 to index
      %swap3A_607 = arith.index_cast %add3A_583 : i32 to index
      %swap3A_608 = arith.constant 16 : index
      %swap3A_609 = tpu.vector_load %arg11[%swap3A_606, %swap3A_607, %swap3A_608] {strides = array<i32>} : memref<2x128x128xf32, #tpu.memory_space<vmem>>, vector<1x1x16xf32>,
      %swap3A_610 = vector.shape_cast %swap3A_609 : vector<1x1x16xf32> to vector<16xf32>
      %swap3A_611 = vector.shape_cast %get3A_604 : vector<16xf32> to vector<1x1x16xf32>
      tpu.vector_store %arg11[%swap3A_606, %swap3A_607, %swap3A_608], %swap3A_611 {strides = array<i32>} : memref<2x128x128xf32, #tpu.memory_space<vmem>>, vector<1x1x16xf32>,
      %add3A_612 = arith.constant 256 : i32
      %add3A_613 = arith.addi %add3A_612, %add3A_583 : i32
      %get3A_614 = arith.constant 1 : i32
      %get3A_615 = arith.index_cast %get3A_614 : i32 to index
      %get3A_616 = arith.index_cast %add3A_613 : i32 to index
      %get3A_617 = arith.constant 0 : index
      %get3A_618 = tpu.vector_load %arg10[%get3A_615, %get3A_616, %get3A_617] {strides = array<i32>} : memref<3x512x32xf32, #tpu.memory_space<vmem>>, vector<1x1x16xf32>,
      %get3A_619 = vector.shape_cast %get3A_618 : vector<1x1x16xf32> to vector<16xf32>
      %swap3A_620 = arith.constant 0 : i32
      %swap3A_621 = arith.index_cast %swap3A_620 : i32 to index
      %swap3A_622 = arith.index_cast %add3A_583 : i32 to index
      %swap3A_623 = arith.constant 32 : index
      %swap3A_624 = tpu.vector_load %arg11[%swap3A_621, %swap3A_622, %swap3A_623] {strides = array<i32>} : memref<2x128x128xf32, #tpu.memory_space<vmem>>, vector<1x1x16xf32>,
      %swap3A_625 = vector.shape_cast %swap3A_624 : vector<1x1x16xf32> to vector<16xf32>
      %swap3A_626 = vector.shape_cast %get3A_619 : vector<16xf32> to vector<1x1x16xf32>
      tpu.vector_store %arg11[%swap3A_621, %swap3A_622, %swap3A_623], %swap3A_626 {strides = array<i32>} : memref<2x128x128xf32, #tpu.memory_space<vmem>>, vector<1x1x16xf32>,
      %add3A_627 = arith.constant 256 : i32
      %add3A_628 = arith.addi %add3A_627, %add3A_583 : i32
      %get3A_629 = arith.constant 1 : i32
      %get3A_630 = arith.index_cast %get3A_629 : i32 to index
      %get3A_631 = arith.index_cast %add3A_628 : i32 to index
      %get3A_632 = arith.constant 16 : index
      %get3A_633 = tpu.vector_load %arg10[%get3A_630, %get3A_631, %get3A_632] {strides = array<i32>} : memref<3x512x32xf32, #tpu.memory_space<vmem>>, vector<1x1x16xf32>,
      %get3A_634 = vector.shape_cast %get3A_633 : vector<1x1x16xf32> to vector<16xf32>
      %swap3A_635 = arith.constant 0 : i32
      %swap3A_636 = arith.index_cast %swap3A_635 : i32 to index
      %swap3A_637 = arith.index_cast %add3A_583 : i32 to index
      %swap3A_638 = arith.constant 48 : index
      %swap3A_639 = tpu.vector_load %arg11[%swap3A_636, %swap3A_637, %swap3A_638] {strides = array<i32>} : memref<2x128x128xf32, #tpu.memory_space<vmem>>, vector<1x1x16xf32>,
      %swap3A_640 = vector.shape_cast %swap3A_639 : vector<1x1x16xf32> to vector<16xf32>
      %swap3A_641 = vector.shape_cast %get3A_634 : vector<16xf32> to vector<1x1x16xf32>
      tpu.vector_store %arg11[%swap3A_636, %swap3A_637, %swap3A_638], %swap3A_641 {strides = array<i32>} : memref<2x128x128xf32, #tpu.memory_space<vmem>>, vector<1x1x16xf32>,
      %add3A_642 = arith.constant 256 : i32
      %add3A_643 = arith.addi %add3A_642, %add3A_583 : i32
      %get3A_644 = arith.constant 2 : i32
      %get3A_645 = arith.index_cast %get3A_644 : i32 to index
      %get3A_646 = arith.index_cast %add3A_643 : i32 to index
      %get3A_647 = arith.constant 0 : index
      %get3A_648 = tpu.vector_load %arg10[%get3A_645, %get3A_646, %get3A_647] {strides = array<i32>} : memref<3x512x32xf32, #tpu.memory_space<vmem>>, vector<1x1x16xf32>,
      %get3A_649 = vector.shape_cast %get3A_648 : vector<1x1x16xf32> to vector<16xf32>
      %swap3A_650 = arith.constant 0 : i32
      %swap3A_651 = arith.index_cast %swap3A_650 : i32 to index
      %swap3A_652 = arith.index_cast %add3A_583 : i32 to index
      %swap3A_653 = arith.constant 64 : index
      %swap3A_654 = tpu.vector_load %arg11[%swap3A_651, %swap3A_652, %swap3A_653] {strides = array<i32>} : memref<2x128x128xf32, #tpu.memory_space<vmem>>, vector<1x1x16xf32>,
      %swap3A_655 = vector.shape_cast %swap3A_654 : vector<1x1x16xf32> to vector<16xf32>
      %swap3A_656 = vector.shape_cast %get3A_649 : vector<16xf32> to vector<1x1x16xf32>
      tpu.vector_store %arg11[%swap3A_651, %swap3A_652, %swap3A_653], %swap3A_656 {strides = array<i32>} : memref<2x128x128xf32, #tpu.memory_space<vmem>>, vector<1x1x16xf32>,
      %add3A_657 = arith.constant 256 : i32
      %add3A_658 = arith.addi %add3A_657, %add3A_583 : i32
      %get3A_659 = arith.constant 2 : i32
      %get3A_660 = arith.index_cast %get3A_659 : i32 to index
      %get3A_661 = arith.index_cast %add3A_658 : i32 to index
      %get3A_662 = arith.constant 16 : index
      %get3A_663 = tpu.vector_load %arg10[%get3A_660, %get3A_661, %get3A_662] {strides = array<i32>} : memref<3x512x32xf32, #tpu.memory_space<vmem>>, vector<1x1x16xf32>,
      %get3A_664 = vector.shape_cast %get3A_663 : vector<1x1x16xf32> to vector<16xf32>
      %swap3A_665 = arith.constant 0 : i32
      %swap3A_666 = arith.index_cast %swap3A_665 : i32 to index
      %swap3A_667 = arith.index_cast %add3A_583 : i32 to index
      %swap3A_668 = arith.constant 80 : index
      %swap3A_669 = tpu.vector_load %arg11[%swap3A_666, %swap3A_667, %swap3A_668] {strides = array<i32>} : memref<2x128x128xf32, #tpu.memory_space<vmem>>, vector<1x1x16xf32>,
      %swap3A_670 = vector.shape_cast %swap3A_669 : vector<1x1x16xf32> to vector<16xf32>
      %swap3A_671 = vector.shape_cast %get3A_664 : vector<16xf32> to vector<1x1x16xf32>
      tpu.vector_store %arg11[%swap3A_666, %swap3A_667, %swap3A_668], %swap3A_671 {strides = array<i32>} : memref<2x128x128xf32, #tpu.memory_space<vmem>>, vector<1x1x16xf32>,
      %mul3A_672 = arith.constant 4 : i32
      %mul3A_673 = arith.muli %scan3A_578, %mul3A_672 : i32
      %add3A_674 = arith.constant 1 : i32
      %add3A_675 = arith.addi %mul3A_673, %add3A_674 : i32
      %add3A_676 = arith.constant 256 : i32
      %add3A_677 = arith.addi %add3A_676, %add3A_675 : i32
      %get3A_678 = arith.constant 0 : i32
      %get3A_679 = arith.index_cast %get3A_678 : i32 to index
      %get3A_680 = arith.index_cast %add3A_677 : i32 to index
      %get3A_681 = arith.constant 0 : index
      %get3A_682 = tpu.vector_load %arg10[%get3A_679, %get3A_680, %get3A_681] {strides = array<i32>} : memref<3x512x32xf32, #tpu.memory_space<vmem>>, vector<1x1x16xf32>,
      %get3A_683 = vector.shape_cast %get3A_682 : vector<1x1x16xf32> to vector<16xf32>
      %swap3A_684 = arith.constant 0 : i32
      %swap3A_685 = arith.index_cast %swap3A_684 : i32 to index
      %swap3A_686 = arith.index_cast %add3A_675 : i32 to index
      %swap3A_687 = arith.constant 0 : index
      %swap3A_688 = tpu.vector_load %arg11[%swap3A_685, %swap3A_686, %swap3A_687] {strides = array<i32>} : memref<2x128x128xf32, #tpu.memory_space<vmem>>, vector<1x1x16xf32>,
      %swap3A_689 = vector.shape_cast %swap3A_688 : vector<1x1x16xf32> to vector<16xf32>
      %swap3A_690 = vector.shape_cast %get3A_683 : vector<16xf32> to vector<1x1x16xf32>
      tpu.vector_store %arg11[%swap3A_685, %swap3A_686, %swap3A_687], %swap3A_690 {strides = array<i32>} : memref<2x128x128xf32, #tpu.memory_space<vmem>>, vector<1x1x16xf32>,
      %add3A_691 = arith.constant 256 : i32
      %add3A_692 = arith.addi %add3A_691, %add3A_675 : i32
      %get3A_693 = arith.constant 0 : i32
      %get3A_694 = arith.index_cast %get3A_693 : i32 to index
      %get3A_695 = arith.index_cast %add3A_692 : i32 to index
      %get3A_696 = arith.constant 16 : index
      %get3A_697 = tpu.vector_load %arg10[%get3A_694, %get3A_695, %get3A_696] {strides = array<i32>} : memref<3x512x32xf32, #tpu.memory_space<vmem>>, vector<1x1x16xf32>,
      %get3A_698 = vector.shape_cast %get3A_697 : vector<1x1x16xf32> to vector<16xf32>
      %swap3A_699 = arith.constant 0 : i32
      %swap3A_700 = arith.index_cast %swap3A_699 : i32 to index
      %swap3A_701 = arith.index_cast %add3A_675 : i32 to index
      %swap3A_702 = arith.constant 16 : index
      %swap3A_703 = tpu.vector_load %arg11[%swap3A_700, %swap3A_701, %swap3A_702] {strides = array<i32>} : memref<2x128x128xf32, #tpu.memory_space<vmem>>, vector<1x1x16xf32>,
      %swap3A_704 = vector.shape_cast %swap3A_703 : vector<1x1x16xf32> to vector<16xf32>
      %swap3A_705 = vector.shape_cast %get3A_698 : vector<16xf32> to vector<1x1x16xf32>
      tpu.vector_store %arg11[%swap3A_700, %swap3A_701, %swap3A_702], %swap3A_705 {strides = array<i32>} : memref<2x128x128xf32, #tpu.memory_space<vmem>>, vector<1x1x16xf32>,
      %add3A_706 = arith.constant 256 : i32
      %add3A_707 = arith.addi %add3A_706, %add3A_675 : i32
      %get3A_708 = arith.constant 1 : i32
      %get3A_709 = arith.index_cast %get3A_708 : i32 to index
      %get3A_710 = arith.index_cast %add3A_707 : i32 to index
      %get3A_711 = arith.constant 0 : index
      %get3A_712 = tpu.vector_load %arg10[%get3A_709, %get3A_710, %get3A_711] {strides = array<i32>} : memref<3x512x32xf32, #tpu.memory_space<vmem>>, vector<1x1x16xf32>,
      %get3A_713 = vector.shape_cast %get3A_712 : vector<1x1x16xf32> to vector<16xf32>
      %swap3A_714 = arith.constant 0 : i32
      %swap3A_715 = arith.index_cast %swap3A_714 : i32 to index
      %swap3A_716 = arith.index_cast %add3A_675 : i32 to index
      %swap3A_717 = arith.constant 32 : index
      %swap3A_718 = tpu.vector_load %arg11[%swap3A_715, %swap3A_716, %swap3A_717] {strides = array<i32>} : memref<2x128x128xf32, #tpu.memory_space<vmem>>, vector<1x1x16xf32>,
      %swap3A_719 = vector.shape_cast %swap3A_718 : vector<1x1x16xf32> to vector<16xf32>
      %swap3A_720 = vector.shape_cast %get3A_713 : vector<16xf32> to vector<1x1x16xf32>
      tpu.vector_store %arg11[%swap3A_715, %swap3A_716, %swap3A_717], %swap3A_720 {strides = array<i32>} : memref<2x128x128xf32, #tpu.memory_space<vmem>>, vector<1x1x16xf32>,
      %add3A_721 = arith.constant 256 : i32
      %add3A_722 = arith.addi %add3A_721, %add3A_675 : i32
      %get3A_723 = arith.constant 1 : i32
      %get3A_724 = arith.index_cast %get3A_723 : i32 to index
      %get3A_725 = arith.index_cast %add3A_722 : i32 to index
      %get3A_726 = arith.constant 16 : index
      %get3A_727 = tpu.vector_load %arg10[%get3A_724, %get3A_725, %get3A_726] {strides = array<i32>} : memref<3x512x32xf32, #tpu.memory_space<vmem>>, vector<1x1x16xf32>,
      %get3A_728 = vector.shape_cast %get3A_727 : vector<1x1x16xf32> to vector<16xf32>
      %swap3A_729 = arith.constant 0 : i32
      %swap3A_730 = arith.index_cast %swap3A_729 : i32 to index
      %swap3A_731 = arith.index_cast %add3A_675 : i32 to index
      %swap3A_732 = arith.constant 48 : index
      %swap3A_733 = tpu.vector_load %arg11[%swap3A_730, %swap3A_731, %swap3A_732] {strides = array<i32>} : memref<2x128x128xf32, #tpu.memory_space<vmem>>, vector<1x1x16xf32>,
      %swap3A_734 = vector.shape_cast %swap3A_733 : vector<1x1x16xf32> to vector<16xf32>
      %swap3A_735 = vector.shape_cast %get3A_728 : vector<16xf32> to vector<1x1x16xf32>
      tpu.vector_store %arg11[%swap3A_730, %swap3A_731, %swap3A_732], %swap3A_735 {strides = array<i32>} : memref<2x128x128xf32, #tpu.memory_space<vmem>>, vector<1x1x16xf32>,
      %add3A_736 = arith.constant 256 : i32
      %add3A_737 = arith.addi %add3A_736, %add3A_675 : i32
      %get3A_738 = arith.constant 2 : i32
      %get3A_739 = arith.index_cast %get3A_738 : i32 to index
      %get3A_740 = arith.index_cast %add3A_737 : i32 to index
      %get3A_741 = arith.constant 0 : index
      %get3A_742 = tpu.vector_load %arg10[%get3A_739, %get3A_740, %get3A_741] {strides = array<i32>} : memref<3x512x32xf32, #tpu.memory_space<vmem>>, vector<1x1x16xf32>,
      %get3A_743 = vector.shape_cast %get3A_742 : vector<1x1x16xf32> to vector<16xf32>
      %swap3A_744 = arith.constant 0 : i32
      %swap3A_745 = arith.index_cast %swap3A_744 : i32 to index
      %swap3A_746 = arith.index_cast %add3A_675 : i32 to index
      %swap3A_747 = arith.constant 64 : index
      %swap3A_748 = tpu.vector_load %arg11[%swap3A_745, %swap3A_746, %swap3A_747] {strides = array<i32>} : memref<2x128x128xf32, #tpu.memory_space<vmem>>, vector<1x1x16xf32>,
      %swap3A_749 = vector.shape_cast %swap3A_748 : vector<1x1x16xf32> to vector<16xf32>
      %swap3A_750 = vector.shape_cast %get3A_743 : vector<16xf32> to vector<1x1x16xf32>
      tpu.vector_store %arg11[%swap3A_745, %swap3A_746, %swap3A_747], %swap3A_750 {strides = array<i32>} : memref<2x128x128xf32, #tpu.memory_space<vmem>>, vector<1x1x16xf32>,
      %add3A_751 = arith.constant 256 : i32
      %add3A_752 = arith.addi %add3A_751, %add3A_675 : i32
      %get3A_753 = arith.constant 2 : i32
      %get3A_754 = arith.index_cast %get3A_753 : i32 to index
      %get3A_755 = arith.index_cast %add3A_752 : i32 to index
      %get3A_756 = arith.constant 16 : index
      %get3A_757 = tpu.vector_load %arg10[%get3A_754, %get3A_755, %get3A_756] {strides = array<i32>} : memref<3x512x32xf32, #tpu.memory_space<vmem>>, vector<1x1x16xf32>,
      %get3A_758 = vector.shape_cast %get3A_757 : vector<1x1x16xf32> to vector<16xf32>
      %swap3A_759 = arith.constant 0 : i32
      %swap3A_760 = arith.index_cast %swap3A_759 : i32 to index
      %swap3A_761 = arith.index_cast %add3A_675 : i32 to index
      %swap3A_762 = arith.constant 80 : index
      %swap3A_763 = tpu.vector_load %arg11[%swap3A_760, %swap3A_761, %swap3A_762] {strides = array<i32>} : memref<2x128x128xf32, #tpu.memory_space<vmem>>, vector<1x1x16xf32>,
      %swap3A_764 = vector.shape_cast %swap3A_763 : vector<1x1x16xf32> to vector<16xf32>
      %swap3A_765 = vector.shape_cast %get3A_758 : vector<16xf32> to vector<1x1x16xf32>
      tpu.vector_store %arg11[%swap3A_760, %swap3A_761, %swap3A_762], %swap3A_765 {strides = array<i32>} : memref<2x128x128xf32, #tpu.memory_space<vmem>>, vector<1x1x16xf32>,
      %mul3A_766 = arith.constant 4 : i32
      %mul3A_767 = arith.muli %scan3A_578, %mul3A_766 : i32
      %add3A_768 = arith.constant 2 : i32
      %add3A_769 = arith.addi %mul3A_767, %add3A_768 : i32
      %add3A_770 = arith.constant 256 : i32
      %add3A_771 = arith.addi %add3A_770, %add3A_769 : i32
      %get3A_772 = arith.constant 0 : i32
      %get3A_773 = arith.index_cast %get3A_772 : i32 to index
      %get3A_774 = arith.index_cast %add3A_771 : i32 to index
      %get3A_775 = arith.constant 0 : index
      %get3A_776 = tpu.vector_load %arg10[%get3A_773, %get3A_774, %get3A_775] {strides = array<i32>} : memref<3x512x32xf32, #tpu.memory_space<vmem>>, vector<1x1x16xf32>,
      %get3A_777 = vector.shape_cast %get3A_776 : vector<1x1x16xf32> to vector<16xf32>
      %swap3A_778 = arith.constant 0 : i32
      %swap3A_779 = arith.index_cast %swap3A_778 : i32 to index
      %swap3A_780 = arith.index_cast %add3A_769 : i32 to index
      %swap3A_781 = arith.constant 0 : index
      %swap3A_782 = tpu.vector_load %arg11[%swap3A_779, %swap3A_780, %swap3A_781] {strides = array<i32>} : memref<2x128x128xf32, #tpu.memory_space<vmem>>, vector<1x1x16xf32>,
      %swap3A_783 = vector.shape_cast %swap3A_782 : vector<1x1x16xf32> to vector<16xf32>
      %swap3A_784 = vector.shape_cast %get3A_777 : vector<16xf32> to vector<1x1x16xf32>
      tpu.vector_store %arg11[%swap3A_779, %swap3A_780, %swap3A_781], %swap3A_784 {strides = array<i32>} : memref<2x128x128xf32, #tpu.memory_space<vmem>>, vector<1x1x16xf32>,
      %add3A_785 = arith.constant 256 : i32
      %add3A_786 = arith.addi %add3A_785, %add3A_769 : i32
      %get3A_787 = arith.constant 0 : i32
      %get3A_788 = arith.index_cast %get3A_787 : i32 to index
      %get3A_789 = arith.index_cast %add3A_786 : i32 to index
      %get3A_790 = arith.constant 16 : index
      %get3A_791 = tpu.vector_load %arg10[%get3A_788, %get3A_789, %get3A_790] {strides = array<i32>} : memref<3x512x32xf32, #tpu.memory_space<vmem>>, vector<1x1x16xf32>,
      %get3A_792 = vector.shape_cast %get3A_791 : vector<1x1x16xf32> to vector<16xf32>
      %swap3A_793 = arith.constant 0 : i32
      %swap3A_794 = arith.index_cast %swap3A_793 : i32 to index
      %swap3A_795 = arith.index_cast %add3A_769 : i32 to index
      %swap3A_796 = arith.constant 16 : index
      %swap3A_797 = tpu.vector_load %arg11[%swap3A_794, %swap3A_795, %swap3A_796] {strides = array<i32>} : memref<2x128x128xf32, #tpu.memory_space<vmem>>, vector<1x1x16xf32>,
      %swap3A_798 = vector.shape_cast %swap3A_797 : vector<1x1x16xf32> to vector<16xf32>
      %swap3A_799 = vector.shape_cast %get3A_792 : vector<16xf32> to vector<1x1x16xf32>
      tpu.vector_store %arg11[%swap3A_794, %swap3A_795, %swap3A_796], %swap3A_799 {strides = array<i32>} : memref<2x128x128xf32, #tpu.memory_space<vmem>>, vector<1x1x16xf32>,
      %add3A_800 = arith.constant 256 : i32
      %add3A_801 = arith.addi %add3A_800, %add3A_769 : i32
      %get3A_802 = arith.constant 1 : i32
      %get3A_803 = arith.index_cast %get3A_802 : i32 to index
      %get3A_804 = arith.index_cast %add3A_801 : i32 to index
      %get3A_805 = arith.constant 0 : index
      %get3A_806 = tpu.vector_load %arg10[%get3A_803, %get3A_804, %get3A_805] {strides = array<i32>} : memref<3x512x32xf32, #tpu.memory_space<vmem>>, vector<1x1x16xf32>,
      %get3A_807 = vector.shape_cast %get3A_806 : vector<1x1x16xf32> to vector<16xf32>
      %swap3A_808 = arith.constant 0 : i32
      %swap3A_809 = arith.index_cast %swap3A_808 : i32 to index
      %swap3A_810 = arith.index_cast %add3A_769 : i32 to index
      %swap3A_811 = arith.constant 32 : index
      %swap3A_812 = tpu.vector_load %arg11[%swap3A_809, %swap3A_810, %swap3A_811] {strides = array<i32>} : memref<2x128x128xf32, #tpu.memory_space<vmem>>, vector<1x1x16xf32>,
      %swap3A_813 = vector.shape_cast %swap3A_812 : vector<1x1x16xf32> to vector<16xf32>
      %swap3A_814 = vector.shape_cast %get3A_807 : vector<16xf32> to vector<1x1x16xf32>
      tpu.vector_store %arg11[%swap3A_809, %swap3A_810, %swap3A_811], %swap3A_814 {strides = array<i32>} : memref<2x128x128xf32, #tpu.memory_space<vmem>>, vector<1x1x16xf32>,
      %add3A_815 = arith.constant 256 : i32
      %add3A_816 = arith.addi %add3A_815, %add3A_769 : i32
      %get3A_817 = arith.constant 1 : i32
      %get3A_818 = arith.index_cast %get3A_817 : i32 to index
      %get3A_819 = arith.index_cast %add3A_816 : i32 to index
      %get3A_820 = arith.constant 16 : index
      %get3A_821 = tpu.vector_load %arg10[%get3A_818, %get3A_819, %get3A_820] {strides = array<i32>} : memref<3x512x32xf32, #tpu.memory_space<vmem>>, vector<1x1x16xf32>,
      %get3A_822 = vector.shape_cast %get3A_821 : vector<1x1x16xf32> to vector<16xf32>
      %swap3A_823 = arith.constant 0 : i32
      %swap3A_824 = arith.index_cast %swap3A_823 : i32 to index
      %swap3A_825 = arith.index_cast %add3A_769 : i32 to index
      %swap3A_826 = arith.constant 48 : index
      %swap3A_827 = tpu.vector_load %arg11[%swap3A_824, %swap3A_825, %swap3A_826] {strides = array<i32>} : memref<2x128x128xf32, #tpu.memory_space<vmem>>, vector<1x1x16xf32>,
      %swap3A_828 = vector.shape_cast %swap3A_827 : vector<1x1x16xf32> to vector<16xf32>
      %swap3A_829 = vector.shape_cast %get3A_822 : vector<16xf32> to vector<1x1x16xf32>
      tpu.vector_store %arg11[%swap3A_824, %swap3A_825, %swap3A_826], %swap3A_829 {strides = array<i32>} : memref<2x128x128xf32, #tpu.memory_space<vmem>>, vector<1x1x16xf32>,
      %add3A_830 = arith.constant 256 : i32
      %add3A_831 = arith.addi %add3A_830, %add3A_769 : i32
      %get3A_832 = arith.constant 2 : i32
      %get3A_833 = arith.index_cast %get3A_832 : i32 to index
      %get3A_834 = arith.index_cast %add3A_831 : i32 to index
      %get3A_835 = arith.constant 0 : index
      %get3A_836 = tpu.vector_load %arg10[%get3A_833, %get3A_834, %get3A_835] {strides = array<i32>} : memref<3x512x32xf32, #tpu.memory_space<vmem>>, vector<1x1x16xf32>,
      %get3A_837 = vector.shape_cast %get3A_836 : vector<1x1x16xf32> to vector<16xf32>
      %swap3A_838 = arith.constant 0 : i32
      %swap3A_839 = arith.index_cast %swap3A_838 : i32 to index
      %swap3A_840 = arith.index_cast %add3A_769 : i32 to index
      %swap3A_841 = arith.constant 64 : index
      %swap3A_842 = tpu.vector_load %arg11[%swap3A_839, %swap3A_840, %swap3A_841] {strides = array<i32>} : memref<2x128x128xf32, #tpu.memory_space<vmem>>, vector<1x1x16xf32>,
      %swap3A_843 = vector.shape_cast %swap3A_842 : vector<1x1x16xf32> to vector<16xf32>
      %swap3A_844 = vector.shape_cast %get3A_837 : vector<16xf32> to vector<1x1x16xf32>
      tpu.vector_store %arg11[%swap3A_839, %swap3A_840, %swap3A_841], %swap3A_844 {strides = array<i32>} : memref<2x128x128xf32, #tpu.memory_space<vmem>>, vector<1x1x16xf32>,
      %add3A_845 = arith.constant 256 : i32
      %add3A_846 = arith.addi %add3A_845, %add3A_769 : i32
      %get3A_847 = arith.constant 2 : i32
      %get3A_848 = arith.index_cast %get3A_847 : i32 to index
      %get3A_849 = arith.index_cast %add3A_846 : i32 to index
      %get3A_850 = arith.constant 16 : index
      %get3A_851 = tpu.vector_load %arg10[%get3A_848, %get3A_849, %get3A_850] {strides = array<i32>} : memref<3x512x32xf32, #tpu.memory_space<vmem>>, vector<1x1x16xf32>,
      %get3A_852 = vector.shape_cast %get3A_851 : vector<1x1x16xf32> to vector<16xf32>
      %swap3A_853 = arith.constant 0 : i32
      %swap3A_854 = arith.index_cast %swap3A_853 : i32 to index
      %swap3A_855 = arith.index_cast %add3A_769 : i32 to index
      %swap3A_856 = arith.constant 80 : index
      %swap3A_857 = tpu.vector_load %arg11[%swap3A_854, %swap3A_855, %swap3A_856] {strides = array<i32>} : memref<2x128x128xf32, #tpu.memory_space<vmem>>, vector<1x1x16xf32>,
      %swap3A_858 = vector.shape_cast %swap3A_857 : vector<1x1x16xf32> to vector<16xf32>
      %swap3A_859 = vector.shape_cast %get3A_852 : vector<16xf32> to vector<1x1x16xf32>
      tpu.vector_store %arg11[%swap3A_854, %swap3A_855, %swap3A_856], %swap3A_859 {strides = array<i32>} : memref<2x128x128xf32, #tpu.memory_space<vmem>>, vector<1x1x16xf32>,
      %mul3A_860 = arith.constant 4 : i32
      %mul3A_861 = arith.muli %scan3A_578, %mul3A_860 : i32
      %add3A_862 = arith.constant 3 : i32
      %add3A_863 = arith.addi %mul3A_861, %add3A_862 : i32
      %add3A_864 = arith.constant 256 : i32
      %add3A_865 = arith.addi %add3A_864, %add3A_863 : i32
      %get3A_866 = arith.constant 0 : i32
      %get3A_867 = arith.index_cast %get3A_866 : i32 to index
      %get3A_868 = arith.index_cast %add3A_865 : i32 to index
      %get3A_869 = arith.constant 0 : index
      %get3A_870 = tpu.vector_load %arg10[%get3A_867, %get3A_868, %get3A_869] {strides = array<i32>} : memref<3x512x32xf32, #tpu.memory_space<vmem>>, vector<1x1x16xf32>,
      %get3A_871 = vector.shape_cast %get3A_870 : vector<1x1x16xf32> to vector<16xf32>
      %swap3A_872 = arith.constant 0 : i32
      %swap3A_873 = arith.index_cast %swap3A_872 : i32 to index
      %swap3A_874 = arith.index_cast %add3A_863 : i32 to index
      %swap3A_875 = arith.constant 0 : index
      %swap3A_876 = tpu.vector_load %arg11[%swap3A_873, %swap3A_874, %swap3A_875] {strides = array<i32>} : memref<2x128x128xf32, #tpu.memory_space<vmem>>, vector<1x1x16xf32>,
      %swap3A_877 = vector.shape_cast %swap3A_876 : vector<1x1x16xf32> to vector<16xf32>
      %swap3A_878 = vector.shape_cast %get3A_871 : vector<16xf32> to vector<1x1x16xf32>
      tpu.vector_store %arg11[%swap3A_873, %swap3A_874, %swap3A_875], %swap3A_878 {strides = array<i32>} : memref<2x128x128xf32, #tpu.memory_space<vmem>>, vector<1x1x16xf32>,
      %add3A_879 = arith.constant 256 : i32
      %add3A_880 = arith.addi %add3A_879, %add3A_863 : i32
      %get3A_881 = arith.constant 0 : i32
      %get3A_882 = arith.index_cast %get3A_881 : i32 to index
      %get3A_883 = arith.index_cast %add3A_880 : i32 to index
      %get3A_884 = arith.constant 16 : index
      %get3A_885 = tpu.vector_load %arg10[%get3A_882, %get3A_883, %get3A_884] {strides = array<i32>} : memref<3x512x32xf32, #tpu.memory_space<vmem>>, vector<1x1x16xf32>,
      %get3A_886 = vector.shape_cast %get3A_885 : vector<1x1x16xf32> to vector<16xf32>
      %swap3A_887 = arith.constant 0 : i32
      %swap3A_888 = arith.index_cast %swap3A_887 : i32 to index
      %swap3A_889 = arith.index_cast %add3A_863 : i32 to index
      %swap3A_890 = arith.constant 16 : index
      %swap3A_891 = tpu.vector_load %arg11[%swap3A_888, %swap3A_889, %swap3A_890] {strides = array<i32>} : memref<2x128x128xf32, #tpu.memory_space<vmem>>, vector<1x1x16xf32>,
      %swap3A_892 = vector.shape_cast %swap3A_891 : vector<1x1x16xf32> to vector<16xf32>
      %swap3A_893 = vector.shape_cast %get3A_886 : vector<16xf32> to vector<1x1x16xf32>
      tpu.vector_store %arg11[%swap3A_888, %swap3A_889, %swap3A_890], %swap3A_893 {strides = array<i32>} : memref<2x128x128xf32, #tpu.memory_space<vmem>>, vector<1x1x16xf32>,
      %add3A_894 = arith.constant 256 : i32
      %add3A_895 = arith.addi %add3A_894, %add3A_863 : i32
      %get3A_896 = arith.constant 1 : i32
      %get3A_897 = arith.index_cast %get3A_896 : i32 to index
      %get3A_898 = arith.index_cast %add3A_895 : i32 to index
      %get3A_899 = arith.constant 0 : index
      %get3A_900 = tpu.vector_load %arg10[%get3A_897, %get3A_898, %get3A_899] {strides = array<i32>} : memref<3x512x32xf32, #tpu.memory_space<vmem>>, vector<1x1x16xf32>,
      %get3A_901 = vector.shape_cast %get3A_900 : vector<1x1x16xf32> to vector<16xf32>
      %swap3A_902 = arith.constant 0 : i32
      %swap3A_903 = arith.index_cast %swap3A_902 : i32 to index
      %swap3A_904 = arith.index_cast %add3A_863 : i32 to index
      %swap3A_905 = arith.constant 32 : index
      %swap3A_906 = tpu.vector_load %arg11[%swap3A_903, %swap3A_904, %swap3A_905] {strides = array<i32>} : memref<2x128x128xf32, #tpu.memory_space<vmem>>, vector<1x1x16xf32>,
      %swap3A_907 = vector.shape_cast %swap3A_906 : vector<1x1x16xf32> to vector<16xf32>
      %swap3A_908 = vector.shape_cast %get3A_901 : vector<16xf32> to vector<1x1x16xf32>
      tpu.vector_store %arg11[%swap3A_903, %swap3A_904, %swap3A_905], %swap3A_908 {strides = array<i32>} : memref<2x128x128xf32, #tpu.memory_space<vmem>>, vector<1x1x16xf32>,
      %add3A_909 = arith.constant 256 : i32
      %add3A_910 = arith.addi %add3A_909, %add3A_863 : i32
      %get3A_911 = arith.constant 1 : i32
      %get3A_912 = arith.index_cast %get3A_911 : i32 to index
      %get3A_913 = arith.index_cast %add3A_910 : i32 to index
      %get3A_914 = arith.constant 16 : index
      %get3A_915 = tpu.vector_load %arg10[%get3A_912, %get3A_913, %get3A_914] {strides = array<i32>} : memref<3x512x32xf32, #tpu.memory_space<vmem>>, vector<1x1x16xf32>,
      %get3A_916 = vector.shape_cast %get3A_915 : vector<1x1x16xf32> to vector<16xf32>
      %swap3A_917 = arith.constant 0 : i32
      %swap3A_918 = arith.index_cast %swap3A_917 : i32 to index
      %swap3A_919 = arith.index_cast %add3A_863 : i32 to index
      %swap3A_920 = arith.constant 48 : index
      %swap3A_921 = tpu.vector_load %arg11[%swap3A_918, %swap3A_919, %swap3A_920] {strides = array<i32>} : memref<2x128x128xf32, #tpu.memory_space<vmem>>, vector<1x1x16xf32>,
      %swap3A_922 = vector.shape_cast %swap3A_921 : vector<1x1x16xf32> to vector<16xf32>
      %swap3A_923 = vector.shape_cast %get3A_916 : vector<16xf32> to vector<1x1x16xf32>
      tpu.vector_store %arg11[%swap3A_918, %swap3A_919, %swap3A_920], %swap3A_923 {strides = array<i32>} : memref<2x128x128xf32, #tpu.memory_space<vmem>>, vector<1x1x16xf32>,
      %add3A_924 = arith.constant 256 : i32
      %add3A_925 = arith.addi %add3A_924, %add3A_863 : i32
      %get3A_926 = arith.constant 2 : i32
      %get3A_927 = arith.index_cast %get3A_926 : i32 to index
      %get3A_928 = arith.index_cast %add3A_925 : i32 to index
      %get3A_929 = arith.constant 0 : index
      %get3A_930 = tpu.vector_load %arg10[%get3A_927, %get3A_928, %get3A_929] {strides = array<i32>} : memref<3x512x32xf32, #tpu.memory_space<vmem>>, vector<1x1x16xf32>,
      %get3A_931 = vector.shape_cast %get3A_930 : vector<1x1x16xf32> to vector<16xf32>
      %swap3A_932 = arith.constant 0 : i32
      %swap3A_933 = arith.index_cast %swap3A_932 : i32 to index
      %swap3A_934 = arith.index_cast %add3A_863 : i32 to index
      %swap3A_935 = arith.constant 64 : index
      %swap3A_936 = tpu.vector_load %arg11[%swap3A_933, %swap3A_934, %swap3A_935] {strides = array<i32>} : memref<2x128x128xf32, #tpu.memory_space<vmem>>, vector<1x1x16xf32>,
      %swap3A_937 = vector.shape_cast %swap3A_936 : vector<1x1x16xf32> to vector<16xf32>
      %swap3A_938 = vector.shape_cast %get3A_931 : vector<16xf32> to vector<1x1x16xf32>
      tpu.vector_store %arg11[%swap3A_933, %swap3A_934, %swap3A_935], %swap3A_938 {strides = array<i32>} : memref<2x128x128xf32, #tpu.memory_space<vmem>>, vector<1x1x16xf32>,
      %add3A_939 = arith.constant 256 : i32
      %add3A_940 = arith.addi %add3A_939, %add3A_863 : i32
      %get3A_941 = arith.constant 2 : i32
      %get3A_942 = arith.index_cast %get3A_941 : i32 to index
      %get3A_943 = arith.index_cast %add3A_940 : i32 to index
      %get3A_944 = arith.constant 16 : index
      %get3A_945 = tpu.vector_load %arg10[%get3A_942, %get3A_943, %get3A_944] {strides = array<i32>} : memref<3x512x32xf32, #tpu.memory_space<vmem>>, vector<1x1x16xf32>,
      %get3A_946 = vector.shape_cast %get3A_945 : vector<1x1x16xf32> to vector<16xf32>
      %swap3A_947 = arith.constant 0 : i32
      %swap3A_948 = arith.index_cast %swap3A_947 : i32 to index
      %swap3A_949 = arith.index_cast %add3A_863 : i32 to index
      %swap3A_950 = arith.constant 80 : index
      %swap3A_951 = tpu.vector_load %arg11[%swap3A_948, %swap3A_949, %swap3A_950] {strides = array<i32>} : memref<2x128x128xf32, #tpu.memory_space<vmem>>, vector<1x1x16xf32>,
      %swap3A_952 = vector.shape_cast %swap3A_951 : vector<1x1x16xf32> to vector<16xf32>
      %swap3A_953 = vector.shape_cast %get3A_946 : vector<16xf32> to vector<1x1x16xf32>
      tpu.vector_store %arg11[%swap3A_948, %swap3A_949, %swap3A_950], %swap3A_953 {strides = array<i32>} : memref<2x128x128xf32, #tpu.memory_space<vmem>>, vector<1x1x16xf32>,
      %scan3A_954 = arith.constant 0 : i32
      scf.yield %scan3A_954 : i32
    }
    %scan3A_456 = arith.constant 32 : i32
    %add3A_457 = arith.constant 256 : i32
    %add3A_458 = arith.addi %mul3A_2, %add3A_457 : i32
    %dma_start3A_459 = arith.constant 0 : i32
    %dma_start3A_460 = arith.constant 0 : i32
    %dma_start3A_461 = arith.constant 0 : i32
    %dma_start3A_462 = tpu.memref_slice %arg11[%dma_start3A_459, %dma_start3A_460, %dma_start3A_461] : memref<2x128x128xf32, #tpu.memory_space<vmem>> -> memref<1x128x128xf32, #tpu.memory_space<vmem>>
    %dma_start3A_463 = tpu.memref_squeeze %dma_start3A_462 : memref<1x128x128xf32, #tpu.memory_space<vmem>> -> memref<128x128xf32, #tpu.memory_space<vmem>>
    %dma_start3A_464 = arith.constant 0 : i32
    %dma_start3A_465 = tpu.memref_slice %arg8[%add3A_458, %dma_start3A_464] : memref<16384x128xf32, #tpu.memory_space<hbm>> -> memref<128x128xf32, #tpu.memory_space<hbm>>
    %dma_start3A_466 = arith.constant 0 : i32
    %dma_start3A_467 = tpu.memref_slice %arg8[%add3A_458, %dma_start3A_466] : memref<16384x128xf32, #tpu.memory_space<hbm>> -> memref<128x128xf32, #tpu.memory_space<hbm>>
    %dma_start3A_468 = arith.constant 0 : i32
    %dma_start3A_469 = arith.constant 0 : i32
    %dma_start3A_470 = tpu.memref_slice %arg11[%dma_start3A_459, %dma_start3A_468, %dma_start3A_469] : memref<2x128x128xf32, #tpu.memory_space<vmem>> -> memref<1x128x128xf32, #tpu.memory_space<vmem>>
    %dma_start3A_471 = tpu.memref_squeeze %dma_start3A_470 : memref<1x128x128xf32, #tpu.memory_space<vmem>> -> memref<128x128xf32, #tpu.memory_space<vmem>>
    tpu.enqueue_dma source(%dma_start3A_471 : memref<128x128xf32, #tpu.memory_space<vmem>>) target(%dma_start3A_467 : memref<128x128xf32, #tpu.memory_space<hbm>>) target_semaphore(%arg17 : memref<!tpu.dma_semaphore, #tpu.memory_space<semaphore_mem>>)
    %dma_wait3A_472 = arith.constant 0 : i32
    %dma_wait3A_473 = arith.constant 0 : i32
    %dma_wait3A_474 = arith.constant 0 : i32
    %dma_wait3A_475 = arith.constant 0 : i32
    %dma_wait3A_476 = tpu.memref_slice %arg10[%dma_wait3A_473, %dma_wait3A_474, %dma_wait3A_475] : memref<3x512x32xf32, #tpu.memory_space<vmem>> -> memref<1x512x32xf32, #tpu.memory_space<vmem>>
    %dma_wait3A_477 = tpu.memref_squeeze %dma_wait3A_476 : memref<1x512x32xf32, #tpu.memory_space<vmem>> -> memref<512x32xf32, #tpu.memory_space<vmem>>
    %dma_wait3A_478 = arith.constant 384 : i32
    %dma_wait3A_479 = arith.constant 0 : i32
    %dma_wait3A_480 = tpu.memref_slice %dma_wait3A_477[%dma_wait3A_478, %dma_wait3A_479] : memref<512x32xf32, #tpu.memory_space<vmem>> -> memref<128x32xf32, #tpu.memory_space<vmem>>
    %dma_wait3A_481 = arith.constant 384 : i32
    %dma_wait3A_482 = tpu.memref_slice %arg9[%dma_wait3A_472, %dma_wait3A_481] : memref<3x512xi32, #tpu.memory_space<vmem>> -> memref<1x128xi32, #tpu.memory_space<vmem>>
    %dma_wait3A_483 = tpu.memref_squeeze %dma_wait3A_482 : memref<1x128xi32, #tpu.memory_space<vmem>> -> memref<128xi32, #tpu.memory_space<vmem>>
    %dma_wait3A_484 = arith.constant 0 : i32
    %dma_wait3A_485 = arith.constant 0 : i32
    %dma_wait3A_486 = tpu.memref_slice %arg5[%dma_wait3A_484, %dma_wait3A_485] : memref<114688x32xf32, #tpu.memory_space<hbm>> -> memref<114688x32xf32, #tpu.memory_space<hbm>>
    tpu.wait_indirect_dma semaphore(%arg16 : memref<!tpu.dma_semaphore, #tpu.memory_space<semaphore_mem>>) src(%dma_wait3A_486 : memref<114688x32xf32, #tpu.memory_space<hbm>>) dst(%dma_wait3A_480 : memref<128x32xf32, #tpu.memory_space<vmem>>)
    %dma_wait3A_487 = arith.constant 1 : i32
    %dma_wait3A_488 = arith.constant 1 : i32
    %dma_wait3A_489 = arith.constant 0 : i32
    %dma_wait3A_490 = arith.constant 0 : i32
    %dma_wait3A_491 = tpu.memref_slice %arg10[%dma_wait3A_488, %dma_wait3A_489, %dma_wait3A_490] : memref<3x512x32xf32, #tpu.memory_space<vmem>> -> memref<1x512x32xf32, #tpu.memory_space<vmem>>
    %dma_wait3A_492 = tpu.memref_squeeze %dma_wait3A_491 : memref<1x512x32xf32, #tpu.memory_space<vmem>> -> memref<512x32xf32, #tpu.memory_space<vmem>>
    %dma_wait3A_493 = arith.constant 384 : i32
    %dma_wait3A_494 = arith.constant 0 : i32
    %dma_wait3A_495 = tpu.memref_slice %dma_wait3A_492[%dma_wait3A_493, %dma_wait3A_494] : memref<512x32xf32, #tpu.memory_space<vmem>> -> memref<128x32xf32, #tpu.memory_space<vmem>>
    %dma_wait3A_496 = arith.constant 384 : i32
    %dma_wait3A_497 = tpu.memref_slice %arg9[%dma_wait3A_487, %dma_wait3A_496] : memref<3x512xi32, #tpu.memory_space<vmem>> -> memref<1x128xi32, #tpu.memory_space<vmem>>
    %dma_wait3A_498 = tpu.memref_squeeze %dma_wait3A_497 : memref<1x128xi32, #tpu.memory_space<vmem>> -> memref<128xi32, #tpu.memory_space<vmem>>
    %dma_wait3A_499 = arith.constant 0 : i32
    %dma_wait3A_500 = arith.constant 0 : i32
    %dma_wait3A_501 = tpu.memref_slice %arg6[%dma_wait3A_499, %dma_wait3A_500] : memref<114688x32xf32, #tpu.memory_space<hbm>> -> memref<114688x32xf32, #tpu.memory_space<hbm>>
    tpu.wait_indirect_dma semaphore(%arg16 : memref<!tpu.dma_semaphore, #tpu.memory_space<semaphore_mem>>) src(%dma_wait3A_501 : memref<114688x32xf32, #tpu.memory_space<hbm>>) dst(%dma_wait3A_495 : memref<128x32xf32, #tpu.memory_space<vmem>>)
    %dma_wait3A_502 = arith.constant 2 : i32
    %dma_wait3A_503 = arith.constant 2 : i32
    %dma_wait3A_504 = arith.constant 0 : i32
    %dma_wait3A_505 = arith.constant 0 : i32
    %dma_wait3A_506 = tpu.memref_slice %arg10[%dma_wait3A_503, %dma_wait3A_504, %dma_wait3A_505] : memref<3x512x32xf32, #tpu.memory_space<vmem>> -> memref<1x512x32xf32, #tpu.memory_space<vmem>>
    %dma_wait3A_507 = tpu.memref_squeeze %dma_wait3A_506 : memref<1x512x32xf32, #tpu.memory_space<vmem>> -> memref<512x32xf32, #tpu.memory_space<vmem>>
    %dma_wait3A_508 = arith.constant 384 : i32
    %dma_wait3A_509 = arith.constant 0 : i32
    %dma_wait3A_510 = tpu.memref_slice %dma_wait3A_507[%dma_wait3A_508, %dma_wait3A_509] : memref<512x32xf32, #tpu.memory_space<vmem>> -> memref<128x32xf32, #tpu.memory_space<vmem>>
    %dma_wait3A_511 = arith.constant 384 : i32
    %dma_wait3A_512 = tpu.memref_slice %arg9[%dma_wait3A_502, %dma_wait3A_511] : memref<3x512xi32, #tpu.memory_space<vmem>> -> memref<1x128xi32, #tpu.memory_space<vmem>>
    %dma_wait3A_513 = tpu.memref_squeeze %dma_wait3A_512 : memref<1x128xi32, #tpu.memory_space<vmem>> -> memref<128xi32, #tpu.memory_space<vmem>>
    %dma_wait3A_514 = arith.constant 0 : i32
    %dma_wait3A_515 = arith.constant 0 : i32
    %dma_wait3A_516 = tpu.memref_slice %arg7[%dma_wait3A_514, %dma_wait3A_515] : memref<114688x32xf32, #tpu.memory_space<hbm>> -> memref<114688x32xf32, #tpu.memory_space<hbm>>
    tpu.wait_indirect_dma semaphore(%arg16 : memref<!tpu.dma_semaphore, #tpu.memory_space<semaphore_mem>>) src(%dma_wait3A_516 : memref<114688x32xf32, #tpu.memory_space<hbm>>) dst(%dma_wait3A_510 : memref<128x32xf32, #tpu.memory_space<vmem>>)
    %dma_wait3A_517 = arith.constant 1 : i32
    %dma_wait3A_518 = arith.constant 0 : i32
    %dma_wait3A_519 = arith.constant 0 : i32
    %dma_wait3A_520 = tpu.memref_slice %arg11[%dma_wait3A_517, %dma_wait3A_518, %dma_wait3A_519] : memref<2x128x128xf32, #tpu.memory_space<vmem>> -> memref<1x128x128xf32, #tpu.memory_space<vmem>>
    %dma_wait3A_521 = tpu.memref_squeeze %dma_wait3A_520 : memref<1x128x128xf32, #tpu.memory_space<vmem>> -> memref<128x128xf32, #tpu.memory_space<vmem>>
    %dma_wait3A_522 = arith.constant 0 : i32
    %dma_wait3A_523 = tpu.memref_slice %arg8[%add3A_378, %dma_wait3A_522] : memref<16384x128xf32, #tpu.memory_space<hbm>> -> memref<128x128xf32, #tpu.memory_space<hbm>>
    %dma_wait3A_524 = arith.constant 0 : i32
    %dma_wait3A_525 = tpu.memref_slice %arg8[%add3A_378, %dma_wait3A_524] : memref<16384x128xf32, #tpu.memory_space<hbm>> -> memref<128x128xf32, #tpu.memory_space<hbm>>
    %dma_wait3A_526 = arith.constant 0 : i32
    %dma_wait3A_527 = arith.constant 0 : i32
    %dma_wait3A_528 = tpu.memref_slice %arg11[%dma_wait3A_517, %dma_wait3A_526, %dma_wait3A_527] : memref<2x128x128xf32, #tpu.memory_space<vmem>> -> memref<1x128x128xf32, #tpu.memory_space<vmem>>
    %dma_wait3A_529 = tpu.memref_squeeze %dma_wait3A_528 : memref<1x128x128xf32, #tpu.memory_space<vmem>> -> memref<128x128xf32, #tpu.memory_space<vmem>>
    tpu.wait_dma2 semaphore(%arg17 : memref<!tpu.dma_semaphore, #tpu.memory_space<semaphore_mem>>) src(%dma_wait3A_529 : memref<128x128xf32, #tpu.memory_space<vmem>>) dst(%dma_wait3A_525 : memref<128x128xf32, #tpu.memory_space<hbm>>)
    %scan3A_530 = arith.constant 0 : i32
    %scan3A_531 = arith.constant 0 : i32
    %scan3A_532 = arith.constant 32 : i32
    %scan3A_533 = arith.addi %scan3A_531, %scan3A_532 : i32
    %scan3A_534 = arith.constant 1 : i32
    %scan3A_535 = scf.for %scan3A_578 = %scan3A_531 to %scan3A_533 step %scan3A_534 iter_args(%scan3A_579 = %scan3A_530) -> (i32)  : i32 {
      %mul3A_580 = arith.constant 4 : i32
      %mul3A_581 = arith.muli %scan3A_578, %mul3A_580 : i32
      %add3A_582 = arith.constant 0 : i32
      %add3A_583 = arith.addi %mul3A_581, %add3A_582 : i32
      %add3A_584 = arith.constant 384 : i32
      %add3A_585 = arith.addi %add3A_584, %add3A_583 : i32
      %get3A = arith.constant 0 : i32
      %get3A_586 = arith.index_cast %get3A : i32 to index
      %get3A_587 = arith.index_cast %add3A_585 : i32 to index
      %get3A_588 = arith.constant 0 : index
      %get3A_589 = tpu.vector_load %arg10[%get3A_586, %get3A_587, %get3A_588] {strides = array<i32>} : memref<3x512x32xf32, #tpu.memory_space<vmem>>, vector<1x1x16xf32>,
      %get3A_590 = vector.shape_cast %get3A_589 : vector<1x1x16xf32> to vector<16xf32>
      %swap3A = arith.constant 1 : i32
      %swap3A_591 = arith.index_cast %swap3A : i32 to index
      %swap3A_592 = arith.index_cast %add3A_583 : i32 to index
      %swap3A_593 = arith.constant 0 : index
      %swap3A_594 = tpu.vector_load %arg11[%swap3A_591, %swap3A_592, %swap3A_593] {strides = array<i32>} : memref<2x128x128xf32, #tpu.memory_space<vmem>>, vector<1x1x16xf32>,
      %swap3A_595 = vector.shape_cast %swap3A_594 : vector<1x1x16xf32> to vector<16xf32>
      %swap3A_596 = vector.shape_cast %get3A_590 : vector<16xf32> to vector<1x1x16xf32>
      tpu.vector_store %arg11[%swap3A_591, %swap3A_592, %swap3A_593], %swap3A_596 {strides = array<i32>} : memref<2x128x128xf32, #tpu.memory_space<vmem>>, vector<1x1x16xf32>,
      %add3A_597 = arith.constant 384 : i32
      %add3A_598 = arith.addi %add3A_597, %add3A_583 : i32
      %get3A_599 = arith.constant 0 : i32
      %get3A_600 = arith.index_cast %get3A_599 : i32 to index
      %get3A_601 = arith.index_cast %add3A_598 : i32 to index
      %get3A_602 = arith.constant 16 : index
      %get3A_603 = tpu.vector_load %arg10[%get3A_600, %get3A_601, %get3A_602] {strides = array<i32>} : memref<3x512x32xf32, #tpu.memory_space<vmem>>, vector<1x1x16xf32>,
      %get3A_604 = vector.shape_cast %get3A_603 : vector<1x1x16xf32> to vector<16xf32>
      %swap3A_605 = arith.constant 1 : i32
      %swap3A_606 = arith.index_cast %swap3A_605 : i32 to index
      %swap3A_607 = arith.index_cast %add3A_583 : i32 to index
      %swap3A_608 = arith.constant 16 : index
      %swap3A_609 = tpu.vector_load %arg11[%swap3A_606, %swap3A_607, %swap3A_608] {strides = array<i32>} : memref<2x128x128xf32, #tpu.memory_space<vmem>>, vector<1x1x16xf32>,
      %swap3A_610 = vector.shape_cast %swap3A_609 : vector<1x1x16xf32> to vector<16xf32>
      %swap3A_611 = vector.shape_cast %get3A_604 : vector<16xf32> to vector<1x1x16xf32>
      tpu.vector_store %arg11[%swap3A_606, %swap3A_607, %swap3A_608], %swap3A_611 {strides = array<i32>} : memref<2x128x128xf32, #tpu.memory_space<vmem>>, vector<1x1x16xf32>,
      %add3A_612 = arith.constant 384 : i32
      %add3A_613 = arith.addi %add3A_612, %add3A_583 : i32
      %get3A_614 = arith.constant 1 : i32
      %get3A_615 = arith.index_cast %get3A_614 : i32 to index
      %get3A_616 = arith.index_cast %add3A_613 : i32 to index
      %get3A_617 = arith.constant 0 : index
      %get3A_618 = tpu.vector_load %arg10[%get3A_615, %get3A_616, %get3A_617] {strides = array<i32>} : memref<3x512x32xf32, #tpu.memory_space<vmem>>, vector<1x1x16xf32>,
      %get3A_619 = vector.shape_cast %get3A_618 : vector<1x1x16xf32> to vector<16xf32>
      %swap3A_620 = arith.constant 1 : i32
      %swap3A_621 = arith.index_cast %swap3A_620 : i32 to index
      %swap3A_622 = arith.index_cast %add3A_583 : i32 to index
      %swap3A_623 = arith.constant 32 : index
      %swap3A_624 = tpu.vector_load %arg11[%swap3A_621, %swap3A_622, %swap3A_623] {strides = array<i32>} : memref<2x128x128xf32, #tpu.memory_space<vmem>>, vector<1x1x16xf32>,
      %swap3A_625 = vector.shape_cast %swap3A_624 : vector<1x1x16xf32> to vector<16xf32>
      %swap3A_626 = vector.shape_cast %get3A_619 : vector<16xf32> to vector<1x1x16xf32>
      tpu.vector_store %arg11[%swap3A_621, %swap3A_622, %swap3A_623], %swap3A_626 {strides = array<i32>} : memref<2x128x128xf32, #tpu.memory_space<vmem>>, vector<1x1x16xf32>,
      %add3A_627 = arith.constant 384 : i32
      %add3A_628 = arith.addi %add3A_627, %add3A_583 : i32
      %get3A_629 = arith.constant 1 : i32
      %get3A_630 = arith.index_cast %get3A_629 : i32 to index
      %get3A_631 = arith.index_cast %add3A_628 : i32 to index
      %get3A_632 = arith.constant 16 : index
      %get3A_633 = tpu.vector_load %arg10[%get3A_630, %get3A_631, %get3A_632] {strides = array<i32>} : memref<3x512x32xf32, #tpu.memory_space<vmem>>, vector<1x1x16xf32>,
      %get3A_634 = vector.shape_cast %get3A_633 : vector<1x1x16xf32> to vector<16xf32>
      %swap3A_635 = arith.constant 1 : i32
      %swap3A_636 = arith.index_cast %swap3A_635 : i32 to index
      %swap3A_637 = arith.index_cast %add3A_583 : i32 to index
      %swap3A_638 = arith.constant 48 : index
      %swap3A_639 = tpu.vector_load %arg11[%swap3A_636, %swap3A_637, %swap3A_638] {strides = array<i32>} : memref<2x128x128xf32, #tpu.memory_space<vmem>>, vector<1x1x16xf32>,
      %swap3A_640 = vector.shape_cast %swap3A_639 : vector<1x1x16xf32> to vector<16xf32>
      %swap3A_641 = vector.shape_cast %get3A_634 : vector<16xf32> to vector<1x1x16xf32>
      tpu.vector_store %arg11[%swap3A_636, %swap3A_637, %swap3A_638], %swap3A_641 {strides = array<i32>} : memref<2x128x128xf32, #tpu.memory_space<vmem>>, vector<1x1x16xf32>,
      %add3A_642 = arith.constant 384 : i32
      %add3A_643 = arith.addi %add3A_642, %add3A_583 : i32
      %get3A_644 = arith.constant 2 : i32
      %get3A_645 = arith.index_cast %get3A_644 : i32 to index
      %get3A_646 = arith.index_cast %add3A_643 : i32 to index
      %get3A_647 = arith.constant 0 : index
      %get3A_648 = tpu.vector_load %arg10[%get3A_645, %get3A_646, %get3A_647] {strides = array<i32>} : memref<3x512x32xf32, #tpu.memory_space<vmem>>, vector<1x1x16xf32>,
      %get3A_649 = vector.shape_cast %get3A_648 : vector<1x1x16xf32> to vector<16xf32>
      %swap3A_650 = arith.constant 1 : i32
      %swap3A_651 = arith.index_cast %swap3A_650 : i32 to index
      %swap3A_652 = arith.index_cast %add3A_583 : i32 to index
      %swap3A_653 = arith.constant 64 : index
      %swap3A_654 = tpu.vector_load %arg11[%swap3A_651, %swap3A_652, %swap3A_653] {strides = array<i32>} : memref<2x128x128xf32, #tpu.memory_space<vmem>>, vector<1x1x16xf32>,
      %swap3A_655 = vector.shape_cast %swap3A_654 : vector<1x1x16xf32> to vector<16xf32>
      %swap3A_656 = vector.shape_cast %get3A_649 : vector<16xf32> to vector<1x1x16xf32>
      tpu.vector_store %arg11[%swap3A_651, %swap3A_652, %swap3A_653], %swap3A_656 {strides = array<i32>} : memref<2x128x128xf32, #tpu.memory_space<vmem>>, vector<1x1x16xf32>,
      %add3A_657 = arith.constant 384 : i32
      %add3A_658 = arith.addi %add3A_657, %add3A_583 : i32
      %get3A_659 = arith.constant 2 : i32
      %get3A_660 = arith.index_cast %get3A_659 : i32 to index
      %get3A_661 = arith.index_cast %add3A_658 : i32 to index
      %get3A_662 = arith.constant 16 : index
      %get3A_663 = tpu.vector_load %arg10[%get3A_660, %get3A_661, %get3A_662] {strides = array<i32>} : memref<3x512x32xf32, #tpu.memory_space<vmem>>, vector<1x1x16xf32>,
      %get3A_664 = vector.shape_cast %get3A_663 : vector<1x1x16xf32> to vector<16xf32>
      %swap3A_665 = arith.constant 1 : i32
      %swap3A_666 = arith.index_cast %swap3A_665 : i32 to index
      %swap3A_667 = arith.index_cast %add3A_583 : i32 to index
      %swap3A_668 = arith.constant 80 : index
      %swap3A_669 = tpu.vector_load %arg11[%swap3A_666, %swap3A_667, %swap3A_668] {strides = array<i32>} : memref<2x128x128xf32, #tpu.memory_space<vmem>>, vector<1x1x16xf32>,
      %swap3A_670 = vector.shape_cast %swap3A_669 : vector<1x1x16xf32> to vector<16xf32>
      %swap3A_671 = vector.shape_cast %get3A_664 : vector<16xf32> to vector<1x1x16xf32>
      tpu.vector_store %arg11[%swap3A_666, %swap3A_667, %swap3A_668], %swap3A_671 {strides = array<i32>} : memref<2x128x128xf32, #tpu.memory_space<vmem>>, vector<1x1x16xf32>,
      %mul3A_672 = arith.constant 4 : i32
      %mul3A_673 = arith.muli %scan3A_578, %mul3A_672 : i32
      %add3A_674 = arith.constant 1 : i32
      %add3A_675 = arith.addi %mul3A_673, %add3A_674 : i32
      %add3A_676 = arith.constant 384 : i32
      %add3A_677 = arith.addi %add3A_676, %add3A_675 : i32
      %get3A_678 = arith.constant 0 : i32
      %get3A_679 = arith.index_cast %get3A_678 : i32 to index
      %get3A_680 = arith.index_cast %add3A_677 : i32 to index
      %get3A_681 = arith.constant 0 : index
      %get3A_682 = tpu.vector_load %arg10[%get3A_679, %get3A_680, %get3A_681] {strides = array<i32>} : memref<3x512x32xf32, #tpu.memory_space<vmem>>, vector<1x1x16xf32>,
      %get3A_683 = vector.shape_cast %get3A_682 : vector<1x1x16xf32> to vector<16xf32>
      %swap3A_684 = arith.constant 1 : i32
      %swap3A_685 = arith.index_cast %swap3A_684 : i32 to index
      %swap3A_686 = arith.index_cast %add3A_675 : i32 to index
      %swap3A_687 = arith.constant 0 : index
      %swap3A_688 = tpu.vector_load %arg11[%swap3A_685, %swap3A_686, %swap3A_687] {strides = array<i32>} : memref<2x128x128xf32, #tpu.memory_space<vmem>>, vector<1x1x16xf32>,
      %swap3A_689 = vector.shape_cast %swap3A_688 : vector<1x1x16xf32> to vector<16xf32>
      %swap3A_690 = vector.shape_cast %get3A_683 : vector<16xf32> to vector<1x1x16xf32>
      tpu.vector_store %arg11[%swap3A_685, %swap3A_686, %swap3A_687], %swap3A_690 {strides = array<i32>} : memref<2x128x128xf32, #tpu.memory_space<vmem>>, vector<1x1x16xf32>,
      %add3A_691 = arith.constant 384 : i32
      %add3A_692 = arith.addi %add3A_691, %add3A_675 : i32
      %get3A_693 = arith.constant 0 : i32
      %get3A_694 = arith.index_cast %get3A_693 : i32 to index
      %get3A_695 = arith.index_cast %add3A_692 : i32 to index
      %get3A_696 = arith.constant 16 : index
      %get3A_697 = tpu.vector_load %arg10[%get3A_694, %get3A_695, %get3A_696] {strides = array<i32>} : memref<3x512x32xf32, #tpu.memory_space<vmem>>, vector<1x1x16xf32>,
      %get3A_698 = vector.shape_cast %get3A_697 : vector<1x1x16xf32> to vector<16xf32>
      %swap3A_699 = arith.constant 1 : i32
      %swap3A_700 = arith.index_cast %swap3A_699 : i32 to index
      %swap3A_701 = arith.index_cast %add3A_675 : i32 to index
      %swap3A_702 = arith.constant 16 : index
      %swap3A_703 = tpu.vector_load %arg11[%swap3A_700, %swap3A_701, %swap3A_702] {strides = array<i32>} : memref<2x128x128xf32, #tpu.memory_space<vmem>>, vector<1x1x16xf32>,
      %swap3A_704 = vector.shape_cast %swap3A_703 : vector<1x1x16xf32> to vector<16xf32>
      %swap3A_705 = vector.shape_cast %get3A_698 : vector<16xf32> to vector<1x1x16xf32>
      tpu.vector_store %arg11[%swap3A_700, %swap3A_701, %swap3A_702], %swap3A_705 {strides = array<i32>} : memref<2x128x128xf32, #tpu.memory_space<vmem>>, vector<1x1x16xf32>,
      %add3A_706 = arith.constant 384 : i32
      %add3A_707 = arith.addi %add3A_706, %add3A_675 : i32
      %get3A_708 = arith.constant 1 : i32
      %get3A_709 = arith.index_cast %get3A_708 : i32 to index
      %get3A_710 = arith.index_cast %add3A_707 : i32 to index
      %get3A_711 = arith.constant 0 : index
      %get3A_712 = tpu.vector_load %arg10[%get3A_709, %get3A_710, %get3A_711] {strides = array<i32>} : memref<3x512x32xf32, #tpu.memory_space<vmem>>, vector<1x1x16xf32>,
      %get3A_713 = vector.shape_cast %get3A_712 : vector<1x1x16xf32> to vector<16xf32>
      %swap3A_714 = arith.constant 1 : i32
      %swap3A_715 = arith.index_cast %swap3A_714 : i32 to index
      %swap3A_716 = arith.index_cast %add3A_675 : i32 to index
      %swap3A_717 = arith.constant 32 : index
      %swap3A_718 = tpu.vector_load %arg11[%swap3A_715, %swap3A_716, %swap3A_717] {strides = array<i32>} : memref<2x128x128xf32, #tpu.memory_space<vmem>>, vector<1x1x16xf32>,
      %swap3A_719 = vector.shape_cast %swap3A_718 : vector<1x1x16xf32> to vector<16xf32>
      %swap3A_720 = vector.shape_cast %get3A_713 : vector<16xf32> to vector<1x1x16xf32>
      tpu.vector_store %arg11[%swap3A_715, %swap3A_716, %swap3A_717], %swap3A_720 {strides = array<i32>} : memref<2x128x128xf32, #tpu.memory_space<vmem>>, vector<1x1x16xf32>,
      %add3A_721 = arith.constant 384 : i32
      %add3A_722 = arith.addi %add3A_721, %add3A_675 : i32
      %get3A_723 = arith.constant 1 : i32
      %get3A_724 = arith.index_cast %get3A_723 : i32 to index
      %get3A_725 = arith.index_cast %add3A_722 : i32 to index
      %get3A_726 = arith.constant 16 : index
      %get3A_727 = tpu.vector_load %arg10[%get3A_724, %get3A_725, %get3A_726] {strides = array<i32>} : memref<3x512x32xf32, #tpu.memory_space<vmem>>, vector<1x1x16xf32>,
      %get3A_728 = vector.shape_cast %get3A_727 : vector<1x1x16xf32> to vector<16xf32>
      %swap3A_729 = arith.constant 1 : i32
      %swap3A_730 = arith.index_cast %swap3A_729 : i32 to index
      %swap3A_731 = arith.index_cast %add3A_675 : i32 to index
      %swap3A_732 = arith.constant 48 : index
      %swap3A_733 = tpu.vector_load %arg11[%swap3A_730, %swap3A_731, %swap3A_732] {strides = array<i32>} : memref<2x128x128xf32, #tpu.memory_space<vmem>>, vector<1x1x16xf32>,
      %swap3A_734 = vector.shape_cast %swap3A_733 : vector<1x1x16xf32> to vector<16xf32>
      %swap3A_735 = vector.shape_cast %get3A_728 : vector<16xf32> to vector<1x1x16xf32>
      tpu.vector_store %arg11[%swap3A_730, %swap3A_731, %swap3A_732], %swap3A_735 {strides = array<i32>} : memref<2x128x128xf32, #tpu.memory_space<vmem>>, vector<1x1x16xf32>,
      %add3A_736 = arith.constant 384 : i32
      %add3A_737 = arith.addi %add3A_736, %add3A_675 : i32
      %get3A_738 = arith.constant 2 : i32
      %get3A_739 = arith.index_cast %get3A_738 : i32 to index
      %get3A_740 = arith.index_cast %add3A_737 : i32 to index
      %get3A_741 = arith.constant 0 : index
      %get3A_742 = tpu.vector_load %arg10[%get3A_739, %get3A_740, %get3A_741] {strides = array<i32>} : memref<3x512x32xf32, #tpu.memory_space<vmem>>, vector<1x1x16xf32>,
      %get3A_743 = vector.shape_cast %get3A_742 : vector<1x1x16xf32> to vector<16xf32>
      %swap3A_744 = arith.constant 1 : i32
      %swap3A_745 = arith.index_cast %swap3A_744 : i32 to index
      %swap3A_746 = arith.index_cast %add3A_675 : i32 to index
      %swap3A_747 = arith.constant 64 : index
      %swap3A_748 = tpu.vector_load %arg11[%swap3A_745, %swap3A_746, %swap3A_747] {strides = array<i32>} : memref<2x128x128xf32, #tpu.memory_space<vmem>>, vector<1x1x16xf32>,
      %swap3A_749 = vector.shape_cast %swap3A_748 : vector<1x1x16xf32> to vector<16xf32>
      %swap3A_750 = vector.shape_cast %get3A_743 : vector<16xf32> to vector<1x1x16xf32>
      tpu.vector_store %arg11[%swap3A_745, %swap3A_746, %swap3A_747], %swap3A_750 {strides = array<i32>} : memref<2x128x128xf32, #tpu.memory_space<vmem>>, vector<1x1x16xf32>,
      %add3A_751 = arith.constant 384 : i32
      %add3A_752 = arith.addi %add3A_751, %add3A_675 : i32
      %get3A_753 = arith.constant 2 : i32
      %get3A_754 = arith.index_cast %get3A_753 : i32 to index
      %get3A_755 = arith.index_cast %add3A_752 : i32 to index
      %get3A_756 = arith.constant 16 : index
      %get3A_757 = tpu.vector_load %arg10[%get3A_754, %get3A_755, %get3A_756] {strides = array<i32>} : memref<3x512x32xf32, #tpu.memory_space<vmem>>, vector<1x1x16xf32>,
      %get3A_758 = vector.shape_cast %get3A_757 : vector<1x1x16xf32> to vector<16xf32>
      %swap3A_759 = arith.constant 1 : i32
      %swap3A_760 = arith.index_cast %swap3A_759 : i32 to index
      %swap3A_761 = arith.index_cast %add3A_675 : i32 to index
      %swap3A_762 = arith.constant 80 : index
      %swap3A_763 = tpu.vector_load %arg11[%swap3A_760, %swap3A_761, %swap3A_762] {strides = array<i32>} : memref<2x128x128xf32, #tpu.memory_space<vmem>>, vector<1x1x16xf32>,
      %swap3A_764 = vector.shape_cast %swap3A_763 : vector<1x1x16xf32> to vector<16xf32>
      %swap3A_765 = vector.shape_cast %get3A_758 : vector<16xf32> to vector<1x1x16xf32>
      tpu.vector_store %arg11[%swap3A_760, %swap3A_761, %swap3A_762], %swap3A_765 {strides = array<i32>} : memref<2x128x128xf32, #tpu.memory_space<vmem>>, vector<1x1x16xf32>,
      %mul3A_766 = arith.constant 4 : i32
      %mul3A_767 = arith.muli %scan3A_578, %mul3A_766 : i32
      %add3A_768 = arith.constant 2 : i32
      %add3A_769 = arith.addi %mul3A_767, %add3A_768 : i32
      %add3A_770 = arith.constant 384 : i32
      %add3A_771 = arith.addi %add3A_770, %add3A_769 : i32
      %get3A_772 = arith.constant 0 : i32
      %get3A_773 = arith.index_cast %get3A_772 : i32 to index
      %get3A_774 = arith.index_cast %add3A_771 : i32 to index
      %get3A_775 = arith.constant 0 : index
      %get3A_776 = tpu.vector_load %arg10[%get3A_773, %get3A_774, %get3A_775] {strides = array<i32>} : memref<3x512x32xf32, #tpu.memory_space<vmem>>, vector<1x1x16xf32>,
      %get3A_777 = vector.shape_cast %get3A_776 : vector<1x1x16xf32> to vector<16xf32>
      %swap3A_778 = arith.constant 1 : i32
      %swap3A_779 = arith.index_cast %swap3A_778 : i32 to index
      %swap3A_780 = arith.index_cast %add3A_769 : i32 to index
      %swap3A_781 = arith.constant 0 : index
      %swap3A_782 = tpu.vector_load %arg11[%swap3A_779, %swap3A_780, %swap3A_781] {strides = array<i32>} : memref<2x128x128xf32, #tpu.memory_space<vmem>>, vector<1x1x16xf32>,
      %swap3A_783 = vector.shape_cast %swap3A_782 : vector<1x1x16xf32> to vector<16xf32>
      %swap3A_784 = vector.shape_cast %get3A_777 : vector<16xf32> to vector<1x1x16xf32>
      tpu.vector_store %arg11[%swap3A_779, %swap3A_780, %swap3A_781], %swap3A_784 {strides = array<i32>} : memref<2x128x128xf32, #tpu.memory_space<vmem>>, vector<1x1x16xf32>,
      %add3A_785 = arith.constant 384 : i32
      %add3A_786 = arith.addi %add3A_785, %add3A_769 : i32
      %get3A_787 = arith.constant 0 : i32
      %get3A_788 = arith.index_cast %get3A_787 : i32 to index
      %get3A_789 = arith.index_cast %add3A_786 : i32 to index
      %get3A_790 = arith.constant 16 : index
      %get3A_791 = tpu.vector_load %arg10[%get3A_788, %get3A_789, %get3A_790] {strides = array<i32>} : memref<3x512x32xf32, #tpu.memory_space<vmem>>, vector<1x1x16xf32>,
      %get3A_792 = vector.shape_cast %get3A_791 : vector<1x1x16xf32> to vector<16xf32>
      %swap3A_793 = arith.constant 1 : i32
      %swap3A_794 = arith.index_cast %swap3A_793 : i32 to index
      %swap3A_795 = arith.index_cast %add3A_769 : i32 to index
      %swap3A_796 = arith.constant 16 : index
      %swap3A_797 = tpu.vector_load %arg11[%swap3A_794, %swap3A_795, %swap3A_796] {strides = array<i32>} : memref<2x128x128xf32, #tpu.memory_space<vmem>>, vector<1x1x16xf32>,
      %swap3A_798 = vector.shape_cast %swap3A_797 : vector<1x1x16xf32> to vector<16xf32>
      %swap3A_799 = vector.shape_cast %get3A_792 : vector<16xf32> to vector<1x1x16xf32>
      tpu.vector_store %arg11[%swap3A_794, %swap3A_795, %swap3A_796], %swap3A_799 {strides = array<i32>} : memref<2x128x128xf32, #tpu.memory_space<vmem>>, vector<1x1x16xf32>,
      %add3A_800 = arith.constant 384 : i32
      %add3A_801 = arith.addi %add3A_800, %add3A_769 : i32
      %get3A_802 = arith.constant 1 : i32
      %get3A_803 = arith.index_cast %get3A_802 : i32 to index
      %get3A_804 = arith.index_cast %add3A_801 : i32 to index
      %get3A_805 = arith.constant 0 : index
      %get3A_806 = tpu.vector_load %arg10[%get3A_803, %get3A_804, %get3A_805] {strides = array<i32>} : memref<3x512x32xf32, #tpu.memory_space<vmem>>, vector<1x1x16xf32>,
      %get3A_807 = vector.shape_cast %get3A_806 : vector<1x1x16xf32> to vector<16xf32>
      %swap3A_808 = arith.constant 1 : i32
      %swap3A_809 = arith.index_cast %swap3A_808 : i32 to index
      %swap3A_810 = arith.index_cast %add3A_769 : i32 to index
      %swap3A_811 = arith.constant 32 : index
      %swap3A_812 = tpu.vector_load %arg11[%swap3A_809, %swap3A_810, %swap3A_811] {strides = array<i32>} : memref<2x128x128xf32, #tpu.memory_space<vmem>>, vector<1x1x16xf32>,
      %swap3A_813 = vector.shape_cast %swap3A_812 : vector<1x1x16xf32> to vector<16xf32>
      %swap3A_814 = vector.shape_cast %get3A_807 : vector<16xf32> to vector<1x1x16xf32>
      tpu.vector_store %arg11[%swap3A_809, %swap3A_810, %swap3A_811], %swap3A_814 {strides = array<i32>} : memref<2x128x128xf32, #tpu.memory_space<vmem>>, vector<1x1x16xf32>,
      %add3A_815 = arith.constant 384 : i32
      %add3A_816 = arith.addi %add3A_815, %add3A_769 : i32
      %get3A_817 = arith.constant 1 : i32
      %get3A_818 = arith.index_cast %get3A_817 : i32 to index
      %get3A_819 = arith.index_cast %add3A_816 : i32 to index
      %get3A_820 = arith.constant 16 : index
      %get3A_821 = tpu.vector_load %arg10[%get3A_818, %get3A_819, %get3A_820] {strides = array<i32>} : memref<3x512x32xf32, #tpu.memory_space<vmem>>, vector<1x1x16xf32>,
      %get3A_822 = vector.shape_cast %get3A_821 : vector<1x1x16xf32> to vector<16xf32>
      %swap3A_823 = arith.constant 1 : i32
      %swap3A_824 = arith.index_cast %swap3A_823 : i32 to index
      %swap3A_825 = arith.index_cast %add3A_769 : i32 to index
      %swap3A_826 = arith.constant 48 : index
      %swap3A_827 = tpu.vector_load %arg11[%swap3A_824, %swap3A_825, %swap3A_826] {strides = array<i32>} : memref<2x128x128xf32, #tpu.memory_space<vmem>>, vector<1x1x16xf32>,
      %swap3A_828 = vector.shape_cast %swap3A_827 : vector<1x1x16xf32> to vector<16xf32>
      %swap3A_829 = vector.shape_cast %get3A_822 : vector<16xf32> to vector<1x1x16xf32>
      tpu.vector_store %arg11[%swap3A_824, %swap3A_825, %swap3A_826], %swap3A_829 {strides = array<i32>} : memref<2x128x128xf32, #tpu.memory_space<vmem>>, vector<1x1x16xf32>,
      %add3A_830 = arith.constant 384 : i32
      %add3A_831 = arith.addi %add3A_830, %add3A_769 : i32
      %get3A_832 = arith.constant 2 : i32
      %get3A_833 = arith.index_cast %get3A_832 : i32 to index
      %get3A_834 = arith.index_cast %add3A_831 : i32 to index
      %get3A_835 = arith.constant 0 : index
      %get3A_836 = tpu.vector_load %arg10[%get3A_833, %get3A_834, %get3A_835] {strides = array<i32>} : memref<3x512x32xf32, #tpu.memory_space<vmem>>, vector<1x1x16xf32>,
      %get3A_837 = vector.shape_cast %get3A_836 : vector<1x1x16xf32> to vector<16xf32>
      %swap3A_838 = arith.constant 1 : i32
      %swap3A_839 = arith.index_cast %swap3A_838 : i32 to index
      %swap3A_840 = arith.index_cast %add3A_769 : i32 to index
      %swap3A_841 = arith.constant 64 : index
      %swap3A_842 = tpu.vector_load %arg11[%swap3A_839, %swap3A_840, %swap3A_841] {strides = array<i32>} : memref<2x128x128xf32, #tpu.memory_space<vmem>>, vector<1x1x16xf32>,
      %swap3A_843 = vector.shape_cast %swap3A_842 : vector<1x1x16xf32> to vector<16xf32>
      %swap3A_844 = vector.shape_cast %get3A_837 : vector<16xf32> to vector<1x1x16xf32>
      tpu.vector_store %arg11[%swap3A_839, %swap3A_840, %swap3A_841], %swap3A_844 {strides = array<i32>} : memref<2x128x128xf32, #tpu.memory_space<vmem>>, vector<1x1x16xf32>,
      %add3A_845 = arith.constant 384 : i32
      %add3A_846 = arith.addi %add3A_845, %add3A_769 : i32
      %get3A_847 = arith.constant 2 : i32
      %get3A_848 = arith.index_cast %get3A_847 : i32 to index
      %get3A_849 = arith.index_cast %add3A_846 : i32 to index
      %get3A_850 = arith.constant 16 : index
      %get3A_851 = tpu.vector_load %arg10[%get3A_848, %get3A_849, %get3A_850] {strides = array<i32>} : memref<3x512x32xf32, #tpu.memory_space<vmem>>, vector<1x1x16xf32>,
      %get3A_852 = vector.shape_cast %get3A_851 : vector<1x1x16xf32> to vector<16xf32>
      %swap3A_853 = arith.constant 1 : i32
      %swap3A_854 = arith.index_cast %swap3A_853 : i32 to index
      %swap3A_855 = arith.index_cast %add3A_769 : i32 to index
      %swap3A_856 = arith.constant 80 : index
      %swap3A_857 = tpu.vector_load %arg11[%swap3A_854, %swap3A_855, %swap3A_856] {strides = array<i32>} : memref<2x128x128xf32, #tpu.memory_space<vmem>>, vector<1x1x16xf32>,
      %swap3A_858 = vector.shape_cast %swap3A_857 : vector<1x1x16xf32> to vector<16xf32>
      %swap3A_859 = vector.shape_cast %get3A_852 : vector<16xf32> to vector<1x1x16xf32>
      tpu.vector_store %arg11[%swap3A_854, %swap3A_855, %swap3A_856], %swap3A_859 {strides = array<i32>} : memref<2x128x128xf32, #tpu.memory_space<vmem>>, vector<1x1x16xf32>,
      %mul3A_860 = arith.constant 4 : i32
      %mul3A_861 = arith.muli %scan3A_578, %mul3A_860 : i32
      %add3A_862 = arith.constant 3 : i32
      %add3A_863 = arith.addi %mul3A_861, %add3A_862 : i32
      %add3A_864 = arith.constant 384 : i32
      %add3A_865 = arith.addi %add3A_864, %add3A_863 : i32
      %get3A_866 = arith.constant 0 : i32
      %get3A_867 = arith.index_cast %get3A_866 : i32 to index
      %get3A_868 = arith.index_cast %add3A_865 : i32 to index
      %get3A_869 = arith.constant 0 : index
      %get3A_870 = tpu.vector_load %arg10[%get3A_867, %get3A_868, %get3A_869] {strides = array<i32>} : memref<3x512x32xf32, #tpu.memory_space<vmem>>, vector<1x1x16xf32>,
      %get3A_871 = vector.shape_cast %get3A_870 : vector<1x1x16xf32> to vector<16xf32>
      %swap3A_872 = arith.constant 1 : i32
      %swap3A_873 = arith.index_cast %swap3A_872 : i32 to index
      %swap3A_874 = arith.index_cast %add3A_863 : i32 to index
      %swap3A_875 = arith.constant 0 : index
      %swap3A_876 = tpu.vector_load %arg11[%swap3A_873, %swap3A_874, %swap3A_875] {strides = array<i32>} : memref<2x128x128xf32, #tpu.memory_space<vmem>>, vector<1x1x16xf32>,
      %swap3A_877 = vector.shape_cast %swap3A_876 : vector<1x1x16xf32> to vector<16xf32>
      %swap3A_878 = vector.shape_cast %get3A_871 : vector<16xf32> to vector<1x1x16xf32>
      tpu.vector_store %arg11[%swap3A_873, %swap3A_874, %swap3A_875], %swap3A_878 {strides = array<i32>} : memref<2x128x128xf32, #tpu.memory_space<vmem>>, vector<1x1x16xf32>,
      %add3A_879 = arith.constant 384 : i32
      %add3A_880 = arith.addi %add3A_879, %add3A_863 : i32
      %get3A_881 = arith.constant 0 : i32
      %get3A_882 = arith.index_cast %get3A_881 : i32 to index
      %get3A_883 = arith.index_cast %add3A_880 : i32 to index
      %get3A_884 = arith.constant 16 : index
      %get3A_885 = tpu.vector_load %arg10[%get3A_882, %get3A_883, %get3A_884] {strides = array<i32>} : memref<3x512x32xf32, #tpu.memory_space<vmem>>, vector<1x1x16xf32>,
      %get3A_886 = vector.shape_cast %get3A_885 : vector<1x1x16xf32> to vector<16xf32>
      %swap3A_887 = arith.constant 1 : i32
      %swap3A_888 = arith.index_cast %swap3A_887 : i32 to index
      %swap3A_889 = arith.index_cast %add3A_863 : i32 to index
      %swap3A_890 = arith.constant 16 : index
      %swap3A_891 = tpu.vector_load %arg11[%swap3A_888, %swap3A_889, %swap3A_890] {strides = array<i32>} : memref<2x128x128xf32, #tpu.memory_space<vmem>>, vector<1x1x16xf32>,
      %swap3A_892 = vector.shape_cast %swap3A_891 : vector<1x1x16xf32> to vector<16xf32>
      %swap3A_893 = vector.shape_cast %get3A_886 : vector<16xf32> to vector<1x1x16xf32>
      tpu.vector_store %arg11[%swap3A_888, %swap3A_889, %swap3A_890], %swap3A_893 {strides = array<i32>} : memref<2x128x128xf32, #tpu.memory_space<vmem>>, vector<1x1x16xf32>,
      %add3A_894 = arith.constant 384 : i32
      %add3A_895 = arith.addi %add3A_894, %add3A_863 : i32
      %get3A_896 = arith.constant 1 : i32
      %get3A_897 = arith.index_cast %get3A_896 : i32 to index
      %get3A_898 = arith.index_cast %add3A_895 : i32 to index
      %get3A_899 = arith.constant 0 : index
      %get3A_900 = tpu.vector_load %arg10[%get3A_897, %get3A_898, %get3A_899] {strides = array<i32>} : memref<3x512x32xf32, #tpu.memory_space<vmem>>, vector<1x1x16xf32>,
      %get3A_901 = vector.shape_cast %get3A_900 : vector<1x1x16xf32> to vector<16xf32>
      %swap3A_902 = arith.constant 1 : i32
      %swap3A_903 = arith.index_cast %swap3A_902 : i32 to index
      %swap3A_904 = arith.index_cast %add3A_863 : i32 to index
      %swap3A_905 = arith.constant 32 : index
      %swap3A_906 = tpu.vector_load %arg11[%swap3A_903, %swap3A_904, %swap3A_905] {strides = array<i32>} : memref<2x128x128xf32, #tpu.memory_space<vmem>>, vector<1x1x16xf32>,
      %swap3A_907 = vector.shape_cast %swap3A_906 : vector<1x1x16xf32> to vector<16xf32>
      %swap3A_908 = vector.shape_cast %get3A_901 : vector<16xf32> to vector<1x1x16xf32>
      tpu.vector_store %arg11[%swap3A_903, %swap3A_904, %swap3A_905], %swap3A_908 {strides = array<i32>} : memref<2x128x128xf32, #tpu.memory_space<vmem>>, vector<1x1x16xf32>,
      %add3A_909 = arith.constant 384 : i32
      %add3A_910 = arith.addi %add3A_909, %add3A_863 : i32
      %get3A_911 = arith.constant 1 : i32
      %get3A_912 = arith.index_cast %get3A_911 : i32 to index
      %get3A_913 = arith.index_cast %add3A_910 : i32 to index
      %get3A_914 = arith.constant 16 : index
      %get3A_915 = tpu.vector_load %arg10[%get3A_912, %get3A_913, %get3A_914] {strides = array<i32>} : memref<3x512x32xf32, #tpu.memory_space<vmem>>, vector<1x1x16xf32>,
      %get3A_916 = vector.shape_cast %get3A_915 : vector<1x1x16xf32> to vector<16xf32>
      %swap3A_917 = arith.constant 1 : i32
      %swap3A_918 = arith.index_cast %swap3A_917 : i32 to index
      %swap3A_919 = arith.index_cast %add3A_863 : i32 to index
      %swap3A_920 = arith.constant 48 : index
      %swap3A_921 = tpu.vector_load %arg11[%swap3A_918, %swap3A_919, %swap3A_920] {strides = array<i32>} : memref<2x128x128xf32, #tpu.memory_space<vmem>>, vector<1x1x16xf32>,
      %swap3A_922 = vector.shape_cast %swap3A_921 : vector<1x1x16xf32> to vector<16xf32>
      %swap3A_923 = vector.shape_cast %get3A_916 : vector<16xf32> to vector<1x1x16xf32>
      tpu.vector_store %arg11[%swap3A_918, %swap3A_919, %swap3A_920], %swap3A_923 {strides = array<i32>} : memref<2x128x128xf32, #tpu.memory_space<vmem>>, vector<1x1x16xf32>,
      %add3A_924 = arith.constant 384 : i32
      %add3A_925 = arith.addi %add3A_924, %add3A_863 : i32
      %get3A_926 = arith.constant 2 : i32
      %get3A_927 = arith.index_cast %get3A_926 : i32 to index
      %get3A_928 = arith.index_cast %add3A_925 : i32 to index
      %get3A_929 = arith.constant 0 : index
      %get3A_930 = tpu.vector_load %arg10[%get3A_927, %get3A_928, %get3A_929] {strides = array<i32>} : memref<3x512x32xf32, #tpu.memory_space<vmem>>, vector<1x1x16xf32>,
      %get3A_931 = vector.shape_cast %get3A_930 : vector<1x1x16xf32> to vector<16xf32>
      %swap3A_932 = arith.constant 1 : i32
      %swap3A_933 = arith.index_cast %swap3A_932 : i32 to index
      %swap3A_934 = arith.index_cast %add3A_863 : i32 to index
      %swap3A_935 = arith.constant 64 : index
      %swap3A_936 = tpu.vector_load %arg11[%swap3A_933, %swap3A_934, %swap3A_935] {strides = array<i32>} : memref<2x128x128xf32, #tpu.memory_space<vmem>>, vector<1x1x16xf32>,
      %swap3A_937 = vector.shape_cast %swap3A_936 : vector<1x1x16xf32> to vector<16xf32>
      %swap3A_938 = vector.shape_cast %get3A_931 : vector<16xf32> to vector<1x1x16xf32>
      tpu.vector_store %arg11[%swap3A_933, %swap3A_934, %swap3A_935], %swap3A_938 {strides = array<i32>} : memref<2x128x128xf32, #tpu.memory_space<vmem>>, vector<1x1x16xf32>,
      %add3A_939 = arith.constant 384 : i32
      %add3A_940 = arith.addi %add3A_939, %add3A_863 : i32
      %get3A_941 = arith.constant 2 : i32
      %get3A_942 = arith.index_cast %get3A_941 : i32 to index
      %get3A_943 = arith.index_cast %add3A_940 : i32 to index
      %get3A_944 = arith.constant 16 : index
      %get3A_945 = tpu.vector_load %arg10[%get3A_942, %get3A_943, %get3A_944] {strides = array<i32>} : memref<3x512x32xf32, #tpu.memory_space<vmem>>, vector<1x1x16xf32>,
      %get3A_946 = vector.shape_cast %get3A_945 : vector<1x1x16xf32> to vector<16xf32>
      %swap3A_947 = arith.constant 1 : i32
      %swap3A_948 = arith.index_cast %swap3A_947 : i32 to index
      %swap3A_949 = arith.index_cast %add3A_863 : i32 to index
      %swap3A_950 = arith.constant 80 : index
      %swap3A_951 = tpu.vector_load %arg11[%swap3A_948, %swap3A_949, %swap3A_950] {strides = array<i32>} : memref<2x128x128xf32, #tpu.memory_space<vmem>>, vector<1x1x16xf32>,
      %swap3A_952 = vector.shape_cast %swap3A_951 : vector<1x1x16xf32> to vector<16xf32>
      %swap3A_953 = vector.shape_cast %get3A_946 : vector<16xf32> to vector<1x1x16xf32>
      tpu.vector_store %arg11[%swap3A_948, %swap3A_949, %swap3A_950], %swap3A_953 {strides = array<i32>} : memref<2x128x128xf32, #tpu.memory_space<vmem>>, vector<1x1x16xf32>,
      %scan3A_954 = arith.constant 0 : i32
      scf.yield %scan3A_954 : i32
    }
    %scan3A_536 = arith.constant 32 : i32
    %add3A_537 = arith.constant 384 : i32
    %add3A_538 = arith.addi %mul3A_2, %add3A_537 : i32
    %dma_start3A_539 = arith.constant 1 : i32
    %dma_start3A_540 = arith.constant 0 : i32
    %dma_start3A_541 = arith.constant 0 : i32
    %dma_start3A_542 = tpu.memref_slice %arg11[%dma_start3A_539, %dma_start3A_540, %dma_start3A_541] : memref<2x128x128xf32, #tpu.memory_space<vmem>> -> memref<1x128x128xf32, #tpu.memory_space<vmem>>
    %dma_start3A_543 = tpu.memref_squeeze %dma_start3A_542 : memref<1x128x128xf32, #tpu.memory_space<vmem>> -> memref<128x128xf32, #tpu.memory_space<vmem>>
    %dma_start3A_544 = arith.constant 0 : i32
    %dma_start3A_545 = tpu.memref_slice %arg8[%add3A_538, %dma_start3A_544] : memref<16384x128xf32, #tpu.memory_space<hbm>> -> memref<128x128xf32, #tpu.memory_space<hbm>>
    %dma_start3A_546 = arith.constant 0 : i32
    %dma_start3A_547 = tpu.memref_slice %arg8[%add3A_538, %dma_start3A_546] : memref<16384x128xf32, #tpu.memory_space<hbm>> -> memref<128x128xf32, #tpu.memory_space<hbm>>
    %dma_start3A_548 = arith.constant 0 : i32
    %dma_start3A_549 = arith.constant 0 : i32
    %dma_start3A_550 = tpu.memref_slice %arg11[%dma_start3A_539, %dma_start3A_548, %dma_start3A_549] : memref<2x128x128xf32, #tpu.memory_space<vmem>> -> memref<1x128x128xf32, #tpu.memory_space<vmem>>
    %dma_start3A_551 = tpu.memref_squeeze %dma_start3A_550 : memref<1x128x128xf32, #tpu.memory_space<vmem>> -> memref<128x128xf32, #tpu.memory_space<vmem>>
    tpu.enqueue_dma source(%dma_start3A_551 : memref<128x128xf32, #tpu.memory_space<vmem>>) target(%dma_start3A_547 : memref<128x128xf32, #tpu.memory_space<hbm>>) target_semaphore(%arg17 : memref<!tpu.dma_semaphore, #tpu.memory_space<semaphore_mem>>)
    %dma_wait3A_552 = arith.constant 0 : i32
    %dma_wait3A_553 = arith.constant 0 : i32
    %dma_wait3A_554 = arith.constant 0 : i32
    %dma_wait3A_555 = tpu.memref_slice %arg11[%dma_wait3A_552, %dma_wait3A_553, %dma_wait3A_554] : memref<2x128x128xf32, #tpu.memory_space<vmem>> -> memref<1x128x128xf32, #tpu.memory_space<vmem>>
    %dma_wait3A_556 = tpu.memref_squeeze %dma_wait3A_555 : memref<1x128x128xf32, #tpu.memory_space<vmem>> -> memref<128x128xf32, #tpu.memory_space<vmem>>
    %dma_wait3A_557 = arith.constant 0 : i32
    %dma_wait3A_558 = tpu.memref_slice %arg8[%add3A_458, %dma_wait3A_557] : memref<16384x128xf32, #tpu.memory_space<hbm>> -> memref<128x128xf32, #tpu.memory_space<hbm>>
    %dma_wait3A_559 = arith.constant 0 : i32
    %dma_wait3A_560 = tpu.memref_slice %arg8[%add3A_458, %dma_wait3A_559] : memref<16384x128xf32, #tpu.memory_space<hbm>> -> memref<128x128xf32, #tpu.memory_space<hbm>>
    %dma_wait3A_561 = arith.constant 0 : i32
    %dma_wait3A_562 = arith.constant 0 : i32
    %dma_wait3A_563 = tpu.memref_slice %arg11[%dma_wait3A_552, %dma_wait3A_561, %dma_wait3A_562] : memref<2x128x128xf32, #tpu.memory_space<vmem>> -> memref<1x128x128xf32, #tpu.memory_space<vmem>>
    %dma_wait3A_564 = tpu.memref_squeeze %dma_wait3A_563 : memref<1x128x128xf32, #tpu.memory_space<vmem>> -> memref<128x128xf32, #tpu.memory_space<vmem>>
    tpu.wait_dma2 semaphore(%arg17 : memref<!tpu.dma_semaphore, #tpu.memory_space<semaphore_mem>>) src(%dma_wait3A_564 : memref<128x128xf32, #tpu.memory_space<vmem>>) dst(%dma_wait3A_560 : memref<128x128xf32, #tpu.memory_space<hbm>>)
    %dma_wait3A_565 = arith.constant 1 : i32
    %dma_wait3A_566 = arith.constant 0 : i32
    %dma_wait3A_567 = arith.constant 0 : i32
    %dma_wait3A_568 = tpu.memref_slice %arg11[%dma_wait3A_565, %dma_wait3A_566, %dma_wait3A_567] : memref<2x128x128xf32, #tpu.memory_space<vmem>> -> memref<1x128x128xf32, #tpu.memory_space<vmem>>
    %dma_wait3A_569 = tpu.memref_squeeze %dma_wait3A_568 : memref<1x128x128xf32, #tpu.memory_space<vmem>> -> memref<128x128xf32, #tpu.memory_space<vmem>>
    %dma_wait3A_570 = arith.constant 0 : i32
    %dma_wait3A_571 = tpu.memref_slice %arg8[%add3A_538, %dma_wait3A_570] : memref<16384x128xf32, #tpu.memory_space<hbm>> -> memref<128x128xf32, #tpu.memory_space<hbm>>
    %dma_wait3A_572 = arith.constant 0 : i32
    %dma_wait3A_573 = tpu.memref_slice %arg8[%add3A_538, %dma_wait3A_572] : memref<16384x128xf32, #tpu.memory_space<hbm>> -> memref<128x128xf32, #tpu.memory_space<hbm>>
    %dma_wait3A_574 = arith.constant 0 : i32
    %dma_wait3A_575 = arith.constant 0 : i32
    %dma_wait3A_576 = tpu.memref_slice %arg11[%dma_wait3A_565, %dma_wait3A_574, %dma_wait3A_575] : memref<2x128x128xf32, #tpu.memory_space<vmem>> -> memref<1x128x128xf32, #tpu.memory_space<vmem>>
    %dma_wait3A_577 = tpu.memref_squeeze %dma_wait3A_576 : memref<1x128x128xf32, #tpu.memory_space<vmem>> -> memref<128x128xf32, #tpu.memory_space<vmem>>
    tpu.wait_dma2 semaphore(%arg17 : memref<!tpu.dma_semaphore, #tpu.memory_space<semaphore_mem>>) src(%dma_wait3A_577 : memref<128x128xf32, #tpu.memory_space<vmem>>) dst(%dma_wait3A_573 : memref<128x128xf32, #tpu.memory_space<hbm>>)
    return
  }
}

#map = affine_map<(d0, d1) -> (0, 0)>
module attributes {stable_mosaic.version = 14 : i64} {
  func.func @body(%arg0: i32, %arg1: i32, %arg2: memref<32x512xi32, #tpu.memory_space<hbm>>, %arg3: memref<1015808x32xf32, #tpu.memory_space<hbm>>, %arg4: memref<16384x128xf32, #tpu.memory_space<hbm>>, %arg5: memref<1x512xi32, #tpu.memory_space<vmem>>, %arg6: memref<1x512x32xf32, #tpu.memory_space<vmem>>, %arg7: memref<2x128x128xf32, #tpu.memory_space<vmem>>, %arg8: memref<!tpu.dma_semaphore, #tpu.memory_space<semaphore_mem>>, %arg9: memref<!tpu.dma_semaphore, #tpu.memory_space<semaphore_mem>>, %arg10: memref<!tpu.dma_semaphore, #tpu.memory_space<semaphore_mem>>, %arg11: memref<!tpu.dma_semaphore, #tpu.memory_space<semaphore_mem>>, %arg12: memref<!tpu.dma_semaphore, #tpu.memory_space<semaphore_mem>>, %arg13: memref<!tpu.dma_semaphore, #tpu.memory_space<semaphore_mem>>) attributes {dimension_semantics = [#tpu.dimension_semantics<core_parallel>, #tpu.dimension_semantics<subcore_parallel>], iteration_bounds = array<i64: 2, 16>, scalar_prefetch = 0 : i64, scratch_operands = 9 : i64, tpu.core_type = #tpu.core_type<sc_vector_subcore>, window_params = [{transform_indices = #map}, {transform_indices = #map}, {transform_indices = #map}]} {
    %mul3A = arith.constant 2 : i32
    %mul3A_0 = arith.muli %arg1, %mul3A : i32
    %add3A = arith.addi %mul3A_0, %arg0 : i32
    %mul3A_1 = arith.constant 512 : i32
    %mul3A_2 = arith.muli %add3A, %mul3A_1 : i32
    %dma_start3A = arith.constant 0 : i32
    %dma_start3A_3 = arith.constant 0 : i32
    %dma_start3A_4 = tpu.memref_slice %arg5[%dma_start3A, %dma_start3A_3] : memref<1x512xi32, #tpu.memory_space<vmem>> -> memref<1x512xi32, #tpu.memory_space<vmem>>
    %dma_start3A_5 = tpu.memref_squeeze %dma_start3A_4 : memref<1x512xi32, #tpu.memory_space<vmem>> -> memref<512xi32, #tpu.memory_space<vmem>>
    %dma_start3A_6 = arith.constant 0 : i32
    %dma_start3A_7 = tpu.memref_slice %arg2[%add3A, %dma_start3A_6] : memref<32x512xi32, #tpu.memory_space<hbm>> -> memref<1x512xi32, #tpu.memory_space<hbm>>
    %dma_start3A_8 = tpu.memref_squeeze %dma_start3A_7 : memref<1x512xi32, #tpu.memory_space<hbm>> -> memref<512xi32, #tpu.memory_space<hbm>>
    %dma_start3A_9 = arith.constant 0 : i32
    %dma_start3A_10 = tpu.memref_slice %arg5[%dma_start3A, %dma_start3A_9] : memref<1x512xi32, #tpu.memory_space<vmem>> -> memref<1x512xi32, #tpu.memory_space<vmem>>
    %dma_start3A_11 = tpu.memref_squeeze %dma_start3A_10 : memref<1x512xi32, #tpu.memory_space<vmem>> -> memref<512xi32, #tpu.memory_space<vmem>>
    %dma_start3A_12 = arith.constant 0 : i32
    %dma_start3A_13 = tpu.memref_slice %arg2[%add3A, %dma_start3A_12] : memref<32x512xi32, #tpu.memory_space<hbm>> -> memref<1x512xi32, #tpu.memory_space<hbm>>
    %dma_start3A_14 = tpu.memref_squeeze %dma_start3A_13 : memref<1x512xi32, #tpu.memory_space<hbm>> -> memref<512xi32, #tpu.memory_space<hbm>>
    tpu.enqueue_dma source(%dma_start3A_14 : memref<512xi32, #tpu.memory_space<hbm>>) target(%dma_start3A_11 : memref<512xi32, #tpu.memory_space<vmem>>) target_semaphore(%arg8 : memref<!tpu.dma_semaphore, #tpu.memory_space<semaphore_mem>>)
    %dma_wait3A = arith.constant 0 : i32
    %dma_wait3A_15 = arith.constant 0 : i32
    %dma_wait3A_16 = tpu.memref_slice %arg5[%dma_wait3A, %dma_wait3A_15] : memref<1x512xi32, #tpu.memory_space<vmem>> -> memref<1x512xi32, #tpu.memory_space<vmem>>
    %dma_wait3A_17 = tpu.memref_squeeze %dma_wait3A_16 : memref<1x512xi32, #tpu.memory_space<vmem>> -> memref<512xi32, #tpu.memory_space<vmem>>
    %dma_wait3A_18 = arith.constant 0 : i32
    %dma_wait3A_19 = tpu.memref_slice %arg2[%add3A, %dma_wait3A_18] : memref<32x512xi32, #tpu.memory_space<hbm>> -> memref<1x512xi32, #tpu.memory_space<hbm>>
    %dma_wait3A_20 = tpu.memref_squeeze %dma_wait3A_19 : memref<1x512xi32, #tpu.memory_space<hbm>> -> memref<512xi32, #tpu.memory_space<hbm>>
    %dma_wait3A_21 = arith.constant 0 : i32
    %dma_wait3A_22 = tpu.memref_slice %arg5[%dma_wait3A, %dma_wait3A_21] : memref<1x512xi32, #tpu.memory_space<vmem>> -> memref<1x512xi32, #tpu.memory_space<vmem>>
    %dma_wait3A_23 = tpu.memref_squeeze %dma_wait3A_22 : memref<1x512xi32, #tpu.memory_space<vmem>> -> memref<512xi32, #tpu.memory_space<vmem>>
    %dma_wait3A_24 = arith.constant 0 : i32
    %dma_wait3A_25 = tpu.memref_slice %arg2[%add3A, %dma_wait3A_24] : memref<32x512xi32, #tpu.memory_space<hbm>> -> memref<1x512xi32, #tpu.memory_space<hbm>>
    %dma_wait3A_26 = tpu.memref_squeeze %dma_wait3A_25 : memref<1x512xi32, #tpu.memory_space<hbm>> -> memref<512xi32, #tpu.memory_space<hbm>>
    tpu.wait_dma2 semaphore(%arg8 : memref<!tpu.dma_semaphore, #tpu.memory_space<semaphore_mem>>) src(%dma_wait3A_26 : memref<512xi32, #tpu.memory_space<hbm>>) dst(%dma_wait3A_23 : memref<512xi32, #tpu.memory_space<vmem>>)
    %dma_start3A_27 = arith.constant 0 : i32
    %dma_start3A_28 = arith.constant 0 : i32
    %dma_start3A_29 = arith.constant 0 : i32
    %dma_start3A_30 = arith.constant 0 : i32
    %dma_start3A_31 = tpu.memref_slice %arg6[%dma_start3A_28, %dma_start3A_29, %dma_start3A_30] : memref<1x512x32xf32, #tpu.memory_space<vmem>> -> memref<1x512x32xf32, #tpu.memory_space<vmem>>
    %dma_start3A_32 = tpu.memref_squeeze %dma_start3A_31 : memref<1x512x32xf32, #tpu.memory_space<vmem>> -> memref<512x32xf32, #tpu.memory_space<vmem>>
    %dma_start3A_33 = arith.constant 0 : i32
    %dma_start3A_34 = arith.constant 0 : i32
    %dma_start3A_35 = tpu.memref_slice %dma_start3A_32[%dma_start3A_33, %dma_start3A_34] : memref<512x32xf32, #tpu.memory_space<vmem>> -> memref<128x32xf32, #tpu.memory_space<vmem>>
    %dma_start3A_36 = arith.constant 0 : i32
    %dma_start3A_37 = tpu.memref_slice %arg5[%dma_start3A_27, %dma_start3A_36] : memref<1x512xi32, #tpu.memory_space<vmem>> -> memref<1x128xi32, #tpu.memory_space<vmem>>
    %dma_start3A_38 = tpu.memref_squeeze %dma_start3A_37 : memref<1x128xi32, #tpu.memory_space<vmem>> -> memref<128xi32, #tpu.memory_space<vmem>>
    %dma_start3A_39 = arith.constant 0 : i32
    %dma_start3A_40 = arith.constant 0 : i32
    %dma_start3A_41 = tpu.memref_slice %arg3[%dma_start3A_39, %dma_start3A_40] : memref<1015808x32xf32, #tpu.memory_space<hbm>> -> memref<1015808x32xf32, #tpu.memory_space<hbm>>
    tpu.enqueue_indirect_dma source(%dma_start3A_41 : memref<1015808x32xf32, #tpu.memory_space<hbm>>) target(%dma_start3A_35 : memref<128x32xf32, #tpu.memory_space<vmem>>) offsets(%dma_start3A_38 : memref<128xi32, #tpu.memory_space<vmem>>) semaphore(%arg9 : memref<!tpu.dma_semaphore, #tpu.memory_space<semaphore_mem>>)
    %dma_start3A_42 = arith.constant 0 : i32
    %dma_start3A_43 = arith.constant 0 : i32
    %dma_start3A_44 = arith.constant 0 : i32
    %dma_start3A_45 = arith.constant 0 : i32
    %dma_start3A_46 = tpu.memref_slice %arg6[%dma_start3A_43, %dma_start3A_44, %dma_start3A_45] : memref<1x512x32xf32, #tpu.memory_space<vmem>> -> memref<1x512x32xf32, #tpu.memory_space<vmem>>
    %dma_start3A_47 = tpu.memref_squeeze %dma_start3A_46 : memref<1x512x32xf32, #tpu.memory_space<vmem>> -> memref<512x32xf32, #tpu.memory_space<vmem>>
    %dma_start3A_48 = arith.constant 128 : i32
    %dma_start3A_49 = arith.constant 0 : i32
    %dma_start3A_50 = tpu.memref_slice %dma_start3A_47[%dma_start3A_48, %dma_start3A_49] : memref<512x32xf32, #tpu.memory_space<vmem>> -> memref<128x32xf32, #tpu.memory_space<vmem>>
    %dma_start3A_51 = arith.constant 128 : i32
    %dma_start3A_52 = tpu.memref_slice %arg5[%dma_start3A_42, %dma_start3A_51] : memref<1x512xi32, #tpu.memory_space<vmem>> -> memref<1x128xi32, #tpu.memory_space<vmem>>
    %dma_start3A_53 = tpu.memref_squeeze %dma_start3A_52 : memref<1x128xi32, #tpu.memory_space<vmem>> -> memref<128xi32, #tpu.memory_space<vmem>>
    %dma_start3A_54 = arith.constant 0 : i32
    %dma_start3A_55 = arith.constant 0 : i32
    %dma_start3A_56 = tpu.memref_slice %arg3[%dma_start3A_54, %dma_start3A_55] : memref<1015808x32xf32, #tpu.memory_space<hbm>> -> memref<1015808x32xf32, #tpu.memory_space<hbm>>
    tpu.enqueue_indirect_dma source(%dma_start3A_56 : memref<1015808x32xf32, #tpu.memory_space<hbm>>) target(%dma_start3A_50 : memref<128x32xf32, #tpu.memory_space<vmem>>) offsets(%dma_start3A_53 : memref<128xi32, #tpu.memory_space<vmem>>) semaphore(%arg10 : memref<!tpu.dma_semaphore, #tpu.memory_space<semaphore_mem>>)
    %dma_start3A_57 = arith.constant 0 : i32
    %dma_start3A_58 = arith.constant 0 : i32
    %dma_start3A_59 = arith.constant 0 : i32
    %dma_start3A_60 = arith.constant 0 : i32
    %dma_start3A_61 = tpu.memref_slice %arg6[%dma_start3A_58, %dma_start3A_59, %dma_start3A_60] : memref<1x512x32xf32, #tpu.memory_space<vmem>> -> memref<1x512x32xf32, #tpu.memory_space<vmem>>
    %dma_start3A_62 = tpu.memref_squeeze %dma_start3A_61 : memref<1x512x32xf32, #tpu.memory_space<vmem>> -> memref<512x32xf32, #tpu.memory_space<vmem>>
    %dma_start3A_63 = arith.constant 256 : i32
    %dma_start3A_64 = arith.constant 0 : i32
    %dma_start3A_65 = tpu.memref_slice %dma_start3A_62[%dma_start3A_63, %dma_start3A_64] : memref<512x32xf32, #tpu.memory_space<vmem>> -> memref<128x32xf32, #tpu.memory_space<vmem>>
    %dma_start3A_66 = arith.constant 256 : i32
    %dma_start3A_67 = tpu.memref_slice %arg5[%dma_start3A_57, %dma_start3A_66] : memref<1x512xi32, #tpu.memory_space<vmem>> -> memref<1x128xi32, #tpu.memory_space<vmem>>
    %dma_start3A_68 = tpu.memref_squeeze %dma_start3A_67 : memref<1x128xi32, #tpu.memory_space<vmem>> -> memref<128xi32, #tpu.memory_space<vmem>>
    %dma_start3A_69 = arith.constant 0 : i32
    %dma_start3A_70 = arith.constant 0 : i32
    %dma_start3A_71 = tpu.memref_slice %arg3[%dma_start3A_69, %dma_start3A_70] : memref<1015808x32xf32, #tpu.memory_space<hbm>> -> memref<1015808x32xf32, #tpu.memory_space<hbm>>
    tpu.enqueue_indirect_dma source(%dma_start3A_71 : memref<1015808x32xf32, #tpu.memory_space<hbm>>) target(%dma_start3A_65 : memref<128x32xf32, #tpu.memory_space<vmem>>) offsets(%dma_start3A_68 : memref<128xi32, #tpu.memory_space<vmem>>) semaphore(%arg11 : memref<!tpu.dma_semaphore, #tpu.memory_space<semaphore_mem>>)
    %dma_start3A_72 = arith.constant 0 : i32
    %dma_start3A_73 = arith.constant 0 : i32
    %dma_start3A_74 = arith.constant 0 : i32
    %dma_start3A_75 = arith.constant 0 : i32
    %dma_start3A_76 = tpu.memref_slice %arg6[%dma_start3A_73, %dma_start3A_74, %dma_start3A_75] : memref<1x512x32xf32, #tpu.memory_space<vmem>> -> memref<1x512x32xf32, #tpu.memory_space<vmem>>
    %dma_start3A_77 = tpu.memref_squeeze %dma_start3A_76 : memref<1x512x32xf32, #tpu.memory_space<vmem>> -> memref<512x32xf32, #tpu.memory_space<vmem>>
    %dma_start3A_78 = arith.constant 384 : i32
    %dma_start3A_79 = arith.constant 0 : i32
    %dma_start3A_80 = tpu.memref_slice %dma_start3A_77[%dma_start3A_78, %dma_start3A_79] : memref<512x32xf32, #tpu.memory_space<vmem>> -> memref<128x32xf32, #tpu.memory_space<vmem>>
    %dma_start3A_81 = arith.constant 384 : i32
    %dma_start3A_82 = tpu.memref_slice %arg5[%dma_start3A_72, %dma_start3A_81] : memref<1x512xi32, #tpu.memory_space<vmem>> -> memref<1x128xi32, #tpu.memory_space<vmem>>
    %dma_start3A_83 = tpu.memref_squeeze %dma_start3A_82 : memref<1x128xi32, #tpu.memory_space<vmem>> -> memref<128xi32, #tpu.memory_space<vmem>>
    %dma_start3A_84 = arith.constant 0 : i32
    %dma_start3A_85 = arith.constant 0 : i32
    %dma_start3A_86 = tpu.memref_slice %arg3[%dma_start3A_84, %dma_start3A_85] : memref<1015808x32xf32, #tpu.memory_space<hbm>> -> memref<1015808x32xf32, #tpu.memory_space<hbm>>
    tpu.enqueue_indirect_dma source(%dma_start3A_86 : memref<1015808x32xf32, #tpu.memory_space<hbm>>) target(%dma_start3A_80 : memref<128x32xf32, #tpu.memory_space<vmem>>) offsets(%dma_start3A_83 : memref<128xi32, #tpu.memory_space<vmem>>) semaphore(%arg12 : memref<!tpu.dma_semaphore, #tpu.memory_space<semaphore_mem>>)
    %dma_wait3A_87 = arith.constant 0 : i32
    %dma_wait3A_88 = arith.constant 0 : i32
    %dma_wait3A_89 = arith.constant 0 : i32
    %dma_wait3A_90 = arith.constant 0 : i32
    %dma_wait3A_91 = tpu.memref_slice %arg6[%dma_wait3A_88, %dma_wait3A_89, %dma_wait3A_90] : memref<1x512x32xf32, #tpu.memory_space<vmem>> -> memref<1x512x32xf32, #tpu.memory_space<vmem>>
    %dma_wait3A_92 = tpu.memref_squeeze %dma_wait3A_91 : memref<1x512x32xf32, #tpu.memory_space<vmem>> -> memref<512x32xf32, #tpu.memory_space<vmem>>
    %dma_wait3A_93 = arith.constant 0 : i32
    %dma_wait3A_94 = arith.constant 0 : i32
    %dma_wait3A_95 = tpu.memref_slice %dma_wait3A_92[%dma_wait3A_93, %dma_wait3A_94] : memref<512x32xf32, #tpu.memory_space<vmem>> -> memref<128x32xf32, #tpu.memory_space<vmem>>
    %dma_wait3A_96 = arith.constant 0 : i32
    %dma_wait3A_97 = tpu.memref_slice %arg5[%dma_wait3A_87, %dma_wait3A_96] : memref<1x512xi32, #tpu.memory_space<vmem>> -> memref<1x128xi32, #tpu.memory_space<vmem>>
    %dma_wait3A_98 = tpu.memref_squeeze %dma_wait3A_97 : memref<1x128xi32, #tpu.memory_space<vmem>> -> memref<128xi32, #tpu.memory_space<vmem>>
    %dma_wait3A_99 = arith.constant 0 : i32
    %dma_wait3A_100 = arith.constant 0 : i32
    %dma_wait3A_101 = tpu.memref_slice %arg3[%dma_wait3A_99, %dma_wait3A_100] : memref<1015808x32xf32, #tpu.memory_space<hbm>> -> memref<1015808x32xf32, #tpu.memory_space<hbm>>
    tpu.wait_indirect_dma semaphore(%arg9 : memref<!tpu.dma_semaphore, #tpu.memory_space<semaphore_mem>>) src(%dma_wait3A_101 : memref<1015808x32xf32, #tpu.memory_space<hbm>>) dst(%dma_wait3A_95 : memref<128x32xf32, #tpu.memory_space<vmem>>)
    %scan3A = arith.constant 0 : i32
    %scan3A_102 = arith.constant 0 : i32
    %scan3A_103 = arith.constant 32 : i32
    %scan3A_104 = arith.addi %scan3A_102, %scan3A_103 : i32
    %scan3A_105 = arith.constant 1 : i32
    %scan3A_106 = scf.for %scan3A_286 = %scan3A_102 to %scan3A_104 step %scan3A_105 iter_args(%scan3A_287 = %scan3A) -> (i32)  : i32 {
      %mul3A_288 = arith.constant 4 : i32
      %mul3A_289 = arith.muli %scan3A_286, %mul3A_288 : i32
      %add3A_290 = arith.constant 0 : i32
      %add3A_291 = arith.addi %mul3A_289, %add3A_290 : i32
      %add3A_292 = arith.constant 0 : i32
      %add3A_293 = arith.addi %add3A_292, %add3A_291 : i32
      %get3A = arith.constant 0 : i32
      %get3A_294 = arith.index_cast %get3A : i32 to index
      %get3A_295 = arith.index_cast %add3A_293 : i32 to index
      %get3A_296 = arith.constant 0 : index
      %get3A_297 = tpu.vector_load %arg6[%get3A_294, %get3A_295, %get3A_296] {strides = array<i32>} : memref<1x512x32xf32, #tpu.memory_space<vmem>>, vector<1x1x16xf32>,
      %get3A_298 = vector.shape_cast %get3A_297 : vector<1x1x16xf32> to vector<16xf32>
      %swap3A = arith.constant 0 : i32
      %swap3A_299 = arith.index_cast %swap3A : i32 to index
      %swap3A_300 = arith.index_cast %add3A_291 : i32 to index
      %swap3A_301 = arith.constant 0 : index
      %swap3A_302 = tpu.vector_load %arg7[%swap3A_299, %swap3A_300, %swap3A_301] {strides = array<i32>} : memref<2x128x128xf32, #tpu.memory_space<vmem>>, vector<1x1x16xf32>,
      %swap3A_303 = vector.shape_cast %swap3A_302 : vector<1x1x16xf32> to vector<16xf32>
      %swap3A_304 = vector.shape_cast %get3A_298 : vector<16xf32> to vector<1x1x16xf32>
      tpu.vector_store %arg7[%swap3A_299, %swap3A_300, %swap3A_301], %swap3A_304 {strides = array<i32>} : memref<2x128x128xf32, #tpu.memory_space<vmem>>, vector<1x1x16xf32>,
      %add3A_305 = arith.constant 0 : i32
      %add3A_306 = arith.addi %add3A_305, %add3A_291 : i32
      %get3A_307 = arith.constant 0 : i32
      %get3A_308 = arith.index_cast %get3A_307 : i32 to index
      %get3A_309 = arith.index_cast %add3A_306 : i32 to index
      %get3A_310 = arith.constant 16 : index
      %get3A_311 = tpu.vector_load %arg6[%get3A_308, %get3A_309, %get3A_310] {strides = array<i32>} : memref<1x512x32xf32, #tpu.memory_space<vmem>>, vector<1x1x16xf32>,
      %get3A_312 = vector.shape_cast %get3A_311 : vector<1x1x16xf32> to vector<16xf32>
      %swap3A_313 = arith.constant 0 : i32
      %swap3A_314 = arith.index_cast %swap3A_313 : i32 to index
      %swap3A_315 = arith.index_cast %add3A_291 : i32 to index
      %swap3A_316 = arith.constant 16 : index
      %swap3A_317 = tpu.vector_load %arg7[%swap3A_314, %swap3A_315, %swap3A_316] {strides = array<i32>} : memref<2x128x128xf32, #tpu.memory_space<vmem>>, vector<1x1x16xf32>,
      %swap3A_318 = vector.shape_cast %swap3A_317 : vector<1x1x16xf32> to vector<16xf32>
      %swap3A_319 = vector.shape_cast %get3A_312 : vector<16xf32> to vector<1x1x16xf32>
      tpu.vector_store %arg7[%swap3A_314, %swap3A_315, %swap3A_316], %swap3A_319 {strides = array<i32>} : memref<2x128x128xf32, #tpu.memory_space<vmem>>, vector<1x1x16xf32>,
      %mul3A_320 = arith.constant 4 : i32
      %mul3A_321 = arith.muli %scan3A_286, %mul3A_320 : i32
      %add3A_322 = arith.constant 1 : i32
      %add3A_323 = arith.addi %mul3A_321, %add3A_322 : i32
      %add3A_324 = arith.constant 0 : i32
      %add3A_325 = arith.addi %add3A_324, %add3A_323 : i32
      %get3A_326 = arith.constant 0 : i32
      %get3A_327 = arith.index_cast %get3A_326 : i32 to index
      %get3A_328 = arith.index_cast %add3A_325 : i32 to index
      %get3A_329 = arith.constant 0 : index
      %get3A_330 = tpu.vector_load %arg6[%get3A_327, %get3A_328, %get3A_329] {strides = array<i32>} : memref<1x512x32xf32, #tpu.memory_space<vmem>>, vector<1x1x16xf32>,
      %get3A_331 = vector.shape_cast %get3A_330 : vector<1x1x16xf32> to vector<16xf32>
      %swap3A_332 = arith.constant 0 : i32
      %swap3A_333 = arith.index_cast %swap3A_332 : i32 to index
      %swap3A_334 = arith.index_cast %add3A_323 : i32 to index
      %swap3A_335 = arith.constant 0 : index
      %swap3A_336 = tpu.vector_load %arg7[%swap3A_333, %swap3A_334, %swap3A_335] {strides = array<i32>} : memref<2x128x128xf32, #tpu.memory_space<vmem>>, vector<1x1x16xf32>,
      %swap3A_337 = vector.shape_cast %swap3A_336 : vector<1x1x16xf32> to vector<16xf32>
      %swap3A_338 = vector.shape_cast %get3A_331 : vector<16xf32> to vector<1x1x16xf32>
      tpu.vector_store %arg7[%swap3A_333, %swap3A_334, %swap3A_335], %swap3A_338 {strides = array<i32>} : memref<2x128x128xf32, #tpu.memory_space<vmem>>, vector<1x1x16xf32>,
      %add3A_339 = arith.constant 0 : i32
      %add3A_340 = arith.addi %add3A_339, %add3A_323 : i32
      %get3A_341 = arith.constant 0 : i32
      %get3A_342 = arith.index_cast %get3A_341 : i32 to index
      %get3A_343 = arith.index_cast %add3A_340 : i32 to index
      %get3A_344 = arith.constant 16 : index
      %get3A_345 = tpu.vector_load %arg6[%get3A_342, %get3A_343, %get3A_344] {strides = array<i32>} : memref<1x512x32xf32, #tpu.memory_space<vmem>>, vector<1x1x16xf32>,
      %get3A_346 = vector.shape_cast %get3A_345 : vector<1x1x16xf32> to vector<16xf32>
      %swap3A_347 = arith.constant 0 : i32
      %swap3A_348 = arith.index_cast %swap3A_347 : i32 to index
      %swap3A_349 = arith.index_cast %add3A_323 : i32 to index
      %swap3A_350 = arith.constant 16 : index
      %swap3A_351 = tpu.vector_load %arg7[%swap3A_348, %swap3A_349, %swap3A_350] {strides = array<i32>} : memref<2x128x128xf32, #tpu.memory_space<vmem>>, vector<1x1x16xf32>,
      %swap3A_352 = vector.shape_cast %swap3A_351 : vector<1x1x16xf32> to vector<16xf32>
      %swap3A_353 = vector.shape_cast %get3A_346 : vector<16xf32> to vector<1x1x16xf32>
      tpu.vector_store %arg7[%swap3A_348, %swap3A_349, %swap3A_350], %swap3A_353 {strides = array<i32>} : memref<2x128x128xf32, #tpu.memory_space<vmem>>, vector<1x1x16xf32>,
      %mul3A_354 = arith.constant 4 : i32
      %mul3A_355 = arith.muli %scan3A_286, %mul3A_354 : i32
      %add3A_356 = arith.constant 2 : i32
      %add3A_357 = arith.addi %mul3A_355, %add3A_356 : i32
      %add3A_358 = arith.constant 0 : i32
      %add3A_359 = arith.addi %add3A_358, %add3A_357 : i32
      %get3A_360 = arith.constant 0 : i32
      %get3A_361 = arith.index_cast %get3A_360 : i32 to index
      %get3A_362 = arith.index_cast %add3A_359 : i32 to index
      %get3A_363 = arith.constant 0 : index
      %get3A_364 = tpu.vector_load %arg6[%get3A_361, %get3A_362, %get3A_363] {strides = array<i32>} : memref<1x512x32xf32, #tpu.memory_space<vmem>>, vector<1x1x16xf32>,
      %get3A_365 = vector.shape_cast %get3A_364 : vector<1x1x16xf32> to vector<16xf32>
      %swap3A_366 = arith.constant 0 : i32
      %swap3A_367 = arith.index_cast %swap3A_366 : i32 to index
      %swap3A_368 = arith.index_cast %add3A_357 : i32 to index
      %swap3A_369 = arith.constant 0 : index
      %swap3A_370 = tpu.vector_load %arg7[%swap3A_367, %swap3A_368, %swap3A_369] {strides = array<i32>} : memref<2x128x128xf32, #tpu.memory_space<vmem>>, vector<1x1x16xf32>,
      %swap3A_371 = vector.shape_cast %swap3A_370 : vector<1x1x16xf32> to vector<16xf32>
      %swap3A_372 = vector.shape_cast %get3A_365 : vector<16xf32> to vector<1x1x16xf32>
      tpu.vector_store %arg7[%swap3A_367, %swap3A_368, %swap3A_369], %swap3A_372 {strides = array<i32>} : memref<2x128x128xf32, #tpu.memory_space<vmem>>, vector<1x1x16xf32>,
      %add3A_373 = arith.constant 0 : i32
      %add3A_374 = arith.addi %add3A_373, %add3A_357 : i32
      %get3A_375 = arith.constant 0 : i32
      %get3A_376 = arith.index_cast %get3A_375 : i32 to index
      %get3A_377 = arith.index_cast %add3A_374 : i32 to index
      %get3A_378 = arith.constant 16 : index
      %get3A_379 = tpu.vector_load %arg6[%get3A_376, %get3A_377, %get3A_378] {strides = array<i32>} : memref<1x512x32xf32, #tpu.memory_space<vmem>>, vector<1x1x16xf32>,
      %get3A_380 = vector.shape_cast %get3A_379 : vector<1x1x16xf32> to vector<16xf32>
      %swap3A_381 = arith.constant 0 : i32
      %swap3A_382 = arith.index_cast %swap3A_381 : i32 to index
      %swap3A_383 = arith.index_cast %add3A_357 : i32 to index
      %swap3A_384 = arith.constant 16 : index
      %swap3A_385 = tpu.vector_load %arg7[%swap3A_382, %swap3A_383, %swap3A_384] {strides = array<i32>} : memref<2x128x128xf32, #tpu.memory_space<vmem>>, vector<1x1x16xf32>,
      %swap3A_386 = vector.shape_cast %swap3A_385 : vector<1x1x16xf32> to vector<16xf32>
      %swap3A_387 = vector.shape_cast %get3A_380 : vector<16xf32> to vector<1x1x16xf32>
      tpu.vector_store %arg7[%swap3A_382, %swap3A_383, %swap3A_384], %swap3A_387 {strides = array<i32>} : memref<2x128x128xf32, #tpu.memory_space<vmem>>, vector<1x1x16xf32>,
      %mul3A_388 = arith.constant 4 : i32
      %mul3A_389 = arith.muli %scan3A_286, %mul3A_388 : i32
      %add3A_390 = arith.constant 3 : i32
      %add3A_391 = arith.addi %mul3A_389, %add3A_390 : i32
      %add3A_392 = arith.constant 0 : i32
      %add3A_393 = arith.addi %add3A_392, %add3A_391 : i32
      %get3A_394 = arith.constant 0 : i32
      %get3A_395 = arith.index_cast %get3A_394 : i32 to index
      %get3A_396 = arith.index_cast %add3A_393 : i32 to index
      %get3A_397 = arith.constant 0 : index
      %get3A_398 = tpu.vector_load %arg6[%get3A_395, %get3A_396, %get3A_397] {strides = array<i32>} : memref<1x512x32xf32, #tpu.memory_space<vmem>>, vector<1x1x16xf32>,
      %get3A_399 = vector.shape_cast %get3A_398 : vector<1x1x16xf32> to vector<16xf32>
      %swap3A_400 = arith.constant 0 : i32
      %swap3A_401 = arith.index_cast %swap3A_400 : i32 to index
      %swap3A_402 = arith.index_cast %add3A_391 : i32 to index
      %swap3A_403 = arith.constant 0 : index
      %swap3A_404 = tpu.vector_load %arg7[%swap3A_401, %swap3A_402, %swap3A_403] {strides = array<i32>} : memref<2x128x128xf32, #tpu.memory_space<vmem>>, vector<1x1x16xf32>,
      %swap3A_405 = vector.shape_cast %swap3A_404 : vector<1x1x16xf32> to vector<16xf32>
      %swap3A_406 = vector.shape_cast %get3A_399 : vector<16xf32> to vector<1x1x16xf32>
      tpu.vector_store %arg7[%swap3A_401, %swap3A_402, %swap3A_403], %swap3A_406 {strides = array<i32>} : memref<2x128x128xf32, #tpu.memory_space<vmem>>, vector<1x1x16xf32>,
      %add3A_407 = arith.constant 0 : i32
      %add3A_408 = arith.addi %add3A_407, %add3A_391 : i32
      %get3A_409 = arith.constant 0 : i32
      %get3A_410 = arith.index_cast %get3A_409 : i32 to index
      %get3A_411 = arith.index_cast %add3A_408 : i32 to index
      %get3A_412 = arith.constant 16 : index
      %get3A_413 = tpu.vector_load %arg6[%get3A_410, %get3A_411, %get3A_412] {strides = array<i32>} : memref<1x512x32xf32, #tpu.memory_space<vmem>>, vector<1x1x16xf32>,
      %get3A_414 = vector.shape_cast %get3A_413 : vector<1x1x16xf32> to vector<16xf32>
      %swap3A_415 = arith.constant 0 : i32
      %swap3A_416 = arith.index_cast %swap3A_415 : i32 to index
      %swap3A_417 = arith.index_cast %add3A_391 : i32 to index
      %swap3A_418 = arith.constant 16 : index
      %swap3A_419 = tpu.vector_load %arg7[%swap3A_416, %swap3A_417, %swap3A_418] {strides = array<i32>} : memref<2x128x128xf32, #tpu.memory_space<vmem>>, vector<1x1x16xf32>,
      %swap3A_420 = vector.shape_cast %swap3A_419 : vector<1x1x16xf32> to vector<16xf32>
      %swap3A_421 = vector.shape_cast %get3A_414 : vector<16xf32> to vector<1x1x16xf32>
      tpu.vector_store %arg7[%swap3A_416, %swap3A_417, %swap3A_418], %swap3A_421 {strides = array<i32>} : memref<2x128x128xf32, #tpu.memory_space<vmem>>, vector<1x1x16xf32>,
      %scan3A_422 = arith.constant 0 : i32
      scf.yield %scan3A_422 : i32
    }
    %scan3A_107 = arith.constant 32 : i32
    %add3A_108 = arith.constant 0 : i32
    %add3A_109 = arith.addi %mul3A_2, %add3A_108 : i32
    %dma_start3A_110 = arith.constant 0 : i32
    %dma_start3A_111 = arith.constant 0 : i32
    %dma_start3A_112 = arith.constant 0 : i32
    %dma_start3A_113 = tpu.memref_slice %arg7[%dma_start3A_110, %dma_start3A_111, %dma_start3A_112] : memref<2x128x128xf32, #tpu.memory_space<vmem>> -> memref<1x128x128xf32, #tpu.memory_space<vmem>>
    %dma_start3A_114 = tpu.memref_squeeze %dma_start3A_113 : memref<1x128x128xf32, #tpu.memory_space<vmem>> -> memref<128x128xf32, #tpu.memory_space<vmem>>
    %dma_start3A_115 = arith.constant 0 : i32
    %dma_start3A_116 = tpu.memref_slice %arg4[%add3A_109, %dma_start3A_115] : memref<16384x128xf32, #tpu.memory_space<hbm>> -> memref<128x128xf32, #tpu.memory_space<hbm>>
    %dma_start3A_117 = arith.constant 0 : i32
    %dma_start3A_118 = tpu.memref_slice %arg4[%add3A_109, %dma_start3A_117] : memref<16384x128xf32, #tpu.memory_space<hbm>> -> memref<128x128xf32, #tpu.memory_space<hbm>>
    %dma_start3A_119 = arith.constant 0 : i32
    %dma_start3A_120 = arith.constant 0 : i32
    %dma_start3A_121 = tpu.memref_slice %arg7[%dma_start3A_110, %dma_start3A_119, %dma_start3A_120] : memref<2x128x128xf32, #tpu.memory_space<vmem>> -> memref<1x128x128xf32, #tpu.memory_space<vmem>>
    %dma_start3A_122 = tpu.memref_squeeze %dma_start3A_121 : memref<1x128x128xf32, #tpu.memory_space<vmem>> -> memref<128x128xf32, #tpu.memory_space<vmem>>
    tpu.enqueue_dma source(%dma_start3A_122 : memref<128x128xf32, #tpu.memory_space<vmem>>) target(%dma_start3A_118 : memref<128x128xf32, #tpu.memory_space<hbm>>) target_semaphore(%arg13 : memref<!tpu.dma_semaphore, #tpu.memory_space<semaphore_mem>>)
    %dma_wait3A_123 = arith.constant 0 : i32
    %dma_wait3A_124 = arith.constant 0 : i32
    %dma_wait3A_125 = arith.constant 0 : i32
    %dma_wait3A_126 = arith.constant 0 : i32
    %dma_wait3A_127 = tpu.memref_slice %arg6[%dma_wait3A_124, %dma_wait3A_125, %dma_wait3A_126] : memref<1x512x32xf32, #tpu.memory_space<vmem>> -> memref<1x512x32xf32, #tpu.memory_space<vmem>>
    %dma_wait3A_128 = tpu.memref_squeeze %dma_wait3A_127 : memref<1x512x32xf32, #tpu.memory_space<vmem>> -> memref<512x32xf32, #tpu.memory_space<vmem>>
    %dma_wait3A_129 = arith.constant 128 : i32
    %dma_wait3A_130 = arith.constant 0 : i32
    %dma_wait3A_131 = tpu.memref_slice %dma_wait3A_128[%dma_wait3A_129, %dma_wait3A_130] : memref<512x32xf32, #tpu.memory_space<vmem>> -> memref<128x32xf32, #tpu.memory_space<vmem>>
    %dma_wait3A_132 = arith.constant 128 : i32
    %dma_wait3A_133 = tpu.memref_slice %arg5[%dma_wait3A_123, %dma_wait3A_132] : memref<1x512xi32, #tpu.memory_space<vmem>> -> memref<1x128xi32, #tpu.memory_space<vmem>>
    %dma_wait3A_134 = tpu.memref_squeeze %dma_wait3A_133 : memref<1x128xi32, #tpu.memory_space<vmem>> -> memref<128xi32, #tpu.memory_space<vmem>>
    %dma_wait3A_135 = arith.constant 0 : i32
    %dma_wait3A_136 = arith.constant 0 : i32
    %dma_wait3A_137 = tpu.memref_slice %arg3[%dma_wait3A_135, %dma_wait3A_136] : memref<1015808x32xf32, #tpu.memory_space<hbm>> -> memref<1015808x32xf32, #tpu.memory_space<hbm>>
    tpu.wait_indirect_dma semaphore(%arg10 : memref<!tpu.dma_semaphore, #tpu.memory_space<semaphore_mem>>) src(%dma_wait3A_137 : memref<1015808x32xf32, #tpu.memory_space<hbm>>) dst(%dma_wait3A_131 : memref<128x32xf32, #tpu.memory_space<vmem>>)
    %scan3A_138 = arith.constant 0 : i32
    %scan3A_139 = arith.constant 0 : i32
    %scan3A_140 = arith.constant 32 : i32
    %scan3A_141 = arith.addi %scan3A_139, %scan3A_140 : i32
    %scan3A_142 = arith.constant 1 : i32
    %scan3A_143 = scf.for %scan3A_286 = %scan3A_139 to %scan3A_141 step %scan3A_142 iter_args(%scan3A_287 = %scan3A_138) -> (i32)  : i32 {
      %mul3A_288 = arith.constant 4 : i32
      %mul3A_289 = arith.muli %scan3A_286, %mul3A_288 : i32
      %add3A_290 = arith.constant 0 : i32
      %add3A_291 = arith.addi %mul3A_289, %add3A_290 : i32
      %add3A_292 = arith.constant 128 : i32
      %add3A_293 = arith.addi %add3A_292, %add3A_291 : i32
      %get3A = arith.constant 0 : i32
      %get3A_294 = arith.index_cast %get3A : i32 to index
      %get3A_295 = arith.index_cast %add3A_293 : i32 to index
      %get3A_296 = arith.constant 0 : index
      %get3A_297 = tpu.vector_load %arg6[%get3A_294, %get3A_295, %get3A_296] {strides = array<i32>} : memref<1x512x32xf32, #tpu.memory_space<vmem>>, vector<1x1x16xf32>,
      %get3A_298 = vector.shape_cast %get3A_297 : vector<1x1x16xf32> to vector<16xf32>
      %swap3A = arith.constant 1 : i32
      %swap3A_299 = arith.index_cast %swap3A : i32 to index
      %swap3A_300 = arith.index_cast %add3A_291 : i32 to index
      %swap3A_301 = arith.constant 0 : index
      %swap3A_302 = tpu.vector_load %arg7[%swap3A_299, %swap3A_300, %swap3A_301] {strides = array<i32>} : memref<2x128x128xf32, #tpu.memory_space<vmem>>, vector<1x1x16xf32>,
      %swap3A_303 = vector.shape_cast %swap3A_302 : vector<1x1x16xf32> to vector<16xf32>
      %swap3A_304 = vector.shape_cast %get3A_298 : vector<16xf32> to vector<1x1x16xf32>
      tpu.vector_store %arg7[%swap3A_299, %swap3A_300, %swap3A_301], %swap3A_304 {strides = array<i32>} : memref<2x128x128xf32, #tpu.memory_space<vmem>>, vector<1x1x16xf32>,
      %add3A_305 = arith.constant 128 : i32
      %add3A_306 = arith.addi %add3A_305, %add3A_291 : i32
      %get3A_307 = arith.constant 0 : i32
      %get3A_308 = arith.index_cast %get3A_307 : i32 to index
      %get3A_309 = arith.index_cast %add3A_306 : i32 to index
      %get3A_310 = arith.constant 16 : index
      %get3A_311 = tpu.vector_load %arg6[%get3A_308, %get3A_309, %get3A_310] {strides = array<i32>} : memref<1x512x32xf32, #tpu.memory_space<vmem>>, vector<1x1x16xf32>,
      %get3A_312 = vector.shape_cast %get3A_311 : vector<1x1x16xf32> to vector<16xf32>
      %swap3A_313 = arith.constant 1 : i32
      %swap3A_314 = arith.index_cast %swap3A_313 : i32 to index
      %swap3A_315 = arith.index_cast %add3A_291 : i32 to index
      %swap3A_316 = arith.constant 16 : index
      %swap3A_317 = tpu.vector_load %arg7[%swap3A_314, %swap3A_315, %swap3A_316] {strides = array<i32>} : memref<2x128x128xf32, #tpu.memory_space<vmem>>, vector<1x1x16xf32>,
      %swap3A_318 = vector.shape_cast %swap3A_317 : vector<1x1x16xf32> to vector<16xf32>
      %swap3A_319 = vector.shape_cast %get3A_312 : vector<16xf32> to vector<1x1x16xf32>
      tpu.vector_store %arg7[%swap3A_314, %swap3A_315, %swap3A_316], %swap3A_319 {strides = array<i32>} : memref<2x128x128xf32, #tpu.memory_space<vmem>>, vector<1x1x16xf32>,
      %mul3A_320 = arith.constant 4 : i32
      %mul3A_321 = arith.muli %scan3A_286, %mul3A_320 : i32
      %add3A_322 = arith.constant 1 : i32
      %add3A_323 = arith.addi %mul3A_321, %add3A_322 : i32
      %add3A_324 = arith.constant 128 : i32
      %add3A_325 = arith.addi %add3A_324, %add3A_323 : i32
      %get3A_326 = arith.constant 0 : i32
      %get3A_327 = arith.index_cast %get3A_326 : i32 to index
      %get3A_328 = arith.index_cast %add3A_325 : i32 to index
      %get3A_329 = arith.constant 0 : index
      %get3A_330 = tpu.vector_load %arg6[%get3A_327, %get3A_328, %get3A_329] {strides = array<i32>} : memref<1x512x32xf32, #tpu.memory_space<vmem>>, vector<1x1x16xf32>,
      %get3A_331 = vector.shape_cast %get3A_330 : vector<1x1x16xf32> to vector<16xf32>
      %swap3A_332 = arith.constant 1 : i32
      %swap3A_333 = arith.index_cast %swap3A_332 : i32 to index
      %swap3A_334 = arith.index_cast %add3A_323 : i32 to index
      %swap3A_335 = arith.constant 0 : index
      %swap3A_336 = tpu.vector_load %arg7[%swap3A_333, %swap3A_334, %swap3A_335] {strides = array<i32>} : memref<2x128x128xf32, #tpu.memory_space<vmem>>, vector<1x1x16xf32>,
      %swap3A_337 = vector.shape_cast %swap3A_336 : vector<1x1x16xf32> to vector<16xf32>
      %swap3A_338 = vector.shape_cast %get3A_331 : vector<16xf32> to vector<1x1x16xf32>
      tpu.vector_store %arg7[%swap3A_333, %swap3A_334, %swap3A_335], %swap3A_338 {strides = array<i32>} : memref<2x128x128xf32, #tpu.memory_space<vmem>>, vector<1x1x16xf32>,
      %add3A_339 = arith.constant 128 : i32
      %add3A_340 = arith.addi %add3A_339, %add3A_323 : i32
      %get3A_341 = arith.constant 0 : i32
      %get3A_342 = arith.index_cast %get3A_341 : i32 to index
      %get3A_343 = arith.index_cast %add3A_340 : i32 to index
      %get3A_344 = arith.constant 16 : index
      %get3A_345 = tpu.vector_load %arg6[%get3A_342, %get3A_343, %get3A_344] {strides = array<i32>} : memref<1x512x32xf32, #tpu.memory_space<vmem>>, vector<1x1x16xf32>,
      %get3A_346 = vector.shape_cast %get3A_345 : vector<1x1x16xf32> to vector<16xf32>
      %swap3A_347 = arith.constant 1 : i32
      %swap3A_348 = arith.index_cast %swap3A_347 : i32 to index
      %swap3A_349 = arith.index_cast %add3A_323 : i32 to index
      %swap3A_350 = arith.constant 16 : index
      %swap3A_351 = tpu.vector_load %arg7[%swap3A_348, %swap3A_349, %swap3A_350] {strides = array<i32>} : memref<2x128x128xf32, #tpu.memory_space<vmem>>, vector<1x1x16xf32>,
      %swap3A_352 = vector.shape_cast %swap3A_351 : vector<1x1x16xf32> to vector<16xf32>
      %swap3A_353 = vector.shape_cast %get3A_346 : vector<16xf32> to vector<1x1x16xf32>
      tpu.vector_store %arg7[%swap3A_348, %swap3A_349, %swap3A_350], %swap3A_353 {strides = array<i32>} : memref<2x128x128xf32, #tpu.memory_space<vmem>>, vector<1x1x16xf32>,
      %mul3A_354 = arith.constant 4 : i32
      %mul3A_355 = arith.muli %scan3A_286, %mul3A_354 : i32
      %add3A_356 = arith.constant 2 : i32
      %add3A_357 = arith.addi %mul3A_355, %add3A_356 : i32
      %add3A_358 = arith.constant 128 : i32
      %add3A_359 = arith.addi %add3A_358, %add3A_357 : i32
      %get3A_360 = arith.constant 0 : i32
      %get3A_361 = arith.index_cast %get3A_360 : i32 to index
      %get3A_362 = arith.index_cast %add3A_359 : i32 to index
      %get3A_363 = arith.constant 0 : index
      %get3A_364 = tpu.vector_load %arg6[%get3A_361, %get3A_362, %get3A_363] {strides = array<i32>} : memref<1x512x32xf32, #tpu.memory_space<vmem>>, vector<1x1x16xf32>,
      %get3A_365 = vector.shape_cast %get3A_364 : vector<1x1x16xf32> to vector<16xf32>
      %swap3A_366 = arith.constant 1 : i32
      %swap3A_367 = arith.index_cast %swap3A_366 : i32 to index
      %swap3A_368 = arith.index_cast %add3A_357 : i32 to index
      %swap3A_369 = arith.constant 0 : index
      %swap3A_370 = tpu.vector_load %arg7[%swap3A_367, %swap3A_368, %swap3A_369] {strides = array<i32>} : memref<2x128x128xf32, #tpu.memory_space<vmem>>, vector<1x1x16xf32>,
      %swap3A_371 = vector.shape_cast %swap3A_370 : vector<1x1x16xf32> to vector<16xf32>
      %swap3A_372 = vector.shape_cast %get3A_365 : vector<16xf32> to vector<1x1x16xf32>
      tpu.vector_store %arg7[%swap3A_367, %swap3A_368, %swap3A_369], %swap3A_372 {strides = array<i32>} : memref<2x128x128xf32, #tpu.memory_space<vmem>>, vector<1x1x16xf32>,
      %add3A_373 = arith.constant 128 : i32
      %add3A_374 = arith.addi %add3A_373, %add3A_357 : i32
      %get3A_375 = arith.constant 0 : i32
      %get3A_376 = arith.index_cast %get3A_375 : i32 to index
      %get3A_377 = arith.index_cast %add3A_374 : i32 to index
      %get3A_378 = arith.constant 16 : index
      %get3A_379 = tpu.vector_load %arg6[%get3A_376, %get3A_377, %get3A_378] {strides = array<i32>} : memref<1x512x32xf32, #tpu.memory_space<vmem>>, vector<1x1x16xf32>,
      %get3A_380 = vector.shape_cast %get3A_379 : vector<1x1x16xf32> to vector<16xf32>
      %swap3A_381 = arith.constant 1 : i32
      %swap3A_382 = arith.index_cast %swap3A_381 : i32 to index
      %swap3A_383 = arith.index_cast %add3A_357 : i32 to index
      %swap3A_384 = arith.constant 16 : index
      %swap3A_385 = tpu.vector_load %arg7[%swap3A_382, %swap3A_383, %swap3A_384] {strides = array<i32>} : memref<2x128x128xf32, #tpu.memory_space<vmem>>, vector<1x1x16xf32>,
      %swap3A_386 = vector.shape_cast %swap3A_385 : vector<1x1x16xf32> to vector<16xf32>
      %swap3A_387 = vector.shape_cast %get3A_380 : vector<16xf32> to vector<1x1x16xf32>
      tpu.vector_store %arg7[%swap3A_382, %swap3A_383, %swap3A_384], %swap3A_387 {strides = array<i32>} : memref<2x128x128xf32, #tpu.memory_space<vmem>>, vector<1x1x16xf32>,
      %mul3A_388 = arith.constant 4 : i32
      %mul3A_389 = arith.muli %scan3A_286, %mul3A_388 : i32
      %add3A_390 = arith.constant 3 : i32
      %add3A_391 = arith.addi %mul3A_389, %add3A_390 : i32
      %add3A_392 = arith.constant 128 : i32
      %add3A_393 = arith.addi %add3A_392, %add3A_391 : i32
      %get3A_394 = arith.constant 0 : i32
      %get3A_395 = arith.index_cast %get3A_394 : i32 to index
      %get3A_396 = arith.index_cast %add3A_393 : i32 to index
      %get3A_397 = arith.constant 0 : index
      %get3A_398 = tpu.vector_load %arg6[%get3A_395, %get3A_396, %get3A_397] {strides = array<i32>} : memref<1x512x32xf32, #tpu.memory_space<vmem>>, vector<1x1x16xf32>,
      %get3A_399 = vector.shape_cast %get3A_398 : vector<1x1x16xf32> to vector<16xf32>
      %swap3A_400 = arith.constant 1 : i32
      %swap3A_401 = arith.index_cast %swap3A_400 : i32 to index
      %swap3A_402 = arith.index_cast %add3A_391 : i32 to index
      %swap3A_403 = arith.constant 0 : index
      %swap3A_404 = tpu.vector_load %arg7[%swap3A_401, %swap3A_402, %swap3A_403] {strides = array<i32>} : memref<2x128x128xf32, #tpu.memory_space<vmem>>, vector<1x1x16xf32>,
      %swap3A_405 = vector.shape_cast %swap3A_404 : vector<1x1x16xf32> to vector<16xf32>
      %swap3A_406 = vector.shape_cast %get3A_399 : vector<16xf32> to vector<1x1x16xf32>
      tpu.vector_store %arg7[%swap3A_401, %swap3A_402, %swap3A_403], %swap3A_406 {strides = array<i32>} : memref<2x128x128xf32, #tpu.memory_space<vmem>>, vector<1x1x16xf32>,
      %add3A_407 = arith.constant 128 : i32
      %add3A_408 = arith.addi %add3A_407, %add3A_391 : i32
      %get3A_409 = arith.constant 0 : i32
      %get3A_410 = arith.index_cast %get3A_409 : i32 to index
      %get3A_411 = arith.index_cast %add3A_408 : i32 to index
      %get3A_412 = arith.constant 16 : index
      %get3A_413 = tpu.vector_load %arg6[%get3A_410, %get3A_411, %get3A_412] {strides = array<i32>} : memref<1x512x32xf32, #tpu.memory_space<vmem>>, vector<1x1x16xf32>,
      %get3A_414 = vector.shape_cast %get3A_413 : vector<1x1x16xf32> to vector<16xf32>
      %swap3A_415 = arith.constant 1 : i32
      %swap3A_416 = arith.index_cast %swap3A_415 : i32 to index
      %swap3A_417 = arith.index_cast %add3A_391 : i32 to index
      %swap3A_418 = arith.constant 16 : index
      %swap3A_419 = tpu.vector_load %arg7[%swap3A_416, %swap3A_417, %swap3A_418] {strides = array<i32>} : memref<2x128x128xf32, #tpu.memory_space<vmem>>, vector<1x1x16xf32>,
      %swap3A_420 = vector.shape_cast %swap3A_419 : vector<1x1x16xf32> to vector<16xf32>
      %swap3A_421 = vector.shape_cast %get3A_414 : vector<16xf32> to vector<1x1x16xf32>
      tpu.vector_store %arg7[%swap3A_416, %swap3A_417, %swap3A_418], %swap3A_421 {strides = array<i32>} : memref<2x128x128xf32, #tpu.memory_space<vmem>>, vector<1x1x16xf32>,
      %scan3A_422 = arith.constant 0 : i32
      scf.yield %scan3A_422 : i32
    }
    %scan3A_144 = arith.constant 32 : i32
    %add3A_145 = arith.constant 128 : i32
    %add3A_146 = arith.addi %mul3A_2, %add3A_145 : i32
    %dma_start3A_147 = arith.constant 1 : i32
    %dma_start3A_148 = arith.constant 0 : i32
    %dma_start3A_149 = arith.constant 0 : i32
    %dma_start3A_150 = tpu.memref_slice %arg7[%dma_start3A_147, %dma_start3A_148, %dma_start3A_149] : memref<2x128x128xf32, #tpu.memory_space<vmem>> -> memref<1x128x128xf32, #tpu.memory_space<vmem>>
    %dma_start3A_151 = tpu.memref_squeeze %dma_start3A_150 : memref<1x128x128xf32, #tpu.memory_space<vmem>> -> memref<128x128xf32, #tpu.memory_space<vmem>>
    %dma_start3A_152 = arith.constant 0 : i32
    %dma_start3A_153 = tpu.memref_slice %arg4[%add3A_146, %dma_start3A_152] : memref<16384x128xf32, #tpu.memory_space<hbm>> -> memref<128x128xf32, #tpu.memory_space<hbm>>
    %dma_start3A_154 = arith.constant 0 : i32
    %dma_start3A_155 = tpu.memref_slice %arg4[%add3A_146, %dma_start3A_154] : memref<16384x128xf32, #tpu.memory_space<hbm>> -> memref<128x128xf32, #tpu.memory_space<hbm>>
    %dma_start3A_156 = arith.constant 0 : i32
    %dma_start3A_157 = arith.constant 0 : i32
    %dma_start3A_158 = tpu.memref_slice %arg7[%dma_start3A_147, %dma_start3A_156, %dma_start3A_157] : memref<2x128x128xf32, #tpu.memory_space<vmem>> -> memref<1x128x128xf32, #tpu.memory_space<vmem>>
    %dma_start3A_159 = tpu.memref_squeeze %dma_start3A_158 : memref<1x128x128xf32, #tpu.memory_space<vmem>> -> memref<128x128xf32, #tpu.memory_space<vmem>>
    tpu.enqueue_dma source(%dma_start3A_159 : memref<128x128xf32, #tpu.memory_space<vmem>>) target(%dma_start3A_155 : memref<128x128xf32, #tpu.memory_space<hbm>>) target_semaphore(%arg13 : memref<!tpu.dma_semaphore, #tpu.memory_space<semaphore_mem>>)
    %dma_wait3A_160 = arith.constant 0 : i32
    %dma_wait3A_161 = arith.constant 0 : i32
    %dma_wait3A_162 = arith.constant 0 : i32
    %dma_wait3A_163 = arith.constant 0 : i32
    %dma_wait3A_164 = tpu.memref_slice %arg6[%dma_wait3A_161, %dma_wait3A_162, %dma_wait3A_163] : memref<1x512x32xf32, #tpu.memory_space<vmem>> -> memref<1x512x32xf32, #tpu.memory_space<vmem>>
    %dma_wait3A_165 = tpu.memref_squeeze %dma_wait3A_164 : memref<1x512x32xf32, #tpu.memory_space<vmem>> -> memref<512x32xf32, #tpu.memory_space<vmem>>
    %dma_wait3A_166 = arith.constant 256 : i32
    %dma_wait3A_167 = arith.constant 0 : i32
    %dma_wait3A_168 = tpu.memref_slice %dma_wait3A_165[%dma_wait3A_166, %dma_wait3A_167] : memref<512x32xf32, #tpu.memory_space<vmem>> -> memref<128x32xf32, #tpu.memory_space<vmem>>
    %dma_wait3A_169 = arith.constant 256 : i32
    %dma_wait3A_170 = tpu.memref_slice %arg5[%dma_wait3A_160, %dma_wait3A_169] : memref<1x512xi32, #tpu.memory_space<vmem>> -> memref<1x128xi32, #tpu.memory_space<vmem>>
    %dma_wait3A_171 = tpu.memref_squeeze %dma_wait3A_170 : memref<1x128xi32, #tpu.memory_space<vmem>> -> memref<128xi32, #tpu.memory_space<vmem>>
    %dma_wait3A_172 = arith.constant 0 : i32
    %dma_wait3A_173 = arith.constant 0 : i32
    %dma_wait3A_174 = tpu.memref_slice %arg3[%dma_wait3A_172, %dma_wait3A_173] : memref<1015808x32xf32, #tpu.memory_space<hbm>> -> memref<1015808x32xf32, #tpu.memory_space<hbm>>
    tpu.wait_indirect_dma semaphore(%arg11 : memref<!tpu.dma_semaphore, #tpu.memory_space<semaphore_mem>>) src(%dma_wait3A_174 : memref<1015808x32xf32, #tpu.memory_space<hbm>>) dst(%dma_wait3A_168 : memref<128x32xf32, #tpu.memory_space<vmem>>)
    %dma_wait3A_175 = arith.constant 0 : i32
    %dma_wait3A_176 = arith.constant 0 : i32
    %dma_wait3A_177 = arith.constant 0 : i32
    %dma_wait3A_178 = tpu.memref_slice %arg7[%dma_wait3A_175, %dma_wait3A_176, %dma_wait3A_177] : memref<2x128x128xf32, #tpu.memory_space<vmem>> -> memref<1x128x128xf32, #tpu.memory_space<vmem>>
    %dma_wait3A_179 = tpu.memref_squeeze %dma_wait3A_178 : memref<1x128x128xf32, #tpu.memory_space<vmem>> -> memref<128x128xf32, #tpu.memory_space<vmem>>
    %dma_wait3A_180 = arith.constant 0 : i32
    %dma_wait3A_181 = tpu.memref_slice %arg4[%add3A_109, %dma_wait3A_180] : memref<16384x128xf32, #tpu.memory_space<hbm>> -> memref<128x128xf32, #tpu.memory_space<hbm>>
    %dma_wait3A_182 = arith.constant 0 : i32
    %dma_wait3A_183 = tpu.memref_slice %arg4[%add3A_109, %dma_wait3A_182] : memref<16384x128xf32, #tpu.memory_space<hbm>> -> memref<128x128xf32, #tpu.memory_space<hbm>>
    %dma_wait3A_184 = arith.constant 0 : i32
    %dma_wait3A_185 = arith.constant 0 : i32
    %dma_wait3A_186 = tpu.memref_slice %arg7[%dma_wait3A_175, %dma_wait3A_184, %dma_wait3A_185] : memref<2x128x128xf32, #tpu.memory_space<vmem>> -> memref<1x128x128xf32, #tpu.memory_space<vmem>>
    %dma_wait3A_187 = tpu.memref_squeeze %dma_wait3A_186 : memref<1x128x128xf32, #tpu.memory_space<vmem>> -> memref<128x128xf32, #tpu.memory_space<vmem>>
    tpu.wait_dma2 semaphore(%arg13 : memref<!tpu.dma_semaphore, #tpu.memory_space<semaphore_mem>>) src(%dma_wait3A_187 : memref<128x128xf32, #tpu.memory_space<vmem>>) dst(%dma_wait3A_183 : memref<128x128xf32, #tpu.memory_space<hbm>>)
    %scan3A_188 = arith.constant 0 : i32
    %scan3A_189 = arith.constant 0 : i32
    %scan3A_190 = arith.constant 32 : i32
    %scan3A_191 = arith.addi %scan3A_189, %scan3A_190 : i32
    %scan3A_192 = arith.constant 1 : i32
    %scan3A_193 = scf.for %scan3A_286 = %scan3A_189 to %scan3A_191 step %scan3A_192 iter_args(%scan3A_287 = %scan3A_188) -> (i32)  : i32 {
      %mul3A_288 = arith.constant 4 : i32
      %mul3A_289 = arith.muli %scan3A_286, %mul3A_288 : i32
      %add3A_290 = arith.constant 0 : i32
      %add3A_291 = arith.addi %mul3A_289, %add3A_290 : i32
      %add3A_292 = arith.constant 256 : i32
      %add3A_293 = arith.addi %add3A_292, %add3A_291 : i32
      %get3A = arith.constant 0 : i32
      %get3A_294 = arith.index_cast %get3A : i32 to index
      %get3A_295 = arith.index_cast %add3A_293 : i32 to index
      %get3A_296 = arith.constant 0 : index
      %get3A_297 = tpu.vector_load %arg6[%get3A_294, %get3A_295, %get3A_296] {strides = array<i32>} : memref<1x512x32xf32, #tpu.memory_space<vmem>>, vector<1x1x16xf32>,
      %get3A_298 = vector.shape_cast %get3A_297 : vector<1x1x16xf32> to vector<16xf32>
      %swap3A = arith.constant 0 : i32
      %swap3A_299 = arith.index_cast %swap3A : i32 to index
      %swap3A_300 = arith.index_cast %add3A_291 : i32 to index
      %swap3A_301 = arith.constant 0 : index
      %swap3A_302 = tpu.vector_load %arg7[%swap3A_299, %swap3A_300, %swap3A_301] {strides = array<i32>} : memref<2x128x128xf32, #tpu.memory_space<vmem>>, vector<1x1x16xf32>,
      %swap3A_303 = vector.shape_cast %swap3A_302 : vector<1x1x16xf32> to vector<16xf32>
      %swap3A_304 = vector.shape_cast %get3A_298 : vector<16xf32> to vector<1x1x16xf32>
      tpu.vector_store %arg7[%swap3A_299, %swap3A_300, %swap3A_301], %swap3A_304 {strides = array<i32>} : memref<2x128x128xf32, #tpu.memory_space<vmem>>, vector<1x1x16xf32>,
      %add3A_305 = arith.constant 256 : i32
      %add3A_306 = arith.addi %add3A_305, %add3A_291 : i32
      %get3A_307 = arith.constant 0 : i32
      %get3A_308 = arith.index_cast %get3A_307 : i32 to index
      %get3A_309 = arith.index_cast %add3A_306 : i32 to index
      %get3A_310 = arith.constant 16 : index
      %get3A_311 = tpu.vector_load %arg6[%get3A_308, %get3A_309, %get3A_310] {strides = array<i32>} : memref<1x512x32xf32, #tpu.memory_space<vmem>>, vector<1x1x16xf32>,
      %get3A_312 = vector.shape_cast %get3A_311 : vector<1x1x16xf32> to vector<16xf32>
      %swap3A_313 = arith.constant 0 : i32
      %swap3A_314 = arith.index_cast %swap3A_313 : i32 to index
      %swap3A_315 = arith.index_cast %add3A_291 : i32 to index
      %swap3A_316 = arith.constant 16 : index
      %swap3A_317 = tpu.vector_load %arg7[%swap3A_314, %swap3A_315, %swap3A_316] {strides = array<i32>} : memref<2x128x128xf32, #tpu.memory_space<vmem>>, vector<1x1x16xf32>,
      %swap3A_318 = vector.shape_cast %swap3A_317 : vector<1x1x16xf32> to vector<16xf32>
      %swap3A_319 = vector.shape_cast %get3A_312 : vector<16xf32> to vector<1x1x16xf32>
      tpu.vector_store %arg7[%swap3A_314, %swap3A_315, %swap3A_316], %swap3A_319 {strides = array<i32>} : memref<2x128x128xf32, #tpu.memory_space<vmem>>, vector<1x1x16xf32>,
      %mul3A_320 = arith.constant 4 : i32
      %mul3A_321 = arith.muli %scan3A_286, %mul3A_320 : i32
      %add3A_322 = arith.constant 1 : i32
      %add3A_323 = arith.addi %mul3A_321, %add3A_322 : i32
      %add3A_324 = arith.constant 256 : i32
      %add3A_325 = arith.addi %add3A_324, %add3A_323 : i32
      %get3A_326 = arith.constant 0 : i32
      %get3A_327 = arith.index_cast %get3A_326 : i32 to index
      %get3A_328 = arith.index_cast %add3A_325 : i32 to index
      %get3A_329 = arith.constant 0 : index
      %get3A_330 = tpu.vector_load %arg6[%get3A_327, %get3A_328, %get3A_329] {strides = array<i32>} : memref<1x512x32xf32, #tpu.memory_space<vmem>>, vector<1x1x16xf32>,
      %get3A_331 = vector.shape_cast %get3A_330 : vector<1x1x16xf32> to vector<16xf32>
      %swap3A_332 = arith.constant 0 : i32
      %swap3A_333 = arith.index_cast %swap3A_332 : i32 to index
      %swap3A_334 = arith.index_cast %add3A_323 : i32 to index
      %swap3A_335 = arith.constant 0 : index
      %swap3A_336 = tpu.vector_load %arg7[%swap3A_333, %swap3A_334, %swap3A_335] {strides = array<i32>} : memref<2x128x128xf32, #tpu.memory_space<vmem>>, vector<1x1x16xf32>,
      %swap3A_337 = vector.shape_cast %swap3A_336 : vector<1x1x16xf32> to vector<16xf32>
      %swap3A_338 = vector.shape_cast %get3A_331 : vector<16xf32> to vector<1x1x16xf32>
      tpu.vector_store %arg7[%swap3A_333, %swap3A_334, %swap3A_335], %swap3A_338 {strides = array<i32>} : memref<2x128x128xf32, #tpu.memory_space<vmem>>, vector<1x1x16xf32>,
      %add3A_339 = arith.constant 256 : i32
      %add3A_340 = arith.addi %add3A_339, %add3A_323 : i32
      %get3A_341 = arith.constant 0 : i32
      %get3A_342 = arith.index_cast %get3A_341 : i32 to index
      %get3A_343 = arith.index_cast %add3A_340 : i32 to index
      %get3A_344 = arith.constant 16 : index
      %get3A_345 = tpu.vector_load %arg6[%get3A_342, %get3A_343, %get3A_344] {strides = array<i32>} : memref<1x512x32xf32, #tpu.memory_space<vmem>>, vector<1x1x16xf32>,
      %get3A_346 = vector.shape_cast %get3A_345 : vector<1x1x16xf32> to vector<16xf32>
      %swap3A_347 = arith.constant 0 : i32
      %swap3A_348 = arith.index_cast %swap3A_347 : i32 to index
      %swap3A_349 = arith.index_cast %add3A_323 : i32 to index
      %swap3A_350 = arith.constant 16 : index
      %swap3A_351 = tpu.vector_load %arg7[%swap3A_348, %swap3A_349, %swap3A_350] {strides = array<i32>} : memref<2x128x128xf32, #tpu.memory_space<vmem>>, vector<1x1x16xf32>,
      %swap3A_352 = vector.shape_cast %swap3A_351 : vector<1x1x16xf32> to vector<16xf32>
      %swap3A_353 = vector.shape_cast %get3A_346 : vector<16xf32> to vector<1x1x16xf32>
      tpu.vector_store %arg7[%swap3A_348, %swap3A_349, %swap3A_350], %swap3A_353 {strides = array<i32>} : memref<2x128x128xf32, #tpu.memory_space<vmem>>, vector<1x1x16xf32>,
      %mul3A_354 = arith.constant 4 : i32
      %mul3A_355 = arith.muli %scan3A_286, %mul3A_354 : i32
      %add3A_356 = arith.constant 2 : i32
      %add3A_357 = arith.addi %mul3A_355, %add3A_356 : i32
      %add3A_358 = arith.constant 256 : i32
      %add3A_359 = arith.addi %add3A_358, %add3A_357 : i32
      %get3A_360 = arith.constant 0 : i32
      %get3A_361 = arith.index_cast %get3A_360 : i32 to index
      %get3A_362 = arith.index_cast %add3A_359 : i32 to index
      %get3A_363 = arith.constant 0 : index
      %get3A_364 = tpu.vector_load %arg6[%get3A_361, %get3A_362, %get3A_363] {strides = array<i32>} : memref<1x512x32xf32, #tpu.memory_space<vmem>>, vector<1x1x16xf32>,
      %get3A_365 = vector.shape_cast %get3A_364 : vector<1x1x16xf32> to vector<16xf32>
      %swap3A_366 = arith.constant 0 : i32
      %swap3A_367 = arith.index_cast %swap3A_366 : i32 to index
      %swap3A_368 = arith.index_cast %add3A_357 : i32 to index
      %swap3A_369 = arith.constant 0 : index
      %swap3A_370 = tpu.vector_load %arg7[%swap3A_367, %swap3A_368, %swap3A_369] {strides = array<i32>} : memref<2x128x128xf32, #tpu.memory_space<vmem>>, vector<1x1x16xf32>,
      %swap3A_371 = vector.shape_cast %swap3A_370 : vector<1x1x16xf32> to vector<16xf32>
      %swap3A_372 = vector.shape_cast %get3A_365 : vector<16xf32> to vector<1x1x16xf32>
      tpu.vector_store %arg7[%swap3A_367, %swap3A_368, %swap3A_369], %swap3A_372 {strides = array<i32>} : memref<2x128x128xf32, #tpu.memory_space<vmem>>, vector<1x1x16xf32>,
      %add3A_373 = arith.constant 256 : i32
      %add3A_374 = arith.addi %add3A_373, %add3A_357 : i32
      %get3A_375 = arith.constant 0 : i32
      %get3A_376 = arith.index_cast %get3A_375 : i32 to index
      %get3A_377 = arith.index_cast %add3A_374 : i32 to index
      %get3A_378 = arith.constant 16 : index
      %get3A_379 = tpu.vector_load %arg6[%get3A_376, %get3A_377, %get3A_378] {strides = array<i32>} : memref<1x512x32xf32, #tpu.memory_space<vmem>>, vector<1x1x16xf32>,
      %get3A_380 = vector.shape_cast %get3A_379 : vector<1x1x16xf32> to vector<16xf32>
      %swap3A_381 = arith.constant 0 : i32
      %swap3A_382 = arith.index_cast %swap3A_381 : i32 to index
      %swap3A_383 = arith.index_cast %add3A_357 : i32 to index
      %swap3A_384 = arith.constant 16 : index
      %swap3A_385 = tpu.vector_load %arg7[%swap3A_382, %swap3A_383, %swap3A_384] {strides = array<i32>} : memref<2x128x128xf32, #tpu.memory_space<vmem>>, vector<1x1x16xf32>,
      %swap3A_386 = vector.shape_cast %swap3A_385 : vector<1x1x16xf32> to vector<16xf32>
      %swap3A_387 = vector.shape_cast %get3A_380 : vector<16xf32> to vector<1x1x16xf32>
      tpu.vector_store %arg7[%swap3A_382, %swap3A_383, %swap3A_384], %swap3A_387 {strides = array<i32>} : memref<2x128x128xf32, #tpu.memory_space<vmem>>, vector<1x1x16xf32>,
      %mul3A_388 = arith.constant 4 : i32
      %mul3A_389 = arith.muli %scan3A_286, %mul3A_388 : i32
      %add3A_390 = arith.constant 3 : i32
      %add3A_391 = arith.addi %mul3A_389, %add3A_390 : i32
      %add3A_392 = arith.constant 256 : i32
      %add3A_393 = arith.addi %add3A_392, %add3A_391 : i32
      %get3A_394 = arith.constant 0 : i32
      %get3A_395 = arith.index_cast %get3A_394 : i32 to index
      %get3A_396 = arith.index_cast %add3A_393 : i32 to index
      %get3A_397 = arith.constant 0 : index
      %get3A_398 = tpu.vector_load %arg6[%get3A_395, %get3A_396, %get3A_397] {strides = array<i32>} : memref<1x512x32xf32, #tpu.memory_space<vmem>>, vector<1x1x16xf32>,
      %get3A_399 = vector.shape_cast %get3A_398 : vector<1x1x16xf32> to vector<16xf32>
      %swap3A_400 = arith.constant 0 : i32
      %swap3A_401 = arith.index_cast %swap3A_400 : i32 to index
      %swap3A_402 = arith.index_cast %add3A_391 : i32 to index
      %swap3A_403 = arith.constant 0 : index
      %swap3A_404 = tpu.vector_load %arg7[%swap3A_401, %swap3A_402, %swap3A_403] {strides = array<i32>} : memref<2x128x128xf32, #tpu.memory_space<vmem>>, vector<1x1x16xf32>,
      %swap3A_405 = vector.shape_cast %swap3A_404 : vector<1x1x16xf32> to vector<16xf32>
      %swap3A_406 = vector.shape_cast %get3A_399 : vector<16xf32> to vector<1x1x16xf32>
      tpu.vector_store %arg7[%swap3A_401, %swap3A_402, %swap3A_403], %swap3A_406 {strides = array<i32>} : memref<2x128x128xf32, #tpu.memory_space<vmem>>, vector<1x1x16xf32>,
      %add3A_407 = arith.constant 256 : i32
      %add3A_408 = arith.addi %add3A_407, %add3A_391 : i32
      %get3A_409 = arith.constant 0 : i32
      %get3A_410 = arith.index_cast %get3A_409 : i32 to index
      %get3A_411 = arith.index_cast %add3A_408 : i32 to index
      %get3A_412 = arith.constant 16 : index
      %get3A_413 = tpu.vector_load %arg6[%get3A_410, %get3A_411, %get3A_412] {strides = array<i32>} : memref<1x512x32xf32, #tpu.memory_space<vmem>>, vector<1x1x16xf32>,
      %get3A_414 = vector.shape_cast %get3A_413 : vector<1x1x16xf32> to vector<16xf32>
      %swap3A_415 = arith.constant 0 : i32
      %swap3A_416 = arith.index_cast %swap3A_415 : i32 to index
      %swap3A_417 = arith.index_cast %add3A_391 : i32 to index
      %swap3A_418 = arith.constant 16 : index
      %swap3A_419 = tpu.vector_load %arg7[%swap3A_416, %swap3A_417, %swap3A_418] {strides = array<i32>} : memref<2x128x128xf32, #tpu.memory_space<vmem>>, vector<1x1x16xf32>,
      %swap3A_420 = vector.shape_cast %swap3A_419 : vector<1x1x16xf32> to vector<16xf32>
      %swap3A_421 = vector.shape_cast %get3A_414 : vector<16xf32> to vector<1x1x16xf32>
      tpu.vector_store %arg7[%swap3A_416, %swap3A_417, %swap3A_418], %swap3A_421 {strides = array<i32>} : memref<2x128x128xf32, #tpu.memory_space<vmem>>, vector<1x1x16xf32>,
      %scan3A_422 = arith.constant 0 : i32
      scf.yield %scan3A_422 : i32
    }
    %scan3A_194 = arith.constant 32 : i32
    %add3A_195 = arith.constant 256 : i32
    %add3A_196 = arith.addi %mul3A_2, %add3A_195 : i32
    %dma_start3A_197 = arith.constant 0 : i32
    %dma_start3A_198 = arith.constant 0 : i32
    %dma_start3A_199 = arith.constant 0 : i32
    %dma_start3A_200 = tpu.memref_slice %arg7[%dma_start3A_197, %dma_start3A_198, %dma_start3A_199] : memref<2x128x128xf32, #tpu.memory_space<vmem>> -> memref<1x128x128xf32, #tpu.memory_space<vmem>>
    %dma_start3A_201 = tpu.memref_squeeze %dma_start3A_200 : memref<1x128x128xf32, #tpu.memory_space<vmem>> -> memref<128x128xf32, #tpu.memory_space<vmem>>
    %dma_start3A_202 = arith.constant 0 : i32
    %dma_start3A_203 = tpu.memref_slice %arg4[%add3A_196, %dma_start3A_202] : memref<16384x128xf32, #tpu.memory_space<hbm>> -> memref<128x128xf32, #tpu.memory_space<hbm>>
    %dma_start3A_204 = arith.constant 0 : i32
    %dma_start3A_205 = tpu.memref_slice %arg4[%add3A_196, %dma_start3A_204] : memref<16384x128xf32, #tpu.memory_space<hbm>> -> memref<128x128xf32, #tpu.memory_space<hbm>>
    %dma_start3A_206 = arith.constant 0 : i32
    %dma_start3A_207 = arith.constant 0 : i32
    %dma_start3A_208 = tpu.memref_slice %arg7[%dma_start3A_197, %dma_start3A_206, %dma_start3A_207] : memref<2x128x128xf32, #tpu.memory_space<vmem>> -> memref<1x128x128xf32, #tpu.memory_space<vmem>>
    %dma_start3A_209 = tpu.memref_squeeze %dma_start3A_208 : memref<1x128x128xf32, #tpu.memory_space<vmem>> -> memref<128x128xf32, #tpu.memory_space<vmem>>
    tpu.enqueue_dma source(%dma_start3A_209 : memref<128x128xf32, #tpu.memory_space<vmem>>) target(%dma_start3A_205 : memref<128x128xf32, #tpu.memory_space<hbm>>) target_semaphore(%arg13 : memref<!tpu.dma_semaphore, #tpu.memory_space<semaphore_mem>>)
    %dma_wait3A_210 = arith.constant 0 : i32
    %dma_wait3A_211 = arith.constant 0 : i32
    %dma_wait3A_212 = arith.constant 0 : i32
    %dma_wait3A_213 = arith.constant 0 : i32
    %dma_wait3A_214 = tpu.memref_slice %arg6[%dma_wait3A_211, %dma_wait3A_212, %dma_wait3A_213] : memref<1x512x32xf32, #tpu.memory_space<vmem>> -> memref<1x512x32xf32, #tpu.memory_space<vmem>>
    %dma_wait3A_215 = tpu.memref_squeeze %dma_wait3A_214 : memref<1x512x32xf32, #tpu.memory_space<vmem>> -> memref<512x32xf32, #tpu.memory_space<vmem>>
    %dma_wait3A_216 = arith.constant 384 : i32
    %dma_wait3A_217 = arith.constant 0 : i32
    %dma_wait3A_218 = tpu.memref_slice %dma_wait3A_215[%dma_wait3A_216, %dma_wait3A_217] : memref<512x32xf32, #tpu.memory_space<vmem>> -> memref<128x32xf32, #tpu.memory_space<vmem>>
    %dma_wait3A_219 = arith.constant 384 : i32
    %dma_wait3A_220 = tpu.memref_slice %arg5[%dma_wait3A_210, %dma_wait3A_219] : memref<1x512xi32, #tpu.memory_space<vmem>> -> memref<1x128xi32, #tpu.memory_space<vmem>>
    %dma_wait3A_221 = tpu.memref_squeeze %dma_wait3A_220 : memref<1x128xi32, #tpu.memory_space<vmem>> -> memref<128xi32, #tpu.memory_space<vmem>>
    %dma_wait3A_222 = arith.constant 0 : i32
    %dma_wait3A_223 = arith.constant 0 : i32
    %dma_wait3A_224 = tpu.memref_slice %arg3[%dma_wait3A_222, %dma_wait3A_223] : memref<1015808x32xf32, #tpu.memory_space<hbm>> -> memref<1015808x32xf32, #tpu.memory_space<hbm>>
    tpu.wait_indirect_dma semaphore(%arg12 : memref<!tpu.dma_semaphore, #tpu.memory_space<semaphore_mem>>) src(%dma_wait3A_224 : memref<1015808x32xf32, #tpu.memory_space<hbm>>) dst(%dma_wait3A_218 : memref<128x32xf32, #tpu.memory_space<vmem>>)
    %dma_wait3A_225 = arith.constant 1 : i32
    %dma_wait3A_226 = arith.constant 0 : i32
    %dma_wait3A_227 = arith.constant 0 : i32
    %dma_wait3A_228 = tpu.memref_slice %arg7[%dma_wait3A_225, %dma_wait3A_226, %dma_wait3A_227] : memref<2x128x128xf32, #tpu.memory_space<vmem>> -> memref<1x128x128xf32, #tpu.memory_space<vmem>>
    %dma_wait3A_229 = tpu.memref_squeeze %dma_wait3A_228 : memref<1x128x128xf32, #tpu.memory_space<vmem>> -> memref<128x128xf32, #tpu.memory_space<vmem>>
    %dma_wait3A_230 = arith.constant 0 : i32
    %dma_wait3A_231 = tpu.memref_slice %arg4[%add3A_146, %dma_wait3A_230] : memref<16384x128xf32, #tpu.memory_space<hbm>> -> memref<128x128xf32, #tpu.memory_space<hbm>>
    %dma_wait3A_232 = arith.constant 0 : i32
    %dma_wait3A_233 = tpu.memref_slice %arg4[%add3A_146, %dma_wait3A_232] : memref<16384x128xf32, #tpu.memory_space<hbm>> -> memref<128x128xf32, #tpu.memory_space<hbm>>
    %dma_wait3A_234 = arith.constant 0 : i32
    %dma_wait3A_235 = arith.constant 0 : i32
    %dma_wait3A_236 = tpu.memref_slice %arg7[%dma_wait3A_225, %dma_wait3A_234, %dma_wait3A_235] : memref<2x128x128xf32, #tpu.memory_space<vmem>> -> memref<1x128x128xf32, #tpu.memory_space<vmem>>
    %dma_wait3A_237 = tpu.memref_squeeze %dma_wait3A_236 : memref<1x128x128xf32, #tpu.memory_space<vmem>> -> memref<128x128xf32, #tpu.memory_space<vmem>>
    tpu.wait_dma2 semaphore(%arg13 : memref<!tpu.dma_semaphore, #tpu.memory_space<semaphore_mem>>) src(%dma_wait3A_237 : memref<128x128xf32, #tpu.memory_space<vmem>>) dst(%dma_wait3A_233 : memref<128x128xf32, #tpu.memory_space<hbm>>)
    %scan3A_238 = arith.constant 0 : i32
    %scan3A_239 = arith.constant 0 : i32
    %scan3A_240 = arith.constant 32 : i32
    %scan3A_241 = arith.addi %scan3A_239, %scan3A_240 : i32
    %scan3A_242 = arith.constant 1 : i32
    %scan3A_243 = scf.for %scan3A_286 = %scan3A_239 to %scan3A_241 step %scan3A_242 iter_args(%scan3A_287 = %scan3A_238) -> (i32)  : i32 {
      %mul3A_288 = arith.constant 4 : i32
      %mul3A_289 = arith.muli %scan3A_286, %mul3A_288 : i32
      %add3A_290 = arith.constant 0 : i32
      %add3A_291 = arith.addi %mul3A_289, %add3A_290 : i32
      %add3A_292 = arith.constant 384 : i32
      %add3A_293 = arith.addi %add3A_292, %add3A_291 : i32
      %get3A = arith.constant 0 : i32
      %get3A_294 = arith.index_cast %get3A : i32 to index
      %get3A_295 = arith.index_cast %add3A_293 : i32 to index
      %get3A_296 = arith.constant 0 : index
      %get3A_297 = tpu.vector_load %arg6[%get3A_294, %get3A_295, %get3A_296] {strides = array<i32>} : memref<1x512x32xf32, #tpu.memory_space<vmem>>, vector<1x1x16xf32>,
      %get3A_298 = vector.shape_cast %get3A_297 : vector<1x1x16xf32> to vector<16xf32>
      %swap3A = arith.constant 1 : i32
      %swap3A_299 = arith.index_cast %swap3A : i32 to index
      %swap3A_300 = arith.index_cast %add3A_291 : i32 to index
      %swap3A_301 = arith.constant 0 : index
      %swap3A_302 = tpu.vector_load %arg7[%swap3A_299, %swap3A_300, %swap3A_301] {strides = array<i32>} : memref<2x128x128xf32, #tpu.memory_space<vmem>>, vector<1x1x16xf32>,
      %swap3A_303 = vector.shape_cast %swap3A_302 : vector<1x1x16xf32> to vector<16xf32>
      %swap3A_304 = vector.shape_cast %get3A_298 : vector<16xf32> to vector<1x1x16xf32>
      tpu.vector_store %arg7[%swap3A_299, %swap3A_300, %swap3A_301], %swap3A_304 {strides = array<i32>} : memref<2x128x128xf32, #tpu.memory_space<vmem>>, vector<1x1x16xf32>,
      %add3A_305 = arith.constant 384 : i32
      %add3A_306 = arith.addi %add3A_305, %add3A_291 : i32
      %get3A_307 = arith.constant 0 : i32
      %get3A_308 = arith.index_cast %get3A_307 : i32 to index
      %get3A_309 = arith.index_cast %add3A_306 : i32 to index
      %get3A_310 = arith.constant 16 : index
      %get3A_311 = tpu.vector_load %arg6[%get3A_308, %get3A_309, %get3A_310] {strides = array<i32>} : memref<1x512x32xf32, #tpu.memory_space<vmem>>, vector<1x1x16xf32>,
      %get3A_312 = vector.shape_cast %get3A_311 : vector<1x1x16xf32> to vector<16xf32>
      %swap3A_313 = arith.constant 1 : i32
      %swap3A_314 = arith.index_cast %swap3A_313 : i32 to index
      %swap3A_315 = arith.index_cast %add3A_291 : i32 to index
      %swap3A_316 = arith.constant 16 : index
      %swap3A_317 = tpu.vector_load %arg7[%swap3A_314, %swap3A_315, %swap3A_316] {strides = array<i32>} : memref<2x128x128xf32, #tpu.memory_space<vmem>>, vector<1x1x16xf32>,
      %swap3A_318 = vector.shape_cast %swap3A_317 : vector<1x1x16xf32> to vector<16xf32>
      %swap3A_319 = vector.shape_cast %get3A_312 : vector<16xf32> to vector<1x1x16xf32>
      tpu.vector_store %arg7[%swap3A_314, %swap3A_315, %swap3A_316], %swap3A_319 {strides = array<i32>} : memref<2x128x128xf32, #tpu.memory_space<vmem>>, vector<1x1x16xf32>,
      %mul3A_320 = arith.constant 4 : i32
      %mul3A_321 = arith.muli %scan3A_286, %mul3A_320 : i32
      %add3A_322 = arith.constant 1 : i32
      %add3A_323 = arith.addi %mul3A_321, %add3A_322 : i32
      %add3A_324 = arith.constant 384 : i32
      %add3A_325 = arith.addi %add3A_324, %add3A_323 : i32
      %get3A_326 = arith.constant 0 : i32
      %get3A_327 = arith.index_cast %get3A_326 : i32 to index
      %get3A_328 = arith.index_cast %add3A_325 : i32 to index
      %get3A_329 = arith.constant 0 : index
      %get3A_330 = tpu.vector_load %arg6[%get3A_327, %get3A_328, %get3A_329] {strides = array<i32>} : memref<1x512x32xf32, #tpu.memory_space<vmem>>, vector<1x1x16xf32>,
      %get3A_331 = vector.shape_cast %get3A_330 : vector<1x1x16xf32> to vector<16xf32>
      %swap3A_332 = arith.constant 1 : i32
      %swap3A_333 = arith.index_cast %swap3A_332 : i32 to index
      %swap3A_334 = arith.index_cast %add3A_323 : i32 to index
      %swap3A_335 = arith.constant 0 : index
      %swap3A_336 = tpu.vector_load %arg7[%swap3A_333, %swap3A_334, %swap3A_335] {strides = array<i32>} : memref<2x128x128xf32, #tpu.memory_space<vmem>>, vector<1x1x16xf32>,
      %swap3A_337 = vector.shape_cast %swap3A_336 : vector<1x1x16xf32> to vector<16xf32>
      %swap3A_338 = vector.shape_cast %get3A_331 : vector<16xf32> to vector<1x1x16xf32>
      tpu.vector_store %arg7[%swap3A_333, %swap3A_334, %swap3A_335], %swap3A_338 {strides = array<i32>} : memref<2x128x128xf32, #tpu.memory_space<vmem>>, vector<1x1x16xf32>,
      %add3A_339 = arith.constant 384 : i32
      %add3A_340 = arith.addi %add3A_339, %add3A_323 : i32
      %get3A_341 = arith.constant 0 : i32
      %get3A_342 = arith.index_cast %get3A_341 : i32 to index
      %get3A_343 = arith.index_cast %add3A_340 : i32 to index
      %get3A_344 = arith.constant 16 : index
      %get3A_345 = tpu.vector_load %arg6[%get3A_342, %get3A_343, %get3A_344] {strides = array<i32>} : memref<1x512x32xf32, #tpu.memory_space<vmem>>, vector<1x1x16xf32>,
      %get3A_346 = vector.shape_cast %get3A_345 : vector<1x1x16xf32> to vector<16xf32>
      %swap3A_347 = arith.constant 1 : i32
      %swap3A_348 = arith.index_cast %swap3A_347 : i32 to index
      %swap3A_349 = arith.index_cast %add3A_323 : i32 to index
      %swap3A_350 = arith.constant 16 : index
      %swap3A_351 = tpu.vector_load %arg7[%swap3A_348, %swap3A_349, %swap3A_350] {strides = array<i32>} : memref<2x128x128xf32, #tpu.memory_space<vmem>>, vector<1x1x16xf32>,
      %swap3A_352 = vector.shape_cast %swap3A_351 : vector<1x1x16xf32> to vector<16xf32>
      %swap3A_353 = vector.shape_cast %get3A_346 : vector<16xf32> to vector<1x1x16xf32>
      tpu.vector_store %arg7[%swap3A_348, %swap3A_349, %swap3A_350], %swap3A_353 {strides = array<i32>} : memref<2x128x128xf32, #tpu.memory_space<vmem>>, vector<1x1x16xf32>,
      %mul3A_354 = arith.constant 4 : i32
      %mul3A_355 = arith.muli %scan3A_286, %mul3A_354 : i32
      %add3A_356 = arith.constant 2 : i32
      %add3A_357 = arith.addi %mul3A_355, %add3A_356 : i32
      %add3A_358 = arith.constant 384 : i32
      %add3A_359 = arith.addi %add3A_358, %add3A_357 : i32
      %get3A_360 = arith.constant 0 : i32
      %get3A_361 = arith.index_cast %get3A_360 : i32 to index
      %get3A_362 = arith.index_cast %add3A_359 : i32 to index
      %get3A_363 = arith.constant 0 : index
      %get3A_364 = tpu.vector_load %arg6[%get3A_361, %get3A_362, %get3A_363] {strides = array<i32>} : memref<1x512x32xf32, #tpu.memory_space<vmem>>, vector<1x1x16xf32>,
      %get3A_365 = vector.shape_cast %get3A_364 : vector<1x1x16xf32> to vector<16xf32>
      %swap3A_366 = arith.constant 1 : i32
      %swap3A_367 = arith.index_cast %swap3A_366 : i32 to index
      %swap3A_368 = arith.index_cast %add3A_357 : i32 to index
      %swap3A_369 = arith.constant 0 : index
      %swap3A_370 = tpu.vector_load %arg7[%swap3A_367, %swap3A_368, %swap3A_369] {strides = array<i32>} : memref<2x128x128xf32, #tpu.memory_space<vmem>>, vector<1x1x16xf32>,
      %swap3A_371 = vector.shape_cast %swap3A_370 : vector<1x1x16xf32> to vector<16xf32>
      %swap3A_372 = vector.shape_cast %get3A_365 : vector<16xf32> to vector<1x1x16xf32>
      tpu.vector_store %arg7[%swap3A_367, %swap3A_368, %swap3A_369], %swap3A_372 {strides = array<i32>} : memref<2x128x128xf32, #tpu.memory_space<vmem>>, vector<1x1x16xf32>,
      %add3A_373 = arith.constant 384 : i32
      %add3A_374 = arith.addi %add3A_373, %add3A_357 : i32
      %get3A_375 = arith.constant 0 : i32
      %get3A_376 = arith.index_cast %get3A_375 : i32 to index
      %get3A_377 = arith.index_cast %add3A_374 : i32 to index
      %get3A_378 = arith.constant 16 : index
      %get3A_379 = tpu.vector_load %arg6[%get3A_376, %get3A_377, %get3A_378] {strides = array<i32>} : memref<1x512x32xf32, #tpu.memory_space<vmem>>, vector<1x1x16xf32>,
      %get3A_380 = vector.shape_cast %get3A_379 : vector<1x1x16xf32> to vector<16xf32>
      %swap3A_381 = arith.constant 1 : i32
      %swap3A_382 = arith.index_cast %swap3A_381 : i32 to index
      %swap3A_383 = arith.index_cast %add3A_357 : i32 to index
      %swap3A_384 = arith.constant 16 : index
      %swap3A_385 = tpu.vector_load %arg7[%swap3A_382, %swap3A_383, %swap3A_384] {strides = array<i32>} : memref<2x128x128xf32, #tpu.memory_space<vmem>>, vector<1x1x16xf32>,
      %swap3A_386 = vector.shape_cast %swap3A_385 : vector<1x1x16xf32> to vector<16xf32>
      %swap3A_387 = vector.shape_cast %get3A_380 : vector<16xf32> to vector<1x1x16xf32>
      tpu.vector_store %arg7[%swap3A_382, %swap3A_383, %swap3A_384], %swap3A_387 {strides = array<i32>} : memref<2x128x128xf32, #tpu.memory_space<vmem>>, vector<1x1x16xf32>,
      %mul3A_388 = arith.constant 4 : i32
      %mul3A_389 = arith.muli %scan3A_286, %mul3A_388 : i32
      %add3A_390 = arith.constant 3 : i32
      %add3A_391 = arith.addi %mul3A_389, %add3A_390 : i32
      %add3A_392 = arith.constant 384 : i32
      %add3A_393 = arith.addi %add3A_392, %add3A_391 : i32
      %get3A_394 = arith.constant 0 : i32
      %get3A_395 = arith.index_cast %get3A_394 : i32 to index
      %get3A_396 = arith.index_cast %add3A_393 : i32 to index
      %get3A_397 = arith.constant 0 : index
      %get3A_398 = tpu.vector_load %arg6[%get3A_395, %get3A_396, %get3A_397] {strides = array<i32>} : memref<1x512x32xf32, #tpu.memory_space<vmem>>, vector<1x1x16xf32>,
      %get3A_399 = vector.shape_cast %get3A_398 : vector<1x1x16xf32> to vector<16xf32>
      %swap3A_400 = arith.constant 1 : i32
      %swap3A_401 = arith.index_cast %swap3A_400 : i32 to index
      %swap3A_402 = arith.index_cast %add3A_391 : i32 to index
      %swap3A_403 = arith.constant 0 : index
      %swap3A_404 = tpu.vector_load %arg7[%swap3A_401, %swap3A_402, %swap3A_403] {strides = array<i32>} : memref<2x128x128xf32, #tpu.memory_space<vmem>>, vector<1x1x16xf32>,
      %swap3A_405 = vector.shape_cast %swap3A_404 : vector<1x1x16xf32> to vector<16xf32>
      %swap3A_406 = vector.shape_cast %get3A_399 : vector<16xf32> to vector<1x1x16xf32>
      tpu.vector_store %arg7[%swap3A_401, %swap3A_402, %swap3A_403], %swap3A_406 {strides = array<i32>} : memref<2x128x128xf32, #tpu.memory_space<vmem>>, vector<1x1x16xf32>,
      %add3A_407 = arith.constant 384 : i32
      %add3A_408 = arith.addi %add3A_407, %add3A_391 : i32
      %get3A_409 = arith.constant 0 : i32
      %get3A_410 = arith.index_cast %get3A_409 : i32 to index
      %get3A_411 = arith.index_cast %add3A_408 : i32 to index
      %get3A_412 = arith.constant 16 : index
      %get3A_413 = tpu.vector_load %arg6[%get3A_410, %get3A_411, %get3A_412] {strides = array<i32>} : memref<1x512x32xf32, #tpu.memory_space<vmem>>, vector<1x1x16xf32>,
      %get3A_414 = vector.shape_cast %get3A_413 : vector<1x1x16xf32> to vector<16xf32>
      %swap3A_415 = arith.constant 1 : i32
      %swap3A_416 = arith.index_cast %swap3A_415 : i32 to index
      %swap3A_417 = arith.index_cast %add3A_391 : i32 to index
      %swap3A_418 = arith.constant 16 : index
      %swap3A_419 = tpu.vector_load %arg7[%swap3A_416, %swap3A_417, %swap3A_418] {strides = array<i32>} : memref<2x128x128xf32, #tpu.memory_space<vmem>>, vector<1x1x16xf32>,
      %swap3A_420 = vector.shape_cast %swap3A_419 : vector<1x1x16xf32> to vector<16xf32>
      %swap3A_421 = vector.shape_cast %get3A_414 : vector<16xf32> to vector<1x1x16xf32>
      tpu.vector_store %arg7[%swap3A_416, %swap3A_417, %swap3A_418], %swap3A_421 {strides = array<i32>} : memref<2x128x128xf32, #tpu.memory_space<vmem>>, vector<1x1x16xf32>,
      %scan3A_422 = arith.constant 0 : i32
      scf.yield %scan3A_422 : i32
    }
    %scan3A_244 = arith.constant 32 : i32
    %add3A_245 = arith.constant 384 : i32
    %add3A_246 = arith.addi %mul3A_2, %add3A_245 : i32
    %dma_start3A_247 = arith.constant 1 : i32
    %dma_start3A_248 = arith.constant 0 : i32
    %dma_start3A_249 = arith.constant 0 : i32
    %dma_start3A_250 = tpu.memref_slice %arg7[%dma_start3A_247, %dma_start3A_248, %dma_start3A_249] : memref<2x128x128xf32, #tpu.memory_space<vmem>> -> memref<1x128x128xf32, #tpu.memory_space<vmem>>
    %dma_start3A_251 = tpu.memref_squeeze %dma_start3A_250 : memref<1x128x128xf32, #tpu.memory_space<vmem>> -> memref<128x128xf32, #tpu.memory_space<vmem>>
    %dma_start3A_252 = arith.constant 0 : i32
    %dma_start3A_253 = tpu.memref_slice %arg4[%add3A_246, %dma_start3A_252] : memref<16384x128xf32, #tpu.memory_space<hbm>> -> memref<128x128xf32, #tpu.memory_space<hbm>>
    %dma_start3A_254 = arith.constant 0 : i32
    %dma_start3A_255 = tpu.memref_slice %arg4[%add3A_246, %dma_start3A_254] : memref<16384x128xf32, #tpu.memory_space<hbm>> -> memref<128x128xf32, #tpu.memory_space<hbm>>
    %dma_start3A_256 = arith.constant 0 : i32
    %dma_start3A_257 = arith.constant 0 : i32
    %dma_start3A_258 = tpu.memref_slice %arg7[%dma_start3A_247, %dma_start3A_256, %dma_start3A_257] : memref<2x128x128xf32, #tpu.memory_space<vmem>> -> memref<1x128x128xf32, #tpu.memory_space<vmem>>
    %dma_start3A_259 = tpu.memref_squeeze %dma_start3A_258 : memref<1x128x128xf32, #tpu.memory_space<vmem>> -> memref<128x128xf32, #tpu.memory_space<vmem>>
    tpu.enqueue_dma source(%dma_start3A_259 : memref<128x128xf32, #tpu.memory_space<vmem>>) target(%dma_start3A_255 : memref<128x128xf32, #tpu.memory_space<hbm>>) target_semaphore(%arg13 : memref<!tpu.dma_semaphore, #tpu.memory_space<semaphore_mem>>)
    %dma_wait3A_260 = arith.constant 0 : i32
    %dma_wait3A_261 = arith.constant 0 : i32
    %dma_wait3A_262 = arith.constant 0 : i32
    %dma_wait3A_263 = tpu.memref_slice %arg7[%dma_wait3A_260, %dma_wait3A_261, %dma_wait3A_262] : memref<2x128x128xf32, #tpu.memory_space<vmem>> -> memref<1x128x128xf32, #tpu.memory_space<vmem>>
    %dma_wait3A_264 = tpu.memref_squeeze %dma_wait3A_263 : memref<1x128x128xf32, #tpu.memory_space<vmem>> -> memref<128x128xf32, #tpu.memory_space<vmem>>
    %dma_wait3A_265 = arith.constant 0 : i32
    %dma_wait3A_266 = tpu.memref_slice %arg4[%add3A_196, %dma_wait3A_265] : memref<16384x128xf32, #tpu.memory_space<hbm>> -> memref<128x128xf32, #tpu.memory_space<hbm>>
    %dma_wait3A_267 = arith.constant 0 : i32
    %dma_wait3A_268 = tpu.memref_slice %arg4[%add3A_196, %dma_wait3A_267] : memref<16384x128xf32, #tpu.memory_space<hbm>> -> memref<128x128xf32, #tpu.memory_space<hbm>>
    %dma_wait3A_269 = arith.constant 0 : i32
    %dma_wait3A_270 = arith.constant 0 : i32
    %dma_wait3A_271 = tpu.memref_slice %arg7[%dma_wait3A_260, %dma_wait3A_269, %dma_wait3A_270] : memref<2x128x128xf32, #tpu.memory_space<vmem>> -> memref<1x128x128xf32, #tpu.memory_space<vmem>>
    %dma_wait3A_272 = tpu.memref_squeeze %dma_wait3A_271 : memref<1x128x128xf32, #tpu.memory_space<vmem>> -> memref<128x128xf32, #tpu.memory_space<vmem>>
    tpu.wait_dma2 semaphore(%arg13 : memref<!tpu.dma_semaphore, #tpu.memory_space<semaphore_mem>>) src(%dma_wait3A_272 : memref<128x128xf32, #tpu.memory_space<vmem>>) dst(%dma_wait3A_268 : memref<128x128xf32, #tpu.memory_space<hbm>>)
    %dma_wait3A_273 = arith.constant 1 : i32
    %dma_wait3A_274 = arith.constant 0 : i32
    %dma_wait3A_275 = arith.constant 0 : i32
    %dma_wait3A_276 = tpu.memref_slice %arg7[%dma_wait3A_273, %dma_wait3A_274, %dma_wait3A_275] : memref<2x128x128xf32, #tpu.memory_space<vmem>> -> memref<1x128x128xf32, #tpu.memory_space<vmem>>
    %dma_wait3A_277 = tpu.memref_squeeze %dma_wait3A_276 : memref<1x128x128xf32, #tpu.memory_space<vmem>> -> memref<128x128xf32, #tpu.memory_space<vmem>>
    %dma_wait3A_278 = arith.constant 0 : i32
    %dma_wait3A_279 = tpu.memref_slice %arg4[%add3A_246, %dma_wait3A_278] : memref<16384x128xf32, #tpu.memory_space<hbm>> -> memref<128x128xf32, #tpu.memory_space<hbm>>
    %dma_wait3A_280 = arith.constant 0 : i32
    %dma_wait3A_281 = tpu.memref_slice %arg4[%add3A_246, %dma_wait3A_280] : memref<16384x128xf32, #tpu.memory_space<hbm>> -> memref<128x128xf32, #tpu.memory_space<hbm>>
    %dma_wait3A_282 = arith.constant 0 : i32
    %dma_wait3A_283 = arith.constant 0 : i32
    %dma_wait3A_284 = tpu.memref_slice %arg7[%dma_wait3A_273, %dma_wait3A_282, %dma_wait3A_283] : memref<2x128x128xf32, #tpu.memory_space<vmem>> -> memref<1x128x128xf32, #tpu.memory_space<vmem>>
    %dma_wait3A_285 = tpu.memref_squeeze %dma_wait3A_284 : memref<1x128x128xf32, #tpu.memory_space<vmem>> -> memref<128x128xf32, #tpu.memory_space<vmem>>
    tpu.wait_dma2 semaphore(%arg13 : memref<!tpu.dma_semaphore, #tpu.memory_space<semaphore_mem>>) src(%dma_wait3A_285 : memref<128x128xf32, #tpu.memory_space<vmem>>) dst(%dma_wait3A_281 : memref<128x128xf32, #tpu.memory_space<hbm>>)
    return
  }
}

module attributes {stable_mosaic.version = 14 : i64} {
  func.func @body(%arg0: i32, %arg1: memref<32x4096xf32, #tpu.memory_space<vmem>>, %arg2: memref<32x4096xf32, #tpu.memory_space<vmem>>, %arg3: memref<32x4096xf32, #tpu.memory_space<vmem>>, %arg4: memref<32x4096xf32, #tpu.memory_space<vmem>>, %arg5: memref<4096x128xf32, #tpu.memory_space<vmem>>) attributes {dimension_semantics = [#tpu.dimension_semantics<arbitrary>], iteration_bounds = array<i64: 62>, scalar_prefetch = 0 : i64, scratch_operands = 0 : i64, tpu.core_type = #tpu.core_type<tc>, window_params = [{transform_indices = @transform_0, window_bounds = array<i64: 32, 4096>}, {transform_indices = @transform_1, window_bounds = array<i64: 32, 4096>}, {transform_indices = @transform_2, window_bounds = array<i64: 32, 4096>}, {transform_indices = @transform_3, window_bounds = array<i64: 32, 4096>}, {transform_indices = @transform_4, window_bounds = array<i64: 4096, 128>}]} {
    %iota3A = tpu.iota {dimensions = array<i32: 0>} : vector<32x128xi32>
    %iota3A_0 = tpu.iota {dimensions = array<i32: 1>} : vector<32x128xi32>
    %add3A = arith.constant 0 : i32
    %add3A_1 = vector.broadcast %add3A : i32 to vector<32x128xi32>
    %add3A_2 = arith.addi %iota3A, %add3A_1 : vector<32x128xi32>
    %eq3A = arith.cmpi eq, %iota3A_0, %add3A_2 : vector<32x128xi32>
    %convert_element_type3A = arith.extui %eq3A : vector<32x128xi1> to vector<32x128xi32>
    %convert_element_type3A_3 = arith.sitofp %convert_element_type3A : vector<32x128xi32> to vector<32x128xf32>
    %convert_element_type3A_4 = arith.truncf %convert_element_type3A_3 : vector<32x128xf32> to vector<32x128xbf16>
    %get3A = arith.constant 0 : index
    %get3A_5 = arith.constant 0 : index
    %get3A_6 = vector.load %arg1[%get3A, %get3A_5] : memref<32x4096xf32, #tpu.memory_space<vmem>>, vector<32x4096xf32>
    %convert_element_type3A_7 = arith.truncf %get3A_6 : vector<32x4096xf32> to vector<32x4096xbf16>
    %dot_general3A = arith.constant dense<0.000000e+00> : vector<4096x128xf32>
    %dot_general3A_8 = tpu.matmul %convert_element_type3A_7, %convert_element_type3A_4, %dot_general3A {dimension_numbers = #tpu.dot_dimension_numbers<[0], [0], [1], [1], [0, 1, 1, 1], [], []>, transpose_lhs_hint = true} : vector<32x4096xbf16>, vector<32x128xbf16>, vector<4096x128xf32> -> vector<4096x128xf32>
    %add3A_9 = arith.constant 32 : i32
    %add3A_10 = vector.broadcast %add3A_9 : i32 to vector<32x128xi32>
    %add3A_11 = arith.addi %iota3A, %add3A_10 : vector<32x128xi32>
    %eq3A_12 = arith.cmpi eq, %iota3A_0, %add3A_11 : vector<32x128xi32>
    %convert_element_type3A_13 = arith.extui %eq3A_12 : vector<32x128xi1> to vector<32x128xi32>
    %convert_element_type3A_14 = arith.sitofp %convert_element_type3A_13 : vector<32x128xi32> to vector<32x128xf32>
    %convert_element_type3A_15 = arith.truncf %convert_element_type3A_14 : vector<32x128xf32> to vector<32x128xbf16>
    %get3A_16 = arith.constant 0 : index
    %get3A_17 = arith.constant 0 : index
    %get3A_18 = vector.load %arg2[%get3A_16, %get3A_17] : memref<32x4096xf32, #tpu.memory_space<vmem>>, vector<32x4096xf32>
    %convert_element_type3A_19 = arith.truncf %get3A_18 : vector<32x4096xf32> to vector<32x4096xbf16>
    %dot_general3A_20 = arith.constant dense<0.000000e+00> : vector<4096x128xf32>
    %dot_general3A_21 = tpu.matmul %convert_element_type3A_19, %convert_element_type3A_15, %dot_general3A_20 {dimension_numbers = #tpu.dot_dimension_numbers<[0], [0], [1], [1], [0, 1, 1, 1], [], []>, transpose_lhs_hint = true} : vector<32x4096xbf16>, vector<32x128xbf16>, vector<4096x128xf32> -> vector<4096x128xf32>
    %add3A_22 = arith.addf %dot_general3A_8, %dot_general3A_21 : vector<4096x128xf32>
    %add3A_23 = arith.constant 64 : i32
    %add3A_24 = vector.broadcast %add3A_23 : i32 to vector<32x128xi32>
    %add3A_25 = arith.addi %iota3A, %add3A_24 : vector<32x128xi32>
    %eq3A_26 = arith.cmpi eq, %iota3A_0, %add3A_25 : vector<32x128xi32>
    %convert_element_type3A_27 = arith.extui %eq3A_26 : vector<32x128xi1> to vector<32x128xi32>
    %convert_element_type3A_28 = arith.sitofp %convert_element_type3A_27 : vector<32x128xi32> to vector<32x128xf32>
    %convert_element_type3A_29 = arith.truncf %convert_element_type3A_28 : vector<32x128xf32> to vector<32x128xbf16>
    %get3A_30 = arith.constant 0 : index
    %get3A_31 = arith.constant 0 : index
    %get3A_32 = vector.load %arg3[%get3A_30, %get3A_31] : memref<32x4096xf32, #tpu.memory_space<vmem>>, vector<32x4096xf32>
    %convert_element_type3A_33 = arith.truncf %get3A_32 : vector<32x4096xf32> to vector<32x4096xbf16>
    %dot_general3A_34 = arith.constant dense<0.000000e+00> : vector<4096x128xf32>
    %dot_general3A_35 = tpu.matmul %convert_element_type3A_33, %convert_element_type3A_29, %dot_general3A_34 {dimension_numbers = #tpu.dot_dimension_numbers<[0], [0], [1], [1], [0, 1, 1, 1], [], []>, transpose_lhs_hint = true} : vector<32x4096xbf16>, vector<32x128xbf16>, vector<4096x128xf32> -> vector<4096x128xf32>
    %add3A_36 = arith.addf %add3A_22, %dot_general3A_35 : vector<4096x128xf32>
    %add3A_37 = arith.constant 96 : i32
    %add3A_38 = vector.broadcast %add3A_37 : i32 to vector<32x128xi32>
    %add3A_39 = arith.addi %iota3A, %add3A_38 : vector<32x128xi32>
    %eq3A_40 = arith.cmpi eq, %iota3A_0, %add3A_39 : vector<32x128xi32>
    %convert_element_type3A_41 = arith.extui %eq3A_40 : vector<32x128xi1> to vector<32x128xi32>
    %convert_element_type3A_42 = arith.sitofp %convert_element_type3A_41 : vector<32x128xi32> to vector<32x128xf32>
    %convert_element_type3A_43 = arith.truncf %convert_element_type3A_42 : vector<32x128xf32> to vector<32x128xbf16>
    %get3A_44 = arith.constant 0 : index
    %get3A_45 = arith.constant 0 : index
    %get3A_46 = vector.load %arg4[%get3A_44, %get3A_45] : memref<32x4096xf32, #tpu.memory_space<vmem>>, vector<32x4096xf32>
    %convert_element_type3A_47 = arith.truncf %get3A_46 : vector<32x4096xf32> to vector<32x4096xbf16>
    %dot_general3A_48 = arith.constant dense<0.000000e+00> : vector<4096x128xf32>
    %dot_general3A_49 = tpu.matmul %convert_element_type3A_47, %convert_element_type3A_43, %dot_general3A_48 {dimension_numbers = #tpu.dot_dimension_numbers<[0], [0], [1], [1], [0, 1, 1, 1], [], []>, transpose_lhs_hint = true} : vector<32x4096xbf16>, vector<32x128xbf16>, vector<4096x128xf32> -> vector<4096x128xf32>
    %add3A_50 = arith.addf %add3A_36, %dot_general3A_49 : vector<4096x128xf32>
    %swap3A = arith.constant 0 : index
    %swap3A_51 = arith.constant 0 : index
    %swap3A_52 = vector.load %arg5[%swap3A, %swap3A_51] : memref<4096x128xf32, #tpu.memory_space<vmem>>, vector<4096x128xf32>
    tpu.vector_store %arg5[%swap3A, %swap3A_51], %add3A_50 {strides = array<i32>} : memref<4096x128xf32, #tpu.memory_space<vmem>>, vector<4096x128xf32>,
    return
  }
  func.func @transform_0(%arg0: i32) -> (i32, i32) {
    %mul3A = arith.constant 4 : i32
    %mul3A_0 = arith.muli %mul3A, %arg0 : i32
    %add3A = arith.constant 0 : i32
    %add3A_1 = arith.addi %mul3A_0, %add3A : i32
    %c0_i32 = arith.constant 0 : i32
    %c0_i32_2 = arith.constant 0 : i32
    return %c0_i32, %add3A_1 : i32, i32
  }
  func.func @transform_1(%arg0: i32) -> (i32, i32) {
    %mul3A = arith.constant 4 : i32
    %mul3A_0 = arith.muli %mul3A, %arg0 : i32
    %add3A = arith.constant 1 : i32
    %add3A_1 = arith.addi %mul3A_0, %add3A : i32
    %min3A = arith.constant 243 : i32
    %min3A_2 = arith.minsi %add3A_1, %min3A : i32
    %c0_i32 = arith.constant 0 : i32
    %c0_i32_3 = arith.constant 0 : i32
    return %c0_i32, %min3A_2 : i32, i32
  }
  func.func @transform_2(%arg0: i32) -> (i32, i32) {
    %mul3A = arith.constant 4 : i32
    %mul3A_0 = arith.muli %mul3A, %arg0 : i32
    %add3A = arith.constant 2 : i32
    %add3A_1 = arith.addi %mul3A_0, %add3A : i32
    %min3A = arith.constant 243 : i32
    %min3A_2 = arith.minsi %add3A_1, %min3A : i32
    %c0_i32 = arith.constant 0 : i32
    %c0_i32_3 = arith.constant 0 : i32
    return %c0_i32, %min3A_2 : i32, i32
  }
  func.func @transform_3(%arg0: i32) -> (i32, i32) {
    %mul3A = arith.constant 4 : i32
    %mul3A_0 = arith.muli %mul3A, %arg0 : i32
    %add3A = arith.constant 3 : i32
    %add3A_1 = arith.addi %mul3A_0, %add3A : i32
    %min3A = arith.constant 243 : i32
    %min3A_2 = arith.minsi %add3A_1, %min3A : i32
    %c0_i32 = arith.constant 0 : i32
    %c0_i32_3 = arith.constant 0 : i32
    return %c0_i32, %min3A_2 : i32, i32
  }
  func.func @transform_4(%arg0: i32) -> (i32, i32) {
    %c0_i32 = arith.constant 0 : i32
    %c0_i32_0 = arith.constant 0 : i32
    return %arg0, %c0_i32 : i32, i32
  }
}

module attributes {stable_mosaic.version = 14 : i64} {
  func.func @body(%arg0: i32, %arg1: memref<32x4096xf32, #tpu.memory_space<vmem>>, %arg2: memref<32x4096xf32, #tpu.memory_space<vmem>>, %arg3: memref<32x4096xf32, #tpu.memory_space<vmem>>, %arg4: memref<32x4096xf32, #tpu.memory_space<vmem>>, %arg5: memref<32x4096xf32, #tpu.memory_space<vmem>>, %arg6: memref<32x4096xf32, #tpu.memory_space<vmem>>, %arg7: memref<32x4096xf32, #tpu.memory_space<vmem>>, %arg8: memref<32x4096xf32, #tpu.memory_space<vmem>>, %arg9: memref<32x4096xf32, #tpu.memory_space<vmem>>, %arg10: memref<32x4096xf32, #tpu.memory_space<vmem>>, %arg11: memref<32x4096xf32, #tpu.memory_space<vmem>>, %arg12: memref<32x4096xf32, #tpu.memory_space<vmem>>, %arg13: memref<4096x128xf32, #tpu.memory_space<vmem>>, %arg14: memref<4096x128xf32, #tpu.memory_space<vmem>>, %arg15: memref<4096x128xf32, #tpu.memory_space<vmem>>) attributes {dimension_semantics = [#tpu.dimension_semantics<arbitrary>], iteration_bounds = array<i64: 7>, scalar_prefetch = 0 : i64, scratch_operands = 0 : i64, tpu.core_type = #tpu.core_type<tc>, window_params = [{transform_indices = @transform_0, window_bounds = array<i64: 32, 4096>}, {transform_indices = @transform_1, window_bounds = array<i64: 32, 4096>}, {transform_indices = @transform_2, window_bounds = array<i64: 32, 4096>}, {transform_indices = @transform_3, window_bounds = array<i64: 32, 4096>}, {transform_indices = @transform_4, window_bounds = array<i64: 32, 4096>}, {transform_indices = @transform_5, window_bounds = array<i64: 32, 4096>}, {transform_indices = @transform_6, window_bounds = array<i64: 32, 4096>}, {transform_indices = @transform_7, window_bounds = array<i64: 32, 4096>}, {transform_indices = @transform_8, window_bounds = array<i64: 32, 4096>}, {transform_indices = @transform_9, window_bounds = array<i64: 32, 4096>}, {transform_indices = @transform_10, window_bounds = array<i64: 32, 4096>}, {transform_indices = @transform_11, window_bounds = array<i64: 32, 4096>}, {transform_indices = @transform_12, window_bounds = array<i64: 4096, 128>}, {transform_indices = @transform_13, window_bounds = array<i64: 4096, 128>}, {transform_indices = @transform_14, window_bounds = array<i64: 4096, 128>}]} {
    %iota3A = tpu.iota {dimensions = array<i32: 0>} : vector<32x128xi32>
    %iota3A_0 = tpu.iota {dimensions = array<i32: 1>} : vector<32x128xi32>
    %add3A = arith.constant 32 : i32
    %add3A_1 = vector.broadcast %add3A : i32 to vector<32x128xi32>
    %add3A_2 = arith.addi %iota3A, %add3A_1 : vector<32x128xi32>
    %eq3A = arith.cmpi eq, %iota3A_0, %add3A_2 : vector<32x128xi32>
    %convert_element_type3A = arith.extui %eq3A : vector<32x128xi1> to vector<32x128xi32>
    %convert_element_type3A_3 = arith.sitofp %convert_element_type3A : vector<32x128xi32> to vector<32x128xf32>
    %convert_element_type3A_4 = arith.truncf %convert_element_type3A_3 : vector<32x128xf32> to vector<32x128xbf16>
    %get3A = arith.constant 0 : index
    %get3A_5 = arith.constant 0 : index
    %get3A_6 = vector.load %arg2[%get3A, %get3A_5] : memref<32x4096xf32, #tpu.memory_space<vmem>>, vector<32x4096xf32>
    %convert_element_type3A_7 = arith.truncf %get3A_6 : vector<32x4096xf32> to vector<32x4096xbf16>
    %dot_general3A = arith.constant dense<0.000000e+00> : vector<4096x128xf32>
    %dot_general3A_8 = tpu.matmul %convert_element_type3A_7, %convert_element_type3A_4, %dot_general3A {dimension_numbers = #tpu.dot_dimension_numbers<[0], [0], [1], [1], [0, 1, 1, 1], [], []>, transpose_lhs_hint = true} : vector<32x4096xbf16>, vector<32x128xbf16>, vector<4096x128xf32> -> vector<4096x128xf32>
    %add3A_9 = arith.constant 0.000000e+00 : f32
    %add3A_10 = vector.broadcast %add3A_9 : f32 to vector<4096x128xf32>
    %add3A_11 = arith.addf %add3A_10, %dot_general3A_8 : vector<4096x128xf32>
    %add3A_12 = arith.constant 64 : i32
    %add3A_13 = vector.broadcast %add3A_12 : i32 to vector<32x128xi32>
    %add3A_14 = arith.addi %iota3A, %add3A_13 : vector<32x128xi32>
    %eq3A_15 = arith.cmpi eq, %iota3A_0, %add3A_14 : vector<32x128xi32>
    %convert_element_type3A_16 = arith.extui %eq3A_15 : vector<32x128xi1> to vector<32x128xi32>
    %convert_element_type3A_17 = arith.sitofp %convert_element_type3A_16 : vector<32x128xi32> to vector<32x128xf32>
    %convert_element_type3A_18 = arith.truncf %convert_element_type3A_17 : vector<32x128xf32> to vector<32x128xbf16>
    %get3A_19 = arith.constant 0 : index
    %get3A_20 = arith.constant 0 : index
    %get3A_21 = vector.load %arg3[%get3A_19, %get3A_20] : memref<32x4096xf32, #tpu.memory_space<vmem>>, vector<32x4096xf32>
    %convert_element_type3A_22 = arith.truncf %get3A_21 : vector<32x4096xf32> to vector<32x4096xbf16>
    %dot_general3A_23 = arith.constant dense<0.000000e+00> : vector<4096x128xf32>
    %dot_general3A_24 = tpu.matmul %convert_element_type3A_22, %convert_element_type3A_18, %dot_general3A_23 {dimension_numbers = #tpu.dot_dimension_numbers<[0], [0], [1], [1], [0, 1, 1, 1], [], []>, transpose_lhs_hint = true} : vector<32x4096xbf16>, vector<32x128xbf16>, vector<4096x128xf32> -> vector<4096x128xf32>
    %add3A_25 = arith.addf %add3A_11, %dot_general3A_24 : vector<4096x128xf32>
    %add3A_26 = arith.constant 96 : i32
    %add3A_27 = vector.broadcast %add3A_26 : i32 to vector<32x128xi32>
    %add3A_28 = arith.addi %iota3A, %add3A_27 : vector<32x128xi32>
    %eq3A_29 = arith.cmpi eq, %iota3A_0, %add3A_28 : vector<32x128xi32>
    %convert_element_type3A_30 = arith.extui %eq3A_29 : vector<32x128xi1> to vector<32x128xi32>
    %convert_element_type3A_31 = arith.sitofp %convert_element_type3A_30 : vector<32x128xi32> to vector<32x128xf32>
    %convert_element_type3A_32 = arith.truncf %convert_element_type3A_31 : vector<32x128xf32> to vector<32x128xbf16>
    %get3A_33 = arith.constant 0 : index
    %get3A_34 = arith.constant 0 : index
    %get3A_35 = vector.load %arg4[%get3A_33, %get3A_34] : memref<32x4096xf32, #tpu.memory_space<vmem>>, vector<32x4096xf32>
    %convert_element_type3A_36 = arith.truncf %get3A_35 : vector<32x4096xf32> to vector<32x4096xbf16>
    %dot_general3A_37 = arith.constant dense<0.000000e+00> : vector<4096x128xf32>
    %dot_general3A_38 = tpu.matmul %convert_element_type3A_36, %convert_element_type3A_32, %dot_general3A_37 {dimension_numbers = #tpu.dot_dimension_numbers<[0], [0], [1], [1], [0, 1, 1, 1], [], []>, transpose_lhs_hint = true} : vector<32x4096xbf16>, vector<32x128xbf16>, vector<4096x128xf32> -> vector<4096x128xf32>
    %add3A_39 = arith.addf %add3A_25, %dot_general3A_38 : vector<4096x128xf32>
    %add3A_40 = arith.constant 0 : i32
    %add3A_41 = vector.broadcast %add3A_40 : i32 to vector<32x128xi32>
    %add3A_42 = arith.addi %iota3A, %add3A_41 : vector<32x128xi32>
    %eq3A_43 = arith.cmpi eq, %iota3A_0, %add3A_42 : vector<32x128xi32>
    %convert_element_type3A_44 = arith.extui %eq3A_43 : vector<32x128xi1> to vector<32x128xi32>
    %convert_element_type3A_45 = arith.sitofp %convert_element_type3A_44 : vector<32x128xi32> to vector<32x128xf32>
    %convert_element_type3A_46 = arith.truncf %convert_element_type3A_45 : vector<32x128xf32> to vector<32x128xbf16>
    %get3A_47 = arith.constant 0 : index
    %get3A_48 = arith.constant 0 : index
    %get3A_49 = vector.load %arg1[%get3A_47, %get3A_48] : memref<32x4096xf32, #tpu.memory_space<vmem>>, vector<32x4096xf32>
    %convert_element_type3A_50 = arith.truncf %get3A_49 : vector<32x4096xf32> to vector<32x4096xbf16>
    %dot_general3A_51 = arith.constant dense<0.000000e+00> : vector<4096x128xf32>
    %dot_general3A_52 = tpu.matmul %convert_element_type3A_50, %convert_element_type3A_46, %dot_general3A_51 {dimension_numbers = #tpu.dot_dimension_numbers<[0], [0], [1], [1], [0, 1, 1, 1], [], []>, transpose_lhs_hint = true} : vector<32x4096xbf16>, vector<32x128xbf16>, vector<4096x128xf32> -> vector<4096x128xf32>
    %add3A_53 = arith.addf %add3A_39, %dot_general3A_52 : vector<4096x128xf32>
    %swap3A = arith.constant 0 : index
    %swap3A_54 = arith.constant 0 : index
    %swap3A_55 = vector.load %arg13[%swap3A, %swap3A_54] : memref<4096x128xf32, #tpu.memory_space<vmem>>, vector<4096x128xf32>
    tpu.vector_store %arg13[%swap3A, %swap3A_54], %add3A_53 {strides = array<i32>} : memref<4096x128xf32, #tpu.memory_space<vmem>>, vector<4096x128xf32>,
    %add3A_56 = arith.constant 32 : i32
    %add3A_57 = vector.broadcast %add3A_56 : i32 to vector<32x128xi32>
    %add3A_58 = arith.addi %iota3A, %add3A_57 : vector<32x128xi32>
    %eq3A_59 = arith.cmpi eq, %iota3A_0, %add3A_58 : vector<32x128xi32>
    %convert_element_type3A_60 = arith.extui %eq3A_59 : vector<32x128xi1> to vector<32x128xi32>
    %convert_element_type3A_61 = arith.sitofp %convert_element_type3A_60 : vector<32x128xi32> to vector<32x128xf32>
    %convert_element_type3A_62 = arith.truncf %convert_element_type3A_61 : vector<32x128xf32> to vector<32x128xbf16>
    %get3A_63 = arith.constant 0 : index
    %get3A_64 = arith.constant 0 : index
    %get3A_65 = vector.load %arg6[%get3A_63, %get3A_64] : memref<32x4096xf32, #tpu.memory_space<vmem>>, vector<32x4096xf32>
    %convert_element_type3A_66 = arith.truncf %get3A_65 : vector<32x4096xf32> to vector<32x4096xbf16>
    %dot_general3A_67 = arith.constant dense<0.000000e+00> : vector<4096x128xf32>
    %dot_general3A_68 = tpu.matmul %convert_element_type3A_66, %convert_element_type3A_62, %dot_general3A_67 {dimension_numbers = #tpu.dot_dimension_numbers<[0], [0], [1], [1], [0, 1, 1, 1], [], []>, transpose_lhs_hint = true} : vector<32x4096xbf16>, vector<32x128xbf16>, vector<4096x128xf32> -> vector<4096x128xf32>
    %add3A_69 = arith.constant 0.000000e+00 : f32
    %add3A_70 = vector.broadcast %add3A_69 : f32 to vector<4096x128xf32>
    %add3A_71 = arith.addf %add3A_70, %dot_general3A_68 : vector<4096x128xf32>
    %add3A_72 = arith.constant 64 : i32
    %add3A_73 = vector.broadcast %add3A_72 : i32 to vector<32x128xi32>
    %add3A_74 = arith.addi %iota3A, %add3A_73 : vector<32x128xi32>
    %eq3A_75 = arith.cmpi eq, %iota3A_0, %add3A_74 : vector<32x128xi32>
    %convert_element_type3A_76 = arith.extui %eq3A_75 : vector<32x128xi1> to vector<32x128xi32>
    %convert_element_type3A_77 = arith.sitofp %convert_element_type3A_76 : vector<32x128xi32> to vector<32x128xf32>
    %convert_element_type3A_78 = arith.truncf %convert_element_type3A_77 : vector<32x128xf32> to vector<32x128xbf16>
    %get3A_79 = arith.constant 0 : index
    %get3A_80 = arith.constant 0 : index
    %get3A_81 = vector.load %arg7[%get3A_79, %get3A_80] : memref<32x4096xf32, #tpu.memory_space<vmem>>, vector<32x4096xf32>
    %convert_element_type3A_82 = arith.truncf %get3A_81 : vector<32x4096xf32> to vector<32x4096xbf16>
    %dot_general3A_83 = arith.constant dense<0.000000e+00> : vector<4096x128xf32>
    %dot_general3A_84 = tpu.matmul %convert_element_type3A_82, %convert_element_type3A_78, %dot_general3A_83 {dimension_numbers = #tpu.dot_dimension_numbers<[0], [0], [1], [1], [0, 1, 1, 1], [], []>, transpose_lhs_hint = true} : vector<32x4096xbf16>, vector<32x128xbf16>, vector<4096x128xf32> -> vector<4096x128xf32>
    %add3A_85 = arith.addf %add3A_71, %dot_general3A_84 : vector<4096x128xf32>
    %add3A_86 = arith.constant 96 : i32
    %add3A_87 = vector.broadcast %add3A_86 : i32 to vector<32x128xi32>
    %add3A_88 = arith.addi %iota3A, %add3A_87 : vector<32x128xi32>
    %eq3A_89 = arith.cmpi eq, %iota3A_0, %add3A_88 : vector<32x128xi32>
    %convert_element_type3A_90 = arith.extui %eq3A_89 : vector<32x128xi1> to vector<32x128xi32>
    %convert_element_type3A_91 = arith.sitofp %convert_element_type3A_90 : vector<32x128xi32> to vector<32x128xf32>
    %convert_element_type3A_92 = arith.truncf %convert_element_type3A_91 : vector<32x128xf32> to vector<32x128xbf16>
    %get3A_93 = arith.constant 0 : index
    %get3A_94 = arith.constant 0 : index
    %get3A_95 = vector.load %arg8[%get3A_93, %get3A_94] : memref<32x4096xf32, #tpu.memory_space<vmem>>, vector<32x4096xf32>
    %convert_element_type3A_96 = arith.truncf %get3A_95 : vector<32x4096xf32> to vector<32x4096xbf16>
    %dot_general3A_97 = arith.constant dense<0.000000e+00> : vector<4096x128xf32>
    %dot_general3A_98 = tpu.matmul %convert_element_type3A_96, %convert_element_type3A_92, %dot_general3A_97 {dimension_numbers = #tpu.dot_dimension_numbers<[0], [0], [1], [1], [0, 1, 1, 1], [], []>, transpose_lhs_hint = true} : vector<32x4096xbf16>, vector<32x128xbf16>, vector<4096x128xf32> -> vector<4096x128xf32>
    %add3A_99 = arith.addf %add3A_85, %dot_general3A_98 : vector<4096x128xf32>
    %add3A_100 = arith.constant 0 : i32
    %add3A_101 = vector.broadcast %add3A_100 : i32 to vector<32x128xi32>
    %add3A_102 = arith.addi %iota3A, %add3A_101 : vector<32x128xi32>
    %eq3A_103 = arith.cmpi eq, %iota3A_0, %add3A_102 : vector<32x128xi32>
    %convert_element_type3A_104 = arith.extui %eq3A_103 : vector<32x128xi1> to vector<32x128xi32>
    %convert_element_type3A_105 = arith.sitofp %convert_element_type3A_104 : vector<32x128xi32> to vector<32x128xf32>
    %convert_element_type3A_106 = arith.truncf %convert_element_type3A_105 : vector<32x128xf32> to vector<32x128xbf16>
    %get3A_107 = arith.constant 0 : index
    %get3A_108 = arith.constant 0 : index
    %get3A_109 = vector.load %arg5[%get3A_107, %get3A_108] : memref<32x4096xf32, #tpu.memory_space<vmem>>, vector<32x4096xf32>
    %convert_element_type3A_110 = arith.truncf %get3A_109 : vector<32x4096xf32> to vector<32x4096xbf16>
    %dot_general3A_111 = arith.constant dense<0.000000e+00> : vector<4096x128xf32>
    %dot_general3A_112 = tpu.matmul %convert_element_type3A_110, %convert_element_type3A_106, %dot_general3A_111 {dimension_numbers = #tpu.dot_dimension_numbers<[0], [0], [1], [1], [0, 1, 1, 1], [], []>, transpose_lhs_hint = true} : vector<32x4096xbf16>, vector<32x128xbf16>, vector<4096x128xf32> -> vector<4096x128xf32>
    %add3A_113 = arith.addf %add3A_99, %dot_general3A_112 : vector<4096x128xf32>
    %swap3A_114 = arith.constant 0 : index
    %swap3A_115 = arith.constant 0 : index
    %swap3A_116 = vector.load %arg14[%swap3A_114, %swap3A_115] : memref<4096x128xf32, #tpu.memory_space<vmem>>, vector<4096x128xf32>
    tpu.vector_store %arg14[%swap3A_114, %swap3A_115], %add3A_113 {strides = array<i32>} : memref<4096x128xf32, #tpu.memory_space<vmem>>, vector<4096x128xf32>,
    %add3A_117 = arith.constant 32 : i32
    %add3A_118 = vector.broadcast %add3A_117 : i32 to vector<32x128xi32>
    %add3A_119 = arith.addi %iota3A, %add3A_118 : vector<32x128xi32>
    %eq3A_120 = arith.cmpi eq, %iota3A_0, %add3A_119 : vector<32x128xi32>
    %convert_element_type3A_121 = arith.extui %eq3A_120 : vector<32x128xi1> to vector<32x128xi32>
    %convert_element_type3A_122 = arith.sitofp %convert_element_type3A_121 : vector<32x128xi32> to vector<32x128xf32>
    %convert_element_type3A_123 = arith.truncf %convert_element_type3A_122 : vector<32x128xf32> to vector<32x128xbf16>
    %get3A_124 = arith.constant 0 : index
    %get3A_125 = arith.constant 0 : index
    %get3A_126 = vector.load %arg10[%get3A_124, %get3A_125] : memref<32x4096xf32, #tpu.memory_space<vmem>>, vector<32x4096xf32>
    %convert_element_type3A_127 = arith.truncf %get3A_126 : vector<32x4096xf32> to vector<32x4096xbf16>
    %dot_general3A_128 = arith.constant dense<0.000000e+00> : vector<4096x128xf32>
    %dot_general3A_129 = tpu.matmul %convert_element_type3A_127, %convert_element_type3A_123, %dot_general3A_128 {dimension_numbers = #tpu.dot_dimension_numbers<[0], [0], [1], [1], [0, 1, 1, 1], [], []>, transpose_lhs_hint = true} : vector<32x4096xbf16>, vector<32x128xbf16>, vector<4096x128xf32> -> vector<4096x128xf32>
    %add3A_130 = arith.constant 0.000000e+00 : f32
    %add3A_131 = vector.broadcast %add3A_130 : f32 to vector<4096x128xf32>
    %add3A_132 = arith.addf %add3A_131, %dot_general3A_129 : vector<4096x128xf32>
    %add3A_133 = arith.constant 64 : i32
    %add3A_134 = vector.broadcast %add3A_133 : i32 to vector<32x128xi32>
    %add3A_135 = arith.addi %iota3A, %add3A_134 : vector<32x128xi32>
    %eq3A_136 = arith.cmpi eq, %iota3A_0, %add3A_135 : vector<32x128xi32>
    %convert_element_type3A_137 = arith.extui %eq3A_136 : vector<32x128xi1> to vector<32x128xi32>
    %convert_element_type3A_138 = arith.sitofp %convert_element_type3A_137 : vector<32x128xi32> to vector<32x128xf32>
    %convert_element_type3A_139 = arith.truncf %convert_element_type3A_138 : vector<32x128xf32> to vector<32x128xbf16>
    %get3A_140 = arith.constant 0 : index
    %get3A_141 = arith.constant 0 : index
    %get3A_142 = vector.load %arg11[%get3A_140, %get3A_141] : memref<32x4096xf32, #tpu.memory_space<vmem>>, vector<32x4096xf32>
    %convert_element_type3A_143 = arith.truncf %get3A_142 : vector<32x4096xf32> to vector<32x4096xbf16>
    %dot_general3A_144 = arith.constant dense<0.000000e+00> : vector<4096x128xf32>
    %dot_general3A_145 = tpu.matmul %convert_element_type3A_143, %convert_element_type3A_139, %dot_general3A_144 {dimension_numbers = #tpu.dot_dimension_numbers<[0], [0], [1], [1], [0, 1, 1, 1], [], []>, transpose_lhs_hint = true} : vector<32x4096xbf16>, vector<32x128xbf16>, vector<4096x128xf32> -> vector<4096x128xf32>
    %add3A_146 = arith.addf %add3A_132, %dot_general3A_145 : vector<4096x128xf32>
    %add3A_147 = arith.constant 96 : i32
    %add3A_148 = vector.broadcast %add3A_147 : i32 to vector<32x128xi32>
    %add3A_149 = arith.addi %iota3A, %add3A_148 : vector<32x128xi32>
    %eq3A_150 = arith.cmpi eq, %iota3A_0, %add3A_149 : vector<32x128xi32>
    %convert_element_type3A_151 = arith.extui %eq3A_150 : vector<32x128xi1> to vector<32x128xi32>
    %convert_element_type3A_152 = arith.sitofp %convert_element_type3A_151 : vector<32x128xi32> to vector<32x128xf32>
    %convert_element_type3A_153 = arith.truncf %convert_element_type3A_152 : vector<32x128xf32> to vector<32x128xbf16>
    %get3A_154 = arith.constant 0 : index
    %get3A_155 = arith.constant 0 : index
    %get3A_156 = vector.load %arg12[%get3A_154, %get3A_155] : memref<32x4096xf32, #tpu.memory_space<vmem>>, vector<32x4096xf32>
    %convert_element_type3A_157 = arith.truncf %get3A_156 : vector<32x4096xf32> to vector<32x4096xbf16>
    %dot_general3A_158 = arith.constant dense<0.000000e+00> : vector<4096x128xf32>
    %dot_general3A_159 = tpu.matmul %convert_element_type3A_157, %convert_element_type3A_153, %dot_general3A_158 {dimension_numbers = #tpu.dot_dimension_numbers<[0], [0], [1], [1], [0, 1, 1, 1], [], []>, transpose_lhs_hint = true} : vector<32x4096xbf16>, vector<32x128xbf16>, vector<4096x128xf32> -> vector<4096x128xf32>
    %add3A_160 = arith.addf %add3A_146, %dot_general3A_159 : vector<4096x128xf32>
    %add3A_161 = arith.constant 0 : i32
    %add3A_162 = vector.broadcast %add3A_161 : i32 to vector<32x128xi32>
    %add3A_163 = arith.addi %iota3A, %add3A_162 : vector<32x128xi32>
    %eq3A_164 = arith.cmpi eq, %iota3A_0, %add3A_163 : vector<32x128xi32>
    %convert_element_type3A_165 = arith.extui %eq3A_164 : vector<32x128xi1> to vector<32x128xi32>
    %convert_element_type3A_166 = arith.sitofp %convert_element_type3A_165 : vector<32x128xi32> to vector<32x128xf32>
    %convert_element_type3A_167 = arith.truncf %convert_element_type3A_166 : vector<32x128xf32> to vector<32x128xbf16>
    %get3A_168 = arith.constant 0 : index
    %get3A_169 = arith.constant 0 : index
    %get3A_170 = vector.load %arg9[%get3A_168, %get3A_169] : memref<32x4096xf32, #tpu.memory_space<vmem>>, vector<32x4096xf32>
    %convert_element_type3A_171 = arith.truncf %get3A_170 : vector<32x4096xf32> to vector<32x4096xbf16>
    %dot_general3A_172 = arith.constant dense<0.000000e+00> : vector<4096x128xf32>
    %dot_general3A_173 = tpu.matmul %convert_element_type3A_171, %convert_element_type3A_167, %dot_general3A_172 {dimension_numbers = #tpu.dot_dimension_numbers<[0], [0], [1], [1], [0, 1, 1, 1], [], []>, transpose_lhs_hint = true} : vector<32x4096xbf16>, vector<32x128xbf16>, vector<4096x128xf32> -> vector<4096x128xf32>
    %add3A_174 = arith.addf %add3A_160, %dot_general3A_173 : vector<4096x128xf32>
    %swap3A_175 = arith.constant 0 : index
    %swap3A_176 = arith.constant 0 : index
    %swap3A_177 = vector.load %arg15[%swap3A_175, %swap3A_176] : memref<4096x128xf32, #tpu.memory_space<vmem>>, vector<4096x128xf32>
    tpu.vector_store %arg15[%swap3A_175, %swap3A_176], %add3A_174 {strides = array<i32>} : memref<4096x128xf32, #tpu.memory_space<vmem>>, vector<4096x128xf32>,
    return
  }
  func.func @transform_0(%arg0: i32) -> (i32, i32) {
    %mul3A = arith.constant 4 : i32
    %mul3A_0 = arith.muli %mul3A, %arg0 : i32
    %add3A = arith.constant 0 : i32
    %add3A_1 = arith.addi %mul3A_0, %add3A : i32
    %c0_i32 = arith.constant 0 : i32
    %c0_i32_2 = arith.constant 0 : i32
    return %c0_i32, %add3A_1 : i32, i32
  }
  func.func @transform_1(%arg0: i32) -> (i32, i32) {
    %mul3A = arith.constant 4 : i32
    %mul3A_0 = arith.muli %mul3A, %arg0 : i32
    %add3A = arith.constant 1 : i32
    %add3A_1 = arith.addi %mul3A_0, %add3A : i32
    %min3A = arith.constant 23 : i32
    %min3A_2 = arith.minsi %add3A_1, %min3A : i32
    %c0_i32 = arith.constant 0 : i32
    %c0_i32_3 = arith.constant 0 : i32
    return %c0_i32, %min3A_2 : i32, i32
  }
  func.func @transform_2(%arg0: i32) -> (i32, i32) {
    %mul3A = arith.constant 4 : i32
    %mul3A_0 = arith.muli %mul3A, %arg0 : i32
    %add3A = arith.constant 2 : i32
    %add3A_1 = arith.addi %mul3A_0, %add3A : i32
    %min3A = arith.constant 23 : i32
    %min3A_2 = arith.minsi %add3A_1, %min3A : i32
    %c0_i32 = arith.constant 0 : i32
    %c0_i32_3 = arith.constant 0 : i32
    return %c0_i32, %min3A_2 : i32, i32
  }
  func.func @transform_3(%arg0: i32) -> (i32, i32) {
    %mul3A = arith.constant 4 : i32
    %mul3A_0 = arith.muli %mul3A, %arg0 : i32
    %add3A = arith.constant 3 : i32
    %add3A_1 = arith.addi %mul3A_0, %add3A : i32
    %min3A = arith.constant 23 : i32
    %min3A_2 = arith.minsi %add3A_1, %min3A : i32
    %c0_i32 = arith.constant 0 : i32
    %c0_i32_3 = arith.constant 0 : i32
    return %c0_i32, %min3A_2 : i32, i32
  }
  func.func @transform_4(%arg0: i32) -> (i32, i32) {
    %mul3A = arith.constant 4 : i32
    %mul3A_0 = arith.muli %mul3A, %arg0 : i32
    %add3A = arith.constant 0 : i32
    %add3A_1 = arith.addi %mul3A_0, %add3A : i32
    %c0_i32 = arith.constant 0 : i32
    %c0_i32_2 = arith.constant 0 : i32
    return %c0_i32, %add3A_1 : i32, i32
  }
  func.func @transform_5(%arg0: i32) -> (i32, i32) {
    %mul3A = arith.constant 4 : i32
    %mul3A_0 = arith.muli %mul3A, %arg0 : i32
    %add3A = arith.constant 1 : i32
    %add3A_1 = arith.addi %mul3A_0, %add3A : i32
    %min3A = arith.constant 23 : i32
    %min3A_2 = arith.minsi %add3A_1, %min3A : i32
    %c0_i32 = arith.constant 0 : i32
    %c0_i32_3 = arith.constant 0 : i32
    return %c0_i32, %min3A_2 : i32, i32
  }
  func.func @transform_6(%arg0: i32) -> (i32, i32) {
    %mul3A = arith.constant 4 : i32
    %mul3A_0 = arith.muli %mul3A, %arg0 : i32
    %add3A = arith.constant 2 : i32
    %add3A_1 = arith.addi %mul3A_0, %add3A : i32
    %min3A = arith.constant 23 : i32
    %min3A_2 = arith.minsi %add3A_1, %min3A : i32
    %c0_i32 = arith.constant 0 : i32
    %c0_i32_3 = arith.constant 0 : i32
    return %c0_i32, %min3A_2 : i32, i32
  }
  func.func @transform_7(%arg0: i32) -> (i32, i32) {
    %mul3A = arith.constant 4 : i32
    %mul3A_0 = arith.muli %mul3A, %arg0 : i32
    %add3A = arith.constant 3 : i32
    %add3A_1 = arith.addi %mul3A_0, %add3A : i32
    %min3A = arith.constant 23 : i32
    %min3A_2 = arith.minsi %add3A_1, %min3A : i32
    %c0_i32 = arith.constant 0 : i32
    %c0_i32_3 = arith.constant 0 : i32
    return %c0_i32, %min3A_2 : i32, i32
  }
  func.func @transform_8(%arg0: i32) -> (i32, i32) {
    %mul3A = arith.constant 4 : i32
    %mul3A_0 = arith.muli %mul3A, %arg0 : i32
    %add3A = arith.constant 0 : i32
    %add3A_1 = arith.addi %mul3A_0, %add3A : i32
    %c0_i32 = arith.constant 0 : i32
    %c0_i32_2 = arith.constant 0 : i32
    return %c0_i32, %add3A_1 : i32, i32
  }
  func.func @transform_9(%arg0: i32) -> (i32, i32) {
    %mul3A = arith.constant 4 : i32
    %mul3A_0 = arith.muli %mul3A, %arg0 : i32
    %add3A = arith.constant 1 : i32
    %add3A_1 = arith.addi %mul3A_0, %add3A : i32
    %min3A = arith.constant 23 : i32
    %min3A_2 = arith.minsi %add3A_1, %min3A : i32
    %c0_i32 = arith.constant 0 : i32
    %c0_i32_3 = arith.constant 0 : i32
    return %c0_i32, %min3A_2 : i32, i32
  }
  func.func @transform_10(%arg0: i32) -> (i32, i32) {
    %mul3A = arith.constant 4 : i32
    %mul3A_0 = arith.muli %mul3A, %arg0 : i32
    %add3A = arith.constant 2 : i32
    %add3A_1 = arith.addi %mul3A_0, %add3A : i32
    %min3A = arith.constant 23 : i32
    %min3A_2 = arith.minsi %add3A_1, %min3A : i32
    %c0_i32 = arith.constant 0 : i32
    %c0_i32_3 = arith.constant 0 : i32
    return %c0_i32, %min3A_2 : i32, i32
  }
  func.func @transform_11(%arg0: i32) -> (i32, i32) {
    %mul3A = arith.constant 4 : i32
    %mul3A_0 = arith.muli %mul3A, %arg0 : i32
    %add3A = arith.constant 3 : i32
    %add3A_1 = arith.addi %mul3A_0, %add3A : i32
    %min3A = arith.constant 23 : i32
    %min3A_2 = arith.minsi %add3A_1, %min3A : i32
    %c0_i32 = arith.constant 0 : i32
    %c0_i32_3 = arith.constant 0 : i32
    return %c0_i32, %min3A_2 : i32, i32
  }
  func.func @transform_12(%arg0: i32) -> (i32, i32) {
    %c0_i32 = arith.constant 0 : i32
    %c0_i32_0 = arith.constant 0 : i32
    return %arg0, %c0_i32 : i32, i32
  }
  func.func @transform_13(%arg0: i32) -> (i32, i32) {
    %c0_i32 = arith.constant 0 : i32
    %c0_i32_0 = arith.constant 0 : i32
    return %arg0, %c0_i32 : i32, i32
  }
  func.func @transform_14(%arg0: i32) -> (i32, i32) {
    %c0_i32 = arith.constant 0 : i32
    %c0_i32_0 = arith.constant 0 : i32
    return %arg0, %c0_i32 : i32, i32
  }
}

module attributes {stable_mosaic.version = 14 : i64} {
  func.func @_dense_body(%arg0: i32, %arg1: memref<2048x4xf32, #tpu.memory_space<vmem>>, %arg2: memref<2048x128xf32, #tpu.memory_space<vmem>>, %arg3: memref<2048x128xf32, #tpu.memory_space<vmem>>, %arg4: memref<2048x128xf32, #tpu.memory_space<vmem>>, %arg5: memref<4x96xf32, #tpu.memory_space<vmem>>, %arg6: memref<1x96xf32, #tpu.memory_space<vmem>>, %arg7: memref<96x96xf32, #tpu.memory_space<vmem>>, %arg8: memref<1x96xf32, #tpu.memory_space<vmem>>, %arg9: memref<128x32xf32, #tpu.memory_space<vmem>>, %arg10: memref<1x32xf32, #tpu.memory_space<vmem>>, %arg11: memref<256x128xf32, #tpu.memory_space<vmem>>, %arg12: memref<1x128xf32, #tpu.memory_space<vmem>>, %arg13: memref<128x32xf32, #tpu.memory_space<vmem>>, %arg14: memref<1x32xf32, #tpu.memory_space<vmem>>, %arg15: memref<32x2048xf32, #tpu.memory_space<vmem>>) attributes {dimension_semantics = [#tpu.dimension_semantics<arbitrary>], iteration_bounds = array<i64: 8>, scalar_prefetch = 0 : i64, scratch_operands = 0 : i64, tpu.core_type = #tpu.core_type<tc>, window_params = [{transform_indices = @transform_0, window_bounds = array<i64: 2048, 4>}, {transform_indices = @transform_1, window_bounds = array<i64: 2048, 128>}, {transform_indices = @transform_2, window_bounds = array<i64: 2048, 128>}, {transform_indices = @transform_3, window_bounds = array<i64: 2048, 128>}, {pipeline_mode = #tpu.pipeline_mode<synchronous>, transform_indices = @transform_4, window_bounds = array<i64: 4, 96>}, {pipeline_mode = #tpu.pipeline_mode<synchronous>, transform_indices = @transform_5, window_bounds = array<i64: 1, 96>}, {pipeline_mode = #tpu.pipeline_mode<synchronous>, transform_indices = @transform_6, window_bounds = array<i64: 96, 96>}, {pipeline_mode = #tpu.pipeline_mode<synchronous>, transform_indices = @transform_7, window_bounds = array<i64: 1, 96>}, {pipeline_mode = #tpu.pipeline_mode<synchronous>, transform_indices = @transform_8, window_bounds = array<i64: 128, 32>}, {pipeline_mode = #tpu.pipeline_mode<synchronous>, transform_indices = @transform_9, window_bounds = array<i64: 1, 32>}, {pipeline_mode = #tpu.pipeline_mode<synchronous>, transform_indices = @transform_10, window_bounds = array<i64: 256, 128>}, {pipeline_mode = #tpu.pipeline_mode<synchronous>, transform_indices = @transform_11, window_bounds = array<i64: 1, 128>}, {pipeline_mode = #tpu.pipeline_mode<synchronous>, transform_indices = @transform_12, window_bounds = array<i64: 128, 32>}, {pipeline_mode = #tpu.pipeline_mode<synchronous>, transform_indices = @transform_13, window_bounds = array<i64: 1, 32>}, {transform_indices = @transform_14, window_bounds = array<i64: 32, 2048>}]} {
    %get3A = arith.constant 0 : index
    %get3A_0 = arith.constant 0 : index
    %get3A_1 = vector.load %arg1[%get3A, %get3A_0] : memref<2048x4xf32, #tpu.memory_space<vmem>>, vector<2048x4xf32>
    %get3A_2 = arith.constant 0 : index
    %get3A_3 = arith.constant 0 : index
    %get3A_4 = vector.load %arg5[%get3A_2, %get3A_3] : memref<4x96xf32, #tpu.memory_space<vmem>>, vector<4x96xf32>
    %dot_general3A = arith.constant dense<0.000000e+00> : vector<2048x96xf32>
    %dot_general3A_5 = tpu.matmul %get3A_1, %get3A_4, %dot_general3A {dimension_numbers = #tpu.dot_dimension_numbers<[1], [0], [0], [1], [0, 0, 1, 1], [], []>, transpose_lhs_hint = false} : vector<2048x4xf32>, vector<4x96xf32>, vector<2048x96xf32> -> vector<2048x96xf32>
    %get3A_6 = arith.constant 0 : index
    %get3A_7 = arith.constant 0 : index
    %get3A_8 = vector.load %arg6[%get3A_6, %get3A_7] : memref<1x96xf32, #tpu.memory_space<vmem>>, vector<1x96xf32>
    %add3A = vector.broadcast %get3A_8 : vector<1x96xf32> to vector<2048x96xf32>
    %add3A_9 = arith.addf %dot_general3A_5, %add3A : vector<2048x96xf32>
    %max3A = arith.constant 0.000000e+00 : f32
    %max3A_10 = vector.broadcast %max3A : f32 to vector<2048x96xf32>
    %max3A_11 = arith.maximumf %add3A_9, %max3A_10 : vector<2048x96xf32>
    %get3A_12 = arith.constant 0 : index
    %get3A_13 = arith.constant 0 : index
    %get3A_14 = vector.load %arg7[%get3A_12, %get3A_13] : memref<96x96xf32, #tpu.memory_space<vmem>>, vector<96x96xf32>
    %dot_general3A_15 = arith.constant dense<0.000000e+00> : vector<2048x96xf32>
    %dot_general3A_16 = tpu.matmul %max3A_11, %get3A_14, %dot_general3A_15 {dimension_numbers = #tpu.dot_dimension_numbers<[1], [0], [0], [1], [0, 0, 1, 1], [], []>, transpose_lhs_hint = false} : vector<2048x96xf32>, vector<96x96xf32>, vector<2048x96xf32> -> vector<2048x96xf32>
    %get3A_17 = arith.constant 0 : index
    %get3A_18 = arith.constant 0 : index
    %get3A_19 = vector.load %arg8[%get3A_17, %get3A_18] : memref<1x96xf32, #tpu.memory_space<vmem>>, vector<1x96xf32>
    %add3A_20 = vector.broadcast %get3A_19 : vector<1x96xf32> to vector<2048x96xf32>
    %add3A_21 = arith.addf %dot_general3A_16, %add3A_20 : vector<2048x96xf32>
    %get3A_22 = arith.constant 0 : index
    %get3A_23 = arith.constant 0 : index
    %get3A_24 = vector.load %arg2[%get3A_22, %get3A_23] : memref<2048x128xf32, #tpu.memory_space<vmem>>, vector<2048x128xf32>
    %get3A_25 = arith.constant 0 : index
    %get3A_26 = arith.constant 0 : index
    %get3A_27 = vector.load %arg9[%get3A_25, %get3A_26] : memref<128x32xf32, #tpu.memory_space<vmem>>, vector<128x32xf32>
    %dot_general3A_28 = arith.constant dense<0.000000e+00> : vector<2048x32xf32>
    %dot_general3A_29 = tpu.matmul %get3A_24, %get3A_27, %dot_general3A_28 {dimension_numbers = #tpu.dot_dimension_numbers<[1], [0], [0], [1], [0, 0, 1, 1], [], []>, transpose_lhs_hint = false} : vector<2048x128xf32>, vector<128x32xf32>, vector<2048x32xf32> -> vector<2048x32xf32>
    %get3A_30 = arith.constant 0 : index
    %get3A_31 = arith.constant 0 : index
    %get3A_32 = vector.load %arg10[%get3A_30, %get3A_31] : memref<1x32xf32, #tpu.memory_space<vmem>>, vector<1x32xf32>
    %add3A_33 = vector.broadcast %get3A_32 : vector<1x32xf32> to vector<2048x32xf32>
    %add3A_34 = arith.addf %dot_general3A_29, %add3A_33 : vector<2048x32xf32>
    %get3A_35 = arith.constant 0 : index
    %get3A_36 = arith.constant 0 : index
    %get3A_37 = vector.load %arg11[%get3A_35, %get3A_36] : memref<256x128xf32, #tpu.memory_space<vmem>>, vector<256x128xf32>
    %get3A_38 = arith.constant 0 : index
    %get3A_39 = arith.constant 0 : index
    %get3A_40 = vector.load %arg3[%get3A_38, %get3A_39] : memref<2048x128xf32, #tpu.memory_space<vmem>>, vector<2048x128xf32>
    %slice3A = vector.extract_strided_slice %get3A_40 {offsets = [0, 0], sizes = [2048, 96], strides = [1, 1]} : vector<2048x128xf32> to vector<2048x96xf32>
    %slice3A_41 = vector.extract_strided_slice %get3A_37 {offsets = [0, 0], sizes = [96, 128], strides = [1, 1]} : vector<256x128xf32> to vector<96x128xf32>
    %dot_general3A_42 = arith.constant dense<0.000000e+00> : vector<2048x128xf32>
    %dot_general3A_43 = tpu.matmul %slice3A, %slice3A_41, %dot_general3A_42 {dimension_numbers = #tpu.dot_dimension_numbers<[1], [0], [0], [1], [0, 0, 1, 1], [], []>, transpose_lhs_hint = false} : vector<2048x96xf32>, vector<96x128xf32>, vector<2048x128xf32> -> vector<2048x128xf32>
    %get3A_44 = arith.constant 0 : index
    %get3A_45 = arith.constant 0 : index
    %get3A_46 = vector.load %arg4[%get3A_44, %get3A_45] : memref<2048x128xf32, #tpu.memory_space<vmem>>, vector<2048x128xf32>
    %slice3A_47 = vector.extract_strided_slice %get3A_46 {offsets = [0, 0], sizes = [2048, 32], strides = [1, 1]} : vector<2048x128xf32> to vector<2048x32xf32>
    %slice3A_48 = vector.extract_strided_slice %get3A_37 {offsets = [96, 0], sizes = [32, 128], strides = [1, 1]} : vector<256x128xf32> to vector<32x128xf32>
    %dot_general3A_49 = arith.constant dense<0.000000e+00> : vector<2048x128xf32>
    %dot_general3A_50 = tpu.matmul %slice3A_47, %slice3A_48, %dot_general3A_49 {dimension_numbers = #tpu.dot_dimension_numbers<[1], [0], [0], [1], [0, 0, 1, 1], [], []>, transpose_lhs_hint = false} : vector<2048x32xf32>, vector<32x128xf32>, vector<2048x128xf32> -> vector<2048x128xf32>
    %add3A_51 = arith.addf %dot_general3A_43, %dot_general3A_50 : vector<2048x128xf32>
    %slice3A_52 = vector.extract_strided_slice %get3A_37 {offsets = [128, 0], sizes = [96, 128], strides = [1, 1]} : vector<256x128xf32> to vector<96x128xf32>
    %dot_general3A_53 = arith.constant dense<0.000000e+00> : vector<2048x128xf32>
    %dot_general3A_54 = tpu.matmul %add3A_21, %slice3A_52, %dot_general3A_53 {dimension_numbers = #tpu.dot_dimension_numbers<[1], [0], [0], [1], [0, 0, 1, 1], [], []>, transpose_lhs_hint = false} : vector<2048x96xf32>, vector<96x128xf32>, vector<2048x128xf32> -> vector<2048x128xf32>
    %add3A_55 = arith.addf %add3A_51, %dot_general3A_54 : vector<2048x128xf32>
    %slice3A_56 = vector.extract_strided_slice %get3A_37 {offsets = [224, 0], sizes = [32, 128], strides = [1, 1]} : vector<256x128xf32> to vector<32x128xf32>
    %dot_general3A_57 = arith.constant dense<0.000000e+00> : vector<2048x128xf32>
    %dot_general3A_58 = tpu.matmul %add3A_34, %slice3A_56, %dot_general3A_57 {dimension_numbers = #tpu.dot_dimension_numbers<[1], [0], [0], [1], [0, 0, 1, 1], [], []>, transpose_lhs_hint = false} : vector<2048x32xf32>, vector<32x128xf32>, vector<2048x128xf32> -> vector<2048x128xf32>
    %add3A_59 = arith.addf %add3A_55, %dot_general3A_58 : vector<2048x128xf32>
    %get3A_60 = arith.constant 0 : index
    %get3A_61 = arith.constant 0 : index
    %get3A_62 = vector.load %arg12[%get3A_60, %get3A_61] : memref<1x128xf32, #tpu.memory_space<vmem>>, vector<1x128xf32>
    %add3A_63 = vector.broadcast %get3A_62 : vector<1x128xf32> to vector<2048x128xf32>
    %add3A_64 = arith.addf %add3A_59, %add3A_63 : vector<2048x128xf32>
    %max3A_65 = arith.constant 0.000000e+00 : f32
    %max3A_66 = vector.broadcast %max3A_65 : f32 to vector<2048x128xf32>
    %max3A_67 = arith.maximumf %add3A_64, %max3A_66 : vector<2048x128xf32>
    %get3A_68 = arith.constant 0 : index
    %get3A_69 = arith.constant 0 : index
    %get3A_70 = vector.load %arg13[%get3A_68, %get3A_69] : memref<128x32xf32, #tpu.memory_space<vmem>>, vector<128x32xf32>
    %dot_general3A_71 = arith.constant dense<0.000000e+00> : vector<2048x32xf32>
    %dot_general3A_72 = tpu.matmul %max3A_67, %get3A_70, %dot_general3A_71 {dimension_numbers = #tpu.dot_dimension_numbers<[1], [0], [0], [1], [0, 0, 1, 1], [], []>, transpose_lhs_hint = false} : vector<2048x128xf32>, vector<128x32xf32>, vector<2048x32xf32> -> vector<2048x32xf32>
    %get3A_73 = arith.constant 0 : index
    %get3A_74 = arith.constant 0 : index
    %get3A_75 = vector.load %arg14[%get3A_73, %get3A_74] : memref<1x32xf32, #tpu.memory_space<vmem>>, vector<1x32xf32>
    %add3A_76 = vector.broadcast %get3A_75 : vector<1x32xf32> to vector<2048x32xf32>
    %add3A_77 = arith.addf %dot_general3A_72, %add3A_76 : vector<2048x32xf32>
    %transpose3A = tpu.transpose %add3A_77, [1, 0] : vector<2048x32xf32> -> vector<32x2048xf32>
    %swap3A = arith.constant 0 : index
    %swap3A_78 = arith.constant 0 : index
    %swap3A_79 = vector.load %arg15[%swap3A, %swap3A_78] : memref<32x2048xf32, #tpu.memory_space<vmem>>, vector<32x2048xf32>
    tpu.vector_store %arg15[%swap3A, %swap3A_78], %transpose3A {strides = array<i32>} : memref<32x2048xf32, #tpu.memory_space<vmem>>, vector<32x2048xf32>,
    return
  }
  func.func @transform_0(%arg0: i32) -> (i32, i32) {
    %c0_i32 = arith.constant 0 : i32
    %c0_i32_0 = arith.constant 0 : i32
    return %arg0, %c0_i32 : i32, i32
  }
  func.func @transform_1(%arg0: i32) -> (i32, i32) {
    %c0_i32 = arith.constant 0 : i32
    %c0_i32_0 = arith.constant 0 : i32
    return %arg0, %c0_i32 : i32, i32
  }
  func.func @transform_2(%arg0: i32) -> (i32, i32) {
    %c0_i32 = arith.constant 0 : i32
    %c0_i32_0 = arith.constant 0 : i32
    return %arg0, %c0_i32 : i32, i32
  }
  func.func @transform_3(%arg0: i32) -> (i32, i32) {
    %c0_i32 = arith.constant 0 : i32
    %c0_i32_0 = arith.constant 0 : i32
    return %arg0, %c0_i32 : i32, i32
  }
  func.func @transform_4(%arg0: i32) -> (i32, i32) {
    %c0_i32 = arith.constant 0 : i32
    %c0_i32_0 = arith.constant 0 : i32
    %c0_i32_1 = arith.constant 0 : i32
    return %c0_i32, %c0_i32_0 : i32, i32
  }
  func.func @transform_5(%arg0: i32) -> (i32, i32) {
    %c0_i32 = arith.constant 0 : i32
    %c0_i32_0 = arith.constant 0 : i32
    %c0_i32_1 = arith.constant 0 : i32
    return %c0_i32, %c0_i32_0 : i32, i32
  }
  func.func @transform_6(%arg0: i32) -> (i32, i32) {
    %c0_i32 = arith.constant 0 : i32
    %c0_i32_0 = arith.constant 0 : i32
    %c0_i32_1 = arith.constant 0 : i32
    return %c0_i32, %c0_i32_0 : i32, i32
  }
  func.func @transform_7(%arg0: i32) -> (i32, i32) {
    %c0_i32 = arith.constant 0 : i32
    %c0_i32_0 = arith.constant 0 : i32
    %c0_i32_1 = arith.constant 0 : i32
    return %c0_i32, %c0_i32_0 : i32, i32
  }
  func.func @transform_8(%arg0: i32) -> (i32, i32) {
    %c0_i32 = arith.constant 0 : i32
    %c0_i32_0 = arith.constant 0 : i32
    %c0_i32_1 = arith.constant 0 : i32
    return %c0_i32, %c0_i32_0 : i32, i32
  }
  func.func @transform_9(%arg0: i32) -> (i32, i32) {
    %c0_i32 = arith.constant 0 : i32
    %c0_i32_0 = arith.constant 0 : i32
    %c0_i32_1 = arith.constant 0 : i32
    return %c0_i32, %c0_i32_0 : i32, i32
  }
  func.func @transform_10(%arg0: i32) -> (i32, i32) {
    %c0_i32 = arith.constant 0 : i32
    %c0_i32_0 = arith.constant 0 : i32
    %c0_i32_1 = arith.constant 0 : i32
    return %c0_i32, %c0_i32_0 : i32, i32
  }
  func.func @transform_11(%arg0: i32) -> (i32, i32) {
    %c0_i32 = arith.constant 0 : i32
    %c0_i32_0 = arith.constant 0 : i32
    %c0_i32_1 = arith.constant 0 : i32
    return %c0_i32, %c0_i32_0 : i32, i32
  }
  func.func @transform_12(%arg0: i32) -> (i32, i32) {
    %c0_i32 = arith.constant 0 : i32
    %c0_i32_0 = arith.constant 0 : i32
    %c0_i32_1 = arith.constant 0 : i32
    return %c0_i32, %c0_i32_0 : i32, i32
  }
  func.func @transform_13(%arg0: i32) -> (i32, i32) {
    %c0_i32 = arith.constant 0 : i32
    %c0_i32_0 = arith.constant 0 : i32
    %c0_i32_1 = arith.constant 0 : i32
    return %c0_i32, %c0_i32_0 : i32, i32
  }
  func.func @transform_14(%arg0: i32) -> (i32, i32) {
    %c0_i32 = arith.constant 0 : i32
    %c0_i32_0 = arith.constant 0 : i32
    return %c0_i32, %arg0 : i32, i32
  }
}

</mosaic_0001>

<sc_bundles>
// kernel: kernel.10.cloned.1.call-start
scs
__scs_entry_jumppad:
0x0: {  	(pc) =	sbr.rel $0x88, $3  }
0x1: {  	(tag) =	ssettag $0x0;
	lr =	simm.s32 $0x1  }
0x2: {  	[smem:$0x3F8A] =	sst lr;
	_ =	strace $0xD0000000  }
0x3: {  	_ = 	snop  }
0x4: {  	_ = 	snop  }
0x5: {  	_ = 	snop  }
0x6: {  	_ = 	snop  }
0x7: {  	_ = 	snop  }
__scs_overlays_trampoline_lowered:
0x8: {  	[smem:$0x3F99] =	sst s0  }
0x9: {  	[smem:$0x3F9A] =	sst s1  }
0xa: {  	[smem:$0x3F9B] =	sst s2  }
0xb: {  	[smem:$0x3F9C] =	sst s3  }
0xc: {  	[smem:$0x3F9D] =	sst s4  }
0xd: {  	[smem:$0x3F9E] =	sst s5  }
0xe: {  	[smem:$0x3F9F] =	sst s6  }
0xf: {  	[smem:$0x3FA0] =	sst s7  }
0x10: {  	[smem:$0x3FA1] =	sst s8  }
0x11: {  	[smem:$0x3FA2] =	sst s9;
	s0 =	simm.s32 @!p0 $0x0  }
0x12: {  	s1 =	sld [smem:$0x3F88];
	s0 =	simm.s32 @p0 $0x1  }
0x13: {  	[smem:$0x3FA3] =	sst s0;
	s0 =	simm.s32 @!p1 $0x0  }
0x14: {  	s2 =	sld [smem:$0x3F87];
	s0 =	simm.s32 @p1 $0x1  }
0x15: {  	[smem:$0x3FA4] =	sst s0;
	s0 =	simm.s32 @!p2 $0x0  }
0x16: {  	s3 =	sld [smem:$0x3FDB];
	s0 =	simm.s32 @p2 $0x1  }
0x17: {  	s4 =	simm.s32 $0x1BF5;
	[smem:$0x3FA6] =	sst s0  }
0x18: {  	s0 =	sld [smem:$0x3F89];
	_ =	swait.ge [sflag:s4], $0x0  }
0x19: {  	s7 =	sld [smem:$0x3F8A]  }
0x1a: {  	s8 =	sadd.s32 $0xFFFFE003, lr  }
0x1b: {  	s9 =	sadd.s32 $0xFFFFFEF7, lr;
	s5 =	simm.s32 $0xFFFFFFFF;
	p2 =	slt.u32 s8, $0xFFFFF086  }
0x1c: {  	p1 =	slt.u32 s9, $0xF7A;
	s5 =	simm.s32 @!p2 $0x0  }
0x1d: {  	s5 =	simm.s32 @p1 $0x1;
	p0 =	seq.s32 s7, s2  }
0x1e: {  	s7 =	smul.u32 @!p0 $0xF7A, s2;
	p2 =	seq.s32 @!p0 s5, $0x0  }
0x1f: {  	s9 =	smul.u32 $0xF7A, s1;
	s8 =	simm.s32 @!p0 $0x1BF5;
	p2 =	por !p2, p0  }
0x20: {  	[sflag:s8] =	ssyncset.s32 @!p0 $0xFFFFF086;
	s6 =	sadd.s32 @!p0 s3, s7;
	s7 =	simm.s32 @!p0 $0x108  }
0x21: {  	s3 =	sadd.s32 s3, s9;
	s6 =	sadd.s32 @!p0 $0x88, s6;
	s7 =	simm.s32 @p2 $0x1082  }
0x22: {  	[simem:s7], [sflag:s8] =	dma.local @!p0 [hbm:s6], $0xF7A  }
0x23: {  	s9 =	sor.u32 $0xD0000000, s2;
	s6 =	simm.s32 $0x108;
	_ =	swait.ge @!p0 [sflag:s8], $0x0  }
0x24: {  	s3 =	sadd.s32 $0x88, s3;
	s6 =	simm.s32 @!p1 $0x1082;
	[sflag:s4] =	ssyncset.s32 $0xFFFFF086  }
0x25: {  	[simem:s6], [sflag:s4] =	dma.local [hbm:s3], $0xF7A  }
0x26: {  	[smem:$0x3F8A] =	sst s1;
	(tag) =	ssettag s2;
	_ =	strace s9  }
0x27: {  	s1 =	sld [smem:$0x3F9A]  }
0x28: {  	s2 =	sld [smem:$0x3F9B]  }
0x29: {  	s4 =	sld [smem:$0x3F9D]  }
0x2a: {  	p0 =	seq.s32 s5, $0x0;
	s5 =	sld [smem:$0x3F9E]  }
0x2b: {  	s6 =	sld [smem:$0x3F9F]  }
0x2c: {  	s7 =	sld [smem:$0x3FA0]  }
0x2d: {  	s3 =	simm.s32 $0x108;
	s8 =	sld [smem:$0x3FA1]  }
0x2e: {  	s3 =	simm.s32 @!p0 $0x1082;
	s9 =	sld [smem:$0x3FA2]  }
0x2f: {  	lr =	sadd.s32 s0, s3;
	s0 =	sld [smem:$0x3F99]  }
0x30: {  	s3 =	sld [smem:$0x3F9C]  }
0x31: {  	[smem:$0x3FA5] =	sst s10  }
0x32: {  	s10 =	sld [smem:$0x3FA3];
	_ =	sdelay $0x3  }
0x33: {  	p0 =	seq.s32 s10, $0x1;
	s10 =	sld [smem:$0x3FA5];
	_ =	sdelay $0x3  }
0x34: {  	[smem:$0x3FA5] =	sst s10  }
0x35: {  	s10 =	sld [smem:$0x3FA4];
	_ =	sdelay $0x3  }
0x36: {  	p1 =	seq.s32 s10, $0x1;
	s10 =	sld [smem:$0x3FA5];
	_ =	sdelay $0x3  }
0x37: {  	[smem:$0x3FA5] =	sst s10  }
0x38: {  	s10 =	sld [smem:$0x3FA6]  }
0x39: {  	_ = 	snop;
	(pc) =	sbr.ind lr, $3  }
0x3a: {  	_ = 	snop  }
0x3b: {  	_ = 	snop  }
0x3c: {  	p2 =	seq.s32 s10, $0x1;
	s10 =	sld [smem:$0x3FA5]  }
0x3d: {  	_ =	shalt  }
0x3e: {  	_ =	shalt  }
0x3f: {  	_ =	shalt  }
0x40: {  	_ =	shalt  }
0x41: {  	_ =	shalt  }
0x42: {  	_ =	shalt  }
0x43: {  	_ =	shalt  }
0x44: {  	_ =	shalt  }
0x45: {  	_ =	shalt  }
0x46: {  	_ =	shalt  }
0x47: {  	_ =	shalt  }
0x48: {  	_ =	shalt  }
0x49: {  	_ =	shalt  }
0x4a: {  	_ =	shalt  }
0x4b: {  	_ =	shalt  }
0x4c: {  	_ =	shalt  }
0x4d: {  	_ =	shalt  }
0x4e: {  	_ =	shalt  }
0x4f: {  	_ =	shalt  }
0x50: {  	_ =	shalt  }
0x51: {  	_ =	shalt  }
0x52: {  	_ =	shalt  }
0x53: {  	_ =	shalt  }
0x54: {  	_ =	shalt  }
0x55: {  	_ =	shalt  }
0x56: {  	_ =	shalt  }
0x57: {  	_ =	shalt  }
0x58: {  	_ =	shalt  }
0x59: {  	_ =	shalt  }
0x5a: {  	_ =	shalt  }
0x5b: {  	_ =	shalt  }
0x5c: {  	_ =	shalt  }
0x5d: {  	_ =	shalt  }
0x5e: {  	_ =	shalt  }
0x5f: {  	_ =	shalt  }
0x60: {  	_ =	shalt  }
0x61: {  	_ =	shalt  }
0x62: {  	_ =	shalt  }
0x63: {  	_ =	shalt  }
0x64: {  	_ =	shalt  }
0x65: {  	_ =	shalt  }
0x66: {  	_ =	shalt  }
0x67: {  	_ =	shalt  }
0x68: {  	_ =	shalt  }
0x69: {  	_ =	shalt  }
0x6a: {  	_ =	shalt  }
0x6b: {  	_ =	shalt  }
0x6c: {  	_ =	shalt  }
0x6d: {  	_ =	shalt  }
0x6e: {  	_ =	shalt  }
0x6f: {  	_ =	shalt  }
0x70: {  	_ =	shalt  }
0x71: {  	_ =	shalt  }
0x72: {  	_ =	shalt  }
0x73: {  	_ =	shalt  }
0x74: {  	_ =	shalt  }
0x75: {  	_ =	shalt  }
0x76: {  	_ =	shalt  }
0x77: {  	_ =	shalt  }
0x78: {  	_ =	shalt  }
0x79: {  	_ =	shalt  }
0x7a: {  	_ =	shalt  }
0x7b: {  	_ =	shalt  }
0x7c: {  	_ =	shalt  }
0x7d: {  	_ =	shalt  }
0x7e: {  	_ =	shalt  }
0x7f: {  	_ =	shalt  }
0x80: {  	_ =	shalt  }
0x81: {  	_ =	shalt  }
0x82: {  	_ =	shalt  }
0x83: {  	_ =	shalt  }
0x84: {  	_ =	shalt  }
0x85: {  	_ =	shalt  }
0x86: {  	_ =	shalt  }
0x87: {  	_ =	shalt  }
.Lfunc_end0:
.L_simem_size_0:
called_computation.1_lowered:
.L_overlay_start_0:
0x88: {  	s2 =	sld [smem:$0x3FD9]  }
0x89: {  	s3 =	sld [smem:$0x3FFE];
	_ =	sdelay $0x1  }
0x8a: {  	s1 =	srdreg.scid  }
0x8b: {  	s0 =	sand.u32 $0x1, s1  }
0x8c: {  	s17 =	sshll.u32 s0, $0xA;
	s2 =	sadd.s32 s3, s2  }
0x8d: {  	s2 =	sadd.s32 s2, s17  }
0x8e: {  	[smem:$0x3FB1] =	sst s2  }
0x8f: {  	_ = 	snop  }
0x90: {  	(tm) =	ssettm $0x1  }
0x91: {  	s18 =	sld [smem:$0x3FFB];
	_ =	sdelay $0x3  }
0x92: {  	_ =	strace s18  }
0x93: {  	s2 =	sld [smem:$0x3FFC];
	_ =	sdelay $0x3  }
0x94: {  	_ =	strace s2  }
0x95: {  	s2 =	sld [smem:$0x3FFD];
	_ =	sdelay $0x3  }
0x96: {  	_ =	strace s2  }
0x97: {  	_ =	strace $0x8FFFFFFF  }
0x98: {  	s19 =	sld [smem:$0x3FDB];
	_ =	sdelay $0x1  }
0x99: {  	s20 =	simm.s32 $_scs_section_size  }
0x9a: {  	s4 =	simm.s32 $_size__tile_overlayer_lowered;
	s5 =	simm.s32 $_tile_overlayer_lowered  }
0x9b: {  	s6 =	simm.s32 $0x1BFF;
	s21 =	sshll.u32 s5, $0x1;
	s3 =	sadd.s32 s20, s19  }
0x9c: {  	s22 =	simm.s32 $0x0;
	s4 =	sshll.u32 s4, $0x1;
	s5 =	sadd.s32 s21, s3  }
0x9d: {  	[timem:s22], [sflag:s6] =	dma.local [hbm:s5], s4  }
0x9e: {  	_ =	swait.ge [sflag:s6], s4  }
0x9f: {  	s4 =	ssub.s32 $0x0, s4;
	[sflag:s6] =	ssyncset.done $0x0  }
0xa0: {  	[sflag:s6] =	ssyncadd.s32 s4;
	_ =	sdelay $0x1  }
0xa1: {  	s23 =	simm.s32 $0x1B8B  }
0xa2: {  	_ =	swait.ge [sflag:s23], $0x1  }
0xa3: {  	[sflag:s23] =	ssyncset.done $0x0  }
0xa4: {  	[sflag:s23] =	ssyncadd.s32 $0xFFFFFFFF  }
0xa5: {  	s4 =	sld [smem:$0x0]  }
0xa6: {  	s5 =	sand.u32 $0xFFFFFFFE, s1  }
0xa7: {  	p0 =	sne.s32 s1, s5  }
0xa8: {  	s5 =	sshll.u32 @p0 s5, $0xE  }
0xa9: {  	s5 =	sadd.s32 @p0 $0x11B8D, s5;
	s6 =	sshll.u32 @p0 s4, $0x11  }
0xaa: {  	s5 =	sor.u32 @p0 s6, s5  }
0xab: {  	[sflag:s5] =	ssyncadd.remote.s32 @p0 $0x1;
	_ =	sdelay $0x1  }
0xac: {  	s5 =	simm.s32 @p0 $0x1B8D  }
0xad: {  	_ =	swait.eq @p0 [sflag:s5], $0x1  }
0xae: {  	[sflag:s5] =	ssyncadd.s32 @p0 $0xFFFFFFFF  }
0xaf: {  	s6 =	sshll.u32 @!p0 s1, $0xE  }
0xb0: {  	s6 =	sor.u32 @!p0 $0x4000, s6;
	s5 =	simm.s32 @!p0 $0x1B8D  }
0xb1: {  	s4 =	sshll.u32 @!p0 s4, $0x11;
	s6 =	sadd.s32 @!p0 $0x11B8D, s6;
	_ =	swait.eq @!p0 [sflag:s5], $0x1  }
0xb2: {  	s4 =	sor.u32 @!p0 s4, s6;
	[sflag:s5] =	ssyncadd.s32 @!p0 $0xFFFFFFFF  }
0xb3: {  	s25 =	simm.s32 $0x1B8E;
	s24 =	sld [smem:$0x3FFE];
	[sflag:s4] =	ssyncadd.remote.s32 @!p0 $0x1  }
0xb4: {  	s26 =	simm.s32 $execute0_lowered;
	[smem:$0x3FD2] =	sst s25  }
0xb5: {  	s5 =	sshll.u32 s26, $0x1;
	_ =	strace $0x80000049;
	[dreg:$0x1] =	wrdreg $0xFFFFFFFF  }
0xb6: {  	s28 =	simm.s32 $_size_execute0_lowered;
	s3 =	sadd.s32 s3, s5;
	[dreg:$0x0] =	wrdreg $0x0  }
0xb7: {  	s5 =	sshll.u32 s28, $0x1;
	[dreg:$0x2] =	wrdreg s3  }
0xb8: {  	[dreg:$0x3] =	wrdreg s5  }
0xb9: {  	[dreg:$0x4] =	wrdreg $0xC0  }
0xba: {  	_ =	task [dreg:s22], $0x5FFFF  }
0xbb: {  	[dreg:$0x1] =	wrdreg $0xFFFFFFFF  }
0xbc: {  	[dreg:$0x0] =	wrdreg $0x60  }
0xbd: {  	[dreg:$0x2] =	wrdreg s24  }
0xbe: {  	[dreg:$0x3] =	wrdreg $0xA  }
0xbf: {  	_ =	task.clear_ibuf [dreg:s22], $0x4FFFF;
	_ =	strace $0x90000049  }
0xc0: {  	s29 =	simm.s32 $0xA;
	_ =	strace $0x8000004B  }
0xc1: {  	_ =	swait.ge [sflag:s29], $0x1  }
0xc2: {  	[sflag:s29] =	ssyncadd.s32 $0xFFFFFFFF  }
0xc3: {  	_ =	strace $0x9000004B  }
0xc4: {  	_ =	sfence  }
0xc5: {  	s30 =	sld [smem:$0x0];
	_ =	sdelay $0x2  }
0xc6: {  	s31 =	sshll.u32 s1, $0xD;
	s1 =	sshrl.u32 s1, $0x2  }
0xc7: {  	s4 =	sand.u32 $0x4000, s31;
	s1 =	sadd.s32 s1, s30  }
0xc8: {  	s0 =	sor.u32 s4, s0;
	s1 =	sshll.u32 s1, $0x11  }
0xc9: {  	s0 =	sor.u32 s1, s0  }
0xca: {  	s0 =	sadd.s32 $0x8F2B, s0  }
0xcb: {  	[sflag:s0] =	ssyncadd.remote.s32 $0x1  }
0xcc: {  	_ =	sfence.sel $0xFFFF  }
0xcd: {  	[dreg:$0x0] =	wrdreg $0xFFFFFFFF;
	(pc) =	sbr.abs _section_cstart, $3  }
0xce: {  	[dreg:$0x1] =	wrdreg $0xFFFFFFFF  }
0xcf: {  	_ =	task.clear_ibuf [dreg:s22], $0x2FFFF;
	_ =	strace $0x9FFFFFFF  }
0xd0: {  	(tm) =	ssettm $0x7FFFFFFF  }
0xd1: {  	_ =	shalt  }
tec
execute0_lowered:
.L_overlay_start_1:
0x0: {  	(tag) =	ssettag $0x1  }
0x1: {  	s1 =	srdreg.scid;
	s0 =	stileid.u32  }
0x2: {  	s5 =	rddreg [dreg:$0x0];
	s2 =	simm.s32 $0x0;
	s10 =	simm.s32 $0x1  }
0x3: {  	s11 =	simm.s32 $0x80;
	s12 =	simm.s32 $0x200;
	s13 =	simm.s32 $0x1200  }
0x4: {  	s14 =	simm.s32 $0x100;
	s15 =	simm.s32 $0x2200;
	s16 =	simm.s32 $0x180  }
0x5: {  	s17 =	simm.s32 $0x3200;
	s18 =	simm.s32 $0x2;
	s19 =	simm.s32 $0x4200  }
0x6: {  	s20 =	simm.s32 $0x3;
	s21 =	simm.s32 $0x8200;
	s22 =	simm.s32 $0x4  }
0x7: {  	s23 =	simm.s32 $0x6;
	s24 =	simm.s32 $0x5;
	s4 =	sand.u32 $0x1, s1  }
0x8: {  	s3 =	sshll.u32 s0, $0xA;
	s1 =	rddreg [dreg:$0x1];
	s6 =	sshll.u32 s4, $0x9  }
0x9: {  	s25 =	simm.s32 $0x0;
	[smem:$0x7FF] =	sst s2;
	s3 =	sor.u32 s6, s3  }
0xa: {  	_ =	strace $0x8000004A;
	s31 =	ssub.s32 $0x2, s4;
	s6 =	sshrl.u32 s3, $0x3  }
0xb: {  	s9 =	sshrl.u32 s31, $0x1;
	s7 =	sshll.u32 s3, $0x4;
	s6 =	sadd.s32 s6, s5  }
0xc: {  	s3 =	sadd.s32 $0x193C00, s5;
	s8 =	sadd.s32 s7, s5;
	s4 =	sadd.s32 $0x573C00, s6  }
0xd: {  	s9 =	ssub.s32 s31, s9;
	s5 =	sadd.s32 $0x574400, s8;
	s6 =	sadd.s32 $0x574C00, s8  }
0xe: {  	s9 =	smax.u32 s9, $0x1;
	s7 =	sadd.s32 $0x575400, s8;
	s8 =	sadd.s32 $0x575C00, s8  }
.LBB2_1:
0xf: {  	[tilespmem:s2], [sflag:$0x1] =	stream.linear.gather [hbm4b:s4+s2], $0x200, $0x38;
	[tilespmem:$0xC200] =	vst v63  }
0x10: {  	_ =	swait.ge [sflag:s10], $0x200  }
0x11: {  	[sflag:s10] =	ssyncset.done $0x0  }
0x12: {  	[sflag:s10] =	ssyncadd.s32 $0xFFFFFE00  }
0x13: {  	[tilespmem:s12], [sflag:$0x2] =	stream.indirect.gather [hbm4b:s3+s11], $0x20, s2, s11, $0xb8;
	[tilespmem:$0xC200] =	vst v63  }
0x14: {  	_ = 	snop  }
0x15: {  	[tilespmem:s13], [sflag:$0x3] =	stream.indirect.gather [hbm4b:s3+s11], $0x20, s11, s11, $0xb8;
	[tilespmem:$0xC200] =	vst v63  }
0x16: {  	_ = 	snop  }
0x17: {  	[tilespmem:s15], [sflag:$0x4] =	stream.indirect.gather [hbm4b:s3+s11], $0x20, s14, s11, $0xb8;
	[tilespmem:$0xC200] =	vst v63  }
0x18: {  	_ = 	snop  }
0x19: {  	[tilespmem:s17], [sflag:$0x5] =	stream.indirect.gather [hbm4b:s3+s11], $0x20, s16, s11, $0xb8;
	[tilespmem:$0xC200] =	vst v63  }
0x1a: {  	_ =	swait.ge [sflag:s18], $0x1000  }
0x1b: {  	[sflag:s18] =	ssyncset.done $0x0  }
0x1c: {  	s28 =	simm.s32 $0x0;
	[sflag:s18] =	ssyncadd.s32 $0xFFFFF000  }
0x1d: {  	v0 =	vld [tilespmem:s28+$0x200];
	_ =	sdelay $0x3  }
0x1e: {  	s26 =	simm.s32 $0x4300  }
0x1f: {  	[tilespmem:s26+$0xFFFFFF00] =	vst v0  }
0x20: {  	v0 =	vld [tilespmem:s28+$0x210];
	_ =	sdelay $0x4  }
0x21: {  	[tilespmem:s26+$0xFFFFFF10] =	vst v0  }
0x22: {  	v0 =	vld [tilespmem:s28+$0x220];
	_ =	sdelay $0x4  }
0x23: {  	[tilespmem:s26+$0xFFFFFF80] =	vst v0  }
0x24: {  	v0 =	vld [tilespmem:s28+$0x230];
	_ =	sdelay $0x4  }
0x25: {  	[tilespmem:s26+$0xFFFFFF90] =	vst v0  }
0x26: {  	v0 =	vld [tilespmem:s28+$0x240];
	_ =	sdelay $0x4  }
0x27: {  	[tilespmem:s26+$0x0] =	vst v0  }
0x28: {  	v0 =	vld [tilespmem:s28+$0x250];
	_ =	sdelay $0x4  }
0x29: {  	[tilespmem:s26+$0x10] =	vst v0  }
0x2a: {  	v0 =	vld [tilespmem:s28+$0x260];
	_ =	sdelay $0x4  }
0x2b: {  	[tilespmem:s26+$0x80] =	vst v0  }
0x2c: {  	v0 =	vld [tilespmem:s28+$0x270];
	_ =	sdelay $0x4  }
0x2d: {  	s29 =	simm.s32 $0x400;
	s28 =	simm.s32 $0x80;
	[tilespmem:s26+$0x90] =	vst v0  }
.LBB2_2:
0x2e: {  	p0 =	sne.s32 s29, $0x3E00;
	v0 =	vld [tilespmem:s28+$0x200];
	_ =	sdelay $0x3  }
0x2f: {  	s26 =	sadd.s32 $0x200, s26  }
0x30: {  	[tilespmem:s26+$0xFFFFFF00] =	vst v0  }
0x31: {  	v0 =	vld [tilespmem:s28+$0x210];
	_ =	sdelay $0x4  }
0x32: {  	[tilespmem:s26+$0xFFFFFF10] =	vst v0  }
0x33: {  	v0 =	vld [tilespmem:s28+$0x220];
	_ =	sdelay $0x4  }
0x34: {  	[tilespmem:s26+$0xFFFFFF80] =	vst v0  }
0x35: {  	v0 =	vld [tilespmem:s28+$0x230];
	_ =	sdelay $0x4  }
0x36: {  	[tilespmem:s26+$0xFFFFFF90] =	vst v0  }
0x37: {  	v0 =	vld [tilespmem:s28+$0x240];
	_ =	sdelay $0x4  }
0x38: {  	[tilespmem:s26+$0x0] =	vst v0  }
0x39: {  	v0 =	vld [tilespmem:s28+$0x250];
	_ =	sdelay $0x4  }
0x3a: {  	[tilespmem:s26+$0x10] =	vst v0  }
0x3b: {  	v0 =	vld [tilespmem:s28+$0x260];
	_ =	sdelay $0x4  }
0x3c: {  	[tilespmem:s26+$0x80] =	vst v0  }
0x3d: {  	v0 =	vld [tilespmem:s28+$0x270]  }
.Ltmp0:
0x3e: {  	(pc) =	sbr.rel @p0 .LBB2_2-.Ltmp0, $2  }
0x3f: {  	_ =	sdelay $0x2  }
0x40: {  	s28 =	sshra.s32 s29, $0x2;
	s29 =	sadd.s32 $0x200, s29;
	[tilespmem:s26+$0x90] =	vst v0  }
0x41: {  	v0 =	vld [tilespmem:s28+$0x200];
	_ =	sdelay $0x3  }
0x42: {  	s26 =	sadd.s32 $0x200, s26  }
0x43: {  	[tilespmem:s26+$0xFFFFFF00] =	vst v0  }
0x44: {  	v0 =	vld [tilespmem:s28+$0x210];
	_ =	sdelay $0x4  }
0x45: {  	[tilespmem:s26+$0xFFFFFF10] =	vst v0  }
0x46: {  	v0 =	vld [tilespmem:s28+$0x220];
	_ =	sdelay $0x4  }
0x47: {  	[tilespmem:s26+$0xFFFFFF80] =	vst v0  }
0x48: {  	v0 =	vld [tilespmem:s28+$0x230];
	_ =	sdelay $0x4  }
0x49: {  	[tilespmem:s26+$0xFFFFFF90] =	vst v0  }
0x4a: {  	v0 =	vld [tilespmem:s28+$0x240];
	_ =	sdelay $0x4  }
0x4b: {  	[tilespmem:s26+$0x0] =	vst v0  }
0x4c: {  	v0 =	vld [tilespmem:s28+$0x250];
	_ =	sdelay $0x4  }
0x4d: {  	[tilespmem:s26+$0x10] =	vst v0  }
0x4e: {  	v0 =	vld [tilespmem:s28+$0x260];
	_ =	sdelay $0x4  }
0x4f: {  	[tilespmem:s26+$0x80] =	vst v0  }
0x50: {  	v0 =	vld [tilespmem:s28+$0x270];
	_ =	sdelay $0x4  }
0x51: {  	s28 =	simm.s32 $0x0;
	[tilespmem:s26+$0x90] =	vst v0  }
0x52: {  	[hbm4b:s5+s28] =	stream.linear.scatter [tilespmem:s19], [sflag:$0x6], $0x4000, $0x38;
	[tilespmem:$0xC200] =	vst v63  }
0x53: {  	_ =	swait.ge [sflag:s20], $0x1000  }
0x54: {  	[sflag:s20] =	ssyncset.done $0x0  }
0x55: {  	s26 =	simm.s32 $0x1270;
	[sflag:s20] =	ssyncadd.s32 $0xFFFFF000  }
0x56: {  	s29 =	simm.s32 $0x800;
	v0 =	vld [tilespmem:s26+$0xFFFFFF90]  }
.LBB2_4:
0x57: {  	p0 =	sne.s32 s29, $0xF800;
	_ =	sdelay $0x2  }
0x58: {  	s30 =	sshra.s32 s28, $0x2;
	s28 =	smov.u32 s29  }
0x59: {  	[tilespmem:s30+$0x8200] =	vst v0  }
0x5a: {  	v0 =	vld [tilespmem:s26+$0xFFFFFFA0];
	_ =	sdelay $0x4  }
0x5b: {  	[tilespmem:s30+$0x8210] =	vst v0  }
0x5c: {  	v0 =	vld [tilespmem:s26+$0xFFFFFFB0];
	_ =	sdelay $0x4  }
0x5d: {  	[tilespmem:s30+$0x8280] =	vst v0  }
0x5e: {  	v0 =	vld [tilespmem:s26+$0xFFFFFFC0];
	_ =	sdelay $0x4  }
0x5f: {  	[tilespmem:s30+$0x8290] =	vst v0  }
0x60: {  	v0 =	vld [tilespmem:s26+$0xFFFFFFD0];
	_ =	sdelay $0x4  }
0x61: {  	[tilespmem:s30+$0x8300] =	vst v0  }
0x62: {  	v0 =	vld [tilespmem:s26+$0xFFFFFFE0];
	_ =	sdelay $0x4  }
0x63: {  	[tilespmem:s30+$0x8310] =	vst v0  }
0x64: {  	v0 =	vld [tilespmem:s26+$0xFFFFFFF0];
	_ =	sdelay $0x4  }
0x65: {  	[tilespmem:s30+$0x8380] =	vst v0  }
0x66: {  	v0 =	vld [tilespmem:s26+$0x0];
	_ =	sdelay $0x1  }
.Ltmp1:
0x67: {  	(pc) =	sbr.rel @p0 .LBB2_4-.Ltmp1, $3  }
0x68: {  	_ =	sdelay $0x1  }
0x69: {  	s26 =	sadd.s32 $0x80, s26;
	[tilespmem:s30+$0x8390] =	vst v0  }
0x6a: {  	s29 =	sadd.s32 $0x800, s29;
	v0 =	vld [tilespmem:s26+$0xFFFFFF90]  }
0x6b: {  	_ =	sdelay $0x2  }
0x6c: {  	s28 =	sshra.s32 s28, $0x2  }
0x6d: {  	[tilespmem:s28+$0x8200] =	vst v0  }
0x6e: {  	v0 =	vld [tilespmem:s26+$0xFFFFFFA0];
	_ =	sdelay $0x4  }
0x6f: {  	[tilespmem:s28+$0x8210] =	vst v0  }
0x70: {  	v0 =	vld [tilespmem:s26+$0xFFFFFFB0];
	_ =	sdelay $0x4  }
0x71: {  	[tilespmem:s28+$0x8280] =	vst v0  }
0x72: {  	v0 =	vld [tilespmem:s26+$0xFFFFFFC0];
	_ =	sdelay $0x4  }
0x73: {  	[tilespmem:s28+$0x8290] =	vst v0  }
0x74: {  	v0 =	vld [tilespmem:s26+$0xFFFFFFD0];
	_ =	sdelay $0x4  }
0x75: {  	[tilespmem:s28+$0x8300] =	vst v0  }
0x76: {  	v0 =	vld [tilespmem:s26+$0xFFFFFFE0];
	_ =	sdelay $0x4  }
0x77: {  	[tilespmem:s28+$0x8310] =	vst v0  }
0x78: {  	v0 =	vld [tilespmem:s26+$0xFFFFFFF0];
	_ =	sdelay $0x4  }
0x79: {  	[tilespmem:s28+$0x8380] =	vst v0  }
0x7a: {  	v0 =	vld [tilespmem:s26+$0x0];
	_ =	sdelay $0x4  }
0x7b: {  	s31 =	simm.s32 $0x0;
	[tilespmem:s28+$0x8390] =	vst v0  }
0x7c: {  	[hbm4b:s6+s31] =	stream.linear.scatter [tilespmem:s21], [sflag:$0x6], $0x4000, $0x38;
	[tilespmem:$0xC200] =	vst v63  }
0x7d: {  	_ =	swait.ge [sflag:s22], $0x1000  }
0x7e: {  	[sflag:s22] =	ssyncset.done $0x0  }
0x7f: {  	[sflag:s22] =	ssyncadd.s32 $0xFFFFF000  }
0x80: {  	_ =	swait.ge [sflag:s23], $0x4000  }
0x81: {  	[sflag:s23] =	ssyncset.done $0x0  }
0x82: {  	s28 =	simm.s32 $0x0;
	[sflag:s23] =	ssyncadd.s32 $0xFFFFC000  }
0x83: {  	v63 =	vld [tilespmem:s28+$0x2200];
	_ =	sdelay $0x3  }
0x84: {  	s26 =	simm.s32 $0x4300  }
0x85: {  	[tilespmem:s26+$0xFFFFFF00] =	vst v63  }
0x86: {  	v0 =	vld [tilespmem:s28+$0x2210];
	_ =	sdelay $0x4  }
0x87: {  	[tilespmem:s26+$0xFFFFFF10] =	vst v0  }
0x88: {  	v0 =	vld [tilespmem:s28+$0x2220];
	_ =	sdelay $0x4  }
0x89: {  	[tilespmem:s26+$0xFFFFFF80] =	vst v0  }
0x8a: {  	v0 =	vld [tilespmem:s28+$0x2230];
	_ =	sdelay $0x4  }
0x8b: {  	[tilespmem:s26+$0xFFFFFF90] =	vst v0  }
0x8c: {  	v0 =	vld [tilespmem:s28+$0x2240];
	_ =	sdelay $0x4  }
0x8d: {  	[tilespmem:s26+$0x0] =	vst v0  }
0x8e: {  	v0 =	vld [tilespmem:s28+$0x2250];
	_ =	sdelay $0x4  }
0x8f: {  	[tilespmem:s26+$0x10] =	vst v0  }
0x90: {  	v0 =	vld [tilespmem:s28+$0x2260];
	_ =	sdelay $0x4  }
0x91: {  	[tilespmem:s26+$0x80] =	vst v0  }
0x92: {  	v0 =	vld [tilespmem:s28+$0x2270];
	_ =	sdelay $0x4  }
0x93: {  	s29 =	simm.s32 $0x400;
	s28 =	simm.s32 $0x80;
	[tilespmem:s26+$0x90] =	vst v0  }
.LBB2_6:
0x94: {  	p0 =	sne.s32 s29, $0x3E00;
	v0 =	vld [tilespmem:s28+$0x2200];
	_ =	sdelay $0x3  }
0x95: {  	s26 =	sadd.s32 $0x200, s26  }
0x96: {  	[tilespmem:s26+$0xFFFFFF00] =	vst v0  }
0x97: {  	v0 =	vld [tilespmem:s28+$0x2210];
	_ =	sdelay $0x4  }
0x98: {  	[tilespmem:s26+$0xFFFFFF10] =	vst v0  }
0x99: {  	v0 =	vld [tilespmem:s28+$0x2220];
	_ =	sdelay $0x4  }
0x9a: {  	[tilespmem:s26+$0xFFFFFF80] =	vst v0  }
0x9b: {  	v0 =	vld [tilespmem:s28+$0x2230];
	_ =	sdelay $0x4  }
0x9c: {  	[tilespmem:s26+$0xFFFFFF90] =	vst v0  }
0x9d: {  	v0 =	vld [tilespmem:s28+$0x2240];
	_ =	sdelay $0x4  }
0x9e: {  	[tilespmem:s26+$0x0] =	vst v0  }
0x9f: {  	v0 =	vld [tilespmem:s28+$0x2250];
	_ =	sdelay $0x4  }
0xa0: {  	[tilespmem:s26+$0x10] =	vst v0  }
0xa1: {  	v0 =	vld [tilespmem:s28+$0x2260];
	_ =	sdelay $0x4  }
0xa2: {  	[tilespmem:s26+$0x80] =	vst v0  }
0xa3: {  	v0 =	vld [tilespmem:s28+$0x2270]  }
.Ltmp2:
0xa4: {  	(pc) =	sbr.rel @p0 .LBB2_6-.Ltmp2, $2  }
0xa5: {  	_ =	sdelay $0x2  }
0xa6: {  	s28 =	sshra.s32 s29, $0x2;
	s29 =	sadd.s32 $0x200, s29;
	[tilespmem:s26+$0x90] =	vst v0  }
0xa7: {  	v0 =	vld [tilespmem:s28+$0x2200];
	_ =	sdelay $0x3  }
0xa8: {  	s26 =	sadd.s32 $0x200, s26  }
0xa9: {  	[tilespmem:s26+$0xFFFFFF00] =	vst v0  }
0xaa: {  	v0 =	vld [tilespmem:s28+$0x2210];
	_ =	sdelay $0x4  }
0xab: {  	[tilespmem:s26+$0xFFFFFF10] =	vst v0  }
0xac: {  	v0 =	vld [tilespmem:s28+$0x2220];
	_ =	sdelay $0x4  }
0xad: {  	[tilespmem:s26+$0xFFFFFF80] =	vst v0  }
0xae: {  	v0 =	vld [tilespmem:s28+$0x2230];
	_ =	sdelay $0x4  }
0xaf: {  	[tilespmem:s26+$0xFFFFFF90] =	vst v0  }
0xb0: {  	v0 =	vld [tilespmem:s28+$0x2240];
	_ =	sdelay $0x4  }
0xb1: {  	[tilespmem:s26+$0x0] =	vst v0  }
0xb2: {  	v0 =	vld [tilespmem:s28+$0x2250];
	_ =	sdelay $0x4  }
0xb3: {  	[tilespmem:s26+$0x10] =	vst v0  }
0xb4: {  	v0 =	vld [tilespmem:s28+$0x2260];
	_ =	sdelay $0x4  }
0xb5: {  	[tilespmem:s26+$0x80] =	vst v0  }
0xb6: {  	v0 =	vld [tilespmem:s28+$0x2270];
	_ =	sdelay $0x4  }
0xb7: {  	s28 =	simm.s32 $0x0;
	[tilespmem:s26+$0x90] =	vst v0  }
0xb8: {  	[hbm4b:s7+s28] =	stream.linear.scatter [tilespmem:s19], [sflag:$0x6], $0x4000, $0x38;
	[tilespmem:$0xC200] =	vst v63  }
0xb9: {  	_ =	swait.ge [sflag:s24], $0x1000  }
0xba: {  	[sflag:s24] =	ssyncset.done $0x0  }
0xbb: {  	[sflag:s24] =	ssyncadd.s32 $0xFFFFF000  }
0xbc: {  	_ =	swait.ge [sflag:s23], $0x4000  }
0xbd: {  	[sflag:s23] =	ssyncset.done $0x0  }
0xbe: {  	s26 =	simm.s32 $0x3270;
	[sflag:s23] =	ssyncadd.s32 $0xFFFFC000  }
0xbf: {  	s29 =	simm.s32 $0x800;
	v0 =	vld [tilespmem:s26+$0xFFFFFF90]  }
.LBB2_8:
0xc0: {  	p0 =	sne.s32 s29, $0xF800;
	_ =	sdelay $0x2  }
0xc1: {  	s30 =	sshra.s32 s28, $0x2;
	s28 =	smov.u32 s29  }
0xc2: {  	[tilespmem:s30+$0x8200] =	vst v0  }
0xc3: {  	v0 =	vld [tilespmem:s26+$0xFFFFFFA0];
	_ =	sdelay $0x4  }
0xc4: {  	[tilespmem:s30+$0x8210] =	vst v0  }
0xc5: {  	v0 =	vld [tilespmem:s26+$0xFFFFFFB0];
	_ =	sdelay $0x4  }
0xc6: {  	[tilespmem:s30+$0x8280] =	vst v0  }
0xc7: {  	v0 =	vld [tilespmem:s26+$0xFFFFFFC0];
	_ =	sdelay $0x4  }
0xc8: {  	[tilespmem:s30+$0x8290] =	vst v0  }
0xc9: {  	v0 =	vld [tilespmem:s26+$0xFFFFFFD0];
	_ =	sdelay $0x4  }
0xca: {  	[tilespmem:s30+$0x8300] =	vst v0  }
0xcb: {  	v0 =	vld [tilespmem:s26+$0xFFFFFFE0];
	_ =	sdelay $0x4  }
0xcc: {  	[tilespmem:s30+$0x8310] =	vst v0  }
0xcd: {  	v0 =	vld [tilespmem:s26+$0xFFFFFFF0];
	_ =	sdelay $0x4  }
0xce: {  	[tilespmem:s30+$0x8380] =	vst v0  }
0xcf: {  	v0 =	vld [tilespmem:s26+$0x0];
	_ =	sdelay $0x1  }
.Ltmp3:
0xd0: {  	(pc) =	sbr.rel @p0 .LBB2_8-.Ltmp3, $3  }
0xd1: {  	_ =	sdelay $0x1  }
0xd2: {  	s26 =	sadd.s32 $0x80, s26;
	[tilespmem:s30+$0x8390] =	vst v0  }
0xd3: {  	s29 =	sadd.s32 $0x800, s29;
	v0 =	vld [tilespmem:s26+$0xFFFFFF90]  }
0xd4: {  	_ =	sdelay $0x2  }
0xd5: {  	s28 =	sshra.s32 s28, $0x2  }
0xd6: {  	[tilespmem:s28+$0x8200] =	vst v0  }
0xd7: {  	v0 =	vld [tilespmem:s26+$0xFFFFFFA0];
	_ =	sdelay $0x4  }
0xd8: {  	[tilespmem:s28+$0x8210] =	vst v0  }
0xd9: {  	v0 =	vld [tilespmem:s26+$0xFFFFFFB0];
	_ =	sdelay $0x4  }
0xda: {  	[tilespmem:s28+$0x8280] =	vst v0  }
0xdb: {  	v0 =	vld [tilespmem:s26+$0xFFFFFFC0];
	_ =	sdelay $0x4  }
0xdc: {  	[tilespmem:s28+$0x8290] =	vst v0  }
0xdd: {  	v0 =	vld [tilespmem:s26+$0xFFFFFFD0];
	_ =	sdelay $0x4  }
0xde: {  	[tilespmem:s28+$0x8300] =	vst v0  }
0xdf: {  	v0 =	vld [tilespmem:s26+$0xFFFFFFE0];
	_ =	sdelay $0x4  }
0xe0: {  	[tilespmem:s28+$0x8310] =	vst v0  }
0xe1: {  	v0 =	vld [tilespmem:s26+$0xFFFFFFF0];
	_ =	sdelay $0x4  }
0xe2: {  	[tilespmem:s28+$0x8380] =	vst v0  }
0xe3: {  	v0 =	vld [tilespmem:s26+$0x0];
	_ =	sdelay $0x4  }
0xe4: {  	s25 =	sadd.s32 $0x1, s25;
	[tilespmem:s28+$0x8390] =	vst v0  }
0xe5: {  	[hbm4b:s8+s2] =	stream.linear.scatter [tilespmem:s21], [sflag:$0x6], $0x4000, $0x38;
	[tilespmem:$0xC200] =	vst v63  }
0xe6: {  	p0 =	sne.s32 s25, s9;
	_ =	swait.ge [sflag:s23], $0x4000  }
.Ltmp4:
0xe7: {  	[sflag:s23] =	ssyncset.done $0x0;
	(pc) =	sbr.rel @p0 .LBB2_1-.Ltmp4, $4  }
0xe8: {  	[sflag:s23] =	ssyncadd.s32 $0xFFFFC000  }
0xe9: {  	_ =	swait.ge [sflag:s23], $0x4000  }
0xea: {  	[sflag:s23] =	ssyncset.done $0x0  }
0xeb: {  	[sflag:s23] =	ssyncadd.s32 $0xFFFFC000  }
0xec: {  	_ =	sfence.sel $0x180000  }
0xed: {  	[bflag:$0x0] =	sbarrier.arrive $0xFFFF  }
0xee: {  	p0 =	sne.s32 s0, $0x0;
	_ =	strace $0x9000004A  }
0xef: {  	s0 =	sadd.s32 @!p0 $0x100000, s1;
	[bflag:$0x2] =	sbarrier.arrive $0xFFFF  }
0xf0: {  	[sflag:s0] =	ssyncadd.tile.s32 @!p0 $0x1;
	_ =	shalt  }
.Lfunc_end2:
_tile_overlayer_lowered:
.L_overlay_start_2:
0xf1: {  	(tag) =	ssettag $0x2  }
0xf2: {  	s0 =	rddreg [dreg:$0x0];
	s2 =	stileid.u32  }
0xf3: {  	s1 =	rddreg [dreg:$0x1];
	p0 =	sne.s32 s2, $0x0  }
0xf4: {  	s3 =	rddreg [dreg:$0x2];
	[bflag:$0x3] =	sbarrier.arrive $0xFFFF;
	s2 =	simm.s32 @!p0 $0x1C07  }
0xf5: {  	[timem:s3], [sflag:s2] =	dma.local @!p0 [hbm:s0], s1  }
0xf6: {  	s0 =	simm.s32 @!p0 $0x7  }
0xf7: {  	_ =	swait.ge @!p0 [sflag:s0], s1  }
0xf8: {  	s1 =	ssub.s32 @!p0 $0x0, s1;
	[sflag:s0] =	ssyncset.done @!p0 $0x0  }
0xf9: {  	[sflag:s0] =	ssyncadd.s32 @!p0 s1  }
0xfa: {  	[bflag:$0x3] =	sbarrier.arrive $0xFFFF  }
0xfb: {  	_ =	shalt  }

// kernel: kernel.7.cloned.1.call-start
scs
__scs_entry_jumppad:
0x0: {  	(pc) =	sbr.rel $0x88, $3  }
0x1: {  	(tag) =	ssettag $0x0;
	lr =	simm.s32 $0x1  }
0x2: {  	[smem:$0x3F8A] =	sst lr;
	_ =	strace $0xD0000000  }
0x3: {  	_ = 	snop  }
0x4: {  	_ = 	snop  }
0x5: {  	_ = 	snop  }
0x6: {  	_ = 	snop  }
0x7: {  	_ = 	snop  }
__scs_overlays_trampoline_lowered:
0x8: {  	[smem:$0x3F99] =	sst s0  }
0x9: {  	[smem:$0x3F9A] =	sst s1  }
0xa: {  	[smem:$0x3F9B] =	sst s2  }
0xb: {  	[smem:$0x3F9C] =	sst s3  }
0xc: {  	[smem:$0x3F9D] =	sst s4  }
0xd: {  	[smem:$0x3F9E] =	sst s5  }
0xe: {  	[smem:$0x3F9F] =	sst s6  }
0xf: {  	[smem:$0x3FA0] =	sst s7  }
0x10: {  	[smem:$0x3FA1] =	sst s8  }
0x11: {  	[smem:$0x3FA2] =	sst s9;
	s0 =	simm.s32 @!p0 $0x0  }
0x12: {  	s1 =	sld [smem:$0x3F88];
	s0 =	simm.s32 @p0 $0x1  }
0x13: {  	[smem:$0x3FA3] =	sst s0;
	s0 =	simm.s32 @!p1 $0x0  }
0x14: {  	s2 =	sld [smem:$0x3F87];
	s0 =	simm.s32 @p1 $0x1  }
0x15: {  	[smem:$0x3FA4] =	sst s0;
	s0 =	simm.s32 @!p2 $0x0  }
0x16: {  	s3 =	sld [smem:$0x3FDB];
	s0 =	simm.s32 @p2 $0x1  }
0x17: {  	s4 =	simm.s32 $0x1BF5;
	[smem:$0x3FA6] =	sst s0  }
0x18: {  	s0 =	sld [smem:$0x3F89];
	_ =	swait.ge [sflag:s4], $0x0  }
0x19: {  	s7 =	sld [smem:$0x3F8A]  }
0x1a: {  	s8 =	sadd.s32 $0xFFFFE003, lr  }
0x1b: {  	s9 =	sadd.s32 $0xFFFFFEF7, lr;
	s5 =	simm.s32 $0xFFFFFFFF;
	p2 =	slt.u32 s8, $0xFFFFF086  }
0x1c: {  	p1 =	slt.u32 s9, $0xF7A;
	s5 =	simm.s32 @!p2 $0x0  }
0x1d: {  	s5 =	simm.s32 @p1 $0x1;
	p0 =	seq.s32 s7, s2  }
0x1e: {  	s7 =	smul.u32 @!p0 $0xF7A, s2;
	p2 =	seq.s32 @!p0 s5, $0x0  }
0x1f: {  	s9 =	smul.u32 $0xF7A, s1;
	s8 =	simm.s32 @!p0 $0x1BF5;
	p2 =	por !p2, p0  }
0x20: {  	[sflag:s8] =	ssyncset.s32 @!p0 $0xFFFFF086;
	s6 =	sadd.s32 @!p0 s3, s7;
	s7 =	simm.s32 @!p0 $0x108  }
0x21: {  	s3 =	sadd.s32 s3, s9;
	s6 =	sadd.s32 @!p0 $0x88, s6;
	s7 =	simm.s32 @p2 $0x1082  }
0x22: {  	[simem:s7], [sflag:s8] =	dma.local @!p0 [hbm:s6], $0xF7A  }
0x23: {  	s9 =	sor.u32 $0xD0000000, s2;
	s6 =	simm.s32 $0x108;
	_ =	swait.ge @!p0 [sflag:s8], $0x0  }
0x24: {  	s3 =	sadd.s32 $0x88, s3;
	s6 =	simm.s32 @!p1 $0x1082;
	[sflag:s4] =	ssyncset.s32 $0xFFFFF086  }
0x25: {  	[simem:s6], [sflag:s4] =	dma.local [hbm:s3], $0xF7A  }
0x26: {  	[smem:$0x3F8A] =	sst s1;
	(tag) =	ssettag s2;
	_ =	strace s9  }
0x27: {  	s1 =	sld [smem:$0x3F9A]  }
0x28: {  	s2 =	sld [smem:$0x3F9B]  }
0x29: {  	s4 =	sld [smem:$0x3F9D]  }
0x2a: {  	p0 =	seq.s32 s5, $0x0;
	s5 =	sld [smem:$0x3F9E]  }
0x2b: {  	s6 =	sld [smem:$0x3F9F]  }
0x2c: {  	s7 =	sld [smem:$0x3FA0]  }
0x2d: {  	s3 =	simm.s32 $0x108;
	s8 =	sld [smem:$0x3FA1]  }
0x2e: {  	s3 =	simm.s32 @!p0 $0x1082;
	s9 =	sld [smem:$0x3FA2]  }
0x2f: {  	lr =	sadd.s32 s0, s3;
	s0 =	sld [smem:$0x3F99]  }
0x30: {  	s3 =	sld [smem:$0x3F9C]  }
0x31: {  	[smem:$0x3FA5] =	sst s10  }
0x32: {  	s10 =	sld [smem:$0x3FA3];
	_ =	sdelay $0x3  }
0x33: {  	p0 =	seq.s32 s10, $0x1;
	s10 =	sld [smem:$0x3FA5];
	_ =	sdelay $0x3  }
0x34: {  	[smem:$0x3FA5] =	sst s10  }
0x35: {  	s10 =	sld [smem:$0x3FA4];
	_ =	sdelay $0x3  }
0x36: {  	p1 =	seq.s32 s10, $0x1;
	s10 =	sld [smem:$0x3FA5];
	_ =	sdelay $0x3  }
0x37: {  	[smem:$0x3FA5] =	sst s10  }
0x38: {  	s10 =	sld [smem:$0x3FA6]  }
0x39: {  	_ = 	snop;
	(pc) =	sbr.ind lr, $3  }
0x3a: {  	_ = 	snop  }
0x3b: {  	_ = 	snop  }
0x3c: {  	p2 =	seq.s32 s10, $0x1;
	s10 =	sld [smem:$0x3FA5]  }
0x3d: {  	_ =	shalt  }
0x3e: {  	_ =	shalt  }
0x3f: {  	_ =	shalt  }
0x40: {  	_ =	shalt  }
0x41: {  	_ =	shalt  }
0x42: {  	_ =	shalt  }
0x43: {  	_ =	shalt  }
0x44: {  	_ =	shalt  }
0x45: {  	_ =	shalt  }
0x46: {  	_ =	shalt  }
0x47: {  	_ =	shalt  }
0x48: {  	_ =	shalt  }
0x49: {  	_ =	shalt  }
0x4a: {  	_ =	shalt  }
0x4b: {  	_ =	shalt  }
0x4c: {  	_ =	shalt  }
0x4d: {  	_ =	shalt  }
0x4e: {  	_ =	shalt  }
0x4f: {  	_ =	shalt  }
0x50: {  	_ =	shalt  }
0x51: {  	_ =	shalt  }
0x52: {  	_ =	shalt  }
0x53: {  	_ =	shalt  }
0x54: {  	_ =	shalt  }
0x55: {  	_ =	shalt  }
0x56: {  	_ =	shalt  }
0x57: {  	_ =	shalt  }
0x58: {  	_ =	shalt  }
0x59: {  	_ =	shalt  }
0x5a: {  	_ =	shalt  }
0x5b: {  	_ =	shalt  }
0x5c: {  	_ =	shalt  }
0x5d: {  	_ =	shalt  }
0x5e: {  	_ =	shalt  }
0x5f: {  	_ =	shalt  }
0x60: {  	_ =	shalt  }
0x61: {  	_ =	shalt  }
0x62: {  	_ =	shalt  }
0x63: {  	_ =	shalt  }
0x64: {  	_ =	shalt  }
0x65: {  	_ =	shalt  }
0x66: {  	_ =	shalt  }
0x67: {  	_ =	shalt  }
0x68: {  	_ =	shalt  }
0x69: {  	_ =	shalt  }
0x6a: {  	_ =	shalt  }
0x6b: {  	_ =	shalt  }
0x6c: {  	_ =	shalt  }
0x6d: {  	_ =	shalt  }
0x6e: {  	_ =	shalt  }
0x6f: {  	_ =	shalt  }
0x70: {  	_ =	shalt  }
0x71: {  	_ =	shalt  }
0x72: {  	_ =	shalt  }
0x73: {  	_ =	shalt  }
0x74: {  	_ =	shalt  }
0x75: {  	_ =	shalt  }
0x76: {  	_ =	shalt  }
0x77: {  	_ =	shalt  }
0x78: {  	_ =	shalt  }
0x79: {  	_ =	shalt  }
0x7a: {  	_ =	shalt  }
0x7b: {  	_ =	shalt  }
0x7c: {  	_ =	shalt  }
0x7d: {  	_ =	shalt  }
0x7e: {  	_ =	shalt  }
0x7f: {  	_ =	shalt  }
0x80: {  	_ =	shalt  }
0x81: {  	_ =	shalt  }
0x82: {  	_ =	shalt  }
0x83: {  	_ =	shalt  }
0x84: {  	_ =	shalt  }
0x85: {  	_ =	shalt  }
0x86: {  	_ =	shalt  }
0x87: {  	_ =	shalt  }
.Lfunc_end0:
.L_simem_size_0:
called_computation_lowered:
.L_overlay_start_0:
0x88: {  	s2 =	sld [smem:$0x3FD9]  }
0x89: {  	s3 =	sld [smem:$0x3FFE];
	_ =	sdelay $0x1  }
0x8a: {  	s1 =	srdreg.scid  }
0x8b: {  	s0 =	sand.u32 $0x1, s1  }
0x8c: {  	s17 =	sshll.u32 s0, $0xA;
	s2 =	sadd.s32 s3, s2  }
0x8d: {  	s2 =	sadd.s32 s2, s17  }
0x8e: {  	[smem:$0x3FB1] =	sst s2  }
0x8f: {  	_ = 	snop  }
0x90: {  	s2 =	sld [smem:$0x3FD0];
	(tm) =	ssettm $0x1  }
0x91: {  	s18 =	sld [smem:$0x3FFB];
	_ =	sdelay $0x3  }
0x92: {  	_ =	strace s18  }
0x93: {  	s3 =	sld [smem:$0x3FFC];
	_ =	sdelay $0x3  }
0x94: {  	_ =	strace s3  }
0x95: {  	s3 =	sld [smem:$0x3FFD];
	_ =	sdelay $0x3  }
0x96: {  	_ =	strace s3  }
0x97: {  	_ =	strace $0x8FFFFFFF  }
0x98: {  	s19 =	sld [smem:$0x3FDB];
	_ =	sdelay $0x1  }
0x99: {  	s4 =	simm.s32 $_scs_section_size  }
0x9a: {  	s5 =	simm.s32 $_size__tile_overlayer_lowered;
	s6 =	simm.s32 $_tile_overlayer_lowered  }
0x9b: {  	s22 =	simm.s32 $0x1BFF;
	s21 =	sshll.u32 s6, $0x1;
	s3 =	sadd.s32 s4, s19  }
0x9c: {  	s7 =	simm.s32 $0x0;
	s20 =	sshll.u32 s5, $0x1;
	s5 =	sadd.s32 s21, s3  }
0x9d: {  	[timem:s7], [sflag:s22] =	dma.local [hbm:s5], s20  }
0x9e: {  	_ =	swait.ge [sflag:s22], s20  }
0x9f: {  	s4 =	ssub.s32 $0x0, s20;
	[sflag:s22] =	ssyncset.done $0x0  }
0xa0: {  	[sflag:s22] =	ssyncadd.s32 s4;
	_ =	sdelay $0x1  }
0xa1: {  	s23 =	simm.s32 $0x1B8B  }
0xa2: {  	_ =	swait.ge [sflag:s23], $0x1  }
0xa3: {  	[sflag:s23] =	ssyncset.done $0x0  }
0xa4: {  	s25 =	simm.s32 $0x1B8E;
	s24 =	sld [smem:$0x3FFE];
	[sflag:s23] =	ssyncadd.s32 $0xFFFFFFFF  }
0xa5: {  	s26 =	simm.s32 $execute0_lowered;
	[smem:$0x3FD2] =	sst s25  }
0xa6: {  	s5 =	sshll.u32 s26, $0x1;
	_ =	strace $0x80000046;
	[dreg:$0x1] =	wrdreg $0xFFFFFFFF  }
0xa7: {  	s28 =	simm.s32 $_size_execute0_lowered;
	s3 =	sadd.s32 s3, s5;
	[dreg:$0x0] =	wrdreg $0x0  }
0xa8: {  	s5 =	sshll.u32 s28, $0x1;
	[dreg:$0x2] =	wrdreg s3  }
0xa9: {  	[dreg:$0x3] =	wrdreg s5  }
0xaa: {  	[dreg:$0x4] =	wrdreg $0xC0  }
0xab: {  	_ =	task [dreg:s7], $0x5FFFF  }
0xac: {  	[dreg:$0x1] =	wrdreg $0xFFFFFFFF  }
0xad: {  	[dreg:$0x0] =	wrdreg $0x60  }
0xae: {  	[dreg:$0x2] =	wrdreg s2  }
0xaf: {  	[dreg:$0x3] =	wrdreg s24  }
0xb0: {  	[dreg:$0x4] =	wrdreg $0x9  }
0xb1: {  	_ =	task.clear_ibuf [dreg:s7], $0x5FFFF;
	_ =	strace $0x90000046  }
0xb2: {  	s29 =	simm.s32 $0x9;
	_ =	strace $0x80000048  }
0xb3: {  	_ =	swait.ge [sflag:s29], $0x1  }
0xb4: {  	[sflag:s29] =	ssyncadd.s32 $0xFFFFFFFF  }
0xb5: {  	_ =	strace $0x90000048  }
0xb6: {  	_ =	sfence  }
0xb7: {  	s30 =	sld [smem:$0x0];
	_ =	sdelay $0x2  }
0xb8: {  	s31 =	sshll.u32 s1, $0xD;
	s1 =	sshrl.u32 s1, $0x2  }
0xb9: {  	s3 =	sand.u32 $0x4000, s31;
	s1 =	sadd.s32 s1, s30  }
0xba: {  	s0 =	sor.u32 s3, s0;
	s1 =	sshll.u32 s1, $0x11  }
0xbb: {  	s0 =	sor.u32 s1, s0  }
0xbc: {  	s0 =	sadd.s32 $0x8F2B, s0  }
0xbd: {  	[sflag:s0] =	ssyncadd.remote.s32 $0x1  }
0xbe: {  	_ =	sfence.sel $0xFFFF  }
0xbf: {  	[dreg:$0x0] =	wrdreg $0xFFFFFFFF;
	(pc) =	sbr.abs _section_cstart, $3  }
0xc0: {  	[dreg:$0x1] =	wrdreg $0xFFFFFFFF  }
0xc1: {  	_ =	task.clear_ibuf [dreg:s7], $0x2FFFF;
	_ =	strace $0x9FFFFFFF  }
0xc2: {  	(tm) =	ssettm $0x7FFFFFFF  }
0xc3: {  	_ =	shalt  }
tec
execute0_lowered:
.L_overlay_start_1:
0x0: {  	(tag) =	ssettag $0x1  }
0x1: {  	s0 =	srdreg.scid;
	s1 =	rddreg [dreg:$0x0]  }
0x2: {  	s2 =	stileid.u32;
	s6 =	rddreg [dreg:$0x1];
	s14 =	simm.s32 $0x200  }
0x3: {  	s15 =	simm.s32 $0x400;
	s16 =	simm.s32 $0x1;
	s17 =	simm.s32 $0x80  }
0x4: {  	s20 =	simm.s32 $0x7600;
	s21 =	simm.s32 $0x580;
	s22 =	simm.s32 $0xB600  }
0x5: {  	s23 =	simm.s32 $0x2;
	s24 =	simm.s32 $0xC600;
	s25 =	simm.s32 $0x3  }
0x6: {  	s28 =	simm.s32 $0x4;
	s29 =	simm.s32 $0x6;
	s30 =	simm.s32 $0x5  }
0x7: {  	s0 =	sand.u32 $0x1, s0;
	s3 =	sshll.u32 s2, $0xA;
	s2 =	simm.s32 $0x0  }
0x8: {  	s31 =	simm.s32 $0x0;
	s4 =	sshll.u32 s0, $0x9;
	[smem:$0x7FF] =	sst s2  }
0x9: {  	s0 =	ssub.s32 $0x2, s0;
	s5 =	sor.u32 s4, s3;
	_ =	strace $0x80000047  }
0xa: {  	s3 =	sadd.s32 $0x3C00, s6;
	s4 =	sadd.s32 $0x73C00, s6;
	s26 =	sshrl.u32 s0, $0x1  }
0xb: {  	s10 =	sshrl.u32 s5, $0x3;
	s8 =	sshll.u32 s5, $0x4;
	s5 =	sadd.s32 $0xE3C00, s6  }
0xc: {  	s0 =	ssub.s32 s0, s26;
	s26 =	simm.s32 $0x10600;
	s7 =	sadd.s32 s10, s6  }
0xd: {  	s12 =	sadd.s32 s8, s6;
	s6 =	sadd.s32 $0x3400, s7;
	s7 =	sadd.s32 $0x2C00, s7  }
0xe: {  	s10 =	sadd.s32 s1, s10;
	s8 =	sadd.s32 $0x153C00, s12;
	s9 =	sadd.s32 $0x154400, s12  }
0xf: {  	s13 =	smax.u32 s0, $0x1;
	s11 =	sadd.s32 $0x154C00, s12;
	s12 =	sadd.s32 $0x155400, s12  }
.LBB2_1:
0x10: {  	[tilespmem:s2], [sflag:$0x1] =	stream.linear.gather [hbm4b:s10+s2], $0x200, $0x38;
	[tilespmem:$0x14600] =	vst v63  }
0x11: {  	_ = 	snop  }
0x12: {  	[tilespmem:s14], [sflag:$0x1] =	stream.linear.gather [hbm4b:s6+s2], $0x200, $0x38;
	[tilespmem:$0x14600] =	vst v63  }
0x13: {  	_ = 	snop  }
0x14: {  	[tilespmem:s15], [sflag:$0x1] =	stream.linear.gather [hbm4b:s7+s2], $0x200, $0x38;
	[tilespmem:$0x14600] =	vst v63  }
0x15: {  	_ =	swait.ge [sflag:s16], $0x200  }
0x16: {  	[sflag:s16] =	ssyncset.done $0x0  }
0x17: {  	[sflag:s16] =	ssyncadd.s32 $0xFFFFFE00  }
0x18: {  	_ =	swait.ge [sflag:s16], $0x200  }
0x19: {  	[sflag:s16] =	ssyncset.done $0x0  }
0x1a: {  	[sflag:s16] =	ssyncadd.s32 $0xFFFFFE00  }
0x1b: {  	_ =	swait.ge [sflag:s16], $0x200  }
0x1c: {  	[sflag:s16] =	ssyncset.done $0x0  }
0x1d: {  	s0 =	simm.s32 $0x600;
	[sflag:s16] =	ssyncadd.s32 $0xFFFFFE00  }
0x1e: {  	[tilespmem:s0], [sflag:$0x2] =	stream.indirect.gather [hbm4b:s3+s17], $0x20, s2, s17, $0xb8;
	[tilespmem:$0x14600] =	vst v63  }
0x1f: {  	s19 =	simm.s32 $0x4600  }
0x20: {  	[tilespmem:s19], [sflag:$0x2] =	stream.indirect.gather [hbm4b:s4+s17], $0x20, s14, s17, $0xb8;
	[tilespmem:$0x14600] =	vst v63  }
0x21: {  	s1 =	simm.s32 $0x8600  }
0x22: {  	[tilespmem:s1], [sflag:$0x2] =	stream.indirect.gather [hbm4b:s5+s17], $0x20, s15, s17, $0xb8;
	[tilespmem:$0x14600] =	vst v63  }
0x23: {  	s18 =	simm.s32 $0x1600  }
0x24: {  	[tilespmem:s18], [sflag:$0x3] =	stream.indirect.gather [hbm4b:s3+s17], $0x20, s17, s17, $0xb8;
	[tilespmem:$0x14600] =	vst v63  }
0x25: {  	s19 =	simm.s32 $0x280;
	s1 =	simm.s32 $0x5600  }
0x26: {  	[tilespmem:s1], [sflag:$0x3] =	stream.indirect.gather [hbm4b:s4+s17], $0x20, s19, s17, $0xb8;
	[tilespmem:$0x14600] =	vst v63  }
0x27: {  	s18 =	simm.s32 $0x480;
	s19 =	simm.s32 $0x9600  }
0x28: {  	[tilespmem:s19], [sflag:$0x3] =	stream.indirect.gather [hbm4b:s5+s17], $0x20, s18, s17, $0xb8;
	[tilespmem:$0x14600] =	vst v63  }
0x29: {  	s18 =	simm.s32 $0x100;
	s19 =	simm.s32 $0x2600  }
0x2a: {  	[tilespmem:s19], [sflag:$0x4] =	stream.indirect.gather [hbm4b:s3+s17], $0x20, s18, s17, $0xb8;
	[tilespmem:$0x14600] =	vst v63  }
0x2b: {  	s18 =	simm.s32 $0x300;
	s19 =	simm.s32 $0x6600  }
0x2c: {  	[tilespmem:s19], [sflag:$0x4] =	stream.indirect.gather [hbm4b:s4+s17], $0x20, s18, s17, $0xb8;
	[tilespmem:$0x14600] =	vst v63  }
0x2d: {  	s18 =	simm.s32 $0x500;
	s19 =	simm.s32 $0xA600  }
0x2e: {  	[tilespmem:s19], [sflag:$0x4] =	stream.indirect.gather [hbm4b:s5+s17], $0x20, s18, s17, $0xb8;
	[tilespmem:$0x14600] =	vst v63  }
0x2f: {  	s18 =	simm.s32 $0x180;
	s19 =	simm.s32 $0x3600  }
0x30: {  	[tilespmem:s19], [sflag:$0x5] =	stream.indirect.gather [hbm4b:s3+s17], $0x20, s18, s17, $0xb8;
	[tilespmem:$0x14600] =	vst v63  }
0x31: {  	s18 =	simm.s32 $0x380  }
0x32: {  	[tilespmem:s20], [sflag:$0x5] =	stream.indirect.gather [hbm4b:s4+s17], $0x20, s18, s17, $0xb8;
	[tilespmem:$0x14600] =	vst v63  }
0x33: {  	_ = 	snop  }
0x34: {  	[tilespmem:s22], [sflag:$0x5] =	stream.indirect.gather [hbm4b:s5+s17], $0x20, s21, s17, $0xb8;
	[tilespmem:$0x14600] =	vst v63  }
0x35: {  	_ =	swait.ge [sflag:s23], $0x1000  }
0x36: {  	[sflag:s23] =	ssyncset.done $0x0  }
0x37: {  	[sflag:s23] =	ssyncadd.s32 $0xFFFFF000  }
0x38: {  	_ =	swait.ge [sflag:s23], $0x1000  }
0x39: {  	[sflag:s23] =	ssyncset.done $0x0  }
0x3a: {  	[sflag:s23] =	ssyncadd.s32 $0xFFFFF000  }
0x3b: {  	_ =	swait.ge [sflag:s23], $0x1000  }
0x3c: {  	[sflag:s23] =	ssyncset.done $0x0  }
0x3d: {  	s19 =	simm.s32 $0x0;
	[sflag:s23] =	ssyncadd.s32 $0xFFFFF000  }
0x3e: {  	v0 =	vld [tilespmem:s19+$0x600];
	_ =	sdelay $0x3  }
0x3f: {  	s1 =	simm.s32 $0xC700  }
0x40: {  	[tilespmem:s1+$0xFFFFFF00] =	vst v0  }
0x41: {  	v0 =	vld [tilespmem:s19+$0x610];
	_ =	sdelay $0x4  }
0x42: {  	[tilespmem:s1+$0xFFFFFF10] =	vst v0  }
0x43: {  	v0 =	vld [tilespmem:s19+$0x4600];
	_ =	sdelay $0x4  }
0x44: {  	[tilespmem:s1+$0xFFFFFF20] =	vst v0  }
0x45: {  	v0 =	vld [tilespmem:s19+$0x4610];
	_ =	sdelay $0x4  }
0x46: {  	[tilespmem:s1+$0xFFFFFF30] =	vst v0  }
0x47: {  	v0 =	vld [tilespmem:s19+$0x8600];
	_ =	sdelay $0x4  }
0x48: {  	[tilespmem:s1+$0xFFFFFF40] =	vst v0  }
0x49: {  	v0 =	vld [tilespmem:s19+$0x8610];
	_ =	sdelay $0x4  }
0x4a: {  	[tilespmem:s1+$0xFFFFFF50] =	vst v0  }
0x4b: {  	v0 =	vld [tilespmem:s19+$0x620];
	_ =	sdelay $0x4  }
0x4c: {  	[tilespmem:s1+$0xFFFFFF80] =	vst v0  }
0x4d: {  	v0 =	vld [tilespmem:s19+$0x630];
	_ =	sdelay $0x4  }
0x4e: {  	[tilespmem:s1+$0xFFFFFF90] =	vst v0  }
0x4f: {  	v0 =	vld [tilespmem:s19+$0x4620];
	_ =	sdelay $0x4  }
0x50: {  	[tilespmem:s1+$0xFFFFFFA0] =	vst v0  }
0x51: {  	v0 =	vld [tilespmem:s19+$0x4630];
	_ =	sdelay $0x4  }
0x52: {  	[tilespmem:s1+$0xFFFFFFB0] =	vst v0  }
0x53: {  	v0 =	vld [tilespmem:s19+$0x8620];
	_ =	sdelay $0x4  }
0x54: {  	[tilespmem:s1+$0xFFFFFFC0] =	vst v0  }
0x55: {  	v0 =	vld [tilespmem:s19+$0x8630];
	_ =	sdelay $0x4  }
0x56: {  	[tilespmem:s1+$0xFFFFFFD0] =	vst v0  }
0x57: {  	v0 =	vld [tilespmem:s19+$0x640];
	_ =	sdelay $0x4  }
0x58: {  	[tilespmem:s1+$0x0] =	vst v0  }
0x59: {  	v0 =	vld [tilespmem:s19+$0x650];
	_ =	sdelay $0x4  }
0x5a: {  	[tilespmem:s1+$0x10] =	vst v0  }
0x5b: {  	v0 =	vld [tilespmem:s19+$0x4640];
	_ =	sdelay $0x4  }
0x5c: {  	[tilespmem:s1+$0x20] =	vst v0  }
0x5d: {  	v0 =	vld [tilespmem:s19+$0x4650];
	_ =	sdelay $0x4  }
0x5e: {  	[tilespmem:s1+$0x30] =	vst v0  }
0x5f: {  	v0 =	vld [tilespmem:s19+$0x8640];
	_ =	sdelay $0x4  }
0x60: {  	[tilespmem:s1+$0x40] =	vst v0  }
0x61: {  	v0 =	vld [tilespmem:s19+$0x8650];
	_ =	sdelay $0x4  }
0x62: {  	[tilespmem:s1+$0x50] =	vst v0  }
0x63: {  	v0 =	vld [tilespmem:s19+$0x660];
	_ =	sdelay $0x4  }
0x64: {  	[tilespmem:s1+$0x80] =	vst v0  }
0x65: {  	v0 =	vld [tilespmem:s19+$0x670];
	_ =	sdelay $0x4  }
0x66: {  	[tilespmem:s1+$0x90] =	vst v0  }
0x67: {  	v0 =	vld [tilespmem:s19+$0x4660];
	_ =	sdelay $0x4  }
0x68: {  	[tilespmem:s1+$0xA0] =	vst v0  }
0x69: {  	v0 =	vld [tilespmem:s19+$0x4670];
	_ =	sdelay $0x4  }
0x6a: {  	[tilespmem:s1+$0xB0] =	vst v0  }
0x6b: {  	v0 =	vld [tilespmem:s19+$0x8660];
	_ =	sdelay $0x4  }
0x6c: {  	[tilespmem:s1+$0xC0] =	vst v0  }
0x6d: {  	v0 =	vld [tilespmem:s19+$0x8670];
	_ =	sdelay $0x4  }
0x6e: {  	s0 =	simm.s32 $0x80;
	s18 =	simm.s32 $0x400;
	[tilespmem:s1+$0xD0] =	vst v0  }
.LBB2_2:
0x6f: {  	p0 =	sne.s32 s18, $0x3E00;
	v0 =	vld [tilespmem:s0+$0x600];
	_ =	sdelay $0x3  }
0x70: {  	s1 =	sadd.s32 $0x200, s1  }
0x71: {  	[tilespmem:s1+$0xFFFFFF00] =	vst v0  }
0x72: {  	v0 =	vld [tilespmem:s0+$0x610];
	_ =	sdelay $0x4  }
0x73: {  	[tilespmem:s1+$0xFFFFFF10] =	vst v0  }
0x74: {  	v0 =	vld [tilespmem:s0+$0x4600];
	_ =	sdelay $0x4  }
0x75: {  	[tilespmem:s1+$0xFFFFFF20] =	vst v0  }
0x76: {  	v0 =	vld [tilespmem:s0+$0x4610];
	_ =	sdelay $0x4  }
0x77: {  	[tilespmem:s1+$0xFFFFFF30] =	vst v0  }
0x78: {  	v0 =	vld [tilespmem:s0+$0x8600];
	_ =	sdelay $0x4  }
0x79: {  	[tilespmem:s1+$0xFFFFFF40] =	vst v0  }
0x7a: {  	v0 =	vld [tilespmem:s0+$0x8610];
	_ =	sdelay $0x4  }
0x7b: {  	[tilespmem:s1+$0xFFFFFF50] =	vst v0  }
0x7c: {  	v0 =	vld [tilespmem:s0+$0x620];
	_ =	sdelay $0x4  }
0x7d: {  	[tilespmem:s1+$0xFFFFFF80] =	vst v0  }
0x7e: {  	v0 =	vld [tilespmem:s0+$0x630];
	_ =	sdelay $0x4  }
0x7f: {  	[tilespmem:s1+$0xFFFFFF90] =	vst v0  }
0x80: {  	v0 =	vld [tilespmem:s0+$0x4620];
	_ =	sdelay $0x4  }
0x81: {  	[tilespmem:s1+$0xFFFFFFA0] =	vst v0  }
0x82: {  	v0 =	vld [tilespmem:s0+$0x4630];
	_ =	sdelay $0x4  }
0x83: {  	[tilespmem:s1+$0xFFFFFFB0] =	vst v0  }
0x84: {  	v0 =	vld [tilespmem:s0+$0x8620];
	_ =	sdelay $0x4  }
0x85: {  	[tilespmem:s1+$0xFFFFFFC0] =	vst v0  }
0x86: {  	v0 =	vld [tilespmem:s0+$0x8630];
	_ =	sdelay $0x4  }
0x87: {  	[tilespmem:s1+$0xFFFFFFD0] =	vst v0  }
0x88: {  	v0 =	vld [tilespmem:s0+$0x640];
	_ =	sdelay $0x4  }
0x89: {  	[tilespmem:s1+$0x0] =	vst v0  }
0x8a: {  	v0 =	vld [tilespmem:s0+$0x650];
	_ =	sdelay $0x4  }
0x8b: {  	[tilespmem:s1+$0x10] =	vst v0  }
0x8c: {  	v0 =	vld [tilespmem:s0+$0x4640];
	_ =	sdelay $0x4  }
0x8d: {  	[tilespmem:s1+$0x20] =	vst v0  }
0x8e: {  	v0 =	vld [tilespmem:s0+$0x4650];
	_ =	sdelay $0x4  }
0x8f: {  	[tilespmem:s1+$0x30] =	vst v0  }
0x90: {  	v0 =	vld [tilespmem:s0+$0x8640];
	_ =	sdelay $0x4  }
0x91: {  	[tilespmem:s1+$0x40] =	vst v0  }
0x92: {  	v0 =	vld [tilespmem:s0+$0x8650];
	_ =	sdelay $0x4  }
0x93: {  	[tilespmem:s1+$0x50] =	vst v0  }
0x94: {  	v0 =	vld [tilespmem:s0+$0x660];
	_ =	sdelay $0x4  }
0x95: {  	[tilespmem:s1+$0x80] =	vst v0  }
0x96: {  	v0 =	vld [tilespmem:s0+$0x670];
	_ =	sdelay $0x4  }
0x97: {  	[tilespmem:s1+$0x90] =	vst v0  }
0x98: {  	v0 =	vld [tilespmem:s0+$0x4660];
	_ =	sdelay $0x4  }
0x99: {  	[tilespmem:s1+$0xA0] =	vst v0  }
0x9a: {  	v0 =	vld [tilespmem:s0+$0x4670];
	_ =	sdelay $0x4  }
0x9b: {  	[tilespmem:s1+$0xB0] =	vst v0  }
0x9c: {  	v0 =	vld [tilespmem:s0+$0x8660];
	_ =	sdelay $0x4  }
0x9d: {  	[tilespmem:s1+$0xC0] =	vst v0  }
0x9e: {  	v0 =	vld [tilespmem:s0+$0x8670]  }
.Ltmp0:
0x9f: {  	(pc) =	sbr.rel @p0 .LBB2_2-.Ltmp0, $2  }
0xa0: {  	_ =	sdelay $0x2  }
0xa1: {  	s0 =	sshra.s32 s18, $0x2;
	s18 =	sadd.s32 $0x200, s18;
	[tilespmem:s1+$0xD0] =	vst v0  }
0xa2: {  	v0 =	vld [tilespmem:s0+$0x600];
	_ =	sdelay $0x3  }
0xa3: {  	s1 =	sadd.s32 $0x200, s1  }
0xa4: {  	[tilespmem:s1+$0xFFFFFF00] =	vst v0  }
0xa5: {  	v0 =	vld [tilespmem:s0+$0x610];
	_ =	sdelay $0x4  }
0xa6: {  	[tilespmem:s1+$0xFFFFFF10] =	vst v0  }
0xa7: {  	v0 =	vld [tilespmem:s0+$0x4600];
	_ =	sdelay $0x4  }
0xa8: {  	[tilespmem:s1+$0xFFFFFF20] =	vst v0  }
0xa9: {  	v0 =	vld [tilespmem:s0+$0x4610];
	_ =	sdelay $0x4  }
0xaa: {  	[tilespmem:s1+$0xFFFFFF30] =	vst v0  }
0xab: {  	v0 =	vld [tilespmem:s0+$0x8600];
	_ =	sdelay $0x4  }
0xac: {  	[tilespmem:s1+$0xFFFFFF40] =	vst v0  }
0xad: {  	v0 =	vld [tilespmem:s0+$0x8610];
	_ =	sdelay $0x4  }
0xae: {  	[tilespmem:s1+$0xFFFFFF50] =	vst v0  }
0xaf: {  	v0 =	vld [tilespmem:s0+$0x620];
	_ =	sdelay $0x4  }
0xb0: {  	[tilespmem:s1+$0xFFFFFF80] =	vst v0  }
0xb1: {  	v0 =	vld [tilespmem:s0+$0x630];
	_ =	sdelay $0x4  }
0xb2: {  	[tilespmem:s1+$0xFFFFFF90] =	vst v0  }
0xb3: {  	v0 =	vld [tilespmem:s0+$0x4620];
	_ =	sdelay $0x4  }
0xb4: {  	[tilespmem:s1+$0xFFFFFFA0] =	vst v0  }
0xb5: {  	v0 =	vld [tilespmem:s0+$0x4630];
	_ =	sdelay $0x4  }
0xb6: {  	[tilespmem:s1+$0xFFFFFFB0] =	vst v0  }
0xb7: {  	v0 =	vld [tilespmem:s0+$0x8620];
	_ =	sdelay $0x4  }
0xb8: {  	[tilespmem:s1+$0xFFFFFFC0] =	vst v0  }
0xb9: {  	v0 =	vld [tilespmem:s0+$0x8630];
	_ =	sdelay $0x4  }
0xba: {  	[tilespmem:s1+$0xFFFFFFD0] =	vst v0  }
0xbb: {  	v0 =	vld [tilespmem:s0+$0x640];
	_ =	sdelay $0x4  }
0xbc: {  	[tilespmem:s1+$0x0] =	vst v0  }
0xbd: {  	v0 =	vld [tilespmem:s0+$0x650];
	_ =	sdelay $0x4  }
0xbe: {  	[tilespmem:s1+$0x10] =	vst v0  }
0xbf: {  	v0 =	vld [tilespmem:s0+$0x4640];
	_ =	sdelay $0x4  }
0xc0: {  	[tilespmem:s1+$0x20] =	vst v0  }
0xc1: {  	v0 =	vld [tilespmem:s0+$0x4650];
	_ =	sdelay $0x4  }
0xc2: {  	[tilespmem:s1+$0x30] =	vst v0  }
0xc3: {  	v0 =	vld [tilespmem:s0+$0x8640];
	_ =	sdelay $0x4  }
0xc4: {  	[tilespmem:s1+$0x40] =	vst v0  }
0xc5: {  	v0 =	vld [tilespmem:s0+$0x8650];
	_ =	sdelay $0x4  }
0xc6: {  	[tilespmem:s1+$0x50] =	vst v0  }
0xc7: {  	v0 =	vld [tilespmem:s0+$0x660];
	_ =	sdelay $0x4  }
0xc8: {  	[tilespmem:s1+$0x80] =	vst v0  }
0xc9: {  	v0 =	vld [tilespmem:s0+$0x670];
	_ =	sdelay $0x4  }
0xca: {  	[tilespmem:s1+$0x90] =	vst v0  }
0xcb: {  	v0 =	vld [tilespmem:s0+$0x4660];
	_ =	sdelay $0x4  }
0xcc: {  	[tilespmem:s1+$0xA0] =	vst v0  }
0xcd: {  	v0 =	vld [tilespmem:s0+$0x4670];
	_ =	sdelay $0x4  }
0xce: {  	[tilespmem:s1+$0xB0] =	vst v0  }
0xcf: {  	v0 =	vld [tilespmem:s0+$0x8660];
	_ =	sdelay $0x4  }
0xd0: {  	[tilespmem:s1+$0xC0] =	vst v0  }
0xd1: {  	v0 =	vld [tilespmem:s0+$0x8670];
	_ =	sdelay $0x4  }
0xd2: {  	s0 =	simm.s32 $0x0;
	[tilespmem:s1+$0xD0] =	vst v0  }
0xd3: {  	[hbm4b:s8+s0] =	stream.linear.scatter [tilespmem:s24], [sflag:$0x6], $0x4000, $0x38;
	[tilespmem:$0x14600] =	vst v63  }
0xd4: {  	_ =	swait.ge [sflag:s25], $0x1000  }
0xd5: {  	[sflag:s25] =	ssyncset.done $0x0  }
0xd6: {  	[sflag:s25] =	ssyncadd.s32 $0xFFFFF000  }
0xd7: {  	_ =	swait.ge [sflag:s25], $0x1000  }
0xd8: {  	[sflag:s25] =	ssyncset.done $0x0  }
0xd9: {  	[sflag:s25] =	ssyncadd.s32 $0xFFFFF000  }
0xda: {  	_ =	swait.ge [sflag:s25], $0x1000  }
0xdb: {  	[sflag:s25] =	ssyncset.done $0x0  }
0xdc: {  	s1 =	simm.s32 $0x5600;
	[sflag:s25] =	ssyncadd.s32 $0xFFFFF000  }
0xdd: {  	s18 =	simm.s32 $0x800;
	v0 =	vld [tilespmem:s1+$0xFFFFC000]  }
.LBB2_4:
0xde: {  	p0 =	sne.s32 s18, $0xF800;
	_ =	sdelay $0x2  }
0xdf: {  	s19 =	sshra.s32 s0, $0x2;
	s0 =	smov.u32 s18  }
0xe0: {  	[tilespmem:s19+$0x10600] =	vst v0  }
0xe1: {  	v0 =	vld [tilespmem:s1+$0xFFFFC010];
	_ =	sdelay $0x4  }
0xe2: {  	[tilespmem:s19+$0x10610] =	vst v0  }
0xe3: {  	v0 =	vld [tilespmem:s1+$0x0];
	_ =	sdelay $0x4  }
0xe4: {  	[tilespmem:s19+$0x10620] =	vst v0  }
0xe5: {  	v0 =	vld [tilespmem:s1+$0x10];
	_ =	sdelay $0x4  }
0xe6: {  	[tilespmem:s19+$0x10630] =	vst v0  }
0xe7: {  	v0 =	vld [tilespmem:s1+$0x4000];
	_ =	sdelay $0x4  }
0xe8: {  	[tilespmem:s19+$0x10640] =	vst v0  }
0xe9: {  	v0 =	vld [tilespmem:s1+$0x4010];
	_ =	sdelay $0x4  }
0xea: {  	[tilespmem:s19+$0x10650] =	vst v0  }
0xeb: {  	v0 =	vld [tilespmem:s1+$0xFFFFC020];
	_ =	sdelay $0x4  }
0xec: {  	[tilespmem:s19+$0x10680] =	vst v0  }
0xed: {  	v0 =	vld [tilespmem:s1+$0xFFFFC030];
	_ =	sdelay $0x4  }
0xee: {  	[tilespmem:s19+$0x10690] =	vst v0  }
0xef: {  	v0 =	vld [tilespmem:s1+$0x20];
	_ =	sdelay $0x4  }
0xf0: {  	[tilespmem:s19+$0x106A0] =	vst v0  }
0xf1: {  	v0 =	vld [tilespmem:s1+$0x30];
	_ =	sdelay $0x4  }
0xf2: {  	[tilespmem:s19+$0x106B0] =	vst v0  }
0xf3: {  	v0 =	vld [tilespmem:s1+$0x4020];
	_ =	sdelay $0x4  }
0xf4: {  	[tilespmem:s19+$0x106C0] =	vst v0  }
0xf5: {  	v0 =	vld [tilespmem:s1+$0x4030];
	_ =	sdelay $0x4  }
0xf6: {  	[tilespmem:s19+$0x106D0] =	vst v0  }
0xf7: {  	v0 =	vld [tilespmem:s1+$0xFFFFC040];
	_ =	sdelay $0x4  }
0xf8: {  	[tilespmem:s19+$0x10700] =	vst v0  }
0xf9: {  	v0 =	vld [tilespmem:s1+$0xFFFFC050];
	_ =	sdelay $0x4  }
0xfa: {  	[tilespmem:s19+$0x10710] =	vst v0  }
0xfb: {  	v0 =	vld [tilespmem:s1+$0x40];
	_ =	sdelay $0x4  }
0xfc: {  	[tilespmem:s19+$0x10720] =	vst v0  }
0xfd: {  	v0 =	vld [tilespmem:s1+$0x50];
	_ =	sdelay $0x4  }
0xfe: {  	[tilespmem:s19+$0x10730] =	vst v0  }
0xff: {  	v0 =	vld [tilespmem:s1+$0x4040];
	_ =	sdelay $0x4  }
0x100: {  	[tilespmem:s19+$0x10740] =	vst v0  }
0x101: {  	v0 =	vld [tilespmem:s1+$0x4050];
	_ =	sdelay $0x4  }
0x102: {  	[tilespmem:s19+$0x10750] =	vst v0  }
0x103: {  	v0 =	vld [tilespmem:s1+$0xFFFFC060];
	_ =	sdelay $0x4  }
0x104: {  	[tilespmem:s19+$0x10780] =	vst v0  }
0x105: {  	v0 =	vld [tilespmem:s1+$0xFFFFC070];
	_ =	sdelay $0x4  }
0x106: {  	[tilespmem:s19+$0x10790] =	vst v0  }
0x107: {  	v0 =	vld [tilespmem:s1+$0x60];
	_ =	sdelay $0x4  }
0x108: {  	[tilespmem:s19+$0x107A0] =	vst v0  }
0x109: {  	v0 =	vld [tilespmem:s1+$0x70];
	_ =	sdelay $0x4  }
0x10a: {  	[tilespmem:s19+$0x107B0] =	vst v0  }
0x10b: {  	v0 =	vld [tilespmem:s1+$0x4060];
	_ =	sdelay $0x4  }
0x10c: {  	[tilespmem:s19+$0x107C0] =	vst v0  }
0x10d: {  	v0 =	vld [tilespmem:s1+$0x4070];
	_ =	sdelay $0x1  }
.Ltmp1:
0x10e: {  	(pc) =	sbr.rel @p0 .LBB2_4-.Ltmp1, $3  }
0x10f: {  	_ =	sdelay $0x1  }
0x110: {  	s1 =	sadd.s32 $0x80, s1;
	[tilespmem:s19+$0x107D0] =	vst v0  }
0x111: {  	s18 =	sadd.s32 $0x800, s18;
	v0 =	vld [tilespmem:s1+$0xFFFFC000]  }
0x112: {  	_ =	sdelay $0x2  }
0x113: {  	s0 =	sshra.s32 s0, $0x2  }
0x114: {  	[tilespmem:s0+$0x10600] =	vst v0  }
0x115: {  	v0 =	vld [tilespmem:s1+$0xFFFFC010];
	_ =	sdelay $0x4  }
0x116: {  	[tilespmem:s0+$0x10610] =	vst v0  }
0x117: {  	v0 =	vld [tilespmem:s1+$0x0];
	_ =	sdelay $0x4  }
0x118: {  	[tilespmem:s0+$0x10620] =	vst v0  }
0x119: {  	v0 =	vld [tilespmem:s1+$0x10];
	_ =	sdelay $0x4  }
0x11a: {  	[tilespmem:s0+$0x10630] =	vst v0  }
0x11b: {  	v0 =	vld [tilespmem:s1+$0x4000];
	_ =	sdelay $0x4  }
0x11c: {  	[tilespmem:s0+$0x10640] =	vst v0  }
0x11d: {  	v0 =	vld [tilespmem:s1+$0x4010];
	_ =	sdelay $0x4  }
0x11e: {  	[tilespmem:s0+$0x10650] =	vst v0  }
0x11f: {  	v0 =	vld [tilespmem:s1+$0xFFFFC020];
	_ =	sdelay $0x4  }
0x120: {  	[tilespmem:s0+$0x10680] =	vst v0  }
0x121: {  	v0 =	vld [tilespmem:s1+$0xFFFFC030];
	_ =	sdelay $0x4  }
0x122: {  	[tilespmem:s0+$0x10690] =	vst v0  }
0x123: {  	v0 =	vld [tilespmem:s1+$0x20];
	_ =	sdelay $0x4  }
0x124: {  	[tilespmem:s0+$0x106A0] =	vst v0  }
0x125: {  	v0 =	vld [tilespmem:s1+$0x30];
	_ =	sdelay $0x4  }
0x126: {  	[tilespmem:s0+$0x106B0] =	vst v0  }
0x127: {  	v0 =	vld [tilespmem:s1+$0x4020];
	_ =	sdelay $0x4  }
0x128: {  	[tilespmem:s0+$0x106C0] =	vst v0  }
0x129: {  	v0 =	vld [tilespmem:s1+$0x4030];
	_ =	sdelay $0x4  }
0x12a: {  	[tilespmem:s0+$0x106D0] =	vst v0  }
0x12b: {  	v0 =	vld [tilespmem:s1+$0xFFFFC040];
	_ =	sdelay $0x4  }
0x12c: {  	[tilespmem:s0+$0x10700] =	vst v0  }
0x12d: {  	v0 =	vld [tilespmem:s1+$0xFFFFC050];
	_ =	sdelay $0x4  }
0x12e: {  	[tilespmem:s0+$0x10710] =	vst v0  }
0x12f: {  	v0 =	vld [tilespmem:s1+$0x40];
	_ =	sdelay $0x4  }
0x130: {  	[tilespmem:s0+$0x10720] =	vst v0  }
0x131: {  	v0 =	vld [tilespmem:s1+$0x50];
	_ =	sdelay $0x4  }
0x132: {  	[tilespmem:s0+$0x10730] =	vst v0  }
0x133: {  	v0 =	vld [tilespmem:s1+$0x4040];
	_ =	sdelay $0x4  }
0x134: {  	[tilespmem:s0+$0x10740] =	vst v0  }
0x135: {  	v0 =	vld [tilespmem:s1+$0x4050];
	_ =	sdelay $0x4  }
0x136: {  	[tilespmem:s0+$0x10750] =	vst v0  }
0x137: {  	v0 =	vld [tilespmem:s1+$0xFFFFC060];
	_ =	sdelay $0x4  }
0x138: {  	[tilespmem:s0+$0x10780] =	vst v0  }
0x139: {  	v0 =	vld [tilespmem:s1+$0xFFFFC070];
	_ =	sdelay $0x4  }
0x13a: {  	[tilespmem:s0+$0x10790] =	vst v0  }
0x13b: {  	v0 =	vld [tilespmem:s1+$0x60];
	_ =	sdelay $0x4  }
0x13c: {  	[tilespmem:s0+$0x107A0] =	vst v0  }
0x13d: {  	v0 =	vld [tilespmem:s1+$0x70];
	_ =	sdelay $0x4  }
0x13e: {  	[tilespmem:s0+$0x107B0] =	vst v0  }
0x13f: {  	v0 =	vld [tilespmem:s1+$0x4060];
	_ =	sdelay $0x4  }
0x140: {  	[tilespmem:s0+$0x107C0] =	vst v0  }
0x141: {  	v0 =	vld [tilespmem:s1+$0x4070];
	_ =	sdelay $0x4  }
0x142: {  	s18 =	simm.s32 $0x0;
	[tilespmem:s0+$0x107D0] =	vst v0  }
0x143: {  	[hbm4b:s9+s18] =	stream.linear.scatter [tilespmem:s26], [sflag:$0x6], $0x4000, $0x38;
	[tilespmem:$0x14600] =	vst v63  }
0x144: {  	_ =	swait.ge [sflag:s28], $0x1000  }
0x145: {  	[sflag:s28] =	ssyncset.done $0x0  }
0x146: {  	[sflag:s28] =	ssyncadd.s32 $0xFFFFF000  }
0x147: {  	_ =	swait.ge [sflag:s28], $0x1000  }
0x148: {  	[sflag:s28] =	ssyncset.done $0x0  }
0x149: {  	[sflag:s28] =	ssyncadd.s32 $0xFFFFF000  }
0x14a: {  	_ =	swait.ge [sflag:s28], $0x1000  }
0x14b: {  	[sflag:s28] =	ssyncset.done $0x0  }
0x14c: {  	[sflag:s28] =	ssyncadd.s32 $0xFFFFF000  }
0x14d: {  	_ =	swait.ge [sflag:s29], $0x4000  }
0x14e: {  	[sflag:s29] =	ssyncset.done $0x0  }
0x14f: {  	s19 =	simm.s32 $0x0;
	[sflag:s29] =	ssyncadd.s32 $0xFFFFC000  }
0x150: {  	v63 =	vld [tilespmem:s19+$0x2600];
	_ =	sdelay $0x3  }
0x151: {  	s1 =	simm.s32 $0xC700  }
0x152: {  	[tilespmem:s1+$0xFFFFFF00] =	vst v63  }
0x153: {  	v0 =	vld [tilespmem:s19+$0x2610];
	_ =	sdelay $0x4  }
0x154: {  	[tilespmem:s1+$0xFFFFFF10] =	vst v0  }
0x155: {  	v0 =	vld [tilespmem:s19+$0x6600];
	_ =	sdelay $0x4  }
0x156: {  	[tilespmem:s1+$0xFFFFFF20] =	vst v0  }
0x157: {  	v0 =	vld [tilespmem:s19+$0x6610];
	_ =	sdelay $0x4  }
0x158: {  	[tilespmem:s1+$0xFFFFFF30] =	vst v0  }
0x159: {  	v0 =	vld [tilespmem:s19+$0xA600];
	_ =	sdelay $0x4  }
0x15a: {  	[tilespmem:s1+$0xFFFFFF40] =	vst v0  }
0x15b: {  	v0 =	vld [tilespmem:s19+$0xA610];
	_ =	sdelay $0x4  }
0x15c: {  	[tilespmem:s1+$0xFFFFFF50] =	vst v0  }
0x15d: {  	v0 =	vld [tilespmem:s19+$0x2620];
	_ =	sdelay $0x4  }
0x15e: {  	[tilespmem:s1+$0xFFFFFF80] =	vst v0  }
0x15f: {  	v0 =	vld [tilespmem:s19+$0x2630];
	_ =	sdelay $0x4  }
0x160: {  	[tilespmem:s1+$0xFFFFFF90] =	vst v0  }
0x161: {  	v0 =	vld [tilespmem:s19+$0x6620];
	_ =	sdelay $0x4  }
0x162: {  	[tilespmem:s1+$0xFFFFFFA0] =	vst v0  }
0x163: {  	v0 =	vld [tilespmem:s19+$0x6630];
	_ =	sdelay $0x4  }
0x164: {  	[tilespmem:s1+$0xFFFFFFB0] =	vst v0  }
0x165: {  	v0 =	vld [tilespmem:s19+$0xA620];
	_ =	sdelay $0x4  }
0x166: {  	[tilespmem:s1+$0xFFFFFFC0] =	vst v0  }
0x167: {  	v0 =	vld [tilespmem:s19+$0xA630];
	_ =	sdelay $0x4  }
0x168: {  	[tilespmem:s1+$0xFFFFFFD0] =	vst v0  }
0x169: {  	v0 =	vld [tilespmem:s19+$0x2640];
	_ =	sdelay $0x4  }
0x16a: {  	[tilespmem:s1+$0x0] =	vst v0  }
0x16b: {  	v0 =	vld [tilespmem:s19+$0x2650];
	_ =	sdelay $0x4  }
0x16c: {  	[tilespmem:s1+$0x10] =	vst v0  }
0x16d: {  	v0 =	vld [tilespmem:s19+$0x6640];
	_ =	sdelay $0x4  }
0x16e: {  	[tilespmem:s1+$0x20] =	vst v0  }
0x16f: {  	v0 =	vld [tilespmem:s19+$0x6650];
	_ =	sdelay $0x4  }
0x170: {  	[tilespmem:s1+$0x30] =	vst v0  }
0x171: {  	v0 =	vld [tilespmem:s19+$0xA640];
	_ =	sdelay $0x4  }
0x172: {  	[tilespmem:s1+$0x40] =	vst v0  }
0x173: {  	v0 =	vld [tilespmem:s19+$0xA650];
	_ =	sdelay $0x4  }
0x174: {  	[tilespmem:s1+$0x50] =	vst v0  }
0x175: {  	v0 =	vld [tilespmem:s19+$0x2660];
	_ =	sdelay $0x4  }
0x176: {  	[tilespmem:s1+$0x80] =	vst v0  }
0x177: {  	v0 =	vld [tilespmem:s19+$0x2670];
	_ =	sdelay $0x4  }
0x178: {  	[tilespmem:s1+$0x90] =	vst v0  }
0x179: {  	v0 =	vld [tilespmem:s19+$0x6660];
	_ =	sdelay $0x4  }
0x17a: {  	[tilespmem:s1+$0xA0] =	vst v0  }
0x17b: {  	v0 =	vld [tilespmem:s19+$0x6670];
	_ =	sdelay $0x4  }
0x17c: {  	[tilespmem:s1+$0xB0] =	vst v0  }
0x17d: {  	v0 =	vld [tilespmem:s19+$0xA660];
	_ =	sdelay $0x4  }
0x17e: {  	[tilespmem:s1+$0xC0] =	vst v0  }
0x17f: {  	v0 =	vld [tilespmem:s19+$0xA670];
	_ =	sdelay $0x4  }
0x180: {  	s0 =	simm.s32 $0x80;
	s18 =	simm.s32 $0x400;
	[tilespmem:s1+$0xD0] =	vst v0  }
.LBB2_6:
0x181: {  	p0 =	sne.s32 s18, $0x3E00;
	v0 =	vld [tilespmem:s0+$0x2600];
	_ =	sdelay $0x3  }
0x182: {  	s1 =	sadd.s32 $0x200, s1  }
0x183: {  	[tilespmem:s1+$0xFFFFFF00] =	vst v0  }
0x184: {  	v0 =	vld [tilespmem:s0+$0x2610];
	_ =	sdelay $0x4  }
0x185: {  	[tilespmem:s1+$0xFFFFFF10] =	vst v0  }
0x186: {  	v0 =	vld [tilespmem:s0+$0x6600];
	_ =	sdelay $0x4  }
0x187: {  	[tilespmem:s1+$0xFFFFFF20] =	vst v0  }
0x188: {  	v0 =	vld [tilespmem:s0+$0x6610];
	_ =	sdelay $0x4  }
0x189: {  	[tilespmem:s1+$0xFFFFFF30] =	vst v0  }
0x18a: {  	v0 =	vld [tilespmem:s0+$0xA600];
	_ =	sdelay $0x4  }
0x18b: {  	[tilespmem:s1+$0xFFFFFF40] =	vst v0  }
0x18c: {  	v0 =	vld [tilespmem:s0+$0xA610];
	_ =	sdelay $0x4  }
0x18d: {  	[tilespmem:s1+$0xFFFFFF50] =	vst v0  }
0x18e: {  	v0 =	vld [tilespmem:s0+$0x2620];
	_ =	sdelay $0x4  }
0x18f: {  	[tilespmem:s1+$0xFFFFFF80] =	vst v0  }
0x190: {  	v0 =	vld [tilespmem:s0+$0x2630];
	_ =	sdelay $0x4  }
0x191: {  	[tilespmem:s1+$0xFFFFFF90] =	vst v0  }
0x192: {  	v0 =	vld [tilespmem:s0+$0x6620];
	_ =	sdelay $0x4  }
0x193: {  	[tilespmem:s1+$0xFFFFFFA0] =	vst v0  }
0x194: {  	v0 =	vld [tilespmem:s0+$0x6630];
	_ =	sdelay $0x4  }
0x195: {  	[tilespmem:s1+$0xFFFFFFB0] =	vst v0  }
0x196: {  	v0 =	vld [tilespmem:s0+$0xA620];
	_ =	sdelay $0x4  }
0x197: {  	[tilespmem:s1+$0xFFFFFFC0] =	vst v0  }
0x198: {  	v0 =	vld [tilespmem:s0+$0xA630];
	_ =	sdelay $0x4  }
0x199: {  	[tilespmem:s1+$0xFFFFFFD0] =	vst v0  }
0x19a: {  	v0 =	vld [tilespmem:s0+$0x2640];
	_ =	sdelay $0x4  }
0x19b: {  	[tilespmem:s1+$0x0] =	vst v0  }
0x19c: {  	v0 =	vld [tilespmem:s0+$0x2650];
	_ =	sdelay $0x4  }
0x19d: {  	[tilespmem:s1+$0x10] =	vst v0  }
0x19e: {  	v0 =	vld [tilespmem:s0+$0x6640];
	_ =	sdelay $0x4  }
0x19f: {  	[tilespmem:s1+$0x20] =	vst v0  }
0x1a0: {  	v0 =	vld [tilespmem:s0+$0x6650];
	_ =	sdelay $0x4  }
0x1a1: {  	[tilespmem:s1+$0x30] =	vst v0  }
0x1a2: {  	v0 =	vld [tilespmem:s0+$0xA640];
	_ =	sdelay $0x4  }
0x1a3: {  	[tilespmem:s1+$0x40] =	vst v0  }
0x1a4: {  	v0 =	vld [tilespmem:s0+$0xA650];
	_ =	sdelay $0x4  }
0x1a5: {  	[tilespmem:s1+$0x50] =	vst v0  }
0x1a6: {  	v0 =	vld [tilespmem:s0+$0x2660];
	_ =	sdelay $0x4  }
0x1a7: {  	[tilespmem:s1+$0x80] =	vst v0  }
0x1a8: {  	v0 =	vld [tilespmem:s0+$0x2670];
	_ =	sdelay $0x4  }
0x1a9: {  	[tilespmem:s1+$0x90] =	vst v0  }
0x1aa: {  	v0 =	vld [tilespmem:s0+$0x6660];
	_ =	sdelay $0x4  }
0x1ab: {  	[tilespmem:s1+$0xA0] =	vst v0  }
0x1ac: {  	v0 =	vld [tilespmem:s0+$0x6670];
	_ =	sdelay $0x4  }
0x1ad: {  	[tilespmem:s1+$0xB0] =	vst v0  }
0x1ae: {  	v0 =	vld [tilespmem:s0+$0xA660];
	_ =	sdelay $0x4  }
0x1af: {  	[tilespmem:s1+$0xC0] =	vst v0  }
0x1b0: {  	v0 =	vld [tilespmem:s0+$0xA670]  }
.Ltmp2:
0x1b1: {  	(pc) =	sbr.rel @p0 .LBB2_6-.Ltmp2, $2  }
0x1b2: {  	_ =	sdelay $0x2  }
0x1b3: {  	s0 =	sshra.s32 s18, $0x2;
	s18 =	sadd.s32 $0x200, s18;
	[tilespmem:s1+$0xD0] =	vst v0  }
0x1b4: {  	v0 =	vld [tilespmem:s0+$0x2600];
	_ =	sdelay $0x3  }
0x1b5: {  	s1 =	sadd.s32 $0x200, s1  }
0x1b6: {  	[tilespmem:s1+$0xFFFFFF00] =	vst v0  }
0x1b7: {  	v0 =	vld [tilespmem:s0+$0x2610];
	_ =	sdelay $0x4  }
0x1b8: {  	[tilespmem:s1+$0xFFFFFF10] =	vst v0  }
0x1b9: {  	v0 =	vld [tilespmem:s0+$0x6600];
	_ =	sdelay $0x4  }
0x1ba: {  	[tilespmem:s1+$0xFFFFFF20] =	vst v0  }
0x1bb: {  	v0 =	vld [tilespmem:s0+$0x6610];
	_ =	sdelay $0x4  }
0x1bc: {  	[tilespmem:s1+$0xFFFFFF30] =	vst v0  }
0x1bd: {  	v0 =	vld [tilespmem:s0+$0xA600];
	_ =	sdelay $0x4  }
0x1be: {  	[tilespmem:s1+$0xFFFFFF40] =	vst v0  }
0x1bf: {  	v0 =	vld [tilespmem:s0+$0xA610];
	_ =	sdelay $0x4  }
0x1c0: {  	[tilespmem:s1+$0xFFFFFF50] =	vst v0  }
0x1c1: {  	v0 =	vld [tilespmem:s0+$0x2620];
	_ =	sdelay $0x4  }
0x1c2: {  	[tilespmem:s1+$0xFFFFFF80] =	vst v0  }
0x1c3: {  	v0 =	vld [tilespmem:s0+$0x2630];
	_ =	sdelay $0x4  }
0x1c4: {  	[tilespmem:s1+$0xFFFFFF90] =	vst v0  }
0x1c5: {  	v0 =	vld [tilespmem:s0+$0x6620];
	_ =	sdelay $0x4  }
0x1c6: {  	[tilespmem:s1+$0xFFFFFFA0] =	vst v0  }
0x1c7: {  	v0 =	vld [tilespmem:s0+$0x6630];
	_ =	sdelay $0x4  }
0x1c8: {  	[tilespmem:s1+$0xFFFFFFB0] =	vst v0  }
0x1c9: {  	v0 =	vld [tilespmem:s0+$0xA620];
	_ =	sdelay $0x4  }
0x1ca: {  	[tilespmem:s1+$0xFFFFFFC0] =	vst v0  }
0x1cb: {  	v0 =	vld [tilespmem:s0+$0xA630];
	_ =	sdelay $0x4  }
0x1cc: {  	[tilespmem:s1+$0xFFFFFFD0] =	vst v0  }
0x1cd: {  	v0 =	vld [tilespmem:s0+$0x2640];
	_ =	sdelay $0x4  }
0x1ce: {  	[tilespmem:s1+$0x0] =	vst v0  }
0x1cf: {  	v0 =	vld [tilespmem:s0+$0x2650];
	_ =	sdelay $0x4  }
0x1d0: {  	[tilespmem:s1+$0x10] =	vst v0  }
0x1d1: {  	v0 =	vld [tilespmem:s0+$0x6640];
	_ =	sdelay $0x4  }
0x1d2: {  	[tilespmem:s1+$0x20] =	vst v0  }
0x1d3: {  	v0 =	vld [tilespmem:s0+$0x6650];
	_ =	sdelay $0x4  }
0x1d4: {  	[tilespmem:s1+$0x30] =	vst v0  }
0x1d5: {  	v0 =	vld [tilespmem:s0+$0xA640];
	_ =	sdelay $0x4  }
0x1d6: {  	[tilespmem:s1+$0x40] =	vst v0  }
0x1d7: {  	v0 =	vld [tilespmem:s0+$0xA650];
	_ =	sdelay $0x4  }
0x1d8: {  	[tilespmem:s1+$0x50] =	vst v0  }
0x1d9: {  	v0 =	vld [tilespmem:s0+$0x2660];
	_ =	sdelay $0x4  }
0x1da: {  	[tilespmem:s1+$0x80] =	vst v0  }
0x1db: {  	v0 =	vld [tilespmem:s0+$0x2670];
	_ =	sdelay $0x4  }
0x1dc: {  	[tilespmem:s1+$0x90] =	vst v0  }
0x1dd: {  	v0 =	vld [tilespmem:s0+$0x6660];
	_ =	sdelay $0x4  }
0x1de: {  	[tilespmem:s1+$0xA0] =	vst v0  }
0x1df: {  	v0 =	vld [tilespmem:s0+$0x6670];
	_ =	sdelay $0x4  }
0x1e0: {  	[tilespmem:s1+$0xB0] =	vst v0  }
0x1e1: {  	v0 =	vld [tilespmem:s0+$0xA660];
	_ =	sdelay $0x4  }
0x1e2: {  	[tilespmem:s1+$0xC0] =	vst v0  }
0x1e3: {  	v0 =	vld [tilespmem:s0+$0xA670];
	_ =	sdelay $0x4  }
0x1e4: {  	s0 =	simm.s32 $0x0;
	[tilespmem:s1+$0xD0] =	vst v0  }
0x1e5: {  	[hbm4b:s11+s0] =	stream.linear.scatter [tilespmem:s24], [sflag:$0x6], $0x4000, $0x38;
	[tilespmem:$0x14600] =	vst v63  }
0x1e6: {  	_ =	swait.ge [sflag:s30], $0x1000  }
0x1e7: {  	[sflag:s30] =	ssyncset.done $0x0  }
0x1e8: {  	[sflag:s30] =	ssyncadd.s32 $0xFFFFF000  }
0x1e9: {  	_ =	swait.ge [sflag:s30], $0x1000  }
0x1ea: {  	[sflag:s30] =	ssyncset.done $0x0  }
0x1eb: {  	[sflag:s30] =	ssyncadd.s32 $0xFFFFF000  }
0x1ec: {  	_ =	swait.ge [sflag:s30], $0x1000  }
0x1ed: {  	[sflag:s30] =	ssyncset.done $0x0  }
0x1ee: {  	[sflag:s30] =	ssyncadd.s32 $0xFFFFF000  }
0x1ef: {  	_ =	swait.ge [sflag:s29], $0x4000  }
0x1f0: {  	[sflag:s29] =	ssyncset.done $0x0  }
0x1f1: {  	s1 =	simm.s32 $0x7600;
	[sflag:s29] =	ssyncadd.s32 $0xFFFFC000  }
0x1f2: {  	s18 =	simm.s32 $0x800;
	v0 =	vld [tilespmem:s1+$0xFFFFC000]  }
.LBB2_8:
0x1f3: {  	p0 =	sne.s32 s18, $0xF800;
	_ =	sdelay $0x2  }
0x1f4: {  	s19 =	sshra.s32 s0, $0x2;
	s0 =	smov.u32 s18  }
0x1f5: {  	[tilespmem:s19+$0x10600] =	vst v0  }
0x1f6: {  	v0 =	vld [tilespmem:s1+$0xFFFFC010];
	_ =	sdelay $0x4  }
0x1f7: {  	[tilespmem:s19+$0x10610] =	vst v0  }
0x1f8: {  	v0 =	vld [tilespmem:s1+$0x0];
	_ =	sdelay $0x4  }
0x1f9: {  	[tilespmem:s19+$0x10620] =	vst v0  }
0x1fa: {  	v0 =	vld [tilespmem:s1+$0x10];
	_ =	sdelay $0x4  }
0x1fb: {  	[tilespmem:s19+$0x10630] =	vst v0  }
0x1fc: {  	v0 =	vld [tilespmem:s1+$0x4000];
	_ =	sdelay $0x4  }
0x1fd: {  	[tilespmem:s19+$0x10640] =	vst v0  }
0x1fe: {  	v0 =	vld [tilespmem:s1+$0x4010];
	_ =	sdelay $0x4  }
0x1ff: {  	[tilespmem:s19+$0x10650] =	vst v0  }
0x200: {  	v0 =	vld [tilespmem:s1+$0xFFFFC020];
	_ =	sdelay $0x4  }
0x201: {  	[tilespmem:s19+$0x10680] =	vst v0  }
0x202: {  	v0 =	vld [tilespmem:s1+$0xFFFFC030];
	_ =	sdelay $0x4  }
0x203: {  	[tilespmem:s19+$0x10690] =	vst v0  }
0x204: {  	v0 =	vld [tilespmem:s1+$0x20];
	_ =	sdelay $0x4  }
0x205: {  	[tilespmem:s19+$0x106A0] =	vst v0  }
0x206: {  	v0 =	vld [tilespmem:s1+$0x30];
	_ =	sdelay $0x4  }
0x207: {  	[tilespmem:s19+$0x106B0] =	vst v0  }
0x208: {  	v0 =	vld [tilespmem:s1+$0x4020];
	_ =	sdelay $0x4  }
0x209: {  	[tilespmem:s19+$0x106C0] =	vst v0  }
0x20a: {  	v0 =	vld [tilespmem:s1+$0x4030];
	_ =	sdelay $0x4  }
0x20b: {  	[tilespmem:s19+$0x106D0] =	vst v0  }
0x20c: {  	v0 =	vld [tilespmem:s1+$0xFFFFC040];
	_ =	sdelay $0x4  }
0x20d: {  	[tilespmem:s19+$0x10700] =	vst v0  }
0x20e: {  	v0 =	vld [tilespmem:s1+$0xFFFFC050];
	_ =	sdelay $0x4  }
0x20f: {  	[tilespmem:s19+$0x10710] =	vst v0  }
0x210: {  	v0 =	vld [tilespmem:s1+$0x40];
	_ =	sdelay $0x4  }
0x211: {  	[tilespmem:s19+$0x10720] =	vst v0  }
0x212: {  	v0 =	vld [tilespmem:s1+$0x50];
	_ =	sdelay $0x4  }
0x213: {  	[tilespmem:s19+$0x10730] =	vst v0  }
0x214: {  	v0 =	vld [tilespmem:s1+$0x4040];
	_ =	sdelay $0x4  }
0x215: {  	[tilespmem:s19+$0x10740] =	vst v0  }
0x216: {  	v0 =	vld [tilespmem:s1+$0x4050];
	_ =	sdelay $0x4  }
0x217: {  	[tilespmem:s19+$0x10750] =	vst v0  }
0x218: {  	v0 =	vld [tilespmem:s1+$0xFFFFC060];
	_ =	sdelay $0x4  }
0x219: {  	[tilespmem:s19+$0x10780] =	vst v0  }
0x21a: {  	v0 =	vld [tilespmem:s1+$0xFFFFC070];
	_ =	sdelay $0x4  }
0x21b: {  	[tilespmem:s19+$0x10790] =	vst v0  }
0x21c: {  	v0 =	vld [tilespmem:s1+$0x60];
	_ =	sdelay $0x4  }
0x21d: {  	[tilespmem:s19+$0x107A0] =	vst v0  }
0x21e: {  	v0 =	vld [tilespmem:s1+$0x70];
	_ =	sdelay $0x4  }
0x21f: {  	[tilespmem:s19+$0x107B0] =	vst v0  }
0x220: {  	v0 =	vld [tilespmem:s1+$0x4060];
	_ =	sdelay $0x4  }
0x221: {  	[tilespmem:s19+$0x107C0] =	vst v0  }
0x222: {  	v0 =	vld [tilespmem:s1+$0x4070];
	_ =	sdelay $0x1  }
.Ltmp3:
0x223: {  	(pc) =	sbr.rel @p0 .LBB2_8-.Ltmp3, $3  }
0x224: {  	_ =	sdelay $0x1  }
0x225: {  	s1 =	sadd.s32 $0x80, s1;
	[tilespmem:s19+$0x107D0] =	vst v0  }
0x226: {  	s18 =	sadd.s32 $0x800, s18;
	v0 =	vld [tilespmem:s1+$0xFFFFC000]  }
0x227: {  	_ =	sdelay $0x2  }
0x228: {  	s0 =	sshra.s32 s0, $0x2  }
0x229: {  	[tilespmem:s0+$0x10600] =	vst v0  }
0x22a: {  	v0 =	vld [tilespmem:s1+$0xFFFFC010];
	_ =	sdelay $0x4  }
0x22b: {  	[tilespmem:s0+$0x10610] =	vst v0  }
0x22c: {  	v0 =	vld [tilespmem:s1+$0x0];
	_ =	sdelay $0x4  }
0x22d: {  	[tilespmem:s0+$0x10620] =	vst v0  }
0x22e: {  	v0 =	vld [tilespmem:s1+$0x10];
	_ =	sdelay $0x4  }
0x22f: {  	[tilespmem:s0+$0x10630] =	vst v0  }
0x230: {  	v0 =	vld [tilespmem:s1+$0x4000];
	_ =	sdelay $0x4  }
0x231: {  	[tilespmem:s0+$0x10640] =	vst v0  }
0x232: {  	v0 =	vld [tilespmem:s1+$0x4010];
	_ =	sdelay $0x4  }
0x233: {  	[tilespmem:s0+$0x10650] =	vst v0  }
0x234: {  	v0 =	vld [tilespmem:s1+$0xFFFFC020];
	_ =	sdelay $0x4  }
0x235: {  	[tilespmem:s0+$0x10680] =	vst v0  }
0x236: {  	v0 =	vld [tilespmem:s1+$0xFFFFC030];
	_ =	sdelay $0x4  }
0x237: {  	[tilespmem:s0+$0x10690] =	vst v0  }
0x238: {  	v0 =	vld [tilespmem:s1+$0x20];
	_ =	sdelay $0x4  }
0x239: {  	[tilespmem:s0+$0x106A0] =	vst v0  }
0x23a: {  	v0 =	vld [tilespmem:s1+$0x30];
	_ =	sdelay $0x4  }
0x23b: {  	[tilespmem:s0+$0x106B0] =	vst v0  }
0x23c: {  	v0 =	vld [tilespmem:s1+$0x4020];
	_ =	sdelay $0x4  }
0x23d: {  	[tilespmem:s0+$0x106C0] =	vst v0  }
0x23e: {  	v0 =	vld [tilespmem:s1+$0x4030];
	_ =	sdelay $0x4  }
0x23f: {  	[tilespmem:s0+$0x106D0] =	vst v0  }
0x240: {  	v0 =	vld [tilespmem:s1+$0xFFFFC040];
	_ =	sdelay $0x4  }
0x241: {  	[tilespmem:s0+$0x10700] =	vst v0  }
0x242: {  	v0 =	vld [tilespmem:s1+$0xFFFFC050];
	_ =	sdelay $0x4  }
0x243: {  	[tilespmem:s0+$0x10710] =	vst v0  }
0x244: {  	v0 =	vld [tilespmem:s1+$0x40];
	_ =	sdelay $0x4  }
0x245: {  	[tilespmem:s0+$0x10720] =	vst v0  }
0x246: {  	v0 =	vld [tilespmem:s1+$0x50];
	_ =	sdelay $0x4  }
0x247: {  	[tilespmem:s0+$0x10730] =	vst v0  }
0x248: {  	v0 =	vld [tilespmem:s1+$0x4040];
	_ =	sdelay $0x4  }
0x249: {  	[tilespmem:s0+$0x10740] =	vst v0  }
0x24a: {  	v0 =	vld [tilespmem:s1+$0x4050];
	_ =	sdelay $0x4  }
0x24b: {  	[tilespmem:s0+$0x10750] =	vst v0  }
0x24c: {  	v0 =	vld [tilespmem:s1+$0xFFFFC060];
	_ =	sdelay $0x4  }
0x24d: {  	[tilespmem:s0+$0x10780] =	vst v0  }
0x24e: {  	v0 =	vld [tilespmem:s1+$0xFFFFC070];
	_ =	sdelay $0x4  }
0x24f: {  	[tilespmem:s0+$0x10790] =	vst v0  }
0x250: {  	v0 =	vld [tilespmem:s1+$0x60];
	_ =	sdelay $0x4  }
0x251: {  	[tilespmem:s0+$0x107A0] =	vst v0  }
0x252: {  	v0 =	vld [tilespmem:s1+$0x70];
	_ =	sdelay $0x4  }
0x253: {  	[tilespmem:s0+$0x107B0] =	vst v0  }
0x254: {  	v0 =	vld [tilespmem:s1+$0x4060];
	_ =	sdelay $0x4  }
0x255: {  	[tilespmem:s0+$0x107C0] =	vst v0  }
0x256: {  	v0 =	vld [tilespmem:s1+$0x4070];
	_ =	sdelay $0x4  }
0x257: {  	s31 =	sadd.s32 $0x1, s31;
	[tilespmem:s0+$0x107D0] =	vst v0  }
0x258: {  	[hbm4b:s12+s2] =	stream.linear.scatter [tilespmem:s26], [sflag:$0x6], $0x4000, $0x38;
	[tilespmem:$0x14600] =	vst v63  }
0x259: {  	p0 =	sne.s32 s31, s13;
	_ =	swait.ge [sflag:s29], $0x4000  }
.Ltmp4:
0x25a: {  	[sflag:s29] =	ssyncset.done $0x0;
	(pc) =	sbr.rel @p0 .LBB2_1-.Ltmp4, $4  }
0x25b: {  	[sflag:s29] =	ssyncadd.s32 $0xFFFFC000  }
0x25c: {  	_ =	swait.ge [sflag:s29], $0x4000  }
0x25d: {  	[sflag:s29] =	ssyncset.done $0x0  }
0x25e: {  	[sflag:s29] =	ssyncadd.s32 $0xFFFFC000  }
0x25f: {  	_ =	sfence.sel $0x180000  }
0x260: {  	[bflag:$0x0] =	sbarrier.arrive $0xFFFF  }
0x261: {  	_ =	strace $0x90000047  }
0x262: {  	s0 =	stileid.u32;
	[bflag:$0x2] =	sbarrier.arrive $0xFFFF  }
0x263: {  	p0 =	sne.s32 s0, $0x0;
	s0 =	rddreg [dreg:$0x2]  }
0x264: {  	s0 =	sadd.s32 @!p0 $0x100000, s0  }
0x265: {  	[sflag:s0] =	ssyncadd.tile.s32 @!p0 $0x1;
	_ =	shalt  }
.Lfunc_end2:
_tile_overlayer_lowered:
.L_overlay_start_2:
0x266: {  	(tag) =	ssettag $0x2  }
0x267: {  	s0 =	rddreg [dreg:$0x0];
	s2 =	stileid.u32  }
0x268: {  	s1 =	rddreg [dreg:$0x1];
	p0 =	sne.s32 s2, $0x0  }
0x269: {  	s3 =	rddreg [dreg:$0x2];
	[bflag:$0x3] =	sbarrier.arrive $0xFFFF;
	s2 =	simm.s32 @!p0 $0x1C07  }
0x26a: {  	[timem:s3], [sflag:s2] =	dma.local @!p0 [hbm:s0], s1  }
0x26b: {  	s0 =	simm.s32 @!p0 $0x7  }
0x26c: {  	_ =	swait.ge @!p0 [sflag:s0], s1  }
0x26d: {  	s1 =	ssub.s32 @!p0 $0x0, s1;
	[sflag:s0] =	ssyncset.done @!p0 $0x0  }
0x26e: {  	[sflag:s0] =	ssyncadd.s32 @!p0 s1  }
0x26f: {  	[bflag:$0x3] =	sbarrier.arrive $0xFFFF  }
0x270: {  	_ =	shalt  }

</sc_bundles>
